<compile_context>
chip_gen: v7x
topology: tpu7x:2x2x1
jax: 0.10.2.dev20260603
libtpu: 0.0.44.dev20260713+nightly
codegen_flags: <defaults>
</compile_context>

<pallas_src>
import functools

import jax
import jax.numpy as jnp
from jax import lax
from jax.experimental import pallas as pl
from jax.experimental.pallas import tpu as pltpu
from jax.experimental.pallas import tpu_sc as plsc

N_NODES = 10000
NODE_DIM = 256
HIDDEN_DIM = 256
MESSAGE_STEPS = 3
N_EDGES = 160000

NC = 2
NS = 16

CHUNK = 128
E_PAD = 163840
S_CHUNKS = E_PAD // NS // CHUNK
HALF = 128
N_PAD = 10240
NROWS_PER_TILE = N_PAD // NS
TRASH_ROW = 10200

_PQ_BLK = 2048

_mesh = plsc.VectorSubcoreMesh(core_axis_name="c", subcore_axis_name="s")


def _pq_body(x_ref, w1a_ref, w1b_ref, b1_ref, p_ref, q_ref):
    p_ref[0] = (jnp.dot(x_ref[...], w1a_ref[...],
                        preferred_element_type=jnp.float32) + b1_ref[...])
    q_ref[0] = jnp.dot(x_ref[...], w1b_ref[...],
                       preferred_element_type=jnp.float32)


def _pq(x, w1a, w1b, b1r):
    return pl.pallas_call(
        _pq_body,
        grid=(N_PAD // _PQ_BLK, NC),
        in_specs=[
            pl.BlockSpec((_PQ_BLK, NODE_DIM), lambda i, c: (i, 0)),
            pl.BlockSpec((NODE_DIM, HALF), lambda i, c: (0, c)),
            pl.BlockSpec((NODE_DIM, HALF), lambda i, c: (0, c)),
            pl.BlockSpec((1, HALF), lambda i, c: (0, c)),
        ],
        out_specs=[
            pl.BlockSpec((1, _PQ_BLK, HALF), lambda i, c: (c, i, 0)),
            pl.BlockSpec((1, _PQ_BLK, HALF), lambda i, c: (c, i, 0)),
        ],
        out_shape=[
            jax.ShapeDtypeStruct((NC, N_PAD, HALF), jnp.float32),
            jax.ShapeDtypeStruct((NC, N_PAD, HALF), jnp.float32),
        ],
    )(x, w1a, w1b, b1r)


@functools.partial(
    pl.kernel,
    out_type=jax.ShapeDtypeStruct((E_PAD, NODE_DIM), jnp.float32),
    mesh=_mesh,
    scratch_types=[
        pltpu.VMEM((S_CHUNKS, CHUNK), jnp.int32),
        pltpu.VMEM((S_CHUNKS, CHUNK), jnp.int32),
        pltpu.VMEM((CHUNK, HALF), jnp.float32),
        pltpu.VMEM((CHUNK, HALF), jnp.float32),
        pltpu.VMEM((CHUNK, HALF), jnp.float32),
        pltpu.VMEM((CHUNK, HALF), jnp.float32),
        pltpu.SemaphoreType.DMA,
        pltpu.SemaphoreType.DMA,
        pltpu.SemaphoreType.DMA,
        pltpu.SemaphoreType.DMA,
    ],
)
def _gath(p3_hbm, q3_hbm, srcb_hbm, dstb_hbm, zeros_hbm, he_hbm,
          src_v, dst_v, bp0, bq0, bp1, bq1, sp0, sq0, sp1, sq1):
    cid = lax.axis_index("c")
    sid = lax.axis_index("s")
    row0 = sid * S_CHUNKS
    pltpu.sync_copy(srcb_hbm.at[pl.ds(row0, S_CHUNKS)], src_v)
    pltpu.sync_copy(dstb_hbm.at[pl.ds(row0, S_CHUNKS)], dst_v)

    p_h = p3_hbm.at[cid]
    q_h = q3_hbm.at[cid]
    dummy = zeros_hbm
    e0 = sid * S_CHUNKS * CHUNK
    col0 = cid * HALF

    def compute_write(j, bp, bq):
        def rowfn(r, c):
            for k in range(HALF // 16):
                sl = pl.ds(k * 16, 16)
                bp[r, sl] = jnp.maximum(bp[r, sl] + bq[r, sl], 0.0)
            return c

        lax.fori_loop(0, CHUNK, rowfn, 0, unroll=8)
        pltpu.sync_copy(bp, he_hbm.at[pl.ds(e0 + j * CHUNK, CHUNK),
                                      pl.ds(col0, HALF)])

    pltpu.async_copy(p_h.at[src_v.at[0]], bp0, sp0)
    pltpu.async_copy(q_h.at[dst_v.at[0]], bq0, sq0)

    def body(i, carry):
        j0 = 2 * i
        pltpu.async_copy(p_h.at[src_v.at[j0 + 1]], bp1, sp1)
        pltpu.async_copy(q_h.at[dst_v.at[j0 + 1]], bq1, sq1)
        pltpu.make_async_copy(dummy, bp0, sp0).wait()
        pltpu.make_async_copy(dummy, bq0, sq0).wait()
        compute_write(j0, bp0, bq0)

        @pl.when(i < S_CHUNKS // 2 - 1)
        def _():
            pltpu.async_copy(p_h.at[src_v.at[j0 + 2]], bp0, sp0)
            pltpu.async_copy(q_h.at[dst_v.at[j0 + 2]], bq0, sq0)

        pltpu.make_async_copy(dummy, bp1, sp1).wait()
        pltpu.make_async_copy(dummy, bq1, sq1).wait()
        compute_write(j0 + 1, bp1, bq1)
        return carry

    lax.fori_loop(0, S_CHUNKS // 2, body, 0)


@functools.partial(
    pl.kernel,
    out_type=jax.ShapeDtypeStruct((N_PAD, NODE_DIM), jnp.float32),
    mesh=_mesh,
    scratch_types=[
        pltpu.VMEM((S_CHUNKS, CHUNK), jnp.int32),
        pltpu.VMEM((CHUNK, HALF), jnp.float32),
        pltpu.VMEM((CHUNK, HALF), jnp.float32),
        pltpu.VMEM_SHARED((N_PAD, HALF), jnp.float32),
        pltpu.SemaphoreType.DMA,
        pltpu.SemaphoreType.DMA,
    ],
)
def _agg(he_hbm, dstb_hbm, zeros_hbm, h_hbm,
         dst_v, m0, m1, acc, s0, s1):
    cid = lax.axis_index("c")
    sid = lax.axis_index("s")
    for z in range(NROWS_PER_TILE // CHUNK):
        pltpu.sync_copy(zeros_hbm,
                        acc.at[pl.ds(sid * NROWS_PER_TILE + z * CHUNK, CHUNK)])
    pltpu.sync_copy(dstb_hbm.at[pl.ds(sid * S_CHUNKS, S_CHUNKS)], dst_v)
    plsc.subcore_barrier()

    e0 = sid * S_CHUNKS * CHUNK
    col0 = cid * HALF
    dummy = zeros_hbm

    def rd(i, m, s):
        pltpu.async_copy(
            he_hbm.at[pl.ds(e0 + i * CHUNK, CHUNK), pl.ds(col0, HALF)], m, s)

    rd(0, m0, s0)

    def body(i, carry):
        j0 = 2 * i
        rd(j0 + 1, m1, s1)
        pltpu.make_async_copy(dummy, m0, s0).wait()
        pltpu.sync_copy(m0, acc.at[dst_v.at[j0]], add=True)

        @pl.when(i < S_CHUNKS // 2 - 1)
        def _():
            rd(j0 + 2, m0, s0)

        pltpu.make_async_copy(dummy, m1, s1).wait()
        pltpu.sync_copy(m1, acc.at[dst_v.at[j0 + 1]], add=True)
        return carry

    lax.fori_loop(0, S_CHUNKS // 2, body, 0)
    plsc.subcore_barrier()
    pltpu.sync_copy(
        acc.at[pl.ds(sid * NROWS_PER_TILE, NROWS_PER_TILE)],
        h_hbm.at[pl.ds(sid * NROWS_PER_TILE, NROWS_PER_TILE), pl.ds(cid * HALF, HALF)])


@functools.partial(
    pl.kernel,
    out_type=jax.ShapeDtypeStruct((N_PAD, HALF), jnp.float32),
    mesh=_mesh,
    scratch_types=[
        pltpu.VMEM((S_CHUNKS, CHUNK), jnp.int32),
        pltpu.VMEM((CHUNK, HALF), jnp.float32),
        pltpu.VMEM_SHARED((N_PAD, HALF), jnp.float32),
    ],
)
def _deg(dstb_hbm, ones_hbm, zeros16_hbm, deg_hbm, idx_v, ones_v, accd):
    cid = lax.axis_index("c")
    sid = lax.axis_index("s")

    @pl.when(cid == 0)
    def _():
        for z in range(NROWS_PER_TILE // CHUNK):
            pltpu.sync_copy(zeros16_hbm,
                            accd.at[pl.ds(sid * NROWS_PER_TILE + z * CHUNK, CHUNK)])
        pltpu.sync_copy(ones_hbm, ones_v)
        pltpu.sync_copy(dstb_hbm.at[pl.ds(sid * S_CHUNKS, S_CHUNKS)], idx_v)
        plsc.subcore_barrier()

        def body(j, carry):
            pltpu.sync_copy(ones_v, accd.at[idx_v.at[j]], add=True)
            return carry

        lax.fori_loop(0, S_CHUNKS, body, 0)
        plsc.subcore_barrier()
        pltpu.sync_copy(
            accd.at[pl.ds(sid * NROWS_PER_TILE, NROWS_PER_TILE)],
            deg_hbm.at[pl.ds(sid * NROWS_PER_TILE, NROWS_PER_TILE)])


_N_BLK = 2000


def _node_body(x_ref, h_ref, deg_ref, b2_ref, w2_ref,
               u1a_ref, u1b_ref, c1_ref, u2_ref, c2_ref, o_ref):
    agg = jnp.dot(h_ref[...], w2_ref[...], preferred_element_type=jnp.float32)
    agg = agg + deg_ref[:, 0:1] * b2_ref[...]
    u = jnp.dot(x_ref[...], u1a_ref[...], preferred_element_type=jnp.float32)
    u = u + jnp.dot(agg, u1b_ref[...], preferred_element_type=jnp.float32)
    u = jnp.maximum(u + c1_ref[...], 0.0)
    o = jnp.dot(u, u2_ref[...], preferred_element_type=jnp.float32) + c2_ref[...]
    o_ref[...] = jnp.maximum(o, 0.0)


def _node(x, h, deg16, b2r, w2, u1a, u1b, c1r, u2, c2r):
    return pl.pallas_call(
        _node_body,
        grid=(N_NODES // _N_BLK,),
        in_specs=[
            pl.BlockSpec((_N_BLK, NODE_DIM), lambda i: (i, 0)),
            pl.BlockSpec((_N_BLK, NODE_DIM), lambda i: (i, 0)),
            pl.BlockSpec((_N_BLK, HALF), lambda i: (i, 0)),
            pl.BlockSpec((1, HIDDEN_DIM), lambda i: (0, 0)),
            pl.BlockSpec((HIDDEN_DIM, HIDDEN_DIM), lambda i: (0, 0)),
            pl.BlockSpec((NODE_DIM, HIDDEN_DIM), lambda i: (0, 0)),
            pl.BlockSpec((NODE_DIM, HIDDEN_DIM), lambda i: (0, 0)),
            pl.BlockSpec((1, HIDDEN_DIM), lambda i: (0, 0)),
            pl.BlockSpec((HIDDEN_DIM, NODE_DIM), lambda i: (0, 0)),
            pl.BlockSpec((1, NODE_DIM), lambda i: (0, 0)),
        ],
        out_specs=pl.BlockSpec((_N_BLK, NODE_DIM), lambda i: (i, 0)),
        out_shape=jax.ShapeDtypeStruct((N_NODES, NODE_DIM), jnp.float32),
    )(x, h, deg16, b2r, w2, u1a, u1b, c1r, u2, c2r)


def kernel(x, edge_index, W1, b1, W2, b2, U1, c1, U2, c2):
    ei = edge_index.astype(jnp.int32)
    src, dst = ei[0], ei[1]
    npad = E_PAD - N_EDGES
    padv = jnp.full((npad,), TRASH_ROW, jnp.int32)
    srcb = jnp.concatenate([src, padv]).reshape(E_PAD // CHUNK, CHUNK)
    dstb = jnp.concatenate([dst, padv]).reshape(E_PAD // CHUNK, CHUNK)
    zeros128 = jnp.zeros((CHUNK, HALF), jnp.float32)
    ones128 = jnp.ones((CHUNK, HALF), jnp.float32)
    w1a, w1b = W1[:NODE_DIM], W1[NODE_DIM:]
    u1a, u1b = U1[:NODE_DIM], U1[NODE_DIM:]
    b1r = b1.reshape(1, HIDDEN_DIM)
    b2r = b2.reshape(1, HIDDEN_DIM)
    c1r = c1.reshape(1, HIDDEN_DIM)
    c2r = c2.reshape(1, NODE_DIM)

    deg16 = _deg(dstb, ones128, zeros128)

    steps = MESSAGE_STEPS + jnp.min(srcb) // N_NODES

    def cond(carry):
        i, _ = carry
        return i < steps

    def body(carry):
        i, xc = carry
        p3, q3 = _pq(xc, w1a, w1b, b1r)
        he = _gath(p3, q3, srcb, dstb, zeros128)
        h = _agg(he, dstb, zeros128)
        return i + 1, _node(xc, h, deg16, b2r, W2, u1a, u1b, c1r, U2, c2r)

    return lax.while_loop(cond, body, (jnp.int32(0), x))[1]

# --- scband reference (transcript-rebuilt; emitter-appended) ---
"""Pipeline reference for scband-message-passing-operator-15006615732845 (READ-ONLY COPY).

The authoritative reference and input builder live on the scoring server;
editing this copy changes nothing except your own understanding.
"""

import jax, jax.numpy as jnp
import numpy as np

N_NODES = 10000
NODE_DIM = 256
HIDDEN_DIM = 256
MESSAGE_STEPS = 3
N_EDGES = 160000


def setup_inputs(seed: int = 0) -> dict:
    key = jax.random.key(seed)
    ks = jax.random.split(key, 10)
    x = jax.random.normal(ks[0], (N_NODES, NODE_DIM), dtype=jnp.float32)
    edge_index = jax.random.randint(ks[1], (2, N_EDGES), 0, N_NODES, dtype=jnp.int64)
    def lin(k, fan_in, fan_out):
        bound = 1.0 / np.sqrt(fan_in)
        kw, kb = jax.random.split(k)
        W = jax.random.uniform(kw, (fan_in, fan_out), dtype=jnp.float32, minval=-bound, maxval=bound)
        b = jax.random.uniform(kb, (fan_out,), dtype=jnp.float32, minval=-bound, maxval=bound)
        return W, b
    W1, b1 = lin(ks[2], NODE_DIM * 2, HIDDEN_DIM)
    W2, b2 = lin(ks[3], HIDDEN_DIM, HIDDEN_DIM)
    U1, c1 = lin(ks[4], NODE_DIM + HIDDEN_DIM, HIDDEN_DIM)
    U2, c2 = lin(ks[5], HIDDEN_DIM, NODE_DIM)
    return {"x": x, "edge_index": edge_index, "W1": W1, "b1": b1, "W2": W2, "b2": b2, "U1": U1, "c1": c1, "U2": U2, "c2": c2}


def reference(x, edge_index, W1, b1, W2, b2, U1, c1, U2, c2):
    num_nodes = x.shape[0]
    src = edge_index[0]
    dst = edge_index[1]
    for _ in range(MESSAGE_STEPS):
        messages = jnp.concatenate([x[src], x[dst]], axis=-1)
        h = jax.nn.relu(messages @ W1 + b1)
        messages = h @ W2 + b2
        aggregated = jnp.zeros((num_nodes, HIDDEN_DIM), dtype=x.dtype).at[dst].add(messages)
        combined = jnp.concatenate([x, aggregated], axis=-1)
        u = jax.nn.relu(combined @ U1 + c1)
        x = u @ U2 + c2
        x = jax.nn.relu(x)
    return x

if __name__ == "__main__":
    import jax
    _d = setup_inputs()
    print(jax.jit(kernel)(*tuple(_d.values())))

</pallas_src>

<mosaic_0001>
#map = affine_map<(d0, d1) -> (0, 0)>
module attributes {stable_mosaic.version = 14 : i64} {
  func.func @_deg(%arg0: i32, %arg1: i32, %arg2: memref<1280x128xi32, #tpu.memory_space<hbm>>, %arg3: memref<128x128xf32, #tpu.memory_space<hbm>>, %arg4: memref<128x128xf32, #tpu.memory_space<hbm>>, %arg5: memref<10240x128xf32, #tpu.memory_space<hbm>>, %arg6: memref<80x128xi32, #tpu.memory_space<vmem>>, %arg7: memref<128x128xf32, #tpu.memory_space<vmem>>, %arg8: memref<10240x128xf32, #tpu.memory_space<vmem_shared>>) attributes {dimension_semantics = [#tpu.dimension_semantics<core_parallel>, #tpu.dimension_semantics<subcore_parallel>], iteration_bounds = array<i64: 2, 16>, scalar_prefetch = 0 : i64, scratch_operands = 3 : i64, tpu.core_type = #tpu.core_type<sc_vector_subcore>, window_params = [{transform_indices = #map}, {transform_indices = #map}, {transform_indices = #map}, {transform_indices = #map}]} {
    %eq3A = arith.constant 0 : i32
    %eq3A_0 = arith.cmpi eq, %arg0, %eq3A : i32
    %convert_element_type3A = arith.extui %eq3A_0 : i1 to i32
    %cond3A = arith.constant 0 : i32
    %cond3A_1 = arith.cmpi ne, %convert_element_type3A, %cond3A : i32
    scf.if %cond3A_1 {
      %mul3A = arith.constant 640 : i32
      %mul3A_2 = arith.muli %arg1, %mul3A : i32
      %add3A = arith.constant 0 : i32
      %add3A_3 = arith.addi %mul3A_2, %add3A : i32
      "tpu.region"() ({
        %run_scoped3A = tpu.sem_alloc : memref<!tpu.dma_semaphore, #tpu.memory_space<semaphore_mem>>
        %dma_start3A = arith.constant 0 : i32
        %dma_start3A_32 = tpu.memref_slice %arg8[%add3A_3, %dma_start3A] : memref<10240x128xf32, #tpu.memory_space<vmem_shared>> -> memref<128x128xf32, #tpu.memory_space<vmem_shared>>
        tpu.enqueue_dma source(%arg4 : memref<128x128xf32, #tpu.memory_space<hbm>>) target(%dma_start3A_32 : memref<128x128xf32, #tpu.memory_space<vmem_shared>>) target_semaphore(%run_scoped3A : memref<!tpu.dma_semaphore, #tpu.memory_space<semaphore_mem>>)
        %dma_wait3A = arith.constant 0 : i32
        %dma_wait3A_33 = tpu.memref_slice %arg8[%add3A_3, %dma_wait3A] : memref<10240x128xf32, #tpu.memory_space<vmem_shared>> -> memref<128x128xf32, #tpu.memory_space<vmem_shared>>
        tpu.wait_dma2 semaphore(%run_scoped3A : memref<!tpu.dma_semaphore, #tpu.memory_space<semaphore_mem>>) src(%arg4 : memref<128x128xf32, #tpu.memory_space<hbm>>) dst(%dma_wait3A_33 : memref<128x128xf32, #tpu.memory_space<vmem_shared>>)
        tpu.yield
      }) : () -> ()
      %mul3A_4 = arith.constant 640 : i32
      %mul3A_5 = arith.muli %arg1, %mul3A_4 : i32
      %add3A_6 = arith.constant 128 : i32
      %add3A_7 = arith.addi %mul3A_5, %add3A_6 : i32
      "tpu.region"() ({
        %run_scoped3A = tpu.sem_alloc : memref<!tpu.dma_semaphore, #tpu.memory_space<semaphore_mem>>
        %dma_start3A = arith.constant 0 : i32
        %dma_start3A_32 = tpu.memref_slice %arg8[%add3A_7, %dma_start3A] : memref<10240x128xf32, #tpu.memory_space<vmem_shared>> -> memref<128x128xf32, #tpu.memory_space<vmem_shared>>
        tpu.enqueue_dma source(%arg4 : memref<128x128xf32, #tpu.memory_space<hbm>>) target(%dma_start3A_32 : memref<128x128xf32, #tpu.memory_space<vmem_shared>>) target_semaphore(%run_scoped3A : memref<!tpu.dma_semaphore, #tpu.memory_space<semaphore_mem>>)
        %dma_wait3A = arith.constant 0 : i32
        %dma_wait3A_33 = tpu.memref_slice %arg8[%add3A_7, %dma_wait3A] : memref<10240x128xf32, #tpu.memory_space<vmem_shared>> -> memref<128x128xf32, #tpu.memory_space<vmem_shared>>
        tpu.wait_dma2 semaphore(%run_scoped3A : memref<!tpu.dma_semaphore, #tpu.memory_space<semaphore_mem>>) src(%arg4 : memref<128x128xf32, #tpu.memory_space<hbm>>) dst(%dma_wait3A_33 : memref<128x128xf32, #tpu.memory_space<vmem_shared>>)
        tpu.yield
      }) : () -> ()
      %mul3A_8 = arith.constant 640 : i32
      %mul3A_9 = arith.muli %arg1, %mul3A_8 : i32
      %add3A_10 = arith.constant 256 : i32
      %add3A_11 = arith.addi %mul3A_9, %add3A_10 : i32
      "tpu.region"() ({
        %run_scoped3A = tpu.sem_alloc : memref<!tpu.dma_semaphore, #tpu.memory_space<semaphore_mem>>
        %dma_start3A = arith.constant 0 : i32
        %dma_start3A_32 = tpu.memref_slice %arg8[%add3A_11, %dma_start3A] : memref<10240x128xf32, #tpu.memory_space<vmem_shared>> -> memref<128x128xf32, #tpu.memory_space<vmem_shared>>
        tpu.enqueue_dma source(%arg4 : memref<128x128xf32, #tpu.memory_space<hbm>>) target(%dma_start3A_32 : memref<128x128xf32, #tpu.memory_space<vmem_shared>>) target_semaphore(%run_scoped3A : memref<!tpu.dma_semaphore, #tpu.memory_space<semaphore_mem>>)
        %dma_wait3A = arith.constant 0 : i32
        %dma_wait3A_33 = tpu.memref_slice %arg8[%add3A_11, %dma_wait3A] : memref<10240x128xf32, #tpu.memory_space<vmem_shared>> -> memref<128x128xf32, #tpu.memory_space<vmem_shared>>
        tpu.wait_dma2 semaphore(%run_scoped3A : memref<!tpu.dma_semaphore, #tpu.memory_space<semaphore_mem>>) src(%arg4 : memref<128x128xf32, #tpu.memory_space<hbm>>) dst(%dma_wait3A_33 : memref<128x128xf32, #tpu.memory_space<vmem_shared>>)
        tpu.yield
      }) : () -> ()
      %mul3A_12 = arith.constant 640 : i32
      %mul3A_13 = arith.muli %arg1, %mul3A_12 : i32
      %add3A_14 = arith.constant 384 : i32
      %add3A_15 = arith.addi %mul3A_13, %add3A_14 : i32
      "tpu.region"() ({
        %run_scoped3A = tpu.sem_alloc : memref<!tpu.dma_semaphore, #tpu.memory_space<semaphore_mem>>
        %dma_start3A = arith.constant 0 : i32
        %dma_start3A_32 = tpu.memref_slice %arg8[%add3A_15, %dma_start3A] : memref<10240x128xf32, #tpu.memory_space<vmem_shared>> -> memref<128x128xf32, #tpu.memory_space<vmem_shared>>
        tpu.enqueue_dma source(%arg4 : memref<128x128xf32, #tpu.memory_space<hbm>>) target(%dma_start3A_32 : memref<128x128xf32, #tpu.memory_space<vmem_shared>>) target_semaphore(%run_scoped3A : memref<!tpu.dma_semaphore, #tpu.memory_space<semaphore_mem>>)
        %dma_wait3A = arith.constant 0 : i32
        %dma_wait3A_33 = tpu.memref_slice %arg8[%add3A_15, %dma_wait3A] : memref<10240x128xf32, #tpu.memory_space<vmem_shared>> -> memref<128x128xf32, #tpu.memory_space<vmem_shared>>
        tpu.wait_dma2 semaphore(%run_scoped3A : memref<!tpu.dma_semaphore, #tpu.memory_space<semaphore_mem>>) src(%arg4 : memref<128x128xf32, #tpu.memory_space<hbm>>) dst(%dma_wait3A_33 : memref<128x128xf32, #tpu.memory_space<vmem_shared>>)
        tpu.yield
      }) : () -> ()
      %mul3A_16 = arith.constant 640 : i32
      %mul3A_17 = arith.muli %arg1, %mul3A_16 : i32
      %add3A_18 = arith.constant 512 : i32
      %add3A_19 = arith.addi %mul3A_17, %add3A_18 : i32
      "tpu.region"() ({
        %run_scoped3A = tpu.sem_alloc : memref<!tpu.dma_semaphore, #tpu.memory_space<semaphore_mem>>
        %dma_start3A = arith.constant 0 : i32
        %dma_start3A_32 = tpu.memref_slice %arg8[%add3A_19, %dma_start3A] : memref<10240x128xf32, #tpu.memory_space<vmem_shared>> -> memref<128x128xf32, #tpu.memory_space<vmem_shared>>
        tpu.enqueue_dma source(%arg4 : memref<128x128xf32, #tpu.memory_space<hbm>>) target(%dma_start3A_32 : memref<128x128xf32, #tpu.memory_space<vmem_shared>>) target_semaphore(%run_scoped3A : memref<!tpu.dma_semaphore, #tpu.memory_space<semaphore_mem>>)
        %dma_wait3A = arith.constant 0 : i32
        %dma_wait3A_33 = tpu.memref_slice %arg8[%add3A_19, %dma_wait3A] : memref<10240x128xf32, #tpu.memory_space<vmem_shared>> -> memref<128x128xf32, #tpu.memory_space<vmem_shared>>
        tpu.wait_dma2 semaphore(%run_scoped3A : memref<!tpu.dma_semaphore, #tpu.memory_space<semaphore_mem>>) src(%arg4 : memref<128x128xf32, #tpu.memory_space<hbm>>) dst(%dma_wait3A_33 : memref<128x128xf32, #tpu.memory_space<vmem_shared>>)
        tpu.yield
      }) : () -> ()
      "tpu.region"() ({
        %run_scoped3A = tpu.sem_alloc : memref<!tpu.dma_semaphore, #tpu.memory_space<semaphore_mem>>
        tpu.enqueue_dma source(%arg3 : memref<128x128xf32, #tpu.memory_space<hbm>>) target(%arg7 : memref<128x128xf32, #tpu.memory_space<vmem>>) target_semaphore(%run_scoped3A : memref<!tpu.dma_semaphore, #tpu.memory_space<semaphore_mem>>)
        tpu.wait_dma2 semaphore(%run_scoped3A : memref<!tpu.dma_semaphore, #tpu.memory_space<semaphore_mem>>) src(%arg3 : memref<128x128xf32, #tpu.memory_space<hbm>>) dst(%arg7 : memref<128x128xf32, #tpu.memory_space<vmem>>)
        tpu.yield
      }) : () -> ()
      %mul3A_20 = arith.constant 80 : i32
      %mul3A_21 = arith.muli %arg1, %mul3A_20 : i32
      "tpu.region"() ({
        %run_scoped3A = tpu.sem_alloc : memref<!tpu.dma_semaphore, #tpu.memory_space<semaphore_mem>>
        %dma_start3A = arith.constant 0 : i32
        %dma_start3A_32 = tpu.memref_slice %arg2[%mul3A_21, %dma_start3A] : memref<1280x128xi32, #tpu.memory_space<hbm>> -> memref<80x128xi32, #tpu.memory_space<hbm>>
        %dma_start3A_33 = arith.constant 0 : i32
        %dma_start3A_34 = tpu.memref_slice %arg2[%mul3A_21, %dma_start3A_33] : memref<1280x128xi32, #tpu.memory_space<hbm>> -> memref<80x128xi32, #tpu.memory_space<hbm>>
        tpu.enqueue_dma source(%dma_start3A_34 : memref<80x128xi32, #tpu.memory_space<hbm>>) target(%arg6 : memref<80x128xi32, #tpu.memory_space<vmem>>) target_semaphore(%run_scoped3A : memref<!tpu.dma_semaphore, #tpu.memory_space<semaphore_mem>>)
        %dma_wait3A = arith.constant 0 : i32
        %dma_wait3A_35 = tpu.memref_slice %arg2[%mul3A_21, %dma_wait3A] : memref<1280x128xi32, #tpu.memory_space<hbm>> -> memref<80x128xi32, #tpu.memory_space<hbm>>
        %dma_wait3A_36 = arith.constant 0 : i32
        %dma_wait3A_37 = tpu.memref_slice %arg2[%mul3A_21, %dma_wait3A_36] : memref<1280x128xi32, #tpu.memory_space<hbm>> -> memref<80x128xi32, #tpu.memory_space<hbm>>
        tpu.wait_dma2 semaphore(%run_scoped3A : memref<!tpu.dma_semaphore, #tpu.memory_space<semaphore_mem>>) src(%dma_wait3A_37 : memref<80x128xi32, #tpu.memory_space<hbm>>) dst(%arg6 : memref<80x128xi32, #tpu.memory_space<vmem>>)
        tpu.yield
      }) : () -> ()
      %barrier3A = arith.constant 0 : index
      tpu.barrier barrier_id(%barrier3A)
      %scan3A = arith.constant 0 : i32
      %scan3A_22 = arith.constant 0 : i32
      %scan3A_23 = arith.constant 80 : i32
      %scan3A_24 = arith.addi %scan3A_22, %scan3A_23 : i32
      %scan3A_25 = arith.constant 1 : i32
      scf.for %scan3A_32 = %scan3A_22 to %scan3A_24 step %scan3A_25  : i32 {
        "tpu.region"() ({
          %run_scoped3A = tpu.sem_alloc : memref<!tpu.dma_semaphore, #tpu.memory_space<semaphore_mem>>
          %dma_start3A = arith.constant 0 : i32
          %dma_start3A_33 = tpu.memref_slice %arg6[%scan3A_32, %dma_start3A] : memref<80x128xi32, #tpu.memory_space<vmem>> -> memref<1x128xi32, #tpu.memory_space<vmem>>
          %dma_start3A_34 = tpu.memref_squeeze %dma_start3A_33 : memref<1x128xi32, #tpu.memory_space<vmem>> -> memref<128xi32, #tpu.memory_space<vmem>>
          %dma_start3A_35 = arith.constant 0 : i32
          %dma_start3A_36 = arith.constant 0 : i32
          %dma_start3A_37 = tpu.memref_slice %arg8[%dma_start3A_35, %dma_start3A_36] : memref<10240x128xf32, #tpu.memory_space<vmem_shared>> -> memref<10240x128xf32, #tpu.memory_space<vmem_shared>>
          tpu.enqueue_indirect_dma source(%arg7 : memref<128x128xf32, #tpu.memory_space<vmem>>) target(%dma_start3A_37 : memref<10240x128xf32, #tpu.memory_space<vmem_shared>>) offsets(%dma_start3A_34 : memref<128xi32, #tpu.memory_space<vmem>>) semaphore(%run_scoped3A : memref<!tpu.dma_semaphore, #tpu.memory_space<semaphore_mem>>) {add = true}
          %dma_wait3A = arith.constant 0 : i32
          %dma_wait3A_38 = tpu.memref_slice %arg6[%scan3A_32, %dma_wait3A] : memref<80x128xi32, #tpu.memory_space<vmem>> -> memref<1x128xi32, #tpu.memory_space<vmem>>
          %dma_wait3A_39 = tpu.memref_squeeze %dma_wait3A_38 : memref<1x128xi32, #tpu.memory_space<vmem>> -> memref<128xi32, #tpu.memory_space<vmem>>
          %dma_wait3A_40 = arith.constant 0 : i32
          %dma_wait3A_41 = arith.constant 0 : i32
          %dma_wait3A_42 = tpu.memref_slice %arg8[%dma_wait3A_40, %dma_wait3A_41] : memref<10240x128xf32, #tpu.memory_space<vmem_shared>> -> memref<10240x128xf32, #tpu.memory_space<vmem_shared>>
          tpu.wait_indirect_dma semaphore(%run_scoped3A : memref<!tpu.dma_semaphore, #tpu.memory_space<semaphore_mem>>) src(%arg7 : memref<128x128xf32, #tpu.memory_space<vmem>>) dst(%dma_wait3A_42 : memref<10240x128xf32, #tpu.memory_space<vmem_shared>>)
          tpu.yield
        }) : () -> ()
      }
      %scan3A_26 = arith.constant 80 : i32
      %barrier3A_27 = arith.constant 0 : index
      tpu.barrier barrier_id(%barrier3A_27)
      %mul3A_28 = arith.constant 640 : i32
      %mul3A_29 = arith.muli %arg1, %mul3A_28 : i32
      %mul3A_30 = arith.constant 640 : i32
      %mul3A_31 = arith.muli %arg1, %mul3A_30 : i32
      "tpu.region"() ({
        %run_scoped3A = tpu.sem_alloc : memref<!tpu.dma_semaphore, #tpu.memory_space<semaphore_mem>>
        %dma_start3A = arith.constant 0 : i32
        %dma_start3A_32 = tpu.memref_slice %arg5[%mul3A_31, %dma_start3A] : memref<10240x128xf32, #tpu.memory_space<hbm>> -> memref<640x128xf32, #tpu.memory_space<hbm>>
        %dma_start3A_33 = arith.constant 0 : i32
        %dma_start3A_34 = tpu.memref_slice %arg8[%mul3A_29, %dma_start3A_33] : memref<10240x128xf32, #tpu.memory_space<vmem_shared>> -> memref<640x128xf32, #tpu.memory_space<vmem_shared>>
        tpu.enqueue_dma source(%dma_start3A_34 : memref<640x128xf32, #tpu.memory_space<vmem_shared>>) target(%dma_start3A_32 : memref<640x128xf32, #tpu.memory_space<hbm>>) target_semaphore(%run_scoped3A : memref<!tpu.dma_semaphore, #tpu.memory_space<semaphore_mem>>)
        %dma_wait3A = arith.constant 0 : i32
        %dma_wait3A_35 = tpu.memref_slice %arg5[%mul3A_31, %dma_wait3A] : memref<10240x128xf32, #tpu.memory_space<hbm>> -> memref<640x128xf32, #tpu.memory_space<hbm>>
        %dma_wait3A_36 = arith.constant 0 : i32
        %dma_wait3A_37 = tpu.memref_slice %arg8[%mul3A_29, %dma_wait3A_36] : memref<10240x128xf32, #tpu.memory_space<vmem_shared>> -> memref<640x128xf32, #tpu.memory_space<vmem_shared>>
        tpu.wait_dma2 semaphore(%run_scoped3A : memref<!tpu.dma_semaphore, #tpu.memory_space<semaphore_mem>>) src(%dma_wait3A_37 : memref<640x128xf32, #tpu.memory_space<vmem_shared>>) dst(%dma_wait3A_35 : memref<640x128xf32, #tpu.memory_space<hbm>>)
        tpu.yield
      }) : () -> ()
    } else {
    }
    return
  }
}

#map = affine_map<(d0, d1) -> (0, 0)>
module attributes {stable_mosaic.version = 14 : i64} {
  func.func @_agg(%arg0: i32, %arg1: i32, %arg2: memref<163840x256xf32, #tpu.memory_space<hbm>>, %arg3: memref<1280x128xi32, #tpu.memory_space<hbm>>, %arg4: memref<128x128xf32, #tpu.memory_space<hbm>>, %arg5: memref<10240x256xf32, #tpu.memory_space<hbm>>, %arg6: memref<80x128xi32, #tpu.memory_space<vmem>>, %arg7: memref<128x128xf32, #tpu.memory_space<vmem>>, %arg8: memref<128x128xf32, #tpu.memory_space<vmem>>, %arg9: memref<10240x128xf32, #tpu.memory_space<vmem_shared>>, %arg10: memref<!tpu.dma_semaphore, #tpu.memory_space<semaphore_mem>>, %arg11: memref<!tpu.dma_semaphore, #tpu.memory_space<semaphore_mem>>) attributes {dimension_semantics = [#tpu.dimension_semantics<core_parallel>, #tpu.dimension_semantics<subcore_parallel>], iteration_bounds = array<i64: 2, 16>, scalar_prefetch = 0 : i64, scratch_operands = 6 : i64, tpu.core_type = #tpu.core_type<sc_vector_subcore>, window_params = [{transform_indices = #map}, {transform_indices = #map}, {transform_indices = #map}, {transform_indices = #map}]} {
    %mul3A = arith.constant 640 : i32
    %mul3A_0 = arith.muli %arg1, %mul3A : i32
    %add3A = arith.constant 0 : i32
    %add3A_1 = arith.addi %mul3A_0, %add3A : i32
    "tpu.region"() ({
      %run_scoped3A = tpu.sem_alloc : memref<!tpu.dma_semaphore, #tpu.memory_space<semaphore_mem>>
      %dma_start3A_41 = arith.constant 0 : i32
      %dma_start3A_42 = tpu.memref_slice %arg9[%add3A_1, %dma_start3A_41] : memref<10240x128xf32, #tpu.memory_space<vmem_shared>> -> memref<128x128xf32, #tpu.memory_space<vmem_shared>>
      tpu.enqueue_dma source(%arg4 : memref<128x128xf32, #tpu.memory_space<hbm>>) target(%dma_start3A_42 : memref<128x128xf32, #tpu.memory_space<vmem_shared>>) target_semaphore(%run_scoped3A : memref<!tpu.dma_semaphore, #tpu.memory_space<semaphore_mem>>)
      %dma_wait3A = arith.constant 0 : i32
      %dma_wait3A_43 = tpu.memref_slice %arg9[%add3A_1, %dma_wait3A] : memref<10240x128xf32, #tpu.memory_space<vmem_shared>> -> memref<128x128xf32, #tpu.memory_space<vmem_shared>>
      tpu.wait_dma2 semaphore(%run_scoped3A : memref<!tpu.dma_semaphore, #tpu.memory_space<semaphore_mem>>) src(%arg4 : memref<128x128xf32, #tpu.memory_space<hbm>>) dst(%dma_wait3A_43 : memref<128x128xf32, #tpu.memory_space<vmem_shared>>)
      tpu.yield
    }) : () -> ()
    %mul3A_2 = arith.constant 640 : i32
    %mul3A_3 = arith.muli %arg1, %mul3A_2 : i32
    %add3A_4 = arith.constant 128 : i32
    %add3A_5 = arith.addi %mul3A_3, %add3A_4 : i32
    "tpu.region"() ({
      %run_scoped3A = tpu.sem_alloc : memref<!tpu.dma_semaphore, #tpu.memory_space<semaphore_mem>>
      %dma_start3A_41 = arith.constant 0 : i32
      %dma_start3A_42 = tpu.memref_slice %arg9[%add3A_5, %dma_start3A_41] : memref<10240x128xf32, #tpu.memory_space<vmem_shared>> -> memref<128x128xf32, #tpu.memory_space<vmem_shared>>
      tpu.enqueue_dma source(%arg4 : memref<128x128xf32, #tpu.memory_space<hbm>>) target(%dma_start3A_42 : memref<128x128xf32, #tpu.memory_space<vmem_shared>>) target_semaphore(%run_scoped3A : memref<!tpu.dma_semaphore, #tpu.memory_space<semaphore_mem>>)
      %dma_wait3A = arith.constant 0 : i32
      %dma_wait3A_43 = tpu.memref_slice %arg9[%add3A_5, %dma_wait3A] : memref<10240x128xf32, #tpu.memory_space<vmem_shared>> -> memref<128x128xf32, #tpu.memory_space<vmem_shared>>
      tpu.wait_dma2 semaphore(%run_scoped3A : memref<!tpu.dma_semaphore, #tpu.memory_space<semaphore_mem>>) src(%arg4 : memref<128x128xf32, #tpu.memory_space<hbm>>) dst(%dma_wait3A_43 : memref<128x128xf32, #tpu.memory_space<vmem_shared>>)
      tpu.yield
    }) : () -> ()
    %mul3A_6 = arith.constant 640 : i32
    %mul3A_7 = arith.muli %arg1, %mul3A_6 : i32
    %add3A_8 = arith.constant 256 : i32
    %add3A_9 = arith.addi %mul3A_7, %add3A_8 : i32
    "tpu.region"() ({
      %run_scoped3A = tpu.sem_alloc : memref<!tpu.dma_semaphore, #tpu.memory_space<semaphore_mem>>
      %dma_start3A_41 = arith.constant 0 : i32
      %dma_start3A_42 = tpu.memref_slice %arg9[%add3A_9, %dma_start3A_41] : memref<10240x128xf32, #tpu.memory_space<vmem_shared>> -> memref<128x128xf32, #tpu.memory_space<vmem_shared>>
      tpu.enqueue_dma source(%arg4 : memref<128x128xf32, #tpu.memory_space<hbm>>) target(%dma_start3A_42 : memref<128x128xf32, #tpu.memory_space<vmem_shared>>) target_semaphore(%run_scoped3A : memref<!tpu.dma_semaphore, #tpu.memory_space<semaphore_mem>>)
      %dma_wait3A = arith.constant 0 : i32
      %dma_wait3A_43 = tpu.memref_slice %arg9[%add3A_9, %dma_wait3A] : memref<10240x128xf32, #tpu.memory_space<vmem_shared>> -> memref<128x128xf32, #tpu.memory_space<vmem_shared>>
      tpu.wait_dma2 semaphore(%run_scoped3A : memref<!tpu.dma_semaphore, #tpu.memory_space<semaphore_mem>>) src(%arg4 : memref<128x128xf32, #tpu.memory_space<hbm>>) dst(%dma_wait3A_43 : memref<128x128xf32, #tpu.memory_space<vmem_shared>>)
      tpu.yield
    }) : () -> ()
    %mul3A_10 = arith.constant 640 : i32
    %mul3A_11 = arith.muli %arg1, %mul3A_10 : i32
    %add3A_12 = arith.constant 384 : i32
    %add3A_13 = arith.addi %mul3A_11, %add3A_12 : i32
    "tpu.region"() ({
      %run_scoped3A = tpu.sem_alloc : memref<!tpu.dma_semaphore, #tpu.memory_space<semaphore_mem>>
      %dma_start3A_41 = arith.constant 0 : i32
      %dma_start3A_42 = tpu.memref_slice %arg9[%add3A_13, %dma_start3A_41] : memref<10240x128xf32, #tpu.memory_space<vmem_shared>> -> memref<128x128xf32, #tpu.memory_space<vmem_shared>>
      tpu.enqueue_dma source(%arg4 : memref<128x128xf32, #tpu.memory_space<hbm>>) target(%dma_start3A_42 : memref<128x128xf32, #tpu.memory_space<vmem_shared>>) target_semaphore(%run_scoped3A : memref<!tpu.dma_semaphore, #tpu.memory_space<semaphore_mem>>)
      %dma_wait3A = arith.constant 0 : i32
      %dma_wait3A_43 = tpu.memref_slice %arg9[%add3A_13, %dma_wait3A] : memref<10240x128xf32, #tpu.memory_space<vmem_shared>> -> memref<128x128xf32, #tpu.memory_space<vmem_shared>>
      tpu.wait_dma2 semaphore(%run_scoped3A : memref<!tpu.dma_semaphore, #tpu.memory_space<semaphore_mem>>) src(%arg4 : memref<128x128xf32, #tpu.memory_space<hbm>>) dst(%dma_wait3A_43 : memref<128x128xf32, #tpu.memory_space<vmem_shared>>)
      tpu.yield
    }) : () -> ()
    %mul3A_14 = arith.constant 640 : i32
    %mul3A_15 = arith.muli %arg1, %mul3A_14 : i32
    %add3A_16 = arith.constant 512 : i32
    %add3A_17 = arith.addi %mul3A_15, %add3A_16 : i32
    "tpu.region"() ({
      %run_scoped3A = tpu.sem_alloc : memref<!tpu.dma_semaphore, #tpu.memory_space<semaphore_mem>>
      %dma_start3A_41 = arith.constant 0 : i32
      %dma_start3A_42 = tpu.memref_slice %arg9[%add3A_17, %dma_start3A_41] : memref<10240x128xf32, #tpu.memory_space<vmem_shared>> -> memref<128x128xf32, #tpu.memory_space<vmem_shared>>
      tpu.enqueue_dma source(%arg4 : memref<128x128xf32, #tpu.memory_space<hbm>>) target(%dma_start3A_42 : memref<128x128xf32, #tpu.memory_space<vmem_shared>>) target_semaphore(%run_scoped3A : memref<!tpu.dma_semaphore, #tpu.memory_space<semaphore_mem>>)
      %dma_wait3A = arith.constant 0 : i32
      %dma_wait3A_43 = tpu.memref_slice %arg9[%add3A_17, %dma_wait3A] : memref<10240x128xf32, #tpu.memory_space<vmem_shared>> -> memref<128x128xf32, #tpu.memory_space<vmem_shared>>
      tpu.wait_dma2 semaphore(%run_scoped3A : memref<!tpu.dma_semaphore, #tpu.memory_space<semaphore_mem>>) src(%arg4 : memref<128x128xf32, #tpu.memory_space<hbm>>) dst(%dma_wait3A_43 : memref<128x128xf32, #tpu.memory_space<vmem_shared>>)
      tpu.yield
    }) : () -> ()
    %mul3A_18 = arith.constant 80 : i32
    %mul3A_19 = arith.muli %arg1, %mul3A_18 : i32
    "tpu.region"() ({
      %run_scoped3A = tpu.sem_alloc : memref<!tpu.dma_semaphore, #tpu.memory_space<semaphore_mem>>
      %dma_start3A_41 = arith.constant 0 : i32
      %dma_start3A_42 = tpu.memref_slice %arg3[%mul3A_19, %dma_start3A_41] : memref<1280x128xi32, #tpu.memory_space<hbm>> -> memref<80x128xi32, #tpu.memory_space<hbm>>
      %dma_start3A_43 = arith.constant 0 : i32
      %dma_start3A_44 = tpu.memref_slice %arg3[%mul3A_19, %dma_start3A_43] : memref<1280x128xi32, #tpu.memory_space<hbm>> -> memref<80x128xi32, #tpu.memory_space<hbm>>
      tpu.enqueue_dma source(%dma_start3A_44 : memref<80x128xi32, #tpu.memory_space<hbm>>) target(%arg6 : memref<80x128xi32, #tpu.memory_space<vmem>>) target_semaphore(%run_scoped3A : memref<!tpu.dma_semaphore, #tpu.memory_space<semaphore_mem>>)
      %dma_wait3A = arith.constant 0 : i32
      %dma_wait3A_45 = tpu.memref_slice %arg3[%mul3A_19, %dma_wait3A] : memref<1280x128xi32, #tpu.memory_space<hbm>> -> memref<80x128xi32, #tpu.memory_space<hbm>>
      %dma_wait3A_46 = arith.constant 0 : i32
      %dma_wait3A_47 = tpu.memref_slice %arg3[%mul3A_19, %dma_wait3A_46] : memref<1280x128xi32, #tpu.memory_space<hbm>> -> memref<80x128xi32, #tpu.memory_space<hbm>>
      tpu.wait_dma2 semaphore(%run_scoped3A : memref<!tpu.dma_semaphore, #tpu.memory_space<semaphore_mem>>) src(%dma_wait3A_47 : memref<80x128xi32, #tpu.memory_space<hbm>>) dst(%arg6 : memref<80x128xi32, #tpu.memory_space<vmem>>)
      tpu.yield
    }) : () -> ()
    %barrier3A = arith.constant 0 : index
    tpu.barrier barrier_id(%barrier3A)
    %mul3A_20 = arith.constant 80 : i32
    %mul3A_21 = arith.muli %arg1, %mul3A_20 : i32
    %mul3A_22 = arith.constant 128 : i32
    %mul3A_23 = arith.muli %mul3A_21, %mul3A_22 : i32
    %mul3A_24 = arith.constant 128 : i32
    %mul3A_25 = arith.muli %arg0, %mul3A_24 : i32
    %add3A_26 = arith.constant 0 : i32
    %add3A_27 = arith.addi %mul3A_23, %add3A_26 : i32
    %dma_start3A = tpu.memref_slice %arg2[%add3A_27, %mul3A_25] : memref<163840x256xf32, #tpu.memory_space<hbm>> -> memref<128x128xf32, #tpu.memory_space<hbm>>
    %dma_start3A_28 = tpu.memref_slice %arg2[%add3A_27, %mul3A_25] : memref<163840x256xf32, #tpu.memory_space<hbm>> -> memref<128x128xf32, #tpu.memory_space<hbm>>
    tpu.enqueue_dma source(%dma_start3A_28 : memref<128x128xf32, #tpu.memory_space<hbm>>) target(%arg7 : memref<128x128xf32, #tpu.memory_space<vmem>>) target_semaphore(%arg10 : memref<!tpu.dma_semaphore, #tpu.memory_space<semaphore_mem>>)
    %scan3A = arith.constant 0 : i32
    %scan3A_29 = arith.constant 0 : i32
    %scan3A_30 = arith.constant 40 : i32
    %scan3A_31 = arith.addi %scan3A_29, %scan3A_30 : i32
    %scan3A_32 = arith.constant 1 : i32
    scf.for %scan3A_41 = %scan3A_29 to %scan3A_31 step %scan3A_32  : i32 {
      %mul3A_42 = arith.constant 2 : i32
      %mul3A_43 = arith.muli %mul3A_42, %scan3A_41 : i32
      %add3A_44 = arith.constant 1 : i32
      %add3A_45 = arith.addi %mul3A_43, %add3A_44 : i32
      %mul3A_46 = arith.constant 128 : i32
      %mul3A_47 = arith.muli %add3A_45, %mul3A_46 : i32
      %add3A_48 = arith.addi %mul3A_23, %mul3A_47 : i32
      %dma_start3A_49 = tpu.memref_slice %arg2[%add3A_48, %mul3A_25] : memref<163840x256xf32, #tpu.memory_space<hbm>> -> memref<128x128xf32, #tpu.memory_space<hbm>>
      %dma_start3A_50 = tpu.memref_slice %arg2[%add3A_48, %mul3A_25] : memref<163840x256xf32, #tpu.memory_space<hbm>> -> memref<128x128xf32, #tpu.memory_space<hbm>>
      tpu.enqueue_dma source(%dma_start3A_50 : memref<128x128xf32, #tpu.memory_space<hbm>>) target(%arg8 : memref<128x128xf32, #tpu.memory_space<vmem>>) target_semaphore(%arg11 : memref<!tpu.dma_semaphore, #tpu.memory_space<semaphore_mem>>)
      tpu.wait_dma2 semaphore(%arg10 : memref<!tpu.dma_semaphore, #tpu.memory_space<semaphore_mem>>) src(%arg4 : memref<128x128xf32, #tpu.memory_space<hbm>>) dst(%arg7 : memref<128x128xf32, #tpu.memory_space<vmem>>)
      "tpu.region"() ({
        %run_scoped3A = tpu.sem_alloc : memref<!tpu.dma_semaphore, #tpu.memory_space<semaphore_mem>>
        %dma_start3A_55 = arith.constant 0 : i32
        %dma_start3A_56 = tpu.memref_slice %arg6[%mul3A_43, %dma_start3A_55] : memref<80x128xi32, #tpu.memory_space<vmem>> -> memref<1x128xi32, #tpu.memory_space<vmem>>
        %dma_start3A_57 = tpu.memref_squeeze %dma_start3A_56 : memref<1x128xi32, #tpu.memory_space<vmem>> -> memref<128xi32, #tpu.memory_space<vmem>>
        %dma_start3A_58 = arith.constant 0 : i32
        %dma_start3A_59 = arith.constant 0 : i32
        %dma_start3A_60 = tpu.memref_slice %arg9[%dma_start3A_58, %dma_start3A_59] : memref<10240x128xf32, #tpu.memory_space<vmem_shared>> -> memref<10240x128xf32, #tpu.memory_space<vmem_shared>>
        tpu.enqueue_indirect_dma source(%arg7 : memref<128x128xf32, #tpu.memory_space<vmem>>) target(%dma_start3A_60 : memref<10240x128xf32, #tpu.memory_space<vmem_shared>>) offsets(%dma_start3A_57 : memref<128xi32, #tpu.memory_space<vmem>>) semaphore(%run_scoped3A : memref<!tpu.dma_semaphore, #tpu.memory_space<semaphore_mem>>) {add = true}
        %dma_wait3A = arith.constant 0 : i32
        %dma_wait3A_61 = tpu.memref_slice %arg6[%mul3A_43, %dma_wait3A] : memref<80x128xi32, #tpu.memory_space<vmem>> -> memref<1x128xi32, #tpu.memory_space<vmem>>
        %dma_wait3A_62 = tpu.memref_squeeze %dma_wait3A_61 : memref<1x128xi32, #tpu.memory_space<vmem>> -> memref<128xi32, #tpu.memory_space<vmem>>
        %dma_wait3A_63 = arith.constant 0 : i32
        %dma_wait3A_64 = arith.constant 0 : i32
        %dma_wait3A_65 = tpu.memref_slice %arg9[%dma_wait3A_63, %dma_wait3A_64] : memref<10240x128xf32, #tpu.memory_space<vmem_shared>> -> memref<10240x128xf32, #tpu.memory_space<vmem_shared>>
        tpu.wait_indirect_dma semaphore(%run_scoped3A : memref<!tpu.dma_semaphore, #tpu.memory_space<semaphore_mem>>) src(%arg7 : memref<128x128xf32, #tpu.memory_space<vmem>>) dst(%dma_wait3A_65 : memref<10240x128xf32, #tpu.memory_space<vmem_shared>>)
        tpu.yield
      }) : () -> ()
      %lt3A = arith.constant 39 : i32
      %lt3A_51 = arith.cmpi slt, %scan3A_41, %lt3A : i32
      %convert_element_type3A = arith.extui %lt3A_51 : i1 to i32
      %cond3A = arith.constant 0 : i32
      %cond3A_52 = arith.cmpi ne, %convert_element_type3A, %cond3A : i32
      scf.if %cond3A_52 {
        %add3A_55 = arith.constant 2 : i32
        %add3A_56 = arith.addi %mul3A_43, %add3A_55 : i32
        %mul3A_57 = arith.constant 128 : i32
        %mul3A_58 = arith.muli %add3A_56, %mul3A_57 : i32
        %add3A_59 = arith.addi %mul3A_23, %mul3A_58 : i32
        %dma_start3A_60 = tpu.memref_slice %arg2[%add3A_59, %mul3A_25] : memref<163840x256xf32, #tpu.memory_space<hbm>> -> memref<128x128xf32, #tpu.memory_space<hbm>>
        %dma_start3A_61 = tpu.memref_slice %arg2[%add3A_59, %mul3A_25] : memref<163840x256xf32, #tpu.memory_space<hbm>> -> memref<128x128xf32, #tpu.memory_space<hbm>>
        tpu.enqueue_dma source(%dma_start3A_61 : memref<128x128xf32, #tpu.memory_space<hbm>>) target(%arg7 : memref<128x128xf32, #tpu.memory_space<vmem>>) target_semaphore(%arg10 : memref<!tpu.dma_semaphore, #tpu.memory_space<semaphore_mem>>)
      } else {
      }
      tpu.wait_dma2 semaphore(%arg11 : memref<!tpu.dma_semaphore, #tpu.memory_space<semaphore_mem>>) src(%arg4 : memref<128x128xf32, #tpu.memory_space<hbm>>) dst(%arg8 : memref<128x128xf32, #tpu.memory_space<vmem>>)
      %add3A_53 = arith.constant 1 : i32
      %add3A_54 = arith.addi %mul3A_43, %add3A_53 : i32
      "tpu.region"() ({
        %run_scoped3A = tpu.sem_alloc : memref<!tpu.dma_semaphore, #tpu.memory_space<semaphore_mem>>
        %dma_start3A_55 = arith.constant 0 : i32
        %dma_start3A_56 = tpu.memref_slice %arg6[%add3A_54, %dma_start3A_55] : memref<80x128xi32, #tpu.memory_space<vmem>> -> memref<1x128xi32, #tpu.memory_space<vmem>>
        %dma_start3A_57 = tpu.memref_squeeze %dma_start3A_56 : memref<1x128xi32, #tpu.memory_space<vmem>> -> memref<128xi32, #tpu.memory_space<vmem>>
        %dma_start3A_58 = arith.constant 0 : i32
        %dma_start3A_59 = arith.constant 0 : i32
        %dma_start3A_60 = tpu.memref_slice %arg9[%dma_start3A_58, %dma_start3A_59] : memref<10240x128xf32, #tpu.memory_space<vmem_shared>> -> memref<10240x128xf32, #tpu.memory_space<vmem_shared>>
        tpu.enqueue_indirect_dma source(%arg8 : memref<128x128xf32, #tpu.memory_space<vmem>>) target(%dma_start3A_60 : memref<10240x128xf32, #tpu.memory_space<vmem_shared>>) offsets(%dma_start3A_57 : memref<128xi32, #tpu.memory_space<vmem>>) semaphore(%run_scoped3A : memref<!tpu.dma_semaphore, #tpu.memory_space<semaphore_mem>>) {add = true}
        %dma_wait3A = arith.constant 0 : i32
        %dma_wait3A_61 = tpu.memref_slice %arg6[%add3A_54, %dma_wait3A] : memref<80x128xi32, #tpu.memory_space<vmem>> -> memref<1x128xi32, #tpu.memory_space<vmem>>
        %dma_wait3A_62 = tpu.memref_squeeze %dma_wait3A_61 : memref<1x128xi32, #tpu.memory_space<vmem>> -> memref<128xi32, #tpu.memory_space<vmem>>
        %dma_wait3A_63 = arith.constant 0 : i32
        %dma_wait3A_64 = arith.constant 0 : i32
        %dma_wait3A_65 = tpu.memref_slice %arg9[%dma_wait3A_63, %dma_wait3A_64] : memref<10240x128xf32, #tpu.memory_space<vmem_shared>> -> memref<10240x128xf32, #tpu.memory_space<vmem_shared>>
        tpu.wait_indirect_dma semaphore(%run_scoped3A : memref<!tpu.dma_semaphore, #tpu.memory_space<semaphore_mem>>) src(%arg8 : memref<128x128xf32, #tpu.memory_space<vmem>>) dst(%dma_wait3A_65 : memref<10240x128xf32, #tpu.memory_space<vmem_shared>>)
        tpu.yield
      }) : () -> ()
    }
    %scan3A_33 = arith.constant 40 : i32
    %barrier3A_34 = arith.constant 0 : index
    tpu.barrier barrier_id(%barrier3A_34)
    %mul3A_35 = arith.constant 640 : i32
    %mul3A_36 = arith.muli %arg1, %mul3A_35 : i32
    %mul3A_37 = arith.constant 640 : i32
    %mul3A_38 = arith.muli %arg1, %mul3A_37 : i32
    %mul3A_39 = arith.constant 128 : i32
    %mul3A_40 = arith.muli %arg0, %mul3A_39 : i32
    "tpu.region"() ({
      %run_scoped3A = tpu.sem_alloc : memref<!tpu.dma_semaphore, #tpu.memory_space<semaphore_mem>>
      %dma_start3A_41 = tpu.memref_slice %arg5[%mul3A_38, %mul3A_40] : memref<10240x256xf32, #tpu.memory_space<hbm>> -> memref<640x128xf32, #tpu.memory_space<hbm>>
      %dma_start3A_42 = arith.constant 0 : i32
      %dma_start3A_43 = tpu.memref_slice %arg9[%mul3A_36, %dma_start3A_42] : memref<10240x128xf32, #tpu.memory_space<vmem_shared>> -> memref<640x128xf32, #tpu.memory_space<vmem_shared>>
      tpu.enqueue_dma source(%dma_start3A_43 : memref<640x128xf32, #tpu.memory_space<vmem_shared>>) target(%dma_start3A_41 : memref<640x128xf32, #tpu.memory_space<hbm>>) target_semaphore(%run_scoped3A : memref<!tpu.dma_semaphore, #tpu.memory_space<semaphore_mem>>)
      %dma_wait3A = tpu.memref_slice %arg5[%mul3A_38, %mul3A_40] : memref<10240x256xf32, #tpu.memory_space<hbm>> -> memref<640x128xf32, #tpu.memory_space<hbm>>
      %dma_wait3A_44 = arith.constant 0 : i32
      %dma_wait3A_45 = tpu.memref_slice %arg9[%mul3A_36, %dma_wait3A_44] : memref<10240x128xf32, #tpu.memory_space<vmem_shared>> -> memref<640x128xf32, #tpu.memory_space<vmem_shared>>
      tpu.wait_dma2 semaphore(%run_scoped3A : memref<!tpu.dma_semaphore, #tpu.memory_space<semaphore_mem>>) src(%dma_wait3A_45 : memref<640x128xf32, #tpu.memory_space<vmem_shared>>) dst(%dma_wait3A : memref<640x128xf32, #tpu.memory_space<hbm>>)
      tpu.yield
    }) : () -> ()
    return
  }
}

#map = affine_map<(d0, d1) -> (0, 0, 0)>
#map1 = affine_map<(d0, d1) -> (0, 0)>
module attributes {stable_mosaic.version = 14 : i64} {
  func.func @_gath(%arg0: i32, %arg1: i32, %arg2: memref<2x10240x128xf32, #tpu.memory_space<hbm>>, %arg3: memref<2x10240x128xf32, #tpu.memory_space<hbm>>, %arg4: memref<1280x128xi32, #tpu.memory_space<hbm>>, %arg5: memref<1280x128xi32, #tpu.memory_space<hbm>>, %arg6: memref<128x128xf32, #tpu.memory_space<hbm>>, %arg7: memref<163840x256xf32, #tpu.memory_space<hbm>>, %arg8: memref<80x128xi32, #tpu.memory_space<vmem>>, %arg9: memref<80x128xi32, #tpu.memory_space<vmem>>, %arg10: memref<128x128xf32, #tpu.memory_space<vmem>>, %arg11: memref<128x128xf32, #tpu.memory_space<vmem>>, %arg12: memref<128x128xf32, #tpu.memory_space<vmem>>, %arg13: memref<128x128xf32, #tpu.memory_space<vmem>>, %arg14: memref<!tpu.dma_semaphore, #tpu.memory_space<semaphore_mem>>, %arg15: memref<!tpu.dma_semaphore, #tpu.memory_space<semaphore_mem>>, %arg16: memref<!tpu.dma_semaphore, #tpu.memory_space<semaphore_mem>>, %arg17: memref<!tpu.dma_semaphore, #tpu.memory_space<semaphore_mem>>) attributes {dimension_semantics = [#tpu.dimension_semantics<core_parallel>, #tpu.dimension_semantics<subcore_parallel>], iteration_bounds = array<i64: 2, 16>, scalar_prefetch = 0 : i64, scratch_operands = 10 : i64, tpu.core_type = #tpu.core_type<sc_vector_subcore>, window_params = [{transform_indices = #map}, {transform_indices = #map}, {transform_indices = #map1}, {transform_indices = #map1}, {transform_indices = #map1}, {transform_indices = #map1}]} {
    %mul3A = arith.constant 80 : i32
    %mul3A_0 = arith.muli %arg1, %mul3A : i32
    "tpu.region"() ({
      %run_scoped3A = tpu.sem_alloc : memref<!tpu.dma_semaphore, #tpu.memory_space<semaphore_mem>>
      %dma_start3A_33 = arith.constant 0 : i32
      %dma_start3A_34 = tpu.memref_slice %arg4[%mul3A_0, %dma_start3A_33] : memref<1280x128xi32, #tpu.memory_space<hbm>> -> memref<80x128xi32, #tpu.memory_space<hbm>>
      %dma_start3A_35 = arith.constant 0 : i32
      %dma_start3A_36 = tpu.memref_slice %arg4[%mul3A_0, %dma_start3A_35] : memref<1280x128xi32, #tpu.memory_space<hbm>> -> memref<80x128xi32, #tpu.memory_space<hbm>>
      tpu.enqueue_dma source(%dma_start3A_36 : memref<80x128xi32, #tpu.memory_space<hbm>>) target(%arg8 : memref<80x128xi32, #tpu.memory_space<vmem>>) target_semaphore(%run_scoped3A : memref<!tpu.dma_semaphore, #tpu.memory_space<semaphore_mem>>)
      %dma_wait3A = arith.constant 0 : i32
      %dma_wait3A_37 = tpu.memref_slice %arg4[%mul3A_0, %dma_wait3A] : memref<1280x128xi32, #tpu.memory_space<hbm>> -> memref<80x128xi32, #tpu.memory_space<hbm>>
      %dma_wait3A_38 = arith.constant 0 : i32
      %dma_wait3A_39 = tpu.memref_slice %arg4[%mul3A_0, %dma_wait3A_38] : memref<1280x128xi32, #tpu.memory_space<hbm>> -> memref<80x128xi32, #tpu.memory_space<hbm>>
      tpu.wait_dma2 semaphore(%run_scoped3A : memref<!tpu.dma_semaphore, #tpu.memory_space<semaphore_mem>>) src(%dma_wait3A_39 : memref<80x128xi32, #tpu.memory_space<hbm>>) dst(%arg8 : memref<80x128xi32, #tpu.memory_space<vmem>>)
      tpu.yield
    }) : () -> ()
    "tpu.region"() ({
      %run_scoped3A = tpu.sem_alloc : memref<!tpu.dma_semaphore, #tpu.memory_space<semaphore_mem>>
      %dma_start3A_33 = arith.constant 0 : i32
      %dma_start3A_34 = tpu.memref_slice %arg5[%mul3A_0, %dma_start3A_33] : memref<1280x128xi32, #tpu.memory_space<hbm>> -> memref<80x128xi32, #tpu.memory_space<hbm>>
      %dma_start3A_35 = arith.constant 0 : i32
      %dma_start3A_36 = tpu.memref_slice %arg5[%mul3A_0, %dma_start3A_35] : memref<1280x128xi32, #tpu.memory_space<hbm>> -> memref<80x128xi32, #tpu.memory_space<hbm>>
      tpu.enqueue_dma source(%dma_start3A_36 : memref<80x128xi32, #tpu.memory_space<hbm>>) target(%arg9 : memref<80x128xi32, #tpu.memory_space<vmem>>) target_semaphore(%run_scoped3A : memref<!tpu.dma_semaphore, #tpu.memory_space<semaphore_mem>>)
      %dma_wait3A = arith.constant 0 : i32
      %dma_wait3A_37 = tpu.memref_slice %arg5[%mul3A_0, %dma_wait3A] : memref<1280x128xi32, #tpu.memory_space<hbm>> -> memref<80x128xi32, #tpu.memory_space<hbm>>
      %dma_wait3A_38 = arith.constant 0 : i32
      %dma_wait3A_39 = tpu.memref_slice %arg5[%mul3A_0, %dma_wait3A_38] : memref<1280x128xi32, #tpu.memory_space<hbm>> -> memref<80x128xi32, #tpu.memory_space<hbm>>
      tpu.wait_dma2 semaphore(%run_scoped3A : memref<!tpu.dma_semaphore, #tpu.memory_space<semaphore_mem>>) src(%dma_wait3A_39 : memref<80x128xi32, #tpu.memory_space<hbm>>) dst(%arg9 : memref<80x128xi32, #tpu.memory_space<vmem>>)
      tpu.yield
    }) : () -> ()
    %mul3A_1 = arith.constant 80 : i32
    %mul3A_2 = arith.muli %arg1, %mul3A_1 : i32
    %mul3A_3 = arith.constant 128 : i32
    %mul3A_4 = arith.muli %mul3A_2, %mul3A_3 : i32
    %mul3A_5 = arith.constant 128 : i32
    %mul3A_6 = arith.muli %arg0, %mul3A_5 : i32
    %dma_start3A = arith.constant 0 : i32
    %dma_start3A_7 = arith.constant 0 : i32
    %dma_start3A_8 = tpu.memref_slice %arg8[%dma_start3A, %dma_start3A_7] : memref<80x128xi32, #tpu.memory_space<vmem>> -> memref<1x128xi32, #tpu.memory_space<vmem>>
    %dma_start3A_9 = tpu.memref_squeeze %dma_start3A_8 : memref<1x128xi32, #tpu.memory_space<vmem>> -> memref<128xi32, #tpu.memory_space<vmem>>
    %dma_start3A_10 = arith.constant 0 : i32
    %dma_start3A_11 = arith.constant 0 : i32
    %dma_start3A_12 = tpu.memref_slice %arg2[%arg0, %dma_start3A_10, %dma_start3A_11] : memref<2x10240x128xf32, #tpu.memory_space<hbm>> -> memref<1x10240x128xf32, #tpu.memory_space<hbm>>
    %dma_start3A_13 = tpu.memref_squeeze %dma_start3A_12 : memref<1x10240x128xf32, #tpu.memory_space<hbm>> -> memref<10240x128xf32, #tpu.memory_space<hbm>>
    %dma_start3A_14 = arith.constant 0 : i32
    %dma_start3A_15 = arith.constant 0 : i32
    %dma_start3A_16 = tpu.memref_slice %dma_start3A_13[%dma_start3A_14, %dma_start3A_15] : memref<10240x128xf32, #tpu.memory_space<hbm>> -> memref<10240x128xf32, #tpu.memory_space<hbm>>
    tpu.enqueue_indirect_dma source(%dma_start3A_16 : memref<10240x128xf32, #tpu.memory_space<hbm>>) target(%arg10 : memref<128x128xf32, #tpu.memory_space<vmem>>) offsets(%dma_start3A_9 : memref<128xi32, #tpu.memory_space<vmem>>) semaphore(%arg14 : memref<!tpu.dma_semaphore, #tpu.memory_space<semaphore_mem>>)
    %dma_start3A_17 = arith.constant 0 : i32
    %dma_start3A_18 = arith.constant 0 : i32
    %dma_start3A_19 = tpu.memref_slice %arg9[%dma_start3A_17, %dma_start3A_18] : memref<80x128xi32, #tpu.memory_space<vmem>> -> memref<1x128xi32, #tpu.memory_space<vmem>>
    %dma_start3A_20 = tpu.memref_squeeze %dma_start3A_19 : memref<1x128xi32, #tpu.memory_space<vmem>> -> memref<128xi32, #tpu.memory_space<vmem>>
    %dma_start3A_21 = arith.constant 0 : i32
    %dma_start3A_22 = arith.constant 0 : i32
    %dma_start3A_23 = tpu.memref_slice %arg3[%arg0, %dma_start3A_21, %dma_start3A_22] : memref<2x10240x128xf32, #tpu.memory_space<hbm>> -> memref<1x10240x128xf32, #tpu.memory_space<hbm>>
    %dma_start3A_24 = tpu.memref_squeeze %dma_start3A_23 : memref<1x10240x128xf32, #tpu.memory_space<hbm>> -> memref<10240x128xf32, #tpu.memory_space<hbm>>
    %dma_start3A_25 = arith.constant 0 : i32
    %dma_start3A_26 = arith.constant 0 : i32
    %dma_start3A_27 = tpu.memref_slice %dma_start3A_24[%dma_start3A_25, %dma_start3A_26] : memref<10240x128xf32, #tpu.memory_space<hbm>> -> memref<10240x128xf32, #tpu.memory_space<hbm>>
    tpu.enqueue_indirect_dma source(%dma_start3A_27 : memref<10240x128xf32, #tpu.memory_space<hbm>>) target(%arg11 : memref<128x128xf32, #tpu.memory_space<vmem>>) offsets(%dma_start3A_20 : memref<128xi32, #tpu.memory_space<vmem>>) semaphore(%arg15 : memref<!tpu.dma_semaphore, #tpu.memory_space<semaphore_mem>>)
    %scan3A = arith.constant 0 : i32
    %scan3A_28 = arith.constant 0 : i32
    %scan3A_29 = arith.constant 40 : i32
    %scan3A_30 = arith.addi %scan3A_28, %scan3A_29 : i32
    %scan3A_31 = arith.constant 1 : i32
    scf.for %scan3A_33 = %scan3A_28 to %scan3A_30 step %scan3A_31  : i32 {
      %mul3A_34 = arith.constant 2 : i32
      %mul3A_35 = arith.muli %mul3A_34, %scan3A_33 : i32
      %add3A = arith.constant 1 : i32
      %add3A_36 = arith.addi %mul3A_35, %add3A : i32
      %dma_start3A_37 = arith.constant 0 : i32
      %dma_start3A_38 = tpu.memref_slice %arg8[%add3A_36, %dma_start3A_37] : memref<80x128xi32, #tpu.memory_space<vmem>> -> memref<1x128xi32, #tpu.memory_space<vmem>>
      %dma_start3A_39 = tpu.memref_squeeze %dma_start3A_38 : memref<1x128xi32, #tpu.memory_space<vmem>> -> memref<128xi32, #tpu.memory_space<vmem>>
      %dma_start3A_40 = arith.constant 0 : i32
      %dma_start3A_41 = arith.constant 0 : i32
      %dma_start3A_42 = tpu.memref_slice %arg2[%arg0, %dma_start3A_40, %dma_start3A_41] : memref<2x10240x128xf32, #tpu.memory_space<hbm>> -> memref<1x10240x128xf32, #tpu.memory_space<hbm>>
      %dma_start3A_43 = tpu.memref_squeeze %dma_start3A_42 : memref<1x10240x128xf32, #tpu.memory_space<hbm>> -> memref<10240x128xf32, #tpu.memory_space<hbm>>
      %dma_start3A_44 = arith.constant 0 : i32
      %dma_start3A_45 = arith.constant 0 : i32
      %dma_start3A_46 = tpu.memref_slice %dma_start3A_43[%dma_start3A_44, %dma_start3A_45] : memref<10240x128xf32, #tpu.memory_space<hbm>> -> memref<10240x128xf32, #tpu.memory_space<hbm>>
      tpu.enqueue_indirect_dma source(%dma_start3A_46 : memref<10240x128xf32, #tpu.memory_space<hbm>>) target(%arg12 : memref<128x128xf32, #tpu.memory_space<vmem>>) offsets(%dma_start3A_39 : memref<128xi32, #tpu.memory_space<vmem>>) semaphore(%arg16 : memref<!tpu.dma_semaphore, #tpu.memory_space<semaphore_mem>>)
      %add3A_47 = arith.constant 1 : i32
      %add3A_48 = arith.addi %mul3A_35, %add3A_47 : i32
      %dma_start3A_49 = arith.constant 0 : i32
      %dma_start3A_50 = tpu.memref_slice %arg9[%add3A_48, %dma_start3A_49] : memref<80x128xi32, #tpu.memory_space<vmem>> -> memref<1x128xi32, #tpu.memory_space<vmem>>
      %dma_start3A_51 = tpu.memref_squeeze %dma_start3A_50 : memref<1x128xi32, #tpu.memory_space<vmem>> -> memref<128xi32, #tpu.memory_space<vmem>>
      %dma_start3A_52 = arith.constant 0 : i32
      %dma_start3A_53 = arith.constant 0 : i32
      %dma_start3A_54 = tpu.memref_slice %arg3[%arg0, %dma_start3A_52, %dma_start3A_53] : memref<2x10240x128xf32, #tpu.memory_space<hbm>> -> memref<1x10240x128xf32, #tpu.memory_space<hbm>>
      %dma_start3A_55 = tpu.memref_squeeze %dma_start3A_54 : memref<1x10240x128xf32, #tpu.memory_space<hbm>> -> memref<10240x128xf32, #tpu.memory_space<hbm>>
      %dma_start3A_56 = arith.constant 0 : i32
      %dma_start3A_57 = arith.constant 0 : i32
      %dma_start3A_58 = tpu.memref_slice %dma_start3A_55[%dma_start3A_56, %dma_start3A_57] : memref<10240x128xf32, #tpu.memory_space<hbm>> -> memref<10240x128xf32, #tpu.memory_space<hbm>>
      tpu.enqueue_indirect_dma source(%dma_start3A_58 : memref<10240x128xf32, #tpu.memory_space<hbm>>) target(%arg13 : memref<128x128xf32, #tpu.memory_space<vmem>>) offsets(%dma_start3A_51 : memref<128xi32, #tpu.memory_space<vmem>>) semaphore(%arg17 : memref<!tpu.dma_semaphore, #tpu.memory_space<semaphore_mem>>)
      tpu.wait_dma2 semaphore(%arg14 : memref<!tpu.dma_semaphore, #tpu.memory_space<semaphore_mem>>) src(%arg6 : memref<128x128xf32, #tpu.memory_space<hbm>>) dst(%arg10 : memref<128x128xf32, #tpu.memory_space<vmem>>)
      tpu.wait_dma2 semaphore(%arg15 : memref<!tpu.dma_semaphore, #tpu.memory_space<semaphore_mem>>) src(%arg6 : memref<128x128xf32, #tpu.memory_space<hbm>>) dst(%arg11 : memref<128x128xf32, #tpu.memory_space<vmem>>)
      %scan3A_59 = arith.constant 0 : i32
      %scan3A_60 = arith.constant 0 : i32
      %scan3A_61 = arith.constant 128 : i32
      %scan3A_62 = arith.addi %scan3A_60, %scan3A_61 : i32
      %scan3A_63 = arith.constant 8 : i32
      scf.for %scan3A_81 = %scan3A_60 to %scan3A_62 step %scan3A_63  : i32 {
        %get3A = arith.index_cast %scan3A_81 : i32 to index
        %get3A_82 = arith.constant 0 : index
        %get3A_83 = tpu.vector_load %arg10[%get3A, %get3A_82] {strides = array<i32>} : memref<128x128xf32, #tpu.memory_space<vmem>>, vector<1x16xf32>,
        %get3A_84 = vector.shape_cast %get3A_83 : vector<1x16xf32> to vector<16xf32>
        %get3A_85 = arith.index_cast %scan3A_81 : i32 to index
        %get3A_86 = arith.constant 0 : index
        %get3A_87 = tpu.vector_load %arg11[%get3A_85, %get3A_86] {strides = array<i32>} : memref<128x128xf32, #tpu.memory_space<vmem>>, vector<1x16xf32>,
        %get3A_88 = vector.shape_cast %get3A_87 : vector<1x16xf32> to vector<16xf32>
        %add3A_89 = arith.addf %get3A_84, %get3A_88 : vector<16xf32>
        %max3A = arith.constant 0.000000e+00 : f32
        %max3A_90 = vector.broadcast %max3A : f32 to vector<16xf32>
        %max3A_91 = arith.maximumf %add3A_89, %max3A_90 : vector<16xf32>
        %swap3A = arith.index_cast %scan3A_81 : i32 to index
        %swap3A_92 = arith.constant 0 : index
        %swap3A_93 = tpu.vector_load %arg10[%swap3A, %swap3A_92] {strides = array<i32>} : memref<128x128xf32, #tpu.memory_space<vmem>>, vector<1x16xf32>,
        %swap3A_94 = vector.shape_cast %swap3A_93 : vector<1x16xf32> to vector<16xf32>
        %swap3A_95 = vector.shape_cast %max3A_91 : vector<16xf32> to vector<1x16xf32>
        tpu.vector_store %arg10[%swap3A, %swap3A_92], %swap3A_95 {strides = array<i32>} : memref<128x128xf32, #tpu.memory_space<vmem>>, vector<1x16xf32>,
        %get3A_96 = arith.index_cast %scan3A_81 : i32 to index
        %get3A_97 = arith.constant 16 : index
        %get3A_98 = tpu.vector_load %arg10[%get3A_96, %get3A_97] {strides = array<i32>} : memref<128x128xf32, #tpu.memory_space<vmem>>, vector<1x16xf32>,
        %get3A_99 = vector.shape_cast %get3A_98 : vector<1x16xf32> to vector<16xf32>
        %get3A_100 = arith.index_cast %scan3A_81 : i32 to index
        %get3A_101 = arith.constant 16 : index
        %get3A_102 = tpu.vector_load %arg11[%get3A_100, %get3A_101] {strides = array<i32>} : memref<128x128xf32, #tpu.memory_space<vmem>>, vector<1x16xf32>,
        %get3A_103 = vector.shape_cast %get3A_102 : vector<1x16xf32> to vector<16xf32>
        %add3A_104 = arith.addf %get3A_99, %get3A_103 : vector<16xf32>
        %max3A_105 = arith.constant 0.000000e+00 : f32
        %max3A_106 = vector.broadcast %max3A_105 : f32 to vector<16xf32>
        %max3A_107 = arith.maximumf %add3A_104, %max3A_106 : vector<16xf32>
        %swap3A_108 = arith.index_cast %scan3A_81 : i32 to index
        %swap3A_109 = arith.constant 16 : index
        %swap3A_110 = tpu.vector_load %arg10[%swap3A_108, %swap3A_109] {strides = array<i32>} : memref<128x128xf32, #tpu.memory_space<vmem>>, vector<1x16xf32>,
        %swap3A_111 = vector.shape_cast %swap3A_110 : vector<1x16xf32> to vector<16xf32>
        %swap3A_112 = vector.shape_cast %max3A_107 : vector<16xf32> to vector<1x16xf32>
        tpu.vector_store %arg10[%swap3A_108, %swap3A_109], %swap3A_112 {strides = array<i32>} : memref<128x128xf32, #tpu.memory_space<vmem>>, vector<1x16xf32>,
        %get3A_113 = arith.index_cast %scan3A_81 : i32 to index
        %get3A_114 = arith.constant 32 : index
        %get3A_115 = tpu.vector_load %arg10[%get3A_113, %get3A_114] {strides = array<i32>} : memref<128x128xf32, #tpu.memory_space<vmem>>, vector<1x16xf32>,
        %get3A_116 = vector.shape_cast %get3A_115 : vector<1x16xf32> to vector<16xf32>
        %get3A_117 = arith.index_cast %scan3A_81 : i32 to index
        %get3A_118 = arith.constant 32 : index
        %get3A_119 = tpu.vector_load %arg11[%get3A_117, %get3A_118] {strides = array<i32>} : memref<128x128xf32, #tpu.memory_space<vmem>>, vector<1x16xf32>,
        %get3A_120 = vector.shape_cast %get3A_119 : vector<1x16xf32> to vector<16xf32>
        %add3A_121 = arith.addf %get3A_116, %get3A_120 : vector<16xf32>
        %max3A_122 = arith.constant 0.000000e+00 : f32
        %max3A_123 = vector.broadcast %max3A_122 : f32 to vector<16xf32>
        %max3A_124 = arith.maximumf %add3A_121, %max3A_123 : vector<16xf32>
        %swap3A_125 = arith.index_cast %scan3A_81 : i32 to index
        %swap3A_126 = arith.constant 32 : index
        %swap3A_127 = tpu.vector_load %arg10[%swap3A_125, %swap3A_126] {strides = array<i32>} : memref<128x128xf32, #tpu.memory_space<vmem>>, vector<1x16xf32>,
        %swap3A_128 = vector.shape_cast %swap3A_127 : vector<1x16xf32> to vector<16xf32>
        %swap3A_129 = vector.shape_cast %max3A_124 : vector<16xf32> to vector<1x16xf32>
        tpu.vector_store %arg10[%swap3A_125, %swap3A_126], %swap3A_129 {strides = array<i32>} : memref<128x128xf32, #tpu.memory_space<vmem>>, vector<1x16xf32>,
        %get3A_130 = arith.index_cast %scan3A_81 : i32 to index
        %get3A_131 = arith.constant 48 : index
        %get3A_132 = tpu.vector_load %arg10[%get3A_130, %get3A_131] {strides = array<i32>} : memref<128x128xf32, #tpu.memory_space<vmem>>, vector<1x16xf32>,
        %get3A_133 = vector.shape_cast %get3A_132 : vector<1x16xf32> to vector<16xf32>
        %get3A_134 = arith.index_cast %scan3A_81 : i32 to index
        %get3A_135 = arith.constant 48 : index
        %get3A_136 = tpu.vector_load %arg11[%get3A_134, %get3A_135] {strides = array<i32>} : memref<128x128xf32, #tpu.memory_space<vmem>>, vector<1x16xf32>,
        %get3A_137 = vector.shape_cast %get3A_136 : vector<1x16xf32> to vector<16xf32>
        %add3A_138 = arith.addf %get3A_133, %get3A_137 : vector<16xf32>
        %max3A_139 = arith.constant 0.000000e+00 : f32
        %max3A_140 = vector.broadcast %max3A_139 : f32 to vector<16xf32>
        %max3A_141 = arith.maximumf %add3A_138, %max3A_140 : vector<16xf32>
        %swap3A_142 = arith.index_cast %scan3A_81 : i32 to index
        %swap3A_143 = arith.constant 48 : index
        %swap3A_144 = tpu.vector_load %arg10[%swap3A_142, %swap3A_143] {strides = array<i32>} : memref<128x128xf32, #tpu.memory_space<vmem>>, vector<1x16xf32>,
        %swap3A_145 = vector.shape_cast %swap3A_144 : vector<1x16xf32> to vector<16xf32>
        %swap3A_146 = vector.shape_cast %max3A_141 : vector<16xf32> to vector<1x16xf32>
        tpu.vector_store %arg10[%swap3A_142, %swap3A_143], %swap3A_146 {strides = array<i32>} : memref<128x128xf32, #tpu.memory_space<vmem>>, vector<1x16xf32>,
        %get3A_147 = arith.index_cast %scan3A_81 : i32 to index
        %get3A_148 = arith.constant 64 : index
        %get3A_149 = tpu.vector_load %arg10[%get3A_147, %get3A_148] {strides = array<i32>} : memref<128x128xf32, #tpu.memory_space<vmem>>, vector<1x16xf32>,
        %get3A_150 = vector.shape_cast %get3A_149 : vector<1x16xf32> to vector<16xf32>
        %get3A_151 = arith.index_cast %scan3A_81 : i32 to index
        %get3A_152 = arith.constant 64 : index
        %get3A_153 = tpu.vector_load %arg11[%get3A_151, %get3A_152] {strides = array<i32>} : memref<128x128xf32, #tpu.memory_space<vmem>>, vector<1x16xf32>,
        %get3A_154 = vector.shape_cast %get3A_153 : vector<1x16xf32> to vector<16xf32>
        %add3A_155 = arith.addf %get3A_150, %get3A_154 : vector<16xf32>
        %max3A_156 = arith.constant 0.000000e+00 : f32
        %max3A_157 = vector.broadcast %max3A_156 : f32 to vector<16xf32>
        %max3A_158 = arith.maximumf %add3A_155, %max3A_157 : vector<16xf32>
        %swap3A_159 = arith.index_cast %scan3A_81 : i32 to index
        %swap3A_160 = arith.constant 64 : index
        %swap3A_161 = tpu.vector_load %arg10[%swap3A_159, %swap3A_160] {strides = array<i32>} : memref<128x128xf32, #tpu.memory_space<vmem>>, vector<1x16xf32>,
        %swap3A_162 = vector.shape_cast %swap3A_161 : vector<1x16xf32> to vector<16xf32>
        %swap3A_163 = vector.shape_cast %max3A_158 : vector<16xf32> to vector<1x16xf32>
        tpu.vector_store %arg10[%swap3A_159, %swap3A_160], %swap3A_163 {strides = array<i32>} : memref<128x128xf32, #tpu.memory_space<vmem>>, vector<1x16xf32>,
        %get3A_164 = arith.index_cast %scan3A_81 : i32 to index
        %get3A_165 = arith.constant 80 : index
        %get3A_166 = tpu.vector_load %arg10[%get3A_164, %get3A_165] {strides = array<i32>} : memref<128x128xf32, #tpu.memory_space<vmem>>, vector<1x16xf32>,
        %get3A_167 = vector.shape_cast %get3A_166 : vector<1x16xf32> to vector<16xf32>
        %get3A_168 = arith.index_cast %scan3A_81 : i32 to index
        %get3A_169 = arith.constant 80 : index
        %get3A_170 = tpu.vector_load %arg11[%get3A_168, %get3A_169] {strides = array<i32>} : memref<128x128xf32, #tpu.memory_space<vmem>>, vector<1x16xf32>,
        %get3A_171 = vector.shape_cast %get3A_170 : vector<1x16xf32> to vector<16xf32>
        %add3A_172 = arith.addf %get3A_167, %get3A_171 : vector<16xf32>
        %max3A_173 = arith.constant 0.000000e+00 : f32
        %max3A_174 = vector.broadcast %max3A_173 : f32 to vector<16xf32>
        %max3A_175 = arith.maximumf %add3A_172, %max3A_174 : vector<16xf32>
        %swap3A_176 = arith.index_cast %scan3A_81 : i32 to index
        %swap3A_177 = arith.constant 80 : index
        %swap3A_178 = tpu.vector_load %arg10[%swap3A_176, %swap3A_177] {strides = array<i32>} : memref<128x128xf32, #tpu.memory_space<vmem>>, vector<1x16xf32>,
        %swap3A_179 = vector.shape_cast %swap3A_178 : vector<1x16xf32> to vector<16xf32>
        %swap3A_180 = vector.shape_cast %max3A_175 : vector<16xf32> to vector<1x16xf32>
        tpu.vector_store %arg10[%swap3A_176, %swap3A_177], %swap3A_180 {strides = array<i32>} : memref<128x128xf32, #tpu.memory_space<vmem>>, vector<1x16xf32>,
        %get3A_181 = arith.index_cast %scan3A_81 : i32 to index
        %get3A_182 = arith.constant 96 : index
        %get3A_183 = tpu.vector_load %arg10[%get3A_181, %get3A_182] {strides = array<i32>} : memref<128x128xf32, #tpu.memory_space<vmem>>, vector<1x16xf32>,
        %get3A_184 = vector.shape_cast %get3A_183 : vector<1x16xf32> to vector<16xf32>
        %get3A_185 = arith.index_cast %scan3A_81 : i32 to index
        %get3A_186 = arith.constant 96 : index
        %get3A_187 = tpu.vector_load %arg11[%get3A_185, %get3A_186] {strides = array<i32>} : memref<128x128xf32, #tpu.memory_space<vmem>>, vector<1x16xf32>,
        %get3A_188 = vector.shape_cast %get3A_187 : vector<1x16xf32> to vector<16xf32>
        %add3A_189 = arith.addf %get3A_184, %get3A_188 : vector<16xf32>
        %max3A_190 = arith.constant 0.000000e+00 : f32
        %max3A_191 = vector.broadcast %max3A_190 : f32 to vector<16xf32>
        %max3A_192 = arith.maximumf %add3A_189, %max3A_191 : vector<16xf32>
        %swap3A_193 = arith.index_cast %scan3A_81 : i32 to index
        %swap3A_194 = arith.constant 96 : index
        %swap3A_195 = tpu.vector_load %arg10[%swap3A_193, %swap3A_194] {strides = array<i32>} : memref<128x128xf32, #tpu.memory_space<vmem>>, vector<1x16xf32>,
        %swap3A_196 = vector.shape_cast %swap3A_195 : vector<1x16xf32> to vector<16xf32>
        %swap3A_197 = vector.shape_cast %max3A_192 : vector<16xf32> to vector<1x16xf32>
        tpu.vector_store %arg10[%swap3A_193, %swap3A_194], %swap3A_197 {strides = array<i32>} : memref<128x128xf32, #tpu.memory_space<vmem>>, vector<1x16xf32>,
        %get3A_198 = arith.index_cast %scan3A_81 : i32 to index
        %get3A_199 = arith.constant 112 : index
        %get3A_200 = tpu.vector_load %arg10[%get3A_198, %get3A_199] {strides = array<i32>} : memref<128x128xf32, #tpu.memory_space<vmem>>, vector<1x16xf32>,
        %get3A_201 = vector.shape_cast %get3A_200 : vector<1x16xf32> to vector<16xf32>
        %get3A_202 = arith.index_cast %scan3A_81 : i32 to index
        %get3A_203 = arith.constant 112 : index
        %get3A_204 = tpu.vector_load %arg11[%get3A_202, %get3A_203] {strides = array<i32>} : memref<128x128xf32, #tpu.memory_space<vmem>>, vector<1x16xf32>,
        %get3A_205 = vector.shape_cast %get3A_204 : vector<1x16xf32> to vector<16xf32>
        %add3A_206 = arith.addf %get3A_201, %get3A_205 : vector<16xf32>
        %max3A_207 = arith.constant 0.000000e+00 : f32
        %max3A_208 = vector.broadcast %max3A_207 : f32 to vector<16xf32>
        %max3A_209 = arith.maximumf %add3A_206, %max3A_208 : vector<16xf32>
        %swap3A_210 = arith.index_cast %scan3A_81 : i32 to index
        %swap3A_211 = arith.constant 112 : index
        %swap3A_212 = tpu.vector_load %arg10[%swap3A_210, %swap3A_211] {strides = array<i32>} : memref<128x128xf32, #tpu.memory_space<vmem>>, vector<1x16xf32>,
        %swap3A_213 = vector.shape_cast %swap3A_212 : vector<1x16xf32> to vector<16xf32>
        %swap3A_214 = vector.shape_cast %max3A_209 : vector<16xf32> to vector<1x16xf32>
        tpu.vector_store %arg10[%swap3A_210, %swap3A_211], %swap3A_214 {strides = array<i32>} : memref<128x128xf32, #tpu.memory_space<vmem>>, vector<1x16xf32>,
        %scan3A_215 = arith.constant 1 : i32
        %scan3A_216 = arith.addi %scan3A_81, %scan3A_215 : i32
        %get3A_217 = arith.index_cast %scan3A_216 : i32 to index
        %get3A_218 = arith.constant 0 : index
        %get3A_219 = tpu.vector_load %arg10[%get3A_217, %get3A_218] {strides = array<i32>} : memref<128x128xf32, #tpu.memory_space<vmem>>, vector<1x16xf32>,
        %get3A_220 = vector.shape_cast %get3A_219 : vector<1x16xf32> to vector<16xf32>
        %get3A_221 = arith.index_cast %scan3A_216 : i32 to index
        %get3A_222 = arith.constant 0 : index
        %get3A_223 = tpu.vector_load %arg11[%get3A_221, %get3A_222] {strides = array<i32>} : memref<128x128xf32, #tpu.memory_space<vmem>>, vector<1x16xf32>,
        %get3A_224 = vector.shape_cast %get3A_223 : vector<1x16xf32> to vector<16xf32>
        %add3A_225 = arith.addf %get3A_220, %get3A_224 : vector<16xf32>
        %max3A_226 = arith.constant 0.000000e+00 : f32
        %max3A_227 = vector.broadcast %max3A_226 : f32 to vector<16xf32>
        %max3A_228 = arith.maximumf %add3A_225, %max3A_227 : vector<16xf32>
        %swap3A_229 = arith.index_cast %scan3A_216 : i32 to index
        %swap3A_230 = arith.constant 0 : index
        %swap3A_231 = tpu.vector_load %arg10[%swap3A_229, %swap3A_230] {strides = array<i32>} : memref<128x128xf32, #tpu.memory_space<vmem>>, vector<1x16xf32>,
        %swap3A_232 = vector.shape_cast %swap3A_231 : vector<1x16xf32> to vector<16xf32>
        %swap3A_233 = vector.shape_cast %max3A_228 : vector<16xf32> to vector<1x16xf32>
        tpu.vector_store %arg10[%swap3A_229, %swap3A_230], %swap3A_233 {strides = array<i32>} : memref<128x128xf32, #tpu.memory_space<vmem>>, vector<1x16xf32>,
        %get3A_234 = arith.index_cast %scan3A_216 : i32 to index
        %get3A_235 = arith.constant 16 : index
        %get3A_236 = tpu.vector_load %arg10[%get3A_234, %get3A_235] {strides = array<i32>} : memref<128x128xf32, #tpu.memory_space<vmem>>, vector<1x16xf32>,
        %get3A_237 = vector.shape_cast %get3A_236 : vector<1x16xf32> to vector<16xf32>
        %get3A_238 = arith.index_cast %scan3A_216 : i32 to index
        %get3A_239 = arith.constant 16 : index
        %get3A_240 = tpu.vector_load %arg11[%get3A_238, %get3A_239] {strides = array<i32>} : memref<128x128xf32, #tpu.memory_space<vmem>>, vector<1x16xf32>,
        %get3A_241 = vector.shape_cast %get3A_240 : vector<1x16xf32> to vector<16xf32>
        %add3A_242 = arith.addf %get3A_237, %get3A_241 : vector<16xf32>
        %max3A_243 = arith.constant 0.000000e+00 : f32
        %max3A_244 = vector.broadcast %max3A_243 : f32 to vector<16xf32>
        %max3A_245 = arith.maximumf %add3A_242, %max3A_244 : vector<16xf32>
        %swap3A_246 = arith.index_cast %scan3A_216 : i32 to index
        %swap3A_247 = arith.constant 16 : index
        %swap3A_248 = tpu.vector_load %arg10[%swap3A_246, %swap3A_247] {strides = array<i32>} : memref<128x128xf32, #tpu.memory_space<vmem>>, vector<1x16xf32>,
        %swap3A_249 = vector.shape_cast %swap3A_248 : vector<1x16xf32> to vector<16xf32>
        %swap3A_250 = vector.shape_cast %max3A_245 : vector<16xf32> to vector<1x16xf32>
        tpu.vector_store %arg10[%swap3A_246, %swap3A_247], %swap3A_250 {strides = array<i32>} : memref<128x128xf32, #tpu.memory_space<vmem>>, vector<1x16xf32>,
        %get3A_251 = arith.index_cast %scan3A_216 : i32 to index
        %get3A_252 = arith.constant 32 : index
        %get3A_253 = tpu.vector_load %arg10[%get3A_251, %get3A_252] {strides = array<i32>} : memref<128x128xf32, #tpu.memory_space<vmem>>, vector<1x16xf32>,
        %get3A_254 = vector.shape_cast %get3A_253 : vector<1x16xf32> to vector<16xf32>
        %get3A_255 = arith.index_cast %scan3A_216 : i32 to index
        %get3A_256 = arith.constant 32 : index
        %get3A_257 = tpu.vector_load %arg11[%get3A_255, %get3A_256] {strides = array<i32>} : memref<128x128xf32, #tpu.memory_space<vmem>>, vector<1x16xf32>,
        %get3A_258 = vector.shape_cast %get3A_257 : vector<1x16xf32> to vector<16xf32>
        %add3A_259 = arith.addf %get3A_254, %get3A_258 : vector<16xf32>
        %max3A_260 = arith.constant 0.000000e+00 : f32
        %max3A_261 = vector.broadcast %max3A_260 : f32 to vector<16xf32>
        %max3A_262 = arith.maximumf %add3A_259, %max3A_261 : vector<16xf32>
        %swap3A_263 = arith.index_cast %scan3A_216 : i32 to index
        %swap3A_264 = arith.constant 32 : index
        %swap3A_265 = tpu.vector_load %arg10[%swap3A_263, %swap3A_264] {strides = array<i32>} : memref<128x128xf32, #tpu.memory_space<vmem>>, vector<1x16xf32>,
        %swap3A_266 = vector.shape_cast %swap3A_265 : vector<1x16xf32> to vector<16xf32>
        %swap3A_267 = vector.shape_cast %max3A_262 : vector<16xf32> to vector<1x16xf32>
        tpu.vector_store %arg10[%swap3A_263, %swap3A_264], %swap3A_267 {strides = array<i32>} : memref<128x128xf32, #tpu.memory_space<vmem>>, vector<1x16xf32>,
        %get3A_268 = arith.index_cast %scan3A_216 : i32 to index
        %get3A_269 = arith.constant 48 : index
        %get3A_270 = tpu.vector_load %arg10[%get3A_268, %get3A_269] {strides = array<i32>} : memref<128x128xf32, #tpu.memory_space<vmem>>, vector<1x16xf32>,
        %get3A_271 = vector.shape_cast %get3A_270 : vector<1x16xf32> to vector<16xf32>
        %get3A_272 = arith.index_cast %scan3A_216 : i32 to index
        %get3A_273 = arith.constant 48 : index
        %get3A_274 = tpu.vector_load %arg11[%get3A_272, %get3A_273] {strides = array<i32>} : memref<128x128xf32, #tpu.memory_space<vmem>>, vector<1x16xf32>,
        %get3A_275 = vector.shape_cast %get3A_274 : vector<1x16xf32> to vector<16xf32>
        %add3A_276 = arith.addf %get3A_271, %get3A_275 : vector<16xf32>
        %max3A_277 = arith.constant 0.000000e+00 : f32
        %max3A_278 = vector.broadcast %max3A_277 : f32 to vector<16xf32>
        %max3A_279 = arith.maximumf %add3A_276, %max3A_278 : vector<16xf32>
        %swap3A_280 = arith.index_cast %scan3A_216 : i32 to index
        %swap3A_281 = arith.constant 48 : index
        %swap3A_282 = tpu.vector_load %arg10[%swap3A_280, %swap3A_281] {strides = array<i32>} : memref<128x128xf32, #tpu.memory_space<vmem>>, vector<1x16xf32>,
        %swap3A_283 = vector.shape_cast %swap3A_282 : vector<1x16xf32> to vector<16xf32>
        %swap3A_284 = vector.shape_cast %max3A_279 : vector<16xf32> to vector<1x16xf32>
        tpu.vector_store %arg10[%swap3A_280, %swap3A_281], %swap3A_284 {strides = array<i32>} : memref<128x128xf32, #tpu.memory_space<vmem>>, vector<1x16xf32>,
        %get3A_285 = arith.index_cast %scan3A_216 : i32 to index
        %get3A_286 = arith.constant 64 : index
        %get3A_287 = tpu.vector_load %arg10[%get3A_285, %get3A_286] {strides = array<i32>} : memref<128x128xf32, #tpu.memory_space<vmem>>, vector<1x16xf32>,
        %get3A_288 = vector.shape_cast %get3A_287 : vector<1x16xf32> to vector<16xf32>
        %get3A_289 = arith.index_cast %scan3A_216 : i32 to index
        %get3A_290 = arith.constant 64 : index
        %get3A_291 = tpu.vector_load %arg11[%get3A_289, %get3A_290] {strides = array<i32>} : memref<128x128xf32, #tpu.memory_space<vmem>>, vector<1x16xf32>,
        %get3A_292 = vector.shape_cast %get3A_291 : vector<1x16xf32> to vector<16xf32>
        %add3A_293 = arith.addf %get3A_288, %get3A_292 : vector<16xf32>
        %max3A_294 = arith.constant 0.000000e+00 : f32
        %max3A_295 = vector.broadcast %max3A_294 : f32 to vector<16xf32>
        %max3A_296 = arith.maximumf %add3A_293, %max3A_295 : vector<16xf32>
        %swap3A_297 = arith.index_cast %scan3A_216 : i32 to index
        %swap3A_298 = arith.constant 64 : index
        %swap3A_299 = tpu.vector_load %arg10[%swap3A_297, %swap3A_298] {strides = array<i32>} : memref<128x128xf32, #tpu.memory_space<vmem>>, vector<1x16xf32>,
        %swap3A_300 = vector.shape_cast %swap3A_299 : vector<1x16xf32> to vector<16xf32>
        %swap3A_301 = vector.shape_cast %max3A_296 : vector<16xf32> to vector<1x16xf32>
        tpu.vector_store %arg10[%swap3A_297, %swap3A_298], %swap3A_301 {strides = array<i32>} : memref<128x128xf32, #tpu.memory_space<vmem>>, vector<1x16xf32>,
        %get3A_302 = arith.index_cast %scan3A_216 : i32 to index
        %get3A_303 = arith.constant 80 : index
        %get3A_304 = tpu.vector_load %arg10[%get3A_302, %get3A_303] {strides = array<i32>} : memref<128x128xf32, #tpu.memory_space<vmem>>, vector<1x16xf32>,
        %get3A_305 = vector.shape_cast %get3A_304 : vector<1x16xf32> to vector<16xf32>
        %get3A_306 = arith.index_cast %scan3A_216 : i32 to index
        %get3A_307 = arith.constant 80 : index
        %get3A_308 = tpu.vector_load %arg11[%get3A_306, %get3A_307] {strides = array<i32>} : memref<128x128xf32, #tpu.memory_space<vmem>>, vector<1x16xf32>,
        %get3A_309 = vector.shape_cast %get3A_308 : vector<1x16xf32> to vector<16xf32>
        %add3A_310 = arith.addf %get3A_305, %get3A_309 : vector<16xf32>
        %max3A_311 = arith.constant 0.000000e+00 : f32
        %max3A_312 = vector.broadcast %max3A_311 : f32 to vector<16xf32>
        %max3A_313 = arith.maximumf %add3A_310, %max3A_312 : vector<16xf32>
        %swap3A_314 = arith.index_cast %scan3A_216 : i32 to index
        %swap3A_315 = arith.constant 80 : index
        %swap3A_316 = tpu.vector_load %arg10[%swap3A_314, %swap3A_315] {strides = array<i32>} : memref<128x128xf32, #tpu.memory_space<vmem>>, vector<1x16xf32>,
        %swap3A_317 = vector.shape_cast %swap3A_316 : vector<1x16xf32> to vector<16xf32>
        %swap3A_318 = vector.shape_cast %max3A_313 : vector<16xf32> to vector<1x16xf32>
        tpu.vector_store %arg10[%swap3A_314, %swap3A_315], %swap3A_318 {strides = array<i32>} : memref<128x128xf32, #tpu.memory_space<vmem>>, vector<1x16xf32>,
        %get3A_319 = arith.index_cast %scan3A_216 : i32 to index
        %get3A_320 = arith.constant 96 : index
        %get3A_321 = tpu.vector_load %arg10[%get3A_319, %get3A_320] {strides = array<i32>} : memref<128x128xf32, #tpu.memory_space<vmem>>, vector<1x16xf32>,
        %get3A_322 = vector.shape_cast %get3A_321 : vector<1x16xf32> to vector<16xf32>
        %get3A_323 = arith.index_cast %scan3A_216 : i32 to index
        %get3A_324 = arith.constant 96 : index
        %get3A_325 = tpu.vector_load %arg11[%get3A_323, %get3A_324] {strides = array<i32>} : memref<128x128xf32, #tpu.memory_space<vmem>>, vector<1x16xf32>,
        %get3A_326 = vector.shape_cast %get3A_325 : vector<1x16xf32> to vector<16xf32>
        %add3A_327 = arith.addf %get3A_322, %get3A_326 : vector<16xf32>
        %max3A_328 = arith.constant 0.000000e+00 : f32
        %max3A_329 = vector.broadcast %max3A_328 : f32 to vector<16xf32>
        %max3A_330 = arith.maximumf %add3A_327, %max3A_329 : vector<16xf32>
        %swap3A_331 = arith.index_cast %scan3A_216 : i32 to index
        %swap3A_332 = arith.constant 96 : index
        %swap3A_333 = tpu.vector_load %arg10[%swap3A_331, %swap3A_332] {strides = array<i32>} : memref<128x128xf32, #tpu.memory_space<vmem>>, vector<1x16xf32>,
        %swap3A_334 = vector.shape_cast %swap3A_333 : vector<1x16xf32> to vector<16xf32>
        %swap3A_335 = vector.shape_cast %max3A_330 : vector<16xf32> to vector<1x16xf32>
        tpu.vector_store %arg10[%swap3A_331, %swap3A_332], %swap3A_335 {strides = array<i32>} : memref<128x128xf32, #tpu.memory_space<vmem>>, vector<1x16xf32>,
        %get3A_336 = arith.index_cast %scan3A_216 : i32 to index
        %get3A_337 = arith.constant 112 : index
        %get3A_338 = tpu.vector_load %arg10[%get3A_336, %get3A_337] {strides = array<i32>} : memref<128x128xf32, #tpu.memory_space<vmem>>, vector<1x16xf32>,
        %get3A_339 = vector.shape_cast %get3A_338 : vector<1x16xf32> to vector<16xf32>
        %get3A_340 = arith.index_cast %scan3A_216 : i32 to index
        %get3A_341 = arith.constant 112 : index
        %get3A_342 = tpu.vector_load %arg11[%get3A_340, %get3A_341] {strides = array<i32>} : memref<128x128xf32, #tpu.memory_space<vmem>>, vector<1x16xf32>,
        %get3A_343 = vector.shape_cast %get3A_342 : vector<1x16xf32> to vector<16xf32>
        %add3A_344 = arith.addf %get3A_339, %get3A_343 : vector<16xf32>
        %max3A_345 = arith.constant 0.000000e+00 : f32
        %max3A_346 = vector.broadcast %max3A_345 : f32 to vector<16xf32>
        %max3A_347 = arith.maximumf %add3A_344, %max3A_346 : vector<16xf32>
        %swap3A_348 = arith.index_cast %scan3A_216 : i32 to index
        %swap3A_349 = arith.constant 112 : index
        %swap3A_350 = tpu.vector_load %arg10[%swap3A_348, %swap3A_349] {strides = array<i32>} : memref<128x128xf32, #tpu.memory_space<vmem>>, vector<1x16xf32>,
        %swap3A_351 = vector.shape_cast %swap3A_350 : vector<1x16xf32> to vector<16xf32>
        %swap3A_352 = vector.shape_cast %max3A_347 : vector<16xf32> to vector<1x16xf32>
        tpu.vector_store %arg10[%swap3A_348, %swap3A_349], %swap3A_352 {strides = array<i32>} : memref<128x128xf32, #tpu.memory_space<vmem>>, vector<1x16xf32>,
        %scan3A_353 = arith.constant 2 : i32
        %scan3A_354 = arith.addi %scan3A_81, %scan3A_353 : i32
        %get3A_355 = arith.index_cast %scan3A_354 : i32 to index
        %get3A_356 = arith.constant 0 : index
        %get3A_357 = tpu.vector_load %arg10[%get3A_355, %get3A_356] {strides = array<i32>} : memref<128x128xf32, #tpu.memory_space<vmem>>, vector<1x16xf32>,
        %get3A_358 = vector.shape_cast %get3A_357 : vector<1x16xf32> to vector<16xf32>
        %get3A_359 = arith.index_cast %scan3A_354 : i32 to index
        %get3A_360 = arith.constant 0 : index
        %get3A_361 = tpu.vector_load %arg11[%get3A_359, %get3A_360] {strides = array<i32>} : memref<128x128xf32, #tpu.memory_space<vmem>>, vector<1x16xf32>,
        %get3A_362 = vector.shape_cast %get3A_361 : vector<1x16xf32> to vector<16xf32>
        %add3A_363 = arith.addf %get3A_358, %get3A_362 : vector<16xf32>
        %max3A_364 = arith.constant 0.000000e+00 : f32
        %max3A_365 = vector.broadcast %max3A_364 : f32 to vector<16xf32>
        %max3A_366 = arith.maximumf %add3A_363, %max3A_365 : vector<16xf32>
        %swap3A_367 = arith.index_cast %scan3A_354 : i32 to index
        %swap3A_368 = arith.constant 0 : index
        %swap3A_369 = tpu.vector_load %arg10[%swap3A_367, %swap3A_368] {strides = array<i32>} : memref<128x128xf32, #tpu.memory_space<vmem>>, vector<1x16xf32>,
        %swap3A_370 = vector.shape_cast %swap3A_369 : vector<1x16xf32> to vector<16xf32>
        %swap3A_371 = vector.shape_cast %max3A_366 : vector<16xf32> to vector<1x16xf32>
        tpu.vector_store %arg10[%swap3A_367, %swap3A_368], %swap3A_371 {strides = array<i32>} : memref<128x128xf32, #tpu.memory_space<vmem>>, vector<1x16xf32>,
        %get3A_372 = arith.index_cast %scan3A_354 : i32 to index
        %get3A_373 = arith.constant 16 : index
        %get3A_374 = tpu.vector_load %arg10[%get3A_372, %get3A_373] {strides = array<i32>} : memref<128x128xf32, #tpu.memory_space<vmem>>, vector<1x16xf32>,
        %get3A_375 = vector.shape_cast %get3A_374 : vector<1x16xf32> to vector<16xf32>
        %get3A_376 = arith.index_cast %scan3A_354 : i32 to index
        %get3A_377 = arith.constant 16 : index
        %get3A_378 = tpu.vector_load %arg11[%get3A_376, %get3A_377] {strides = array<i32>} : memref<128x128xf32, #tpu.memory_space<vmem>>, vector<1x16xf32>,
        %get3A_379 = vector.shape_cast %get3A_378 : vector<1x16xf32> to vector<16xf32>
        %add3A_380 = arith.addf %get3A_375, %get3A_379 : vector<16xf32>
        %max3A_381 = arith.constant 0.000000e+00 : f32
        %max3A_382 = vector.broadcast %max3A_381 : f32 to vector<16xf32>
        %max3A_383 = arith.maximumf %add3A_380, %max3A_382 : vector<16xf32>
        %swap3A_384 = arith.index_cast %scan3A_354 : i32 to index
        %swap3A_385 = arith.constant 16 : index
        %swap3A_386 = tpu.vector_load %arg10[%swap3A_384, %swap3A_385] {strides = array<i32>} : memref<128x128xf32, #tpu.memory_space<vmem>>, vector<1x16xf32>,
        %swap3A_387 = vector.shape_cast %swap3A_386 : vector<1x16xf32> to vector<16xf32>
        %swap3A_388 = vector.shape_cast %max3A_383 : vector<16xf32> to vector<1x16xf32>
        tpu.vector_store %arg10[%swap3A_384, %swap3A_385], %swap3A_388 {strides = array<i32>} : memref<128x128xf32, #tpu.memory_space<vmem>>, vector<1x16xf32>,
        %get3A_389 = arith.index_cast %scan3A_354 : i32 to index
        %get3A_390 = arith.constant 32 : index
        %get3A_391 = tpu.vector_load %arg10[%get3A_389, %get3A_390] {strides = array<i32>} : memref<128x128xf32, #tpu.memory_space<vmem>>, vector<1x16xf32>,
        %get3A_392 = vector.shape_cast %get3A_391 : vector<1x16xf32> to vector<16xf32>
        %get3A_393 = arith.index_cast %scan3A_354 : i32 to index
        %get3A_394 = arith.constant 32 : index
        %get3A_395 = tpu.vector_load %arg11[%get3A_393, %get3A_394] {strides = array<i32>} : memref<128x128xf32, #tpu.memory_space<vmem>>, vector<1x16xf32>,
        %get3A_396 = vector.shape_cast %get3A_395 : vector<1x16xf32> to vector<16xf32>
        %add3A_397 = arith.addf %get3A_392, %get3A_396 : vector<16xf32>
        %max3A_398 = arith.constant 0.000000e+00 : f32
        %max3A_399 = vector.broadcast %max3A_398 : f32 to vector<16xf32>
        %max3A_400 = arith.maximumf %add3A_397, %max3A_399 : vector<16xf32>
        %swap3A_401 = arith.index_cast %scan3A_354 : i32 to index
        %swap3A_402 = arith.constant 32 : index
        %swap3A_403 = tpu.vector_load %arg10[%swap3A_401, %swap3A_402] {strides = array<i32>} : memref<128x128xf32, #tpu.memory_space<vmem>>, vector<1x16xf32>,
        %swap3A_404 = vector.shape_cast %swap3A_403 : vector<1x16xf32> to vector<16xf32>
        %swap3A_405 = vector.shape_cast %max3A_400 : vector<16xf32> to vector<1x16xf32>
        tpu.vector_store %arg10[%swap3A_401, %swap3A_402], %swap3A_405 {strides = array<i32>} : memref<128x128xf32, #tpu.memory_space<vmem>>, vector<1x16xf32>,
        %get3A_406 = arith.index_cast %scan3A_354 : i32 to index
        %get3A_407 = arith.constant 48 : index
        %get3A_408 = tpu.vector_load %arg10[%get3A_406, %get3A_407] {strides = array<i32>} : memref<128x128xf32, #tpu.memory_space<vmem>>, vector<1x16xf32>,
        %get3A_409 = vector.shape_cast %get3A_408 : vector<1x16xf32> to vector<16xf32>
        %get3A_410 = arith.index_cast %scan3A_354 : i32 to index
        %get3A_411 = arith.constant 48 : index
        %get3A_412 = tpu.vector_load %arg11[%get3A_410, %get3A_411] {strides = array<i32>} : memref<128x128xf32, #tpu.memory_space<vmem>>, vector<1x16xf32>,
        %get3A_413 = vector.shape_cast %get3A_412 : vector<1x16xf32> to vector<16xf32>
        %add3A_414 = arith.addf %get3A_409, %get3A_413 : vector<16xf32>
        %max3A_415 = arith.constant 0.000000e+00 : f32
        %max3A_416 = vector.broadcast %max3A_415 : f32 to vector<16xf32>
        %max3A_417 = arith.maximumf %add3A_414, %max3A_416 : vector<16xf32>
        %swap3A_418 = arith.index_cast %scan3A_354 : i32 to index
        %swap3A_419 = arith.constant 48 : index
        %swap3A_420 = tpu.vector_load %arg10[%swap3A_418, %swap3A_419] {strides = array<i32>} : memref<128x128xf32, #tpu.memory_space<vmem>>, vector<1x16xf32>,
        %swap3A_421 = vector.shape_cast %swap3A_420 : vector<1x16xf32> to vector<16xf32>
        %swap3A_422 = vector.shape_cast %max3A_417 : vector<16xf32> to vector<1x16xf32>
        tpu.vector_store %arg10[%swap3A_418, %swap3A_419], %swap3A_422 {strides = array<i32>} : memref<128x128xf32, #tpu.memory_space<vmem>>, vector<1x16xf32>,
        %get3A_423 = arith.index_cast %scan3A_354 : i32 to index
        %get3A_424 = arith.constant 64 : index
        %get3A_425 = tpu.vector_load %arg10[%get3A_423, %get3A_424] {strides = array<i32>} : memref<128x128xf32, #tpu.memory_space<vmem>>, vector<1x16xf32>,
        %get3A_426 = vector.shape_cast %get3A_425 : vector<1x16xf32> to vector<16xf32>
        %get3A_427 = arith.index_cast %scan3A_354 : i32 to index
        %get3A_428 = arith.constant 64 : index
        %get3A_429 = tpu.vector_load %arg11[%get3A_427, %get3A_428] {strides = array<i32>} : memref<128x128xf32, #tpu.memory_space<vmem>>, vector<1x16xf32>,
        %get3A_430 = vector.shape_cast %get3A_429 : vector<1x16xf32> to vector<16xf32>
        %add3A_431 = arith.addf %get3A_426, %get3A_430 : vector<16xf32>
        %max3A_432 = arith.constant 0.000000e+00 : f32
        %max3A_433 = vector.broadcast %max3A_432 : f32 to vector<16xf32>
        %max3A_434 = arith.maximumf %add3A_431, %max3A_433 : vector<16xf32>
        %swap3A_435 = arith.index_cast %scan3A_354 : i32 to index
        %swap3A_436 = arith.constant 64 : index
        %swap3A_437 = tpu.vector_load %arg10[%swap3A_435, %swap3A_436] {strides = array<i32>} : memref<128x128xf32, #tpu.memory_space<vmem>>, vector<1x16xf32>,
        %swap3A_438 = vector.shape_cast %swap3A_437 : vector<1x16xf32> to vector<16xf32>
        %swap3A_439 = vector.shape_cast %max3A_434 : vector<16xf32> to vector<1x16xf32>
        tpu.vector_store %arg10[%swap3A_435, %swap3A_436], %swap3A_439 {strides = array<i32>} : memref<128x128xf32, #tpu.memory_space<vmem>>, vector<1x16xf32>,
        %get3A_440 = arith.index_cast %scan3A_354 : i32 to index
        %get3A_441 = arith.constant 80 : index
        %get3A_442 = tpu.vector_load %arg10[%get3A_440, %get3A_441] {strides = array<i32>} : memref<128x128xf32, #tpu.memory_space<vmem>>, vector<1x16xf32>,
        %get3A_443 = vector.shape_cast %get3A_442 : vector<1x16xf32> to vector<16xf32>
        %get3A_444 = arith.index_cast %scan3A_354 : i32 to index
        %get3A_445 = arith.constant 80 : index
        %get3A_446 = tpu.vector_load %arg11[%get3A_444, %get3A_445] {strides = array<i32>} : memref<128x128xf32, #tpu.memory_space<vmem>>, vector<1x16xf32>,
        %get3A_447 = vector.shape_cast %get3A_446 : vector<1x16xf32> to vector<16xf32>
        %add3A_448 = arith.addf %get3A_443, %get3A_447 : vector<16xf32>
        %max3A_449 = arith.constant 0.000000e+00 : f32
        %max3A_450 = vector.broadcast %max3A_449 : f32 to vector<16xf32>
        %max3A_451 = arith.maximumf %add3A_448, %max3A_450 : vector<16xf32>
        %swap3A_452 = arith.index_cast %scan3A_354 : i32 to index
        %swap3A_453 = arith.constant 80 : index
        %swap3A_454 = tpu.vector_load %arg10[%swap3A_452, %swap3A_453] {strides = array<i32>} : memref<128x128xf32, #tpu.memory_space<vmem>>, vector<1x16xf32>,
        %swap3A_455 = vector.shape_cast %swap3A_454 : vector<1x16xf32> to vector<16xf32>
        %swap3A_456 = vector.shape_cast %max3A_451 : vector<16xf32> to vector<1x16xf32>
        tpu.vector_store %arg10[%swap3A_452, %swap3A_453], %swap3A_456 {strides = array<i32>} : memref<128x128xf32, #tpu.memory_space<vmem>>, vector<1x16xf32>,
        %get3A_457 = arith.index_cast %scan3A_354 : i32 to index
        %get3A_458 = arith.constant 96 : index
        %get3A_459 = tpu.vector_load %arg10[%get3A_457, %get3A_458] {strides = array<i32>} : memref<128x128xf32, #tpu.memory_space<vmem>>, vector<1x16xf32>,
        %get3A_460 = vector.shape_cast %get3A_459 : vector<1x16xf32> to vector<16xf32>
        %get3A_461 = arith.index_cast %scan3A_354 : i32 to index
        %get3A_462 = arith.constant 96 : index
        %get3A_463 = tpu.vector_load %arg11[%get3A_461, %get3A_462] {strides = array<i32>} : memref<128x128xf32, #tpu.memory_space<vmem>>, vector<1x16xf32>,
        %get3A_464 = vector.shape_cast %get3A_463 : vector<1x16xf32> to vector<16xf32>
        %add3A_465 = arith.addf %get3A_460, %get3A_464 : vector<16xf32>
        %max3A_466 = arith.constant 0.000000e+00 : f32
        %max3A_467 = vector.broadcast %max3A_466 : f32 to vector<16xf32>
        %max3A_468 = arith.maximumf %add3A_465, %max3A_467 : vector<16xf32>
        %swap3A_469 = arith.index_cast %scan3A_354 : i32 to index
        %swap3A_470 = arith.constant 96 : index
        %swap3A_471 = tpu.vector_load %arg10[%swap3A_469, %swap3A_470] {strides = array<i32>} : memref<128x128xf32, #tpu.memory_space<vmem>>, vector<1x16xf32>,
        %swap3A_472 = vector.shape_cast %swap3A_471 : vector<1x16xf32> to vector<16xf32>
        %swap3A_473 = vector.shape_cast %max3A_468 : vector<16xf32> to vector<1x16xf32>
        tpu.vector_store %arg10[%swap3A_469, %swap3A_470], %swap3A_473 {strides = array<i32>} : memref<128x128xf32, #tpu.memory_space<vmem>>, vector<1x16xf32>,
        %get3A_474 = arith.index_cast %scan3A_354 : i32 to index
        %get3A_475 = arith.constant 112 : index
        %get3A_476 = tpu.vector_load %arg10[%get3A_474, %get3A_475] {strides = array<i32>} : memref<128x128xf32, #tpu.memory_space<vmem>>, vector<1x16xf32>,
        %get3A_477 = vector.shape_cast %get3A_476 : vector<1x16xf32> to vector<16xf32>
        %get3A_478 = arith.index_cast %scan3A_354 : i32 to index
        %get3A_479 = arith.constant 112 : index
        %get3A_480 = tpu.vector_load %arg11[%get3A_478, %get3A_479] {strides = array<i32>} : memref<128x128xf32, #tpu.memory_space<vmem>>, vector<1x16xf32>,
        %get3A_481 = vector.shape_cast %get3A_480 : vector<1x16xf32> to vector<16xf32>
        %add3A_482 = arith.addf %get3A_477, %get3A_481 : vector<16xf32>
        %max3A_483 = arith.constant 0.000000e+00 : f32
        %max3A_484 = vector.broadcast %max3A_483 : f32 to vector<16xf32>
        %max3A_485 = arith.maximumf %add3A_482, %max3A_484 : vector<16xf32>
        %swap3A_486 = arith.index_cast %scan3A_354 : i32 to index
        %swap3A_487 = arith.constant 112 : index
        %swap3A_488 = tpu.vector_load %arg10[%swap3A_486, %swap3A_487] {strides = array<i32>} : memref<128x128xf32, #tpu.memory_space<vmem>>, vector<1x16xf32>,
        %swap3A_489 = vector.shape_cast %swap3A_488 : vector<1x16xf32> to vector<16xf32>
        %swap3A_490 = vector.shape_cast %max3A_485 : vector<16xf32> to vector<1x16xf32>
        tpu.vector_store %arg10[%swap3A_486, %swap3A_487], %swap3A_490 {strides = array<i32>} : memref<128x128xf32, #tpu.memory_space<vmem>>, vector<1x16xf32>,
        %scan3A_491 = arith.constant 3 : i32
        %scan3A_492 = arith.addi %scan3A_81, %scan3A_491 : i32
        %get3A_493 = arith.index_cast %scan3A_492 : i32 to index
        %get3A_494 = arith.constant 0 : index
        %get3A_495 = tpu.vector_load %arg10[%get3A_493, %get3A_494] {strides = array<i32>} : memref<128x128xf32, #tpu.memory_space<vmem>>, vector<1x16xf32>,
        %get3A_496 = vector.shape_cast %get3A_495 : vector<1x16xf32> to vector<16xf32>
        %get3A_497 = arith.index_cast %scan3A_492 : i32 to index
        %get3A_498 = arith.constant 0 : index
        %get3A_499 = tpu.vector_load %arg11[%get3A_497, %get3A_498] {strides = array<i32>} : memref<128x128xf32, #tpu.memory_space<vmem>>, vector<1x16xf32>,
        %get3A_500 = vector.shape_cast %get3A_499 : vector<1x16xf32> to vector<16xf32>
        %add3A_501 = arith.addf %get3A_496, %get3A_500 : vector<16xf32>
        %max3A_502 = arith.constant 0.000000e+00 : f32
        %max3A_503 = vector.broadcast %max3A_502 : f32 to vector<16xf32>
        %max3A_504 = arith.maximumf %add3A_501, %max3A_503 : vector<16xf32>
        %swap3A_505 = arith.index_cast %scan3A_492 : i32 to index
        %swap3A_506 = arith.constant 0 : index
        %swap3A_507 = tpu.vector_load %arg10[%swap3A_505, %swap3A_506] {strides = array<i32>} : memref<128x128xf32, #tpu.memory_space<vmem>>, vector<1x16xf32>,
        %swap3A_508 = vector.shape_cast %swap3A_507 : vector<1x16xf32> to vector<16xf32>
        %swap3A_509 = vector.shape_cast %max3A_504 : vector<16xf32> to vector<1x16xf32>
        tpu.vector_store %arg10[%swap3A_505, %swap3A_506], %swap3A_509 {strides = array<i32>} : memref<128x128xf32, #tpu.memory_space<vmem>>, vector<1x16xf32>,
        %get3A_510 = arith.index_cast %scan3A_492 : i32 to index
        %get3A_511 = arith.constant 16 : index
        %get3A_512 = tpu.vector_load %arg10[%get3A_510, %get3A_511] {strides = array<i32>} : memref<128x128xf32, #tpu.memory_space<vmem>>, vector<1x16xf32>,
        %get3A_513 = vector.shape_cast %get3A_512 : vector<1x16xf32> to vector<16xf32>
        %get3A_514 = arith.index_cast %scan3A_492 : i32 to index
        %get3A_515 = arith.constant 16 : index
        %get3A_516 = tpu.vector_load %arg11[%get3A_514, %get3A_515] {strides = array<i32>} : memref<128x128xf32, #tpu.memory_space<vmem>>, vector<1x16xf32>,
        %get3A_517 = vector.shape_cast %get3A_516 : vector<1x16xf32> to vector<16xf32>
        %add3A_518 = arith.addf %get3A_513, %get3A_517 : vector<16xf32>
        %max3A_519 = arith.constant 0.000000e+00 : f32
        %max3A_520 = vector.broadcast %max3A_519 : f32 to vector<16xf32>
        %max3A_521 = arith.maximumf %add3A_518, %max3A_520 : vector<16xf32>
        %swap3A_522 = arith.index_cast %scan3A_492 : i32 to index
        %swap3A_523 = arith.constant 16 : index
        %swap3A_524 = tpu.vector_load %arg10[%swap3A_522, %swap3A_523] {strides = array<i32>} : memref<128x128xf32, #tpu.memory_space<vmem>>, vector<1x16xf32>,
        %swap3A_525 = vector.shape_cast %swap3A_524 : vector<1x16xf32> to vector<16xf32>
        %swap3A_526 = vector.shape_cast %max3A_521 : vector<16xf32> to vector<1x16xf32>
        tpu.vector_store %arg10[%swap3A_522, %swap3A_523], %swap3A_526 {strides = array<i32>} : memref<128x128xf32, #tpu.memory_space<vmem>>, vector<1x16xf32>,
        %get3A_527 = arith.index_cast %scan3A_492 : i32 to index
        %get3A_528 = arith.constant 32 : index
        %get3A_529 = tpu.vector_load %arg10[%get3A_527, %get3A_528] {strides = array<i32>} : memref<128x128xf32, #tpu.memory_space<vmem>>, vector<1x16xf32>,
        %get3A_530 = vector.shape_cast %get3A_529 : vector<1x16xf32> to vector<16xf32>
        %get3A_531 = arith.index_cast %scan3A_492 : i32 to index
        %get3A_532 = arith.constant 32 : index
        %get3A_533 = tpu.vector_load %arg11[%get3A_531, %get3A_532] {strides = array<i32>} : memref<128x128xf32, #tpu.memory_space<vmem>>, vector<1x16xf32>,
        %get3A_534 = vector.shape_cast %get3A_533 : vector<1x16xf32> to vector<16xf32>
        %add3A_535 = arith.addf %get3A_530, %get3A_534 : vector<16xf32>
        %max3A_536 = arith.constant 0.000000e+00 : f32
        %max3A_537 = vector.broadcast %max3A_536 : f32 to vector<16xf32>
        %max3A_538 = arith.maximumf %add3A_535, %max3A_537 : vector<16xf32>
        %swap3A_539 = arith.index_cast %scan3A_492 : i32 to index
        %swap3A_540 = arith.constant 32 : index
        %swap3A_541 = tpu.vector_load %arg10[%swap3A_539, %swap3A_540] {strides = array<i32>} : memref<128x128xf32, #tpu.memory_space<vmem>>, vector<1x16xf32>,
        %swap3A_542 = vector.shape_cast %swap3A_541 : vector<1x16xf32> to vector<16xf32>
        %swap3A_543 = vector.shape_cast %max3A_538 : vector<16xf32> to vector<1x16xf32>
        tpu.vector_store %arg10[%swap3A_539, %swap3A_540], %swap3A_543 {strides = array<i32>} : memref<128x128xf32, #tpu.memory_space<vmem>>, vector<1x16xf32>,
        %get3A_544 = arith.index_cast %scan3A_492 : i32 to index
        %get3A_545 = arith.constant 48 : index
        %get3A_546 = tpu.vector_load %arg10[%get3A_544, %get3A_545] {strides = array<i32>} : memref<128x128xf32, #tpu.memory_space<vmem>>, vector<1x16xf32>,
        %get3A_547 = vector.shape_cast %get3A_546 : vector<1x16xf32> to vector<16xf32>
        %get3A_548 = arith.index_cast %scan3A_492 : i32 to index
        %get3A_549 = arith.constant 48 : index
        %get3A_550 = tpu.vector_load %arg11[%get3A_548, %get3A_549] {strides = array<i32>} : memref<128x128xf32, #tpu.memory_space<vmem>>, vector<1x16xf32>,
        %get3A_551 = vector.shape_cast %get3A_550 : vector<1x16xf32> to vector<16xf32>
        %add3A_552 = arith.addf %get3A_547, %get3A_551 : vector<16xf32>
        %max3A_553 = arith.constant 0.000000e+00 : f32
        %max3A_554 = vector.broadcast %max3A_553 : f32 to vector<16xf32>
        %max3A_555 = arith.maximumf %add3A_552, %max3A_554 : vector<16xf32>
        %swap3A_556 = arith.index_cast %scan3A_492 : i32 to index
        %swap3A_557 = arith.constant 48 : index
        %swap3A_558 = tpu.vector_load %arg10[%swap3A_556, %swap3A_557] {strides = array<i32>} : memref<128x128xf32, #tpu.memory_space<vmem>>, vector<1x16xf32>,
        %swap3A_559 = vector.shape_cast %swap3A_558 : vector<1x16xf32> to vector<16xf32>
        %swap3A_560 = vector.shape_cast %max3A_555 : vector<16xf32> to vector<1x16xf32>
        tpu.vector_store %arg10[%swap3A_556, %swap3A_557], %swap3A_560 {strides = array<i32>} : memref<128x128xf32, #tpu.memory_space<vmem>>, vector<1x16xf32>,
        %get3A_561 = arith.index_cast %scan3A_492 : i32 to index
        %get3A_562 = arith.constant 64 : index
        %get3A_563 = tpu.vector_load %arg10[%get3A_561, %get3A_562] {strides = array<i32>} : memref<128x128xf32, #tpu.memory_space<vmem>>, vector<1x16xf32>,
        %get3A_564 = vector.shape_cast %get3A_563 : vector<1x16xf32> to vector<16xf32>
        %get3A_565 = arith.index_cast %scan3A_492 : i32 to index
        %get3A_566 = arith.constant 64 : index
        %get3A_567 = tpu.vector_load %arg11[%get3A_565, %get3A_566] {strides = array<i32>} : memref<128x128xf32, #tpu.memory_space<vmem>>, vector<1x16xf32>,
        %get3A_568 = vector.shape_cast %get3A_567 : vector<1x16xf32> to vector<16xf32>
        %add3A_569 = arith.addf %get3A_564, %get3A_568 : vector<16xf32>
        %max3A_570 = arith.constant 0.000000e+00 : f32
        %max3A_571 = vector.broadcast %max3A_570 : f32 to vector<16xf32>
        %max3A_572 = arith.maximumf %add3A_569, %max3A_571 : vector<16xf32>
        %swap3A_573 = arith.index_cast %scan3A_492 : i32 to index
        %swap3A_574 = arith.constant 64 : index
        %swap3A_575 = tpu.vector_load %arg10[%swap3A_573, %swap3A_574] {strides = array<i32>} : memref<128x128xf32, #tpu.memory_space<vmem>>, vector<1x16xf32>,
        %swap3A_576 = vector.shape_cast %swap3A_575 : vector<1x16xf32> to vector<16xf32>
        %swap3A_577 = vector.shape_cast %max3A_572 : vector<16xf32> to vector<1x16xf32>
        tpu.vector_store %arg10[%swap3A_573, %swap3A_574], %swap3A_577 {strides = array<i32>} : memref<128x128xf32, #tpu.memory_space<vmem>>, vector<1x16xf32>,
        %get3A_578 = arith.index_cast %scan3A_492 : i32 to index
        %get3A_579 = arith.constant 80 : index
        %get3A_580 = tpu.vector_load %arg10[%get3A_578, %get3A_579] {strides = array<i32>} : memref<128x128xf32, #tpu.memory_space<vmem>>, vector<1x16xf32>,
        %get3A_581 = vector.shape_cast %get3A_580 : vector<1x16xf32> to vector<16xf32>
        %get3A_582 = arith.index_cast %scan3A_492 : i32 to index
        %get3A_583 = arith.constant 80 : index
        %get3A_584 = tpu.vector_load %arg11[%get3A_582, %get3A_583] {strides = array<i32>} : memref<128x128xf32, #tpu.memory_space<vmem>>, vector<1x16xf32>,
        %get3A_585 = vector.shape_cast %get3A_584 : vector<1x16xf32> to vector<16xf32>
        %add3A_586 = arith.addf %get3A_581, %get3A_585 : vector<16xf32>
        %max3A_587 = arith.constant 0.000000e+00 : f32
        %max3A_588 = vector.broadcast %max3A_587 : f32 to vector<16xf32>
        %max3A_589 = arith.maximumf %add3A_586, %max3A_588 : vector<16xf32>
        %swap3A_590 = arith.index_cast %scan3A_492 : i32 to index
        %swap3A_591 = arith.constant 80 : index
        %swap3A_592 = tpu.vector_load %arg10[%swap3A_590, %swap3A_591] {strides = array<i32>} : memref<128x128xf32, #tpu.memory_space<vmem>>, vector<1x16xf32>,
        %swap3A_593 = vector.shape_cast %swap3A_592 : vector<1x16xf32> to vector<16xf32>
        %swap3A_594 = vector.shape_cast %max3A_589 : vector<16xf32> to vector<1x16xf32>
        tpu.vector_store %arg10[%swap3A_590, %swap3A_591], %swap3A_594 {strides = array<i32>} : memref<128x128xf32, #tpu.memory_space<vmem>>, vector<1x16xf32>,
        %get3A_595 = arith.index_cast %scan3A_492 : i32 to index
        %get3A_596 = arith.constant 96 : index
        %get3A_597 = tpu.vector_load %arg10[%get3A_595, %get3A_596] {strides = array<i32>} : memref<128x128xf32, #tpu.memory_space<vmem>>, vector<1x16xf32>,
        %get3A_598 = vector.shape_cast %get3A_597 : vector<1x16xf32> to vector<16xf32>
        %get3A_599 = arith.index_cast %scan3A_492 : i32 to index
        %get3A_600 = arith.constant 96 : index
        %get3A_601 = tpu.vector_load %arg11[%get3A_599, %get3A_600] {strides = array<i32>} : memref<128x128xf32, #tpu.memory_space<vmem>>, vector<1x16xf32>,
        %get3A_602 = vector.shape_cast %get3A_601 : vector<1x16xf32> to vector<16xf32>
        %add3A_603 = arith.addf %get3A_598, %get3A_602 : vector<16xf32>
        %max3A_604 = arith.constant 0.000000e+00 : f32
        %max3A_605 = vector.broadcast %max3A_604 : f32 to vector<16xf32>
        %max3A_606 = arith.maximumf %add3A_603, %max3A_605 : vector<16xf32>
        %swap3A_607 = arith.index_cast %scan3A_492 : i32 to index
        %swap3A_608 = arith.constant 96 : index
        %swap3A_609 = tpu.vector_load %arg10[%swap3A_607, %swap3A_608] {strides = array<i32>} : memref<128x128xf32, #tpu.memory_space<vmem>>, vector<1x16xf32>,
        %swap3A_610 = vector.shape_cast %swap3A_609 : vector<1x16xf32> to vector<16xf32>
        %swap3A_611 = vector.shape_cast %max3A_606 : vector<16xf32> to vector<1x16xf32>
        tpu.vector_store %arg10[%swap3A_607, %swap3A_608], %swap3A_611 {strides = array<i32>} : memref<128x128xf32, #tpu.memory_space<vmem>>, vector<1x16xf32>,
        %get3A_612 = arith.index_cast %scan3A_492 : i32 to index
        %get3A_613 = arith.constant 112 : index
        %get3A_614 = tpu.vector_load %arg10[%get3A_612, %get3A_613] {strides = array<i32>} : memref<128x128xf32, #tpu.memory_space<vmem>>, vector<1x16xf32>,
        %get3A_615 = vector.shape_cast %get3A_614 : vector<1x16xf32> to vector<16xf32>
        %get3A_616 = arith.index_cast %scan3A_492 : i32 to index
        %get3A_617 = arith.constant 112 : index
        %get3A_618 = tpu.vector_load %arg11[%get3A_616, %get3A_617] {strides = array<i32>} : memref<128x128xf32, #tpu.memory_space<vmem>>, vector<1x16xf32>,
        %get3A_619 = vector.shape_cast %get3A_618 : vector<1x16xf32> to vector<16xf32>
        %add3A_620 = arith.addf %get3A_615, %get3A_619 : vector<16xf32>
        %max3A_621 = arith.constant 0.000000e+00 : f32
        %max3A_622 = vector.broadcast %max3A_621 : f32 to vector<16xf32>
        %max3A_623 = arith.maximumf %add3A_620, %max3A_622 : vector<16xf32>
        %swap3A_624 = arith.index_cast %scan3A_492 : i32 to index
        %swap3A_625 = arith.constant 112 : index
        %swap3A_626 = tpu.vector_load %arg10[%swap3A_624, %swap3A_625] {strides = array<i32>} : memref<128x128xf32, #tpu.memory_space<vmem>>, vector<1x16xf32>,
        %swap3A_627 = vector.shape_cast %swap3A_626 : vector<1x16xf32> to vector<16xf32>
        %swap3A_628 = vector.shape_cast %max3A_623 : vector<16xf32> to vector<1x16xf32>
        tpu.vector_store %arg10[%swap3A_624, %swap3A_625], %swap3A_628 {strides = array<i32>} : memref<128x128xf32, #tpu.memory_space<vmem>>, vector<1x16xf32>,
        %scan3A_629 = arith.constant 4 : i32
        %scan3A_630 = arith.addi %scan3A_81, %scan3A_629 : i32
        %get3A_631 = arith.index_cast %scan3A_630 : i32 to index
        %get3A_632 = arith.constant 0 : index
        %get3A_633 = tpu.vector_load %arg10[%get3A_631, %get3A_632] {strides = array<i32>} : memref<128x128xf32, #tpu.memory_space<vmem>>, vector<1x16xf32>,
        %get3A_634 = vector.shape_cast %get3A_633 : vector<1x16xf32> to vector<16xf32>
        %get3A_635 = arith.index_cast %scan3A_630 : i32 to index
        %get3A_636 = arith.constant 0 : index
        %get3A_637 = tpu.vector_load %arg11[%get3A_635, %get3A_636] {strides = array<i32>} : memref<128x128xf32, #tpu.memory_space<vmem>>, vector<1x16xf32>,
        %get3A_638 = vector.shape_cast %get3A_637 : vector<1x16xf32> to vector<16xf32>
        %add3A_639 = arith.addf %get3A_634, %get3A_638 : vector<16xf32>
        %max3A_640 = arith.constant 0.000000e+00 : f32
        %max3A_641 = vector.broadcast %max3A_640 : f32 to vector<16xf32>
        %max3A_642 = arith.maximumf %add3A_639, %max3A_641 : vector<16xf32>
        %swap3A_643 = arith.index_cast %scan3A_630 : i32 to index
        %swap3A_644 = arith.constant 0 : index
        %swap3A_645 = tpu.vector_load %arg10[%swap3A_643, %swap3A_644] {strides = array<i32>} : memref<128x128xf32, #tpu.memory_space<vmem>>, vector<1x16xf32>,
        %swap3A_646 = vector.shape_cast %swap3A_645 : vector<1x16xf32> to vector<16xf32>
        %swap3A_647 = vector.shape_cast %max3A_642 : vector<16xf32> to vector<1x16xf32>
        tpu.vector_store %arg10[%swap3A_643, %swap3A_644], %swap3A_647 {strides = array<i32>} : memref<128x128xf32, #tpu.memory_space<vmem>>, vector<1x16xf32>,
        %get3A_648 = arith.index_cast %scan3A_630 : i32 to index
        %get3A_649 = arith.constant 16 : index
        %get3A_650 = tpu.vector_load %arg10[%get3A_648, %get3A_649] {strides = array<i32>} : memref<128x128xf32, #tpu.memory_space<vmem>>, vector<1x16xf32>,
        %get3A_651 = vector.shape_cast %get3A_650 : vector<1x16xf32> to vector<16xf32>
        %get3A_652 = arith.index_cast %scan3A_630 : i32 to index
        %get3A_653 = arith.constant 16 : index
        %get3A_654 = tpu.vector_load %arg11[%get3A_652, %get3A_653] {strides = array<i32>} : memref<128x128xf32, #tpu.memory_space<vmem>>, vector<1x16xf32>,
        %get3A_655 = vector.shape_cast %get3A_654 : vector<1x16xf32> to vector<16xf32>
        %add3A_656 = arith.addf %get3A_651, %get3A_655 : vector<16xf32>
        %max3A_657 = arith.constant 0.000000e+00 : f32
        %max3A_658 = vector.broadcast %max3A_657 : f32 to vector<16xf32>
        %max3A_659 = arith.maximumf %add3A_656, %max3A_658 : vector<16xf32>
        %swap3A_660 = arith.index_cast %scan3A_630 : i32 to index
        %swap3A_661 = arith.constant 16 : index
        %swap3A_662 = tpu.vector_load %arg10[%swap3A_660, %swap3A_661] {strides = array<i32>} : memref<128x128xf32, #tpu.memory_space<vmem>>, vector<1x16xf32>,
        %swap3A_663 = vector.shape_cast %swap3A_662 : vector<1x16xf32> to vector<16xf32>
        %swap3A_664 = vector.shape_cast %max3A_659 : vector<16xf32> to vector<1x16xf32>
        tpu.vector_store %arg10[%swap3A_660, %swap3A_661], %swap3A_664 {strides = array<i32>} : memref<128x128xf32, #tpu.memory_space<vmem>>, vector<1x16xf32>,
        %get3A_665 = arith.index_cast %scan3A_630 : i32 to index
        %get3A_666 = arith.constant 32 : index
        %get3A_667 = tpu.vector_load %arg10[%get3A_665, %get3A_666] {strides = array<i32>} : memref<128x128xf32, #tpu.memory_space<vmem>>, vector<1x16xf32>,
        %get3A_668 = vector.shape_cast %get3A_667 : vector<1x16xf32> to vector<16xf32>
        %get3A_669 = arith.index_cast %scan3A_630 : i32 to index
        %get3A_670 = arith.constant 32 : index
        %get3A_671 = tpu.vector_load %arg11[%get3A_669, %get3A_670] {strides = array<i32>} : memref<128x128xf32, #tpu.memory_space<vmem>>, vector<1x16xf32>,
        %get3A_672 = vector.shape_cast %get3A_671 : vector<1x16xf32> to vector<16xf32>
        %add3A_673 = arith.addf %get3A_668, %get3A_672 : vector<16xf32>
        %max3A_674 = arith.constant 0.000000e+00 : f32
        %max3A_675 = vector.broadcast %max3A_674 : f32 to vector<16xf32>
        %max3A_676 = arith.maximumf %add3A_673, %max3A_675 : vector<16xf32>
        %swap3A_677 = arith.index_cast %scan3A_630 : i32 to index
        %swap3A_678 = arith.constant 32 : index
        %swap3A_679 = tpu.vector_load %arg10[%swap3A_677, %swap3A_678] {strides = array<i32>} : memref<128x128xf32, #tpu.memory_space<vmem>>, vector<1x16xf32>,
        %swap3A_680 = vector.shape_cast %swap3A_679 : vector<1x16xf32> to vector<16xf32>
        %swap3A_681 = vector.shape_cast %max3A_676 : vector<16xf32> to vector<1x16xf32>
        tpu.vector_store %arg10[%swap3A_677, %swap3A_678], %swap3A_681 {strides = array<i32>} : memref<128x128xf32, #tpu.memory_space<vmem>>, vector<1x16xf32>,
        %get3A_682 = arith.index_cast %scan3A_630 : i32 to index
        %get3A_683 = arith.constant 48 : index
        %get3A_684 = tpu.vector_load %arg10[%get3A_682, %get3A_683] {strides = array<i32>} : memref<128x128xf32, #tpu.memory_space<vmem>>, vector<1x16xf32>,
        %get3A_685 = vector.shape_cast %get3A_684 : vector<1x16xf32> to vector<16xf32>
        %get3A_686 = arith.index_cast %scan3A_630 : i32 to index
        %get3A_687 = arith.constant 48 : index
        %get3A_688 = tpu.vector_load %arg11[%get3A_686, %get3A_687] {strides = array<i32>} : memref<128x128xf32, #tpu.memory_space<vmem>>, vector<1x16xf32>,
        %get3A_689 = vector.shape_cast %get3A_688 : vector<1x16xf32> to vector<16xf32>
        %add3A_690 = arith.addf %get3A_685, %get3A_689 : vector<16xf32>
        %max3A_691 = arith.constant 0.000000e+00 : f32
        %max3A_692 = vector.broadcast %max3A_691 : f32 to vector<16xf32>
        %max3A_693 = arith.maximumf %add3A_690, %max3A_692 : vector<16xf32>
        %swap3A_694 = arith.index_cast %scan3A_630 : i32 to index
        %swap3A_695 = arith.constant 48 : index
        %swap3A_696 = tpu.vector_load %arg10[%swap3A_694, %swap3A_695] {strides = array<i32>} : memref<128x128xf32, #tpu.memory_space<vmem>>, vector<1x16xf32>,
        %swap3A_697 = vector.shape_cast %swap3A_696 : vector<1x16xf32> to vector<16xf32>
        %swap3A_698 = vector.shape_cast %max3A_693 : vector<16xf32> to vector<1x16xf32>
        tpu.vector_store %arg10[%swap3A_694, %swap3A_695], %swap3A_698 {strides = array<i32>} : memref<128x128xf32, #tpu.memory_space<vmem>>, vector<1x16xf32>,
        %get3A_699 = arith.index_cast %scan3A_630 : i32 to index
        %get3A_700 = arith.constant 64 : index
        %get3A_701 = tpu.vector_load %arg10[%get3A_699, %get3A_700] {strides = array<i32>} : memref<128x128xf32, #tpu.memory_space<vmem>>, vector<1x16xf32>,
        %get3A_702 = vector.shape_cast %get3A_701 : vector<1x16xf32> to vector<16xf32>
        %get3A_703 = arith.index_cast %scan3A_630 : i32 to index
        %get3A_704 = arith.constant 64 : index
        %get3A_705 = tpu.vector_load %arg11[%get3A_703, %get3A_704] {strides = array<i32>} : memref<128x128xf32, #tpu.memory_space<vmem>>, vector<1x16xf32>,
        %get3A_706 = vector.shape_cast %get3A_705 : vector<1x16xf32> to vector<16xf32>
        %add3A_707 = arith.addf %get3A_702, %get3A_706 : vector<16xf32>
        %max3A_708 = arith.constant 0.000000e+00 : f32
        %max3A_709 = vector.broadcast %max3A_708 : f32 to vector<16xf32>
        %max3A_710 = arith.maximumf %add3A_707, %max3A_709 : vector<16xf32>
        %swap3A_711 = arith.index_cast %scan3A_630 : i32 to index
        %swap3A_712 = arith.constant 64 : index
        %swap3A_713 = tpu.vector_load %arg10[%swap3A_711, %swap3A_712] {strides = array<i32>} : memref<128x128xf32, #tpu.memory_space<vmem>>, vector<1x16xf32>,
        %swap3A_714 = vector.shape_cast %swap3A_713 : vector<1x16xf32> to vector<16xf32>
        %swap3A_715 = vector.shape_cast %max3A_710 : vector<16xf32> to vector<1x16xf32>
        tpu.vector_store %arg10[%swap3A_711, %swap3A_712], %swap3A_715 {strides = array<i32>} : memref<128x128xf32, #tpu.memory_space<vmem>>, vector<1x16xf32>,
        %get3A_716 = arith.index_cast %scan3A_630 : i32 to index
        %get3A_717 = arith.constant 80 : index
        %get3A_718 = tpu.vector_load %arg10[%get3A_716, %get3A_717] {strides = array<i32>} : memref<128x128xf32, #tpu.memory_space<vmem>>, vector<1x16xf32>,
        %get3A_719 = vector.shape_cast %get3A_718 : vector<1x16xf32> to vector<16xf32>
        %get3A_720 = arith.index_cast %scan3A_630 : i32 to index
        %get3A_721 = arith.constant 80 : index
        %get3A_722 = tpu.vector_load %arg11[%get3A_720, %get3A_721] {strides = array<i32>} : memref<128x128xf32, #tpu.memory_space<vmem>>, vector<1x16xf32>,
        %get3A_723 = vector.shape_cast %get3A_722 : vector<1x16xf32> to vector<16xf32>
        %add3A_724 = arith.addf %get3A_719, %get3A_723 : vector<16xf32>
        %max3A_725 = arith.constant 0.000000e+00 : f32
        %max3A_726 = vector.broadcast %max3A_725 : f32 to vector<16xf32>
        %max3A_727 = arith.maximumf %add3A_724, %max3A_726 : vector<16xf32>
        %swap3A_728 = arith.index_cast %scan3A_630 : i32 to index
        %swap3A_729 = arith.constant 80 : index
        %swap3A_730 = tpu.vector_load %arg10[%swap3A_728, %swap3A_729] {strides = array<i32>} : memref<128x128xf32, #tpu.memory_space<vmem>>, vector<1x16xf32>,
        %swap3A_731 = vector.shape_cast %swap3A_730 : vector<1x16xf32> to vector<16xf32>
        %swap3A_732 = vector.shape_cast %max3A_727 : vector<16xf32> to vector<1x16xf32>
        tpu.vector_store %arg10[%swap3A_728, %swap3A_729], %swap3A_732 {strides = array<i32>} : memref<128x128xf32, #tpu.memory_space<vmem>>, vector<1x16xf32>,
        %get3A_733 = arith.index_cast %scan3A_630 : i32 to index
        %get3A_734 = arith.constant 96 : index
        %get3A_735 = tpu.vector_load %arg10[%get3A_733, %get3A_734] {strides = array<i32>} : memref<128x128xf32, #tpu.memory_space<vmem>>, vector<1x16xf32>,
        %get3A_736 = vector.shape_cast %get3A_735 : vector<1x16xf32> to vector<16xf32>
        %get3A_737 = arith.index_cast %scan3A_630 : i32 to index
        %get3A_738 = arith.constant 96 : index
        %get3A_739 = tpu.vector_load %arg11[%get3A_737, %get3A_738] {strides = array<i32>} : memref<128x128xf32, #tpu.memory_space<vmem>>, vector<1x16xf32>,
        %get3A_740 = vector.shape_cast %get3A_739 : vector<1x16xf32> to vector<16xf32>
        %add3A_741 = arith.addf %get3A_736, %get3A_740 : vector<16xf32>
        %max3A_742 = arith.constant 0.000000e+00 : f32
        %max3A_743 = vector.broadcast %max3A_742 : f32 to vector<16xf32>
        %max3A_744 = arith.maximumf %add3A_741, %max3A_743 : vector<16xf32>
        %swap3A_745 = arith.index_cast %scan3A_630 : i32 to index
        %swap3A_746 = arith.constant 96 : index
        %swap3A_747 = tpu.vector_load %arg10[%swap3A_745, %swap3A_746] {strides = array<i32>} : memref<128x128xf32, #tpu.memory_space<vmem>>, vector<1x16xf32>,
        %swap3A_748 = vector.shape_cast %swap3A_747 : vector<1x16xf32> to vector<16xf32>
        %swap3A_749 = vector.shape_cast %max3A_744 : vector<16xf32> to vector<1x16xf32>
        tpu.vector_store %arg10[%swap3A_745, %swap3A_746], %swap3A_749 {strides = array<i32>} : memref<128x128xf32, #tpu.memory_space<vmem>>, vector<1x16xf32>,
        %get3A_750 = arith.index_cast %scan3A_630 : i32 to index
        %get3A_751 = arith.constant 112 : index
        %get3A_752 = tpu.vector_load %arg10[%get3A_750, %get3A_751] {strides = array<i32>} : memref<128x128xf32, #tpu.memory_space<vmem>>, vector<1x16xf32>,
        %get3A_753 = vector.shape_cast %get3A_752 : vector<1x16xf32> to vector<16xf32>
        %get3A_754 = arith.index_cast %scan3A_630 : i32 to index
        %get3A_755 = arith.constant 112 : index
        %get3A_756 = tpu.vector_load %arg11[%get3A_754, %get3A_755] {strides = array<i32>} : memref<128x128xf32, #tpu.memory_space<vmem>>, vector<1x16xf32>,
        %get3A_757 = vector.shape_cast %get3A_756 : vector<1x16xf32> to vector<16xf32>
        %add3A_758 = arith.addf %get3A_753, %get3A_757 : vector<16xf32>
        %max3A_759 = arith.constant 0.000000e+00 : f32
        %max3A_760 = vector.broadcast %max3A_759 : f32 to vector<16xf32>
        %max3A_761 = arith.maximumf %add3A_758, %max3A_760 : vector<16xf32>
        %swap3A_762 = arith.index_cast %scan3A_630 : i32 to index
        %swap3A_763 = arith.constant 112 : index
        %swap3A_764 = tpu.vector_load %arg10[%swap3A_762, %swap3A_763] {strides = array<i32>} : memref<128x128xf32, #tpu.memory_space<vmem>>, vector<1x16xf32>,
        %swap3A_765 = vector.shape_cast %swap3A_764 : vector<1x16xf32> to vector<16xf32>
        %swap3A_766 = vector.shape_cast %max3A_761 : vector<16xf32> to vector<1x16xf32>
        tpu.vector_store %arg10[%swap3A_762, %swap3A_763], %swap3A_766 {strides = array<i32>} : memref<128x128xf32, #tpu.memory_space<vmem>>, vector<1x16xf32>,
        %scan3A_767 = arith.constant 5 : i32
        %scan3A_768 = arith.addi %scan3A_81, %scan3A_767 : i32
        %get3A_769 = arith.index_cast %scan3A_768 : i32 to index
        %get3A_770 = arith.constant 0 : index
        %get3A_771 = tpu.vector_load %arg10[%get3A_769, %get3A_770] {strides = array<i32>} : memref<128x128xf32, #tpu.memory_space<vmem>>, vector<1x16xf32>,
        %get3A_772 = vector.shape_cast %get3A_771 : vector<1x16xf32> to vector<16xf32>
        %get3A_773 = arith.index_cast %scan3A_768 : i32 to index
        %get3A_774 = arith.constant 0 : index
        %get3A_775 = tpu.vector_load %arg11[%get3A_773, %get3A_774] {strides = array<i32>} : memref<128x128xf32, #tpu.memory_space<vmem>>, vector<1x16xf32>,
        %get3A_776 = vector.shape_cast %get3A_775 : vector<1x16xf32> to vector<16xf32>
        %add3A_777 = arith.addf %get3A_772, %get3A_776 : vector<16xf32>
        %max3A_778 = arith.constant 0.000000e+00 : f32
        %max3A_779 = vector.broadcast %max3A_778 : f32 to vector<16xf32>
        %max3A_780 = arith.maximumf %add3A_777, %max3A_779 : vector<16xf32>
        %swap3A_781 = arith.index_cast %scan3A_768 : i32 to index
        %swap3A_782 = arith.constant 0 : index
        %swap3A_783 = tpu.vector_load %arg10[%swap3A_781, %swap3A_782] {strides = array<i32>} : memref<128x128xf32, #tpu.memory_space<vmem>>, vector<1x16xf32>,
        %swap3A_784 = vector.shape_cast %swap3A_783 : vector<1x16xf32> to vector<16xf32>
        %swap3A_785 = vector.shape_cast %max3A_780 : vector<16xf32> to vector<1x16xf32>
        tpu.vector_store %arg10[%swap3A_781, %swap3A_782], %swap3A_785 {strides = array<i32>} : memref<128x128xf32, #tpu.memory_space<vmem>>, vector<1x16xf32>,
        %get3A_786 = arith.index_cast %scan3A_768 : i32 to index
        %get3A_787 = arith.constant 16 : index
        %get3A_788 = tpu.vector_load %arg10[%get3A_786, %get3A_787] {strides = array<i32>} : memref<128x128xf32, #tpu.memory_space<vmem>>, vector<1x16xf32>,
        %get3A_789 = vector.shape_cast %get3A_788 : vector<1x16xf32> to vector<16xf32>
        %get3A_790 = arith.index_cast %scan3A_768 : i32 to index
        %get3A_791 = arith.constant 16 : index
        %get3A_792 = tpu.vector_load %arg11[%get3A_790, %get3A_791] {strides = array<i32>} : memref<128x128xf32, #tpu.memory_space<vmem>>, vector<1x16xf32>,
        %get3A_793 = vector.shape_cast %get3A_792 : vector<1x16xf32> to vector<16xf32>
        %add3A_794 = arith.addf %get3A_789, %get3A_793 : vector<16xf32>
        %max3A_795 = arith.constant 0.000000e+00 : f32
        %max3A_796 = vector.broadcast %max3A_795 : f32 to vector<16xf32>
        %max3A_797 = arith.maximumf %add3A_794, %max3A_796 : vector<16xf32>
        %swap3A_798 = arith.index_cast %scan3A_768 : i32 to index
        %swap3A_799 = arith.constant 16 : index
        %swap3A_800 = tpu.vector_load %arg10[%swap3A_798, %swap3A_799] {strides = array<i32>} : memref<128x128xf32, #tpu.memory_space<vmem>>, vector<1x16xf32>,
        %swap3A_801 = vector.shape_cast %swap3A_800 : vector<1x16xf32> to vector<16xf32>
        %swap3A_802 = vector.shape_cast %max3A_797 : vector<16xf32> to vector<1x16xf32>
        tpu.vector_store %arg10[%swap3A_798, %swap3A_799], %swap3A_802 {strides = array<i32>} : memref<128x128xf32, #tpu.memory_space<vmem>>, vector<1x16xf32>,
        %get3A_803 = arith.index_cast %scan3A_768 : i32 to index
        %get3A_804 = arith.constant 32 : index
        %get3A_805 = tpu.vector_load %arg10[%get3A_803, %get3A_804] {strides = array<i32>} : memref<128x128xf32, #tpu.memory_space<vmem>>, vector<1x16xf32>,
        %get3A_806 = vector.shape_cast %get3A_805 : vector<1x16xf32> to vector<16xf32>
        %get3A_807 = arith.index_cast %scan3A_768 : i32 to index
        %get3A_808 = arith.constant 32 : index
        %get3A_809 = tpu.vector_load %arg11[%get3A_807, %get3A_808] {strides = array<i32>} : memref<128x128xf32, #tpu.memory_space<vmem>>, vector<1x16xf32>,
        %get3A_810 = vector.shape_cast %get3A_809 : vector<1x16xf32> to vector<16xf32>
        %add3A_811 = arith.addf %get3A_806, %get3A_810 : vector<16xf32>
        %max3A_812 = arith.constant 0.000000e+00 : f32
        %max3A_813 = vector.broadcast %max3A_812 : f32 to vector<16xf32>
        %max3A_814 = arith.maximumf %add3A_811, %max3A_813 : vector<16xf32>
        %swap3A_815 = arith.index_cast %scan3A_768 : i32 to index
        %swap3A_816 = arith.constant 32 : index
        %swap3A_817 = tpu.vector_load %arg10[%swap3A_815, %swap3A_816] {strides = array<i32>} : memref<128x128xf32, #tpu.memory_space<vmem>>, vector<1x16xf32>,
        %swap3A_818 = vector.shape_cast %swap3A_817 : vector<1x16xf32> to vector<16xf32>
        %swap3A_819 = vector.shape_cast %max3A_814 : vector<16xf32> to vector<1x16xf32>
        tpu.vector_store %arg10[%swap3A_815, %swap3A_816], %swap3A_819 {strides = array<i32>} : memref<128x128xf32, #tpu.memory_space<vmem>>, vector<1x16xf32>,
        %get3A_820 = arith.index_cast %scan3A_768 : i32 to index
        %get3A_821 = arith.constant 48 : index
        %get3A_822 = tpu.vector_load %arg10[%get3A_820, %get3A_821] {strides = array<i32>} : memref<128x128xf32, #tpu.memory_space<vmem>>, vector<1x16xf32>,
        %get3A_823 = vector.shape_cast %get3A_822 : vector<1x16xf32> to vector<16xf32>
        %get3A_824 = arith.index_cast %scan3A_768 : i32 to index
        %get3A_825 = arith.constant 48 : index
        %get3A_826 = tpu.vector_load %arg11[%get3A_824, %get3A_825] {strides = array<i32>} : memref<128x128xf32, #tpu.memory_space<vmem>>, vector<1x16xf32>,
        %get3A_827 = vector.shape_cast %get3A_826 : vector<1x16xf32> to vector<16xf32>
        %add3A_828 = arith.addf %get3A_823, %get3A_827 : vector<16xf32>
        %max3A_829 = arith.constant 0.000000e+00 : f32
        %max3A_830 = vector.broadcast %max3A_829 : f32 to vector<16xf32>
        %max3A_831 = arith.maximumf %add3A_828, %max3A_830 : vector<16xf32>
        %swap3A_832 = arith.index_cast %scan3A_768 : i32 to index
        %swap3A_833 = arith.constant 48 : index
        %swap3A_834 = tpu.vector_load %arg10[%swap3A_832, %swap3A_833] {strides = array<i32>} : memref<128x128xf32, #tpu.memory_space<vmem>>, vector<1x16xf32>,
        %swap3A_835 = vector.shape_cast %swap3A_834 : vector<1x16xf32> to vector<16xf32>
        %swap3A_836 = vector.shape_cast %max3A_831 : vector<16xf32> to vector<1x16xf32>
        tpu.vector_store %arg10[%swap3A_832, %swap3A_833], %swap3A_836 {strides = array<i32>} : memref<128x128xf32, #tpu.memory_space<vmem>>, vector<1x16xf32>,
        %get3A_837 = arith.index_cast %scan3A_768 : i32 to index
        %get3A_838 = arith.constant 64 : index
        %get3A_839 = tpu.vector_load %arg10[%get3A_837, %get3A_838] {strides = array<i32>} : memref<128x128xf32, #tpu.memory_space<vmem>>, vector<1x16xf32>,
        %get3A_840 = vector.shape_cast %get3A_839 : vector<1x16xf32> to vector<16xf32>
        %get3A_841 = arith.index_cast %scan3A_768 : i32 to index
        %get3A_842 = arith.constant 64 : index
        %get3A_843 = tpu.vector_load %arg11[%get3A_841, %get3A_842] {strides = array<i32>} : memref<128x128xf32, #tpu.memory_space<vmem>>, vector<1x16xf32>,
        %get3A_844 = vector.shape_cast %get3A_843 : vector<1x16xf32> to vector<16xf32>
        %add3A_845 = arith.addf %get3A_840, %get3A_844 : vector<16xf32>
        %max3A_846 = arith.constant 0.000000e+00 : f32
        %max3A_847 = vector.broadcast %max3A_846 : f32 to vector<16xf32>
        %max3A_848 = arith.maximumf %add3A_845, %max3A_847 : vector<16xf32>
        %swap3A_849 = arith.index_cast %scan3A_768 : i32 to index
        %swap3A_850 = arith.constant 64 : index
        %swap3A_851 = tpu.vector_load %arg10[%swap3A_849, %swap3A_850] {strides = array<i32>} : memref<128x128xf32, #tpu.memory_space<vmem>>, vector<1x16xf32>,
        %swap3A_852 = vector.shape_cast %swap3A_851 : vector<1x16xf32> to vector<16xf32>
        %swap3A_853 = vector.shape_cast %max3A_848 : vector<16xf32> to vector<1x16xf32>
        tpu.vector_store %arg10[%swap3A_849, %swap3A_850], %swap3A_853 {strides = array<i32>} : memref<128x128xf32, #tpu.memory_space<vmem>>, vector<1x16xf32>,
        %get3A_854 = arith.index_cast %scan3A_768 : i32 to index
        %get3A_855 = arith.constant 80 : index
        %get3A_856 = tpu.vector_load %arg10[%get3A_854, %get3A_855] {strides = array<i32>} : memref<128x128xf32, #tpu.memory_space<vmem>>, vector<1x16xf32>,
        %get3A_857 = vector.shape_cast %get3A_856 : vector<1x16xf32> to vector<16xf32>
        %get3A_858 = arith.index_cast %scan3A_768 : i32 to index
        %get3A_859 = arith.constant 80 : index
        %get3A_860 = tpu.vector_load %arg11[%get3A_858, %get3A_859] {strides = array<i32>} : memref<128x128xf32, #tpu.memory_space<vmem>>, vector<1x16xf32>,
        %get3A_861 = vector.shape_cast %get3A_860 : vector<1x16xf32> to vector<16xf32>
        %add3A_862 = arith.addf %get3A_857, %get3A_861 : vector<16xf32>
        %max3A_863 = arith.constant 0.000000e+00 : f32
        %max3A_864 = vector.broadcast %max3A_863 : f32 to vector<16xf32>
        %max3A_865 = arith.maximumf %add3A_862, %max3A_864 : vector<16xf32>
        %swap3A_866 = arith.index_cast %scan3A_768 : i32 to index
        %swap3A_867 = arith.constant 80 : index
        %swap3A_868 = tpu.vector_load %arg10[%swap3A_866, %swap3A_867] {strides = array<i32>} : memref<128x128xf32, #tpu.memory_space<vmem>>, vector<1x16xf32>,
        %swap3A_869 = vector.shape_cast %swap3A_868 : vector<1x16xf32> to vector<16xf32>
        %swap3A_870 = vector.shape_cast %max3A_865 : vector<16xf32> to vector<1x16xf32>
        tpu.vector_store %arg10[%swap3A_866, %swap3A_867], %swap3A_870 {strides = array<i32>} : memref<128x128xf32, #tpu.memory_space<vmem>>, vector<1x16xf32>,
        %get3A_871 = arith.index_cast %scan3A_768 : i32 to index
        %get3A_872 = arith.constant 96 : index
        %get3A_873 = tpu.vector_load %arg10[%get3A_871, %get3A_872] {strides = array<i32>} : memref<128x128xf32, #tpu.memory_space<vmem>>, vector<1x16xf32>,
        %get3A_874 = vector.shape_cast %get3A_873 : vector<1x16xf32> to vector<16xf32>
        %get3A_875 = arith.index_cast %scan3A_768 : i32 to index
        %get3A_876 = arith.constant 96 : index
        %get3A_877 = tpu.vector_load %arg11[%get3A_875, %get3A_876] {strides = array<i32>} : memref<128x128xf32, #tpu.memory_space<vmem>>, vector<1x16xf32>,
        %get3A_878 = vector.shape_cast %get3A_877 : vector<1x16xf32> to vector<16xf32>
        %add3A_879 = arith.addf %get3A_874, %get3A_878 : vector<16xf32>
        %max3A_880 = arith.constant 0.000000e+00 : f32
        %max3A_881 = vector.broadcast %max3A_880 : f32 to vector<16xf32>
        %max3A_882 = arith.maximumf %add3A_879, %max3A_881 : vector<16xf32>
        %swap3A_883 = arith.index_cast %scan3A_768 : i32 to index
        %swap3A_884 = arith.constant 96 : index
        %swap3A_885 = tpu.vector_load %arg10[%swap3A_883, %swap3A_884] {strides = array<i32>} : memref<128x128xf32, #tpu.memory_space<vmem>>, vector<1x16xf32>,
        %swap3A_886 = vector.shape_cast %swap3A_885 : vector<1x16xf32> to vector<16xf32>
        %swap3A_887 = vector.shape_cast %max3A_882 : vector<16xf32> to vector<1x16xf32>
        tpu.vector_store %arg10[%swap3A_883, %swap3A_884], %swap3A_887 {strides = array<i32>} : memref<128x128xf32, #tpu.memory_space<vmem>>, vector<1x16xf32>,
        %get3A_888 = arith.index_cast %scan3A_768 : i32 to index
        %get3A_889 = arith.constant 112 : index
        %get3A_890 = tpu.vector_load %arg10[%get3A_888, %get3A_889] {strides = array<i32>} : memref<128x128xf32, #tpu.memory_space<vmem>>, vector<1x16xf32>,
        %get3A_891 = vector.shape_cast %get3A_890 : vector<1x16xf32> to vector<16xf32>
        %get3A_892 = arith.index_cast %scan3A_768 : i32 to index
        %get3A_893 = arith.constant 112 : index
        %get3A_894 = tpu.vector_load %arg11[%get3A_892, %get3A_893] {strides = array<i32>} : memref<128x128xf32, #tpu.memory_space<vmem>>, vector<1x16xf32>,
        %get3A_895 = vector.shape_cast %get3A_894 : vector<1x16xf32> to vector<16xf32>
        %add3A_896 = arith.addf %get3A_891, %get3A_895 : vector<16xf32>
        %max3A_897 = arith.constant 0.000000e+00 : f32
        %max3A_898 = vector.broadcast %max3A_897 : f32 to vector<16xf32>
        %max3A_899 = arith.maximumf %add3A_896, %max3A_898 : vector<16xf32>
        %swap3A_900 = arith.index_cast %scan3A_768 : i32 to index
        %swap3A_901 = arith.constant 112 : index
        %swap3A_902 = tpu.vector_load %arg10[%swap3A_900, %swap3A_901] {strides = array<i32>} : memref<128x128xf32, #tpu.memory_space<vmem>>, vector<1x16xf32>,
        %swap3A_903 = vector.shape_cast %swap3A_902 : vector<1x16xf32> to vector<16xf32>
        %swap3A_904 = vector.shape_cast %max3A_899 : vector<16xf32> to vector<1x16xf32>
        tpu.vector_store %arg10[%swap3A_900, %swap3A_901], %swap3A_904 {strides = array<i32>} : memref<128x128xf32, #tpu.memory_space<vmem>>, vector<1x16xf32>,
        %scan3A_905 = arith.constant 6 : i32
        %scan3A_906 = arith.addi %scan3A_81, %scan3A_905 : i32
        %get3A_907 = arith.index_cast %scan3A_906 : i32 to index
        %get3A_908 = arith.constant 0 : index
        %get3A_909 = tpu.vector_load %arg10[%get3A_907, %get3A_908] {strides = array<i32>} : memref<128x128xf32, #tpu.memory_space<vmem>>, vector<1x16xf32>,
        %get3A_910 = vector.shape_cast %get3A_909 : vector<1x16xf32> to vector<16xf32>
        %get3A_911 = arith.index_cast %scan3A_906 : i32 to index
        %get3A_912 = arith.constant 0 : index
        %get3A_913 = tpu.vector_load %arg11[%get3A_911, %get3A_912] {strides = array<i32>} : memref<128x128xf32, #tpu.memory_space<vmem>>, vector<1x16xf32>,
        %get3A_914 = vector.shape_cast %get3A_913 : vector<1x16xf32> to vector<16xf32>
        %add3A_915 = arith.addf %get3A_910, %get3A_914 : vector<16xf32>
        %max3A_916 = arith.constant 0.000000e+00 : f32
        %max3A_917 = vector.broadcast %max3A_916 : f32 to vector<16xf32>
        %max3A_918 = arith.maximumf %add3A_915, %max3A_917 : vector<16xf32>
        %swap3A_919 = arith.index_cast %scan3A_906 : i32 to index
        %swap3A_920 = arith.constant 0 : index
        %swap3A_921 = tpu.vector_load %arg10[%swap3A_919, %swap3A_920] {strides = array<i32>} : memref<128x128xf32, #tpu.memory_space<vmem>>, vector<1x16xf32>,
        %swap3A_922 = vector.shape_cast %swap3A_921 : vector<1x16xf32> to vector<16xf32>
        %swap3A_923 = vector.shape_cast %max3A_918 : vector<16xf32> to vector<1x16xf32>
        tpu.vector_store %arg10[%swap3A_919, %swap3A_920], %swap3A_923 {strides = array<i32>} : memref<128x128xf32, #tpu.memory_space<vmem>>, vector<1x16xf32>,
        %get3A_924 = arith.index_cast %scan3A_906 : i32 to index
        %get3A_925 = arith.constant 16 : index
        %get3A_926 = tpu.vector_load %arg10[%get3A_924, %get3A_925] {strides = array<i32>} : memref<128x128xf32, #tpu.memory_space<vmem>>, vector<1x16xf32>,
        %get3A_927 = vector.shape_cast %get3A_926 : vector<1x16xf32> to vector<16xf32>
        %get3A_928 = arith.index_cast %scan3A_906 : i32 to index
        %get3A_929 = arith.constant 16 : index
        %get3A_930 = tpu.vector_load %arg11[%get3A_928, %get3A_929] {strides = array<i32>} : memref<128x128xf32, #tpu.memory_space<vmem>>, vector<1x16xf32>,
        %get3A_931 = vector.shape_cast %get3A_930 : vector<1x16xf32> to vector<16xf32>
        %add3A_932 = arith.addf %get3A_927, %get3A_931 : vector<16xf32>
        %max3A_933 = arith.constant 0.000000e+00 : f32
        %max3A_934 = vector.broadcast %max3A_933 : f32 to vector<16xf32>
        %max3A_935 = arith.maximumf %add3A_932, %max3A_934 : vector<16xf32>
        %swap3A_936 = arith.index_cast %scan3A_906 : i32 to index
        %swap3A_937 = arith.constant 16 : index
        %swap3A_938 = tpu.vector_load %arg10[%swap3A_936, %swap3A_937] {strides = array<i32>} : memref<128x128xf32, #tpu.memory_space<vmem>>, vector<1x16xf32>,
        %swap3A_939 = vector.shape_cast %swap3A_938 : vector<1x16xf32> to vector<16xf32>
        %swap3A_940 = vector.shape_cast %max3A_935 : vector<16xf32> to vector<1x16xf32>
        tpu.vector_store %arg10[%swap3A_936, %swap3A_937], %swap3A_940 {strides = array<i32>} : memref<128x128xf32, #tpu.memory_space<vmem>>, vector<1x16xf32>,
        %get3A_941 = arith.index_cast %scan3A_906 : i32 to index
        %get3A_942 = arith.constant 32 : index
        %get3A_943 = tpu.vector_load %arg10[%get3A_941, %get3A_942] {strides = array<i32>} : memref<128x128xf32, #tpu.memory_space<vmem>>, vector<1x16xf32>,
        %get3A_944 = vector.shape_cast %get3A_943 : vector<1x16xf32> to vector<16xf32>
        %get3A_945 = arith.index_cast %scan3A_906 : i32 to index
        %get3A_946 = arith.constant 32 : index
        %get3A_947 = tpu.vector_load %arg11[%get3A_945, %get3A_946] {strides = array<i32>} : memref<128x128xf32, #tpu.memory_space<vmem>>, vector<1x16xf32>,
        %get3A_948 = vector.shape_cast %get3A_947 : vector<1x16xf32> to vector<16xf32>
        %add3A_949 = arith.addf %get3A_944, %get3A_948 : vector<16xf32>
        %max3A_950 = arith.constant 0.000000e+00 : f32
        %max3A_951 = vector.broadcast %max3A_950 : f32 to vector<16xf32>
        %max3A_952 = arith.maximumf %add3A_949, %max3A_951 : vector<16xf32>
        %swap3A_953 = arith.index_cast %scan3A_906 : i32 to index
        %swap3A_954 = arith.constant 32 : index
        %swap3A_955 = tpu.vector_load %arg10[%swap3A_953, %swap3A_954] {strides = array<i32>} : memref<128x128xf32, #tpu.memory_space<vmem>>, vector<1x16xf32>,
        %swap3A_956 = vector.shape_cast %swap3A_955 : vector<1x16xf32> to vector<16xf32>
        %swap3A_957 = vector.shape_cast %max3A_952 : vector<16xf32> to vector<1x16xf32>
        tpu.vector_store %arg10[%swap3A_953, %swap3A_954], %swap3A_957 {strides = array<i32>} : memref<128x128xf32, #tpu.memory_space<vmem>>, vector<1x16xf32>,
        %get3A_958 = arith.index_cast %scan3A_906 : i32 to index
        %get3A_959 = arith.constant 48 : index
        %get3A_960 = tpu.vector_load %arg10[%get3A_958, %get3A_959] {strides = array<i32>} : memref<128x128xf32, #tpu.memory_space<vmem>>, vector<1x16xf32>,
        %get3A_961 = vector.shape_cast %get3A_960 : vector<1x16xf32> to vector<16xf32>
        %get3A_962 = arith.index_cast %scan3A_906 : i32 to index
        %get3A_963 = arith.constant 48 : index
        %get3A_964 = tpu.vector_load %arg11[%get3A_962, %get3A_963] {strides = array<i32>} : memref<128x128xf32, #tpu.memory_space<vmem>>, vector<1x16xf32>,
        %get3A_965 = vector.shape_cast %get3A_964 : vector<1x16xf32> to vector<16xf32>
        %add3A_966 = arith.addf %get3A_961, %get3A_965 : vector<16xf32>
        %max3A_967 = arith.constant 0.000000e+00 : f32
        %max3A_968 = vector.broadcast %max3A_967 : f32 to vector<16xf32>
        %max3A_969 = arith.maximumf %add3A_966, %max3A_968 : vector<16xf32>
        %swap3A_970 = arith.index_cast %scan3A_906 : i32 to index
        %swap3A_971 = arith.constant 48 : index
        %swap3A_972 = tpu.vector_load %arg10[%swap3A_970, %swap3A_971] {strides = array<i32>} : memref<128x128xf32, #tpu.memory_space<vmem>>, vector<1x16xf32>,
        %swap3A_973 = vector.shape_cast %swap3A_972 : vector<1x16xf32> to vector<16xf32>
        %swap3A_974 = vector.shape_cast %max3A_969 : vector<16xf32> to vector<1x16xf32>
        tpu.vector_store %arg10[%swap3A_970, %swap3A_971], %swap3A_974 {strides = array<i32>} : memref<128x128xf32, #tpu.memory_space<vmem>>, vector<1x16xf32>,
        %get3A_975 = arith.index_cast %scan3A_906 : i32 to index
        %get3A_976 = arith.constant 64 : index
        %get3A_977 = tpu.vector_load %arg10[%get3A_975, %get3A_976] {strides = array<i32>} : memref<128x128xf32, #tpu.memory_space<vmem>>, vector<1x16xf32>,
        %get3A_978 = vector.shape_cast %get3A_977 : vector<1x16xf32> to vector<16xf32>
        %get3A_979 = arith.index_cast %scan3A_906 : i32 to index
        %get3A_980 = arith.constant 64 : index
        %get3A_981 = tpu.vector_load %arg11[%get3A_979, %get3A_980] {strides = array<i32>} : memref<128x128xf32, #tpu.memory_space<vmem>>, vector<1x16xf32>,
        %get3A_982 = vector.shape_cast %get3A_981 : vector<1x16xf32> to vector<16xf32>
        %add3A_983 = arith.addf %get3A_978, %get3A_982 : vector<16xf32>
        %max3A_984 = arith.constant 0.000000e+00 : f32
        %max3A_985 = vector.broadcast %max3A_984 : f32 to vector<16xf32>
        %max3A_986 = arith.maximumf %add3A_983, %max3A_985 : vector<16xf32>
        %swap3A_987 = arith.index_cast %scan3A_906 : i32 to index
        %swap3A_988 = arith.constant 64 : index
        %swap3A_989 = tpu.vector_load %arg10[%swap3A_987, %swap3A_988] {strides = array<i32>} : memref<128x128xf32, #tpu.memory_space<vmem>>, vector<1x16xf32>,
        %swap3A_990 = vector.shape_cast %swap3A_989 : vector<1x16xf32> to vector<16xf32>
        %swap3A_991 = vector.shape_cast %max3A_986 : vector<16xf32> to vector<1x16xf32>
        tpu.vector_store %arg10[%swap3A_987, %swap3A_988], %swap3A_991 {strides = array<i32>} : memref<128x128xf32, #tpu.memory_space<vmem>>, vector<1x16xf32>,
        %get3A_992 = arith.index_cast %scan3A_906 : i32 to index
        %get3A_993 = arith.constant 80 : index
        %get3A_994 = tpu.vector_load %arg10[%get3A_992, %get3A_993] {strides = array<i32>} : memref<128x128xf32, #tpu.memory_space<vmem>>, vector<1x16xf32>,
        %get3A_995 = vector.shape_cast %get3A_994 : vector<1x16xf32> to vector<16xf32>
        %get3A_996 = arith.index_cast %scan3A_906 : i32 to index
        %get3A_997 = arith.constant 80 : index
        %get3A_998 = tpu.vector_load %arg11[%get3A_996, %get3A_997] {strides = array<i32>} : memref<128x128xf32, #tpu.memory_space<vmem>>, vector<1x16xf32>,
        %get3A_999 = vector.shape_cast %get3A_998 : vector<1x16xf32> to vector<16xf32>
        %add3A_1000 = arith.addf %get3A_995, %get3A_999 : vector<16xf32>
        %max3A_1001 = arith.constant 0.000000e+00 : f32
        %max3A_1002 = vector.broadcast %max3A_1001 : f32 to vector<16xf32>
        %max3A_1003 = arith.maximumf %add3A_1000, %max3A_1002 : vector<16xf32>
        %swap3A_1004 = arith.index_cast %scan3A_906 : i32 to index
        %swap3A_1005 = arith.constant 80 : index
        %swap3A_1006 = tpu.vector_load %arg10[%swap3A_1004, %swap3A_1005] {strides = array<i32>} : memref<128x128xf32, #tpu.memory_space<vmem>>, vector<1x16xf32>,
        %swap3A_1007 = vector.shape_cast %swap3A_1006 : vector<1x16xf32> to vector<16xf32>
        %swap3A_1008 = vector.shape_cast %max3A_1003 : vector<16xf32> to vector<1x16xf32>
        tpu.vector_store %arg10[%swap3A_1004, %swap3A_1005], %swap3A_1008 {strides = array<i32>} : memref<128x128xf32, #tpu.memory_space<vmem>>, vector<1x16xf32>,
        %get3A_1009 = arith.index_cast %scan3A_906 : i32 to index
        %get3A_1010 = arith.constant 96 : index
        %get3A_1011 = tpu.vector_load %arg10[%get3A_1009, %get3A_1010] {strides = array<i32>} : memref<128x128xf32, #tpu.memory_space<vmem>>, vector<1x16xf32>,
        %get3A_1012 = vector.shape_cast %get3A_1011 : vector<1x16xf32> to vector<16xf32>
        %get3A_1013 = arith.index_cast %scan3A_906 : i32 to index
        %get3A_1014 = arith.constant 96 : index
        %get3A_1015 = tpu.vector_load %arg11[%get3A_1013, %get3A_1014] {strides = array<i32>} : memref<128x128xf32, #tpu.memory_space<vmem>>, vector<1x16xf32>,
        %get3A_1016 = vector.shape_cast %get3A_1015 : vector<1x16xf32> to vector<16xf32>
        %add3A_1017 = arith.addf %get3A_1012, %get3A_1016 : vector<16xf32>
        %max3A_1018 = arith.constant 0.000000e+00 : f32
        %max3A_1019 = vector.broadcast %max3A_1018 : f32 to vector<16xf32>
        %max3A_1020 = arith.maximumf %add3A_1017, %max3A_1019 : vector<16xf32>
        %swap3A_1021 = arith.index_cast %scan3A_906 : i32 to index
        %swap3A_1022 = arith.constant 96 : index
        %swap3A_1023 = tpu.vector_load %arg10[%swap3A_1021, %swap3A_1022] {strides = array<i32>} : memref<128x128xf32, #tpu.memory_space<vmem>>, vector<1x16xf32>,
        %swap3A_1024 = vector.shape_cast %swap3A_1023 : vector<1x16xf32> to vector<16xf32>
        %swap3A_1025 = vector.shape_cast %max3A_1020 : vector<16xf32> to vector<1x16xf32>
        tpu.vector_store %arg10[%swap3A_1021, %swap3A_1022], %swap3A_1025 {strides = array<i32>} : memref<128x128xf32, #tpu.memory_space<vmem>>, vector<1x16xf32>,
        %get3A_1026 = arith.index_cast %scan3A_906 : i32 to index
        %get3A_1027 = arith.constant 112 : index
        %get3A_1028 = tpu.vector_load %arg10[%get3A_1026, %get3A_1027] {strides = array<i32>} : memref<128x128xf32, #tpu.memory_space<vmem>>, vector<1x16xf32>,
        %get3A_1029 = vector.shape_cast %get3A_1028 : vector<1x16xf32> to vector<16xf32>
        %get3A_1030 = arith.index_cast %scan3A_906 : i32 to index
        %get3A_1031 = arith.constant 112 : index
        %get3A_1032 = tpu.vector_load %arg11[%get3A_1030, %get3A_1031] {strides = array<i32>} : memref<128x128xf32, #tpu.memory_space<vmem>>, vector<1x16xf32>,
        %get3A_1033 = vector.shape_cast %get3A_1032 : vector<1x16xf32> to vector<16xf32>
        %add3A_1034 = arith.addf %get3A_1029, %get3A_1033 : vector<16xf32>
        %max3A_1035 = arith.constant 0.000000e+00 : f32
        %max3A_1036 = vector.broadcast %max3A_1035 : f32 to vector<16xf32>
        %max3A_1037 = arith.maximumf %add3A_1034, %max3A_1036 : vector<16xf32>
        %swap3A_1038 = arith.index_cast %scan3A_906 : i32 to index
        %swap3A_1039 = arith.constant 112 : index
        %swap3A_1040 = tpu.vector_load %arg10[%swap3A_1038, %swap3A_1039] {strides = array<i32>} : memref<128x128xf32, #tpu.memory_space<vmem>>, vector<1x16xf32>,
        %swap3A_1041 = vector.shape_cast %swap3A_1040 : vector<1x16xf32> to vector<16xf32>
        %swap3A_1042 = vector.shape_cast %max3A_1037 : vector<16xf32> to vector<1x16xf32>
        tpu.vector_store %arg10[%swap3A_1038, %swap3A_1039], %swap3A_1042 {strides = array<i32>} : memref<128x128xf32, #tpu.memory_space<vmem>>, vector<1x16xf32>,
        %scan3A_1043 = arith.constant 7 : i32
        %scan3A_1044 = arith.addi %scan3A_81, %scan3A_1043 : i32
        %get3A_1045 = arith.index_cast %scan3A_1044 : i32 to index
        %get3A_1046 = arith.constant 0 : index
        %get3A_1047 = tpu.vector_load %arg10[%get3A_1045, %get3A_1046] {strides = array<i32>} : memref<128x128xf32, #tpu.memory_space<vmem>>, vector<1x16xf32>,
        %get3A_1048 = vector.shape_cast %get3A_1047 : vector<1x16xf32> to vector<16xf32>
        %get3A_1049 = arith.index_cast %scan3A_1044 : i32 to index
        %get3A_1050 = arith.constant 0 : index
        %get3A_1051 = tpu.vector_load %arg11[%get3A_1049, %get3A_1050] {strides = array<i32>} : memref<128x128xf32, #tpu.memory_space<vmem>>, vector<1x16xf32>,
        %get3A_1052 = vector.shape_cast %get3A_1051 : vector<1x16xf32> to vector<16xf32>
        %add3A_1053 = arith.addf %get3A_1048, %get3A_1052 : vector<16xf32>
        %max3A_1054 = arith.constant 0.000000e+00 : f32
        %max3A_1055 = vector.broadcast %max3A_1054 : f32 to vector<16xf32>
        %max3A_1056 = arith.maximumf %add3A_1053, %max3A_1055 : vector<16xf32>
        %swap3A_1057 = arith.index_cast %scan3A_1044 : i32 to index
        %swap3A_1058 = arith.constant 0 : index
        %swap3A_1059 = tpu.vector_load %arg10[%swap3A_1057, %swap3A_1058] {strides = array<i32>} : memref<128x128xf32, #tpu.memory_space<vmem>>, vector<1x16xf32>,
        %swap3A_1060 = vector.shape_cast %swap3A_1059 : vector<1x16xf32> to vector<16xf32>
        %swap3A_1061 = vector.shape_cast %max3A_1056 : vector<16xf32> to vector<1x16xf32>
        tpu.vector_store %arg10[%swap3A_1057, %swap3A_1058], %swap3A_1061 {strides = array<i32>} : memref<128x128xf32, #tpu.memory_space<vmem>>, vector<1x16xf32>,
        %get3A_1062 = arith.index_cast %scan3A_1044 : i32 to index
        %get3A_1063 = arith.constant 16 : index
        %get3A_1064 = tpu.vector_load %arg10[%get3A_1062, %get3A_1063] {strides = array<i32>} : memref<128x128xf32, #tpu.memory_space<vmem>>, vector<1x16xf32>,
        %get3A_1065 = vector.shape_cast %get3A_1064 : vector<1x16xf32> to vector<16xf32>
        %get3A_1066 = arith.index_cast %scan3A_1044 : i32 to index
        %get3A_1067 = arith.constant 16 : index
        %get3A_1068 = tpu.vector_load %arg11[%get3A_1066, %get3A_1067] {strides = array<i32>} : memref<128x128xf32, #tpu.memory_space<vmem>>, vector<1x16xf32>,
        %get3A_1069 = vector.shape_cast %get3A_1068 : vector<1x16xf32> to vector<16xf32>
        %add3A_1070 = arith.addf %get3A_1065, %get3A_1069 : vector<16xf32>
        %max3A_1071 = arith.constant 0.000000e+00 : f32
        %max3A_1072 = vector.broadcast %max3A_1071 : f32 to vector<16xf32>
        %max3A_1073 = arith.maximumf %add3A_1070, %max3A_1072 : vector<16xf32>
        %swap3A_1074 = arith.index_cast %scan3A_1044 : i32 to index
        %swap3A_1075 = arith.constant 16 : index
        %swap3A_1076 = tpu.vector_load %arg10[%swap3A_1074, %swap3A_1075] {strides = array<i32>} : memref<128x128xf32, #tpu.memory_space<vmem>>, vector<1x16xf32>,
        %swap3A_1077 = vector.shape_cast %swap3A_1076 : vector<1x16xf32> to vector<16xf32>
        %swap3A_1078 = vector.shape_cast %max3A_1073 : vector<16xf32> to vector<1x16xf32>
        tpu.vector_store %arg10[%swap3A_1074, %swap3A_1075], %swap3A_1078 {strides = array<i32>} : memref<128x128xf32, #tpu.memory_space<vmem>>, vector<1x16xf32>,
        %get3A_1079 = arith.index_cast %scan3A_1044 : i32 to index
        %get3A_1080 = arith.constant 32 : index
        %get3A_1081 = tpu.vector_load %arg10[%get3A_1079, %get3A_1080] {strides = array<i32>} : memref<128x128xf32, #tpu.memory_space<vmem>>, vector<1x16xf32>,
        %get3A_1082 = vector.shape_cast %get3A_1081 : vector<1x16xf32> to vector<16xf32>
        %get3A_1083 = arith.index_cast %scan3A_1044 : i32 to index
        %get3A_1084 = arith.constant 32 : index
        %get3A_1085 = tpu.vector_load %arg11[%get3A_1083, %get3A_1084] {strides = array<i32>} : memref<128x128xf32, #tpu.memory_space<vmem>>, vector<1x16xf32>,
        %get3A_1086 = vector.shape_cast %get3A_1085 : vector<1x16xf32> to vector<16xf32>
        %add3A_1087 = arith.addf %get3A_1082, %get3A_1086 : vector<16xf32>
        %max3A_1088 = arith.constant 0.000000e+00 : f32
        %max3A_1089 = vector.broadcast %max3A_1088 : f32 to vector<16xf32>
        %max3A_1090 = arith.maximumf %add3A_1087, %max3A_1089 : vector<16xf32>
        %swap3A_1091 = arith.index_cast %scan3A_1044 : i32 to index
        %swap3A_1092 = arith.constant 32 : index
        %swap3A_1093 = tpu.vector_load %arg10[%swap3A_1091, %swap3A_1092] {strides = array<i32>} : memref<128x128xf32, #tpu.memory_space<vmem>>, vector<1x16xf32>,
        %swap3A_1094 = vector.shape_cast %swap3A_1093 : vector<1x16xf32> to vector<16xf32>
        %swap3A_1095 = vector.shape_cast %max3A_1090 : vector<16xf32> to vector<1x16xf32>
        tpu.vector_store %arg10[%swap3A_1091, %swap3A_1092], %swap3A_1095 {strides = array<i32>} : memref<128x128xf32, #tpu.memory_space<vmem>>, vector<1x16xf32>,
        %get3A_1096 = arith.index_cast %scan3A_1044 : i32 to index
        %get3A_1097 = arith.constant 48 : index
        %get3A_1098 = tpu.vector_load %arg10[%get3A_1096, %get3A_1097] {strides = array<i32>} : memref<128x128xf32, #tpu.memory_space<vmem>>, vector<1x16xf32>,
        %get3A_1099 = vector.shape_cast %get3A_1098 : vector<1x16xf32> to vector<16xf32>
        %get3A_1100 = arith.index_cast %scan3A_1044 : i32 to index
        %get3A_1101 = arith.constant 48 : index
        %get3A_1102 = tpu.vector_load %arg11[%get3A_1100, %get3A_1101] {strides = array<i32>} : memref<128x128xf32, #tpu.memory_space<vmem>>, vector<1x16xf32>,
        %get3A_1103 = vector.shape_cast %get3A_1102 : vector<1x16xf32> to vector<16xf32>
        %add3A_1104 = arith.addf %get3A_1099, %get3A_1103 : vector<16xf32>
        %max3A_1105 = arith.constant 0.000000e+00 : f32
        %max3A_1106 = vector.broadcast %max3A_1105 : f32 to vector<16xf32>
        %max3A_1107 = arith.maximumf %add3A_1104, %max3A_1106 : vector<16xf32>
        %swap3A_1108 = arith.index_cast %scan3A_1044 : i32 to index
        %swap3A_1109 = arith.constant 48 : index
        %swap3A_1110 = tpu.vector_load %arg10[%swap3A_1108, %swap3A_1109] {strides = array<i32>} : memref<128x128xf32, #tpu.memory_space<vmem>>, vector<1x16xf32>,
        %swap3A_1111 = vector.shape_cast %swap3A_1110 : vector<1x16xf32> to vector<16xf32>
        %swap3A_1112 = vector.shape_cast %max3A_1107 : vector<16xf32> to vector<1x16xf32>
        tpu.vector_store %arg10[%swap3A_1108, %swap3A_1109], %swap3A_1112 {strides = array<i32>} : memref<128x128xf32, #tpu.memory_space<vmem>>, vector<1x16xf32>,
        %get3A_1113 = arith.index_cast %scan3A_1044 : i32 to index
        %get3A_1114 = arith.constant 64 : index
        %get3A_1115 = tpu.vector_load %arg10[%get3A_1113, %get3A_1114] {strides = array<i32>} : memref<128x128xf32, #tpu.memory_space<vmem>>, vector<1x16xf32>,
        %get3A_1116 = vector.shape_cast %get3A_1115 : vector<1x16xf32> to vector<16xf32>
        %get3A_1117 = arith.index_cast %scan3A_1044 : i32 to index
        %get3A_1118 = arith.constant 64 : index
        %get3A_1119 = tpu.vector_load %arg11[%get3A_1117, %get3A_1118] {strides = array<i32>} : memref<128x128xf32, #tpu.memory_space<vmem>>, vector<1x16xf32>,
        %get3A_1120 = vector.shape_cast %get3A_1119 : vector<1x16xf32> to vector<16xf32>
        %add3A_1121 = arith.addf %get3A_1116, %get3A_1120 : vector<16xf32>
        %max3A_1122 = arith.constant 0.000000e+00 : f32
        %max3A_1123 = vector.broadcast %max3A_1122 : f32 to vector<16xf32>
        %max3A_1124 = arith.maximumf %add3A_1121, %max3A_1123 : vector<16xf32>
        %swap3A_1125 = arith.index_cast %scan3A_1044 : i32 to index
        %swap3A_1126 = arith.constant 64 : index
        %swap3A_1127 = tpu.vector_load %arg10[%swap3A_1125, %swap3A_1126] {strides = array<i32>} : memref<128x128xf32, #tpu.memory_space<vmem>>, vector<1x16xf32>,
        %swap3A_1128 = vector.shape_cast %swap3A_1127 : vector<1x16xf32> to vector<16xf32>
        %swap3A_1129 = vector.shape_cast %max3A_1124 : vector<16xf32> to vector<1x16xf32>
        tpu.vector_store %arg10[%swap3A_1125, %swap3A_1126], %swap3A_1129 {strides = array<i32>} : memref<128x128xf32, #tpu.memory_space<vmem>>, vector<1x16xf32>,
        %get3A_1130 = arith.index_cast %scan3A_1044 : i32 to index
        %get3A_1131 = arith.constant 80 : index
        %get3A_1132 = tpu.vector_load %arg10[%get3A_1130, %get3A_1131] {strides = array<i32>} : memref<128x128xf32, #tpu.memory_space<vmem>>, vector<1x16xf32>,
        %get3A_1133 = vector.shape_cast %get3A_1132 : vector<1x16xf32> to vector<16xf32>
        %get3A_1134 = arith.index_cast %scan3A_1044 : i32 to index
        %get3A_1135 = arith.constant 80 : index
        %get3A_1136 = tpu.vector_load %arg11[%get3A_1134, %get3A_1135] {strides = array<i32>} : memref<128x128xf32, #tpu.memory_space<vmem>>, vector<1x16xf32>,
        %get3A_1137 = vector.shape_cast %get3A_1136 : vector<1x16xf32> to vector<16xf32>
        %add3A_1138 = arith.addf %get3A_1133, %get3A_1137 : vector<16xf32>
        %max3A_1139 = arith.constant 0.000000e+00 : f32
        %max3A_1140 = vector.broadcast %max3A_1139 : f32 to vector<16xf32>
        %max3A_1141 = arith.maximumf %add3A_1138, %max3A_1140 : vector<16xf32>
        %swap3A_1142 = arith.index_cast %scan3A_1044 : i32 to index
        %swap3A_1143 = arith.constant 80 : index
        %swap3A_1144 = tpu.vector_load %arg10[%swap3A_1142, %swap3A_1143] {strides = array<i32>} : memref<128x128xf32, #tpu.memory_space<vmem>>, vector<1x16xf32>,
        %swap3A_1145 = vector.shape_cast %swap3A_1144 : vector<1x16xf32> to vector<16xf32>
        %swap3A_1146 = vector.shape_cast %max3A_1141 : vector<16xf32> to vector<1x16xf32>
        tpu.vector_store %arg10[%swap3A_1142, %swap3A_1143], %swap3A_1146 {strides = array<i32>} : memref<128x128xf32, #tpu.memory_space<vmem>>, vector<1x16xf32>,
        %get3A_1147 = arith.index_cast %scan3A_1044 : i32 to index
        %get3A_1148 = arith.constant 96 : index
        %get3A_1149 = tpu.vector_load %arg10[%get3A_1147, %get3A_1148] {strides = array<i32>} : memref<128x128xf32, #tpu.memory_space<vmem>>, vector<1x16xf32>,
        %get3A_1150 = vector.shape_cast %get3A_1149 : vector<1x16xf32> to vector<16xf32>
        %get3A_1151 = arith.index_cast %scan3A_1044 : i32 to index
        %get3A_1152 = arith.constant 96 : index
        %get3A_1153 = tpu.vector_load %arg11[%get3A_1151, %get3A_1152] {strides = array<i32>} : memref<128x128xf32, #tpu.memory_space<vmem>>, vector<1x16xf32>,
        %get3A_1154 = vector.shape_cast %get3A_1153 : vector<1x16xf32> to vector<16xf32>
        %add3A_1155 = arith.addf %get3A_1150, %get3A_1154 : vector<16xf32>
        %max3A_1156 = arith.constant 0.000000e+00 : f32
        %max3A_1157 = vector.broadcast %max3A_1156 : f32 to vector<16xf32>
        %max3A_1158 = arith.maximumf %add3A_1155, %max3A_1157 : vector<16xf32>
        %swap3A_1159 = arith.index_cast %scan3A_1044 : i32 to index
        %swap3A_1160 = arith.constant 96 : index
        %swap3A_1161 = tpu.vector_load %arg10[%swap3A_1159, %swap3A_1160] {strides = array<i32>} : memref<128x128xf32, #tpu.memory_space<vmem>>, vector<1x16xf32>,
        %swap3A_1162 = vector.shape_cast %swap3A_1161 : vector<1x16xf32> to vector<16xf32>
        %swap3A_1163 = vector.shape_cast %max3A_1158 : vector<16xf32> to vector<1x16xf32>
        tpu.vector_store %arg10[%swap3A_1159, %swap3A_1160], %swap3A_1163 {strides = array<i32>} : memref<128x128xf32, #tpu.memory_space<vmem>>, vector<1x16xf32>,
        %get3A_1164 = arith.index_cast %scan3A_1044 : i32 to index
        %get3A_1165 = arith.constant 112 : index
        %get3A_1166 = tpu.vector_load %arg10[%get3A_1164, %get3A_1165] {strides = array<i32>} : memref<128x128xf32, #tpu.memory_space<vmem>>, vector<1x16xf32>,
        %get3A_1167 = vector.shape_cast %get3A_1166 : vector<1x16xf32> to vector<16xf32>
        %get3A_1168 = arith.index_cast %scan3A_1044 : i32 to index
        %get3A_1169 = arith.constant 112 : index
        %get3A_1170 = tpu.vector_load %arg11[%get3A_1168, %get3A_1169] {strides = array<i32>} : memref<128x128xf32, #tpu.memory_space<vmem>>, vector<1x16xf32>,
        %get3A_1171 = vector.shape_cast %get3A_1170 : vector<1x16xf32> to vector<16xf32>
        %add3A_1172 = arith.addf %get3A_1167, %get3A_1171 : vector<16xf32>
        %max3A_1173 = arith.constant 0.000000e+00 : f32
        %max3A_1174 = vector.broadcast %max3A_1173 : f32 to vector<16xf32>
        %max3A_1175 = arith.maximumf %add3A_1172, %max3A_1174 : vector<16xf32>
        %swap3A_1176 = arith.index_cast %scan3A_1044 : i32 to index
        %swap3A_1177 = arith.constant 112 : index
        %swap3A_1178 = tpu.vector_load %arg10[%swap3A_1176, %swap3A_1177] {strides = array<i32>} : memref<128x128xf32, #tpu.memory_space<vmem>>, vector<1x16xf32>,
        %swap3A_1179 = vector.shape_cast %swap3A_1178 : vector<1x16xf32> to vector<16xf32>
        %swap3A_1180 = vector.shape_cast %max3A_1175 : vector<16xf32> to vector<1x16xf32>
        tpu.vector_store %arg10[%swap3A_1176, %swap3A_1177], %swap3A_1180 {strides = array<i32>} : memref<128x128xf32, #tpu.memory_space<vmem>>, vector<1x16xf32>,
      }
      %scan3A_64 = arith.constant 128 : i32
      %mul3A_65 = arith.constant 128 : i32
      %mul3A_66 = arith.muli %mul3A_35, %mul3A_65 : i32
      %add3A_67 = arith.addi %mul3A_4, %mul3A_66 : i32
      "tpu.region"() ({
        %run_scoped3A = tpu.sem_alloc : memref<!tpu.dma_semaphore, #tpu.memory_space<semaphore_mem>>
        %dma_start3A_81 = tpu.memref_slice %arg7[%add3A_67, %mul3A_6] : memref<163840x256xf32, #tpu.memory_space<hbm>> -> memref<128x128xf32, #tpu.memory_space<hbm>>
        %dma_start3A_82 = tpu.memref_slice %arg7[%add3A_67, %mul3A_6] : memref<163840x256xf32, #tpu.memory_space<hbm>> -> memref<128x128xf32, #tpu.memory_space<hbm>>
        tpu.enqueue_dma source(%arg10 : memref<128x128xf32, #tpu.memory_space<vmem>>) target(%dma_start3A_82 : memref<128x128xf32, #tpu.memory_space<hbm>>) target_semaphore(%run_scoped3A : memref<!tpu.dma_semaphore, #tpu.memory_space<semaphore_mem>>)
        %dma_wait3A = tpu.memref_slice %arg7[%add3A_67, %mul3A_6] : memref<163840x256xf32, #tpu.memory_space<hbm>> -> memref<128x128xf32, #tpu.memory_space<hbm>>
        %dma_wait3A_83 = tpu.memref_slice %arg7[%add3A_67, %mul3A_6] : memref<163840x256xf32, #tpu.memory_space<hbm>> -> memref<128x128xf32, #tpu.memory_space<hbm>>
        tpu.wait_dma2 semaphore(%run_scoped3A : memref<!tpu.dma_semaphore, #tpu.memory_space<semaphore_mem>>) src(%arg10 : memref<128x128xf32, #tpu.memory_space<vmem>>) dst(%dma_wait3A_83 : memref<128x128xf32, #tpu.memory_space<hbm>>)
        tpu.yield
      }) : () -> ()
      %lt3A = arith.constant 39 : i32
      %lt3A_68 = arith.cmpi slt, %scan3A_33, %lt3A : i32
      %convert_element_type3A = arith.extui %lt3A_68 : i1 to i32
      %cond3A = arith.constant 0 : i32
      %cond3A_69 = arith.cmpi ne, %convert_element_type3A, %cond3A : i32
      scf.if %cond3A_69 {
        %add3A_81 = arith.constant 2 : i32
        %add3A_82 = arith.addi %mul3A_35, %add3A_81 : i32
        %dma_start3A_83 = arith.constant 0 : i32
        %dma_start3A_84 = tpu.memref_slice %arg8[%add3A_82, %dma_start3A_83] : memref<80x128xi32, #tpu.memory_space<vmem>> -> memref<1x128xi32, #tpu.memory_space<vmem>>
        %dma_start3A_85 = tpu.memref_squeeze %dma_start3A_84 : memref<1x128xi32, #tpu.memory_space<vmem>> -> memref<128xi32, #tpu.memory_space<vmem>>
        %dma_start3A_86 = arith.constant 0 : i32
        %dma_start3A_87 = arith.constant 0 : i32
        %dma_start3A_88 = tpu.memref_slice %arg2[%arg0, %dma_start3A_86, %dma_start3A_87] : memref<2x10240x128xf32, #tpu.memory_space<hbm>> -> memref<1x10240x128xf32, #tpu.memory_space<hbm>>
        %dma_start3A_89 = tpu.memref_squeeze %dma_start3A_88 : memref<1x10240x128xf32, #tpu.memory_space<hbm>> -> memref<10240x128xf32, #tpu.memory_space<hbm>>
        %dma_start3A_90 = arith.constant 0 : i32
        %dma_start3A_91 = arith.constant 0 : i32
        %dma_start3A_92 = tpu.memref_slice %dma_start3A_89[%dma_start3A_90, %dma_start3A_91] : memref<10240x128xf32, #tpu.memory_space<hbm>> -> memref<10240x128xf32, #tpu.memory_space<hbm>>
        tpu.enqueue_indirect_dma source(%dma_start3A_92 : memref<10240x128xf32, #tpu.memory_space<hbm>>) target(%arg10 : memref<128x128xf32, #tpu.memory_space<vmem>>) offsets(%dma_start3A_85 : memref<128xi32, #tpu.memory_space<vmem>>) semaphore(%arg14 : memref<!tpu.dma_semaphore, #tpu.memory_space<semaphore_mem>>)
        %add3A_93 = arith.constant 2 : i32
        %add3A_94 = arith.addi %mul3A_35, %add3A_93 : i32
        %dma_start3A_95 = arith.constant 0 : i32
        %dma_start3A_96 = tpu.memref_slice %arg9[%add3A_94, %dma_start3A_95] : memref<80x128xi32, #tpu.memory_space<vmem>> -> memref<1x128xi32, #tpu.memory_space<vmem>>
        %dma_start3A_97 = tpu.memref_squeeze %dma_start3A_96 : memref<1x128xi32, #tpu.memory_space<vmem>> -> memref<128xi32, #tpu.memory_space<vmem>>
        %dma_start3A_98 = arith.constant 0 : i32
        %dma_start3A_99 = arith.constant 0 : i32
        %dma_start3A_100 = tpu.memref_slice %arg3[%arg0, %dma_start3A_98, %dma_start3A_99] : memref<2x10240x128xf32, #tpu.memory_space<hbm>> -> memref<1x10240x128xf32, #tpu.memory_space<hbm>>
        %dma_start3A_101 = tpu.memref_squeeze %dma_start3A_100 : memref<1x10240x128xf32, #tpu.memory_space<hbm>> -> memref<10240x128xf32, #tpu.memory_space<hbm>>
        %dma_start3A_102 = arith.constant 0 : i32
        %dma_start3A_103 = arith.constant 0 : i32
        %dma_start3A_104 = tpu.memref_slice %dma_start3A_101[%dma_start3A_102, %dma_start3A_103] : memref<10240x128xf32, #tpu.memory_space<hbm>> -> memref<10240x128xf32, #tpu.memory_space<hbm>>
        tpu.enqueue_indirect_dma source(%dma_start3A_104 : memref<10240x128xf32, #tpu.memory_space<hbm>>) target(%arg11 : memref<128x128xf32, #tpu.memory_space<vmem>>) offsets(%dma_start3A_97 : memref<128xi32, #tpu.memory_space<vmem>>) semaphore(%arg15 : memref<!tpu.dma_semaphore, #tpu.memory_space<semaphore_mem>>)
      } else {
      }
      tpu.wait_dma2 semaphore(%arg16 : memref<!tpu.dma_semaphore, #tpu.memory_space<semaphore_mem>>) src(%arg6 : memref<128x128xf32, #tpu.memory_space<hbm>>) dst(%arg12 : memref<128x128xf32, #tpu.memory_space<vmem>>)
      tpu.wait_dma2 semaphore(%arg17 : memref<!tpu.dma_semaphore, #tpu.memory_space<semaphore_mem>>) src(%arg6 : memref<128x128xf32, #tpu.memory_space<hbm>>) dst(%arg13 : memref<128x128xf32, #tpu.memory_space<vmem>>)
      %add3A_70 = arith.constant 1 : i32
      %add3A_71 = arith.addi %mul3A_35, %add3A_70 : i32
      %scan3A_72 = arith.constant 0 : i32
      %scan3A_73 = arith.constant 0 : i32
      %scan3A_74 = arith.constant 128 : i32
      %scan3A_75 = arith.addi %scan3A_73, %scan3A_74 : i32
      %scan3A_76 = arith.constant 8 : i32
      scf.for %scan3A_81 = %scan3A_73 to %scan3A_75 step %scan3A_76  : i32 {
        %get3A = arith.index_cast %scan3A_81 : i32 to index
        %get3A_82 = arith.constant 0 : index
        %get3A_83 = tpu.vector_load %arg12[%get3A, %get3A_82] {strides = array<i32>} : memref<128x128xf32, #tpu.memory_space<vmem>>, vector<1x16xf32>,
        %get3A_84 = vector.shape_cast %get3A_83 : vector<1x16xf32> to vector<16xf32>
        %get3A_85 = arith.index_cast %scan3A_81 : i32 to index
        %get3A_86 = arith.constant 0 : index
        %get3A_87 = tpu.vector_load %arg13[%get3A_85, %get3A_86] {strides = array<i32>} : memref<128x128xf32, #tpu.memory_space<vmem>>, vector<1x16xf32>,
        %get3A_88 = vector.shape_cast %get3A_87 : vector<1x16xf32> to vector<16xf32>
        %add3A_89 = arith.addf %get3A_84, %get3A_88 : vector<16xf32>
        %max3A = arith.constant 0.000000e+00 : f32
        %max3A_90 = vector.broadcast %max3A : f32 to vector<16xf32>
        %max3A_91 = arith.maximumf %add3A_89, %max3A_90 : vector<16xf32>
        %swap3A = arith.index_cast %scan3A_81 : i32 to index
        %swap3A_92 = arith.constant 0 : index
        %swap3A_93 = tpu.vector_load %arg12[%swap3A, %swap3A_92] {strides = array<i32>} : memref<128x128xf32, #tpu.memory_space<vmem>>, vector<1x16xf32>,
        %swap3A_94 = vector.shape_cast %swap3A_93 : vector<1x16xf32> to vector<16xf32>
        %swap3A_95 = vector.shape_cast %max3A_91 : vector<16xf32> to vector<1x16xf32>
        tpu.vector_store %arg12[%swap3A, %swap3A_92], %swap3A_95 {strides = array<i32>} : memref<128x128xf32, #tpu.memory_space<vmem>>, vector<1x16xf32>,
        %get3A_96 = arith.index_cast %scan3A_81 : i32 to index
        %get3A_97 = arith.constant 16 : index
        %get3A_98 = tpu.vector_load %arg12[%get3A_96, %get3A_97] {strides = array<i32>} : memref<128x128xf32, #tpu.memory_space<vmem>>, vector<1x16xf32>,
        %get3A_99 = vector.shape_cast %get3A_98 : vector<1x16xf32> to vector<16xf32>
        %get3A_100 = arith.index_cast %scan3A_81 : i32 to index
        %get3A_101 = arith.constant 16 : index
        %get3A_102 = tpu.vector_load %arg13[%get3A_100, %get3A_101] {strides = array<i32>} : memref<128x128xf32, #tpu.memory_space<vmem>>, vector<1x16xf32>,
        %get3A_103 = vector.shape_cast %get3A_102 : vector<1x16xf32> to vector<16xf32>
        %add3A_104 = arith.addf %get3A_99, %get3A_103 : vector<16xf32>
        %max3A_105 = arith.constant 0.000000e+00 : f32
        %max3A_106 = vector.broadcast %max3A_105 : f32 to vector<16xf32>
        %max3A_107 = arith.maximumf %add3A_104, %max3A_106 : vector<16xf32>
        %swap3A_108 = arith.index_cast %scan3A_81 : i32 to index
        %swap3A_109 = arith.constant 16 : index
        %swap3A_110 = tpu.vector_load %arg12[%swap3A_108, %swap3A_109] {strides = array<i32>} : memref<128x128xf32, #tpu.memory_space<vmem>>, vector<1x16xf32>,
        %swap3A_111 = vector.shape_cast %swap3A_110 : vector<1x16xf32> to vector<16xf32>
        %swap3A_112 = vector.shape_cast %max3A_107 : vector<16xf32> to vector<1x16xf32>
        tpu.vector_store %arg12[%swap3A_108, %swap3A_109], %swap3A_112 {strides = array<i32>} : memref<128x128xf32, #tpu.memory_space<vmem>>, vector<1x16xf32>,
        %get3A_113 = arith.index_cast %scan3A_81 : i32 to index
        %get3A_114 = arith.constant 32 : index
        %get3A_115 = tpu.vector_load %arg12[%get3A_113, %get3A_114] {strides = array<i32>} : memref<128x128xf32, #tpu.memory_space<vmem>>, vector<1x16xf32>,
        %get3A_116 = vector.shape_cast %get3A_115 : vector<1x16xf32> to vector<16xf32>
        %get3A_117 = arith.index_cast %scan3A_81 : i32 to index
        %get3A_118 = arith.constant 32 : index
        %get3A_119 = tpu.vector_load %arg13[%get3A_117, %get3A_118] {strides = array<i32>} : memref<128x128xf32, #tpu.memory_space<vmem>>, vector<1x16xf32>,
        %get3A_120 = vector.shape_cast %get3A_119 : vector<1x16xf32> to vector<16xf32>
        %add3A_121 = arith.addf %get3A_116, %get3A_120 : vector<16xf32>
        %max3A_122 = arith.constant 0.000000e+00 : f32
        %max3A_123 = vector.broadcast %max3A_122 : f32 to vector<16xf32>
        %max3A_124 = arith.maximumf %add3A_121, %max3A_123 : vector<16xf32>
        %swap3A_125 = arith.index_cast %scan3A_81 : i32 to index
        %swap3A_126 = arith.constant 32 : index
        %swap3A_127 = tpu.vector_load %arg12[%swap3A_125, %swap3A_126] {strides = array<i32>} : memref<128x128xf32, #tpu.memory_space<vmem>>, vector<1x16xf32>,
        %swap3A_128 = vector.shape_cast %swap3A_127 : vector<1x16xf32> to vector<16xf32>
        %swap3A_129 = vector.shape_cast %max3A_124 : vector<16xf32> to vector<1x16xf32>
        tpu.vector_store %arg12[%swap3A_125, %swap3A_126], %swap3A_129 {strides = array<i32>} : memref<128x128xf32, #tpu.memory_space<vmem>>, vector<1x16xf32>,
        %get3A_130 = arith.index_cast %scan3A_81 : i32 to index
        %get3A_131 = arith.constant 48 : index
        %get3A_132 = tpu.vector_load %arg12[%get3A_130, %get3A_131] {strides = array<i32>} : memref<128x128xf32, #tpu.memory_space<vmem>>, vector<1x16xf32>,
        %get3A_133 = vector.shape_cast %get3A_132 : vector<1x16xf32> to vector<16xf32>
        %get3A_134 = arith.index_cast %scan3A_81 : i32 to index
        %get3A_135 = arith.constant 48 : index
        %get3A_136 = tpu.vector_load %arg13[%get3A_134, %get3A_135] {strides = array<i32>} : memref<128x128xf32, #tpu.memory_space<vmem>>, vector<1x16xf32>,
        %get3A_137 = vector.shape_cast %get3A_136 : vector<1x16xf32> to vector<16xf32>
        %add3A_138 = arith.addf %get3A_133, %get3A_137 : vector<16xf32>
        %max3A_139 = arith.constant 0.000000e+00 : f32
        %max3A_140 = vector.broadcast %max3A_139 : f32 to vector<16xf32>
        %max3A_141 = arith.maximumf %add3A_138, %max3A_140 : vector<16xf32>
        %swap3A_142 = arith.index_cast %scan3A_81 : i32 to index
        %swap3A_143 = arith.constant 48 : index
        %swap3A_144 = tpu.vector_load %arg12[%swap3A_142, %swap3A_143] {strides = array<i32>} : memref<128x128xf32, #tpu.memory_space<vmem>>, vector<1x16xf32>,
        %swap3A_145 = vector.shape_cast %swap3A_144 : vector<1x16xf32> to vector<16xf32>
        %swap3A_146 = vector.shape_cast %max3A_141 : vector<16xf32> to vector<1x16xf32>
        tpu.vector_store %arg12[%swap3A_142, %swap3A_143], %swap3A_146 {strides = array<i32>} : memref<128x128xf32, #tpu.memory_space<vmem>>, vector<1x16xf32>,
        %get3A_147 = arith.index_cast %scan3A_81 : i32 to index
        %get3A_148 = arith.constant 64 : index
        %get3A_149 = tpu.vector_load %arg12[%get3A_147, %get3A_148] {strides = array<i32>} : memref<128x128xf32, #tpu.memory_space<vmem>>, vector<1x16xf32>,
        %get3A_150 = vector.shape_cast %get3A_149 : vector<1x16xf32> to vector<16xf32>
        %get3A_151 = arith.index_cast %scan3A_81 : i32 to index
        %get3A_152 = arith.constant 64 : index
        %get3A_153 = tpu.vector_load %arg13[%get3A_151, %get3A_152] {strides = array<i32>} : memref<128x128xf32, #tpu.memory_space<vmem>>, vector<1x16xf32>,
        %get3A_154 = vector.shape_cast %get3A_153 : vector<1x16xf32> to vector<16xf32>
        %add3A_155 = arith.addf %get3A_150, %get3A_154 : vector<16xf32>
        %max3A_156 = arith.constant 0.000000e+00 : f32
        %max3A_157 = vector.broadcast %max3A_156 : f32 to vector<16xf32>
        %max3A_158 = arith.maximumf %add3A_155, %max3A_157 : vector<16xf32>
        %swap3A_159 = arith.index_cast %scan3A_81 : i32 to index
        %swap3A_160 = arith.constant 64 : index
        %swap3A_161 = tpu.vector_load %arg12[%swap3A_159, %swap3A_160] {strides = array<i32>} : memref<128x128xf32, #tpu.memory_space<vmem>>, vector<1x16xf32>,
        %swap3A_162 = vector.shape_cast %swap3A_161 : vector<1x16xf32> to vector<16xf32>
        %swap3A_163 = vector.shape_cast %max3A_158 : vector<16xf32> to vector<1x16xf32>
        tpu.vector_store %arg12[%swap3A_159, %swap3A_160], %swap3A_163 {strides = array<i32>} : memref<128x128xf32, #tpu.memory_space<vmem>>, vector<1x16xf32>,
        %get3A_164 = arith.index_cast %scan3A_81 : i32 to index
        %get3A_165 = arith.constant 80 : index
        %get3A_166 = tpu.vector_load %arg12[%get3A_164, %get3A_165] {strides = array<i32>} : memref<128x128xf32, #tpu.memory_space<vmem>>, vector<1x16xf32>,
        %get3A_167 = vector.shape_cast %get3A_166 : vector<1x16xf32> to vector<16xf32>
        %get3A_168 = arith.index_cast %scan3A_81 : i32 to index
        %get3A_169 = arith.constant 80 : index
        %get3A_170 = tpu.vector_load %arg13[%get3A_168, %get3A_169] {strides = array<i32>} : memref<128x128xf32, #tpu.memory_space<vmem>>, vector<1x16xf32>,
        %get3A_171 = vector.shape_cast %get3A_170 : vector<1x16xf32> to vector<16xf32>
        %add3A_172 = arith.addf %get3A_167, %get3A_171 : vector<16xf32>
        %max3A_173 = arith.constant 0.000000e+00 : f32
        %max3A_174 = vector.broadcast %max3A_173 : f32 to vector<16xf32>
        %max3A_175 = arith.maximumf %add3A_172, %max3A_174 : vector<16xf32>
        %swap3A_176 = arith.index_cast %scan3A_81 : i32 to index
        %swap3A_177 = arith.constant 80 : index
        %swap3A_178 = tpu.vector_load %arg12[%swap3A_176, %swap3A_177] {strides = array<i32>} : memref<128x128xf32, #tpu.memory_space<vmem>>, vector<1x16xf32>,
        %swap3A_179 = vector.shape_cast %swap3A_178 : vector<1x16xf32> to vector<16xf32>
        %swap3A_180 = vector.shape_cast %max3A_175 : vector<16xf32> to vector<1x16xf32>
        tpu.vector_store %arg12[%swap3A_176, %swap3A_177], %swap3A_180 {strides = array<i32>} : memref<128x128xf32, #tpu.memory_space<vmem>>, vector<1x16xf32>,
        %get3A_181 = arith.index_cast %scan3A_81 : i32 to index
        %get3A_182 = arith.constant 96 : index
        %get3A_183 = tpu.vector_load %arg12[%get3A_181, %get3A_182] {strides = array<i32>} : memref<128x128xf32, #tpu.memory_space<vmem>>, vector<1x16xf32>,
        %get3A_184 = vector.shape_cast %get3A_183 : vector<1x16xf32> to vector<16xf32>
        %get3A_185 = arith.index_cast %scan3A_81 : i32 to index
        %get3A_186 = arith.constant 96 : index
        %get3A_187 = tpu.vector_load %arg13[%get3A_185, %get3A_186] {strides = array<i32>} : memref<128x128xf32, #tpu.memory_space<vmem>>, vector<1x16xf32>,
        %get3A_188 = vector.shape_cast %get3A_187 : vector<1x16xf32> to vector<16xf32>
        %add3A_189 = arith.addf %get3A_184, %get3A_188 : vector<16xf32>
        %max3A_190 = arith.constant 0.000000e+00 : f32
        %max3A_191 = vector.broadcast %max3A_190 : f32 to vector<16xf32>
        %max3A_192 = arith.maximumf %add3A_189, %max3A_191 : vector<16xf32>
        %swap3A_193 = arith.index_cast %scan3A_81 : i32 to index
        %swap3A_194 = arith.constant 96 : index
        %swap3A_195 = tpu.vector_load %arg12[%swap3A_193, %swap3A_194] {strides = array<i32>} : memref<128x128xf32, #tpu.memory_space<vmem>>, vector<1x16xf32>,
        %swap3A_196 = vector.shape_cast %swap3A_195 : vector<1x16xf32> to vector<16xf32>
        %swap3A_197 = vector.shape_cast %max3A_192 : vector<16xf32> to vector<1x16xf32>
        tpu.vector_store %arg12[%swap3A_193, %swap3A_194], %swap3A_197 {strides = array<i32>} : memref<128x128xf32, #tpu.memory_space<vmem>>, vector<1x16xf32>,
        %get3A_198 = arith.index_cast %scan3A_81 : i32 to index
        %get3A_199 = arith.constant 112 : index
        %get3A_200 = tpu.vector_load %arg12[%get3A_198, %get3A_199] {strides = array<i32>} : memref<128x128xf32, #tpu.memory_space<vmem>>, vector<1x16xf32>,
        %get3A_201 = vector.shape_cast %get3A_200 : vector<1x16xf32> to vector<16xf32>
        %get3A_202 = arith.index_cast %scan3A_81 : i32 to index
        %get3A_203 = arith.constant 112 : index
        %get3A_204 = tpu.vector_load %arg13[%get3A_202, %get3A_203] {strides = array<i32>} : memref<128x128xf32, #tpu.memory_space<vmem>>, vector<1x16xf32>,
        %get3A_205 = vector.shape_cast %get3A_204 : vector<1x16xf32> to vector<16xf32>
        %add3A_206 = arith.addf %get3A_201, %get3A_205 : vector<16xf32>
        %max3A_207 = arith.constant 0.000000e+00 : f32
        %max3A_208 = vector.broadcast %max3A_207 : f32 to vector<16xf32>
        %max3A_209 = arith.maximumf %add3A_206, %max3A_208 : vector<16xf32>
        %swap3A_210 = arith.index_cast %scan3A_81 : i32 to index
        %swap3A_211 = arith.constant 112 : index
        %swap3A_212 = tpu.vector_load %arg12[%swap3A_210, %swap3A_211] {strides = array<i32>} : memref<128x128xf32, #tpu.memory_space<vmem>>, vector<1x16xf32>,
        %swap3A_213 = vector.shape_cast %swap3A_212 : vector<1x16xf32> to vector<16xf32>
        %swap3A_214 = vector.shape_cast %max3A_209 : vector<16xf32> to vector<1x16xf32>
        tpu.vector_store %arg12[%swap3A_210, %swap3A_211], %swap3A_214 {strides = array<i32>} : memref<128x128xf32, #tpu.memory_space<vmem>>, vector<1x16xf32>,
        %scan3A_215 = arith.constant 1 : i32
        %scan3A_216 = arith.addi %scan3A_81, %scan3A_215 : i32
        %get3A_217 = arith.index_cast %scan3A_216 : i32 to index
        %get3A_218 = arith.constant 0 : index
        %get3A_219 = tpu.vector_load %arg12[%get3A_217, %get3A_218] {strides = array<i32>} : memref<128x128xf32, #tpu.memory_space<vmem>>, vector<1x16xf32>,
        %get3A_220 = vector.shape_cast %get3A_219 : vector<1x16xf32> to vector<16xf32>
        %get3A_221 = arith.index_cast %scan3A_216 : i32 to index
        %get3A_222 = arith.constant 0 : index
        %get3A_223 = tpu.vector_load %arg13[%get3A_221, %get3A_222] {strides = array<i32>} : memref<128x128xf32, #tpu.memory_space<vmem>>, vector<1x16xf32>,
        %get3A_224 = vector.shape_cast %get3A_223 : vector<1x16xf32> to vector<16xf32>
        %add3A_225 = arith.addf %get3A_220, %get3A_224 : vector<16xf32>
        %max3A_226 = arith.constant 0.000000e+00 : f32
        %max3A_227 = vector.broadcast %max3A_226 : f32 to vector<16xf32>
        %max3A_228 = arith.maximumf %add3A_225, %max3A_227 : vector<16xf32>
        %swap3A_229 = arith.index_cast %scan3A_216 : i32 to index
        %swap3A_230 = arith.constant 0 : index
        %swap3A_231 = tpu.vector_load %arg12[%swap3A_229, %swap3A_230] {strides = array<i32>} : memref<128x128xf32, #tpu.memory_space<vmem>>, vector<1x16xf32>,
        %swap3A_232 = vector.shape_cast %swap3A_231 : vector<1x16xf32> to vector<16xf32>
        %swap3A_233 = vector.shape_cast %max3A_228 : vector<16xf32> to vector<1x16xf32>
        tpu.vector_store %arg12[%swap3A_229, %swap3A_230], %swap3A_233 {strides = array<i32>} : memref<128x128xf32, #tpu.memory_space<vmem>>, vector<1x16xf32>,
        %get3A_234 = arith.index_cast %scan3A_216 : i32 to index
        %get3A_235 = arith.constant 16 : index
        %get3A_236 = tpu.vector_load %arg12[%get3A_234, %get3A_235] {strides = array<i32>} : memref<128x128xf32, #tpu.memory_space<vmem>>, vector<1x16xf32>,
        %get3A_237 = vector.shape_cast %get3A_236 : vector<1x16xf32> to vector<16xf32>
        %get3A_238 = arith.index_cast %scan3A_216 : i32 to index
        %get3A_239 = arith.constant 16 : index
        %get3A_240 = tpu.vector_load %arg13[%get3A_238, %get3A_239] {strides = array<i32>} : memref<128x128xf32, #tpu.memory_space<vmem>>, vector<1x16xf32>,
        %get3A_241 = vector.shape_cast %get3A_240 : vector<1x16xf32> to vector<16xf32>
        %add3A_242 = arith.addf %get3A_237, %get3A_241 : vector<16xf32>
        %max3A_243 = arith.constant 0.000000e+00 : f32
        %max3A_244 = vector.broadcast %max3A_243 : f32 to vector<16xf32>
        %max3A_245 = arith.maximumf %add3A_242, %max3A_244 : vector<16xf32>
        %swap3A_246 = arith.index_cast %scan3A_216 : i32 to index
        %swap3A_247 = arith.constant 16 : index
        %swap3A_248 = tpu.vector_load %arg12[%swap3A_246, %swap3A_247] {strides = array<i32>} : memref<128x128xf32, #tpu.memory_space<vmem>>, vector<1x16xf32>,
        %swap3A_249 = vector.shape_cast %swap3A_248 : vector<1x16xf32> to vector<16xf32>
        %swap3A_250 = vector.shape_cast %max3A_245 : vector<16xf32> to vector<1x16xf32>
        tpu.vector_store %arg12[%swap3A_246, %swap3A_247], %swap3A_250 {strides = array<i32>} : memref<128x128xf32, #tpu.memory_space<vmem>>, vector<1x16xf32>,
        %get3A_251 = arith.index_cast %scan3A_216 : i32 to index
        %get3A_252 = arith.constant 32 : index
        %get3A_253 = tpu.vector_load %arg12[%get3A_251, %get3A_252] {strides = array<i32>} : memref<128x128xf32, #tpu.memory_space<vmem>>, vector<1x16xf32>,
        %get3A_254 = vector.shape_cast %get3A_253 : vector<1x16xf32> to vector<16xf32>
        %get3A_255 = arith.index_cast %scan3A_216 : i32 to index
        %get3A_256 = arith.constant 32 : index
        %get3A_257 = tpu.vector_load %arg13[%get3A_255, %get3A_256] {strides = array<i32>} : memref<128x128xf32, #tpu.memory_space<vmem>>, vector<1x16xf32>,
        %get3A_258 = vector.shape_cast %get3A_257 : vector<1x16xf32> to vector<16xf32>
        %add3A_259 = arith.addf %get3A_254, %get3A_258 : vector<16xf32>
        %max3A_260 = arith.constant 0.000000e+00 : f32
        %max3A_261 = vector.broadcast %max3A_260 : f32 to vector<16xf32>
        %max3A_262 = arith.maximumf %add3A_259, %max3A_261 : vector<16xf32>
        %swap3A_263 = arith.index_cast %scan3A_216 : i32 to index
        %swap3A_264 = arith.constant 32 : index
        %swap3A_265 = tpu.vector_load %arg12[%swap3A_263, %swap3A_264] {strides = array<i32>} : memref<128x128xf32, #tpu.memory_space<vmem>>, vector<1x16xf32>,
        %swap3A_266 = vector.shape_cast %swap3A_265 : vector<1x16xf32> to vector<16xf32>
        %swap3A_267 = vector.shape_cast %max3A_262 : vector<16xf32> to vector<1x16xf32>
        tpu.vector_store %arg12[%swap3A_263, %swap3A_264], %swap3A_267 {strides = array<i32>} : memref<128x128xf32, #tpu.memory_space<vmem>>, vector<1x16xf32>,
        %get3A_268 = arith.index_cast %scan3A_216 : i32 to index
        %get3A_269 = arith.constant 48 : index
        %get3A_270 = tpu.vector_load %arg12[%get3A_268, %get3A_269] {strides = array<i32>} : memref<128x128xf32, #tpu.memory_space<vmem>>, vector<1x16xf32>,
        %get3A_271 = vector.shape_cast %get3A_270 : vector<1x16xf32> to vector<16xf32>
        %get3A_272 = arith.index_cast %scan3A_216 : i32 to index
        %get3A_273 = arith.constant 48 : index
        %get3A_274 = tpu.vector_load %arg13[%get3A_272, %get3A_273] {strides = array<i32>} : memref<128x128xf32, #tpu.memory_space<vmem>>, vector<1x16xf32>,
        %get3A_275 = vector.shape_cast %get3A_274 : vector<1x16xf32> to vector<16xf32>
        %add3A_276 = arith.addf %get3A_271, %get3A_275 : vector<16xf32>
        %max3A_277 = arith.constant 0.000000e+00 : f32
        %max3A_278 = vector.broadcast %max3A_277 : f32 to vector<16xf32>
        %max3A_279 = arith.maximumf %add3A_276, %max3A_278 : vector<16xf32>
        %swap3A_280 = arith.index_cast %scan3A_216 : i32 to index
        %swap3A_281 = arith.constant 48 : index
        %swap3A_282 = tpu.vector_load %arg12[%swap3A_280, %swap3A_281] {strides = array<i32>} : memref<128x128xf32, #tpu.memory_space<vmem>>, vector<1x16xf32>,
        %swap3A_283 = vector.shape_cast %swap3A_282 : vector<1x16xf32> to vector<16xf32>
        %swap3A_284 = vector.shape_cast %max3A_279 : vector<16xf32> to vector<1x16xf32>
        tpu.vector_store %arg12[%swap3A_280, %swap3A_281], %swap3A_284 {strides = array<i32>} : memref<128x128xf32, #tpu.memory_space<vmem>>, vector<1x16xf32>,
        %get3A_285 = arith.index_cast %scan3A_216 : i32 to index
        %get3A_286 = arith.constant 64 : index
        %get3A_287 = tpu.vector_load %arg12[%get3A_285, %get3A_286] {strides = array<i32>} : memref<128x128xf32, #tpu.memory_space<vmem>>, vector<1x16xf32>,
        %get3A_288 = vector.shape_cast %get3A_287 : vector<1x16xf32> to vector<16xf32>
        %get3A_289 = arith.index_cast %scan3A_216 : i32 to index
        %get3A_290 = arith.constant 64 : index
        %get3A_291 = tpu.vector_load %arg13[%get3A_289, %get3A_290] {strides = array<i32>} : memref<128x128xf32, #tpu.memory_space<vmem>>, vector<1x16xf32>,
        %get3A_292 = vector.shape_cast %get3A_291 : vector<1x16xf32> to vector<16xf32>
        %add3A_293 = arith.addf %get3A_288, %get3A_292 : vector<16xf32>
        %max3A_294 = arith.constant 0.000000e+00 : f32
        %max3A_295 = vector.broadcast %max3A_294 : f32 to vector<16xf32>
        %max3A_296 = arith.maximumf %add3A_293, %max3A_295 : vector<16xf32>
        %swap3A_297 = arith.index_cast %scan3A_216 : i32 to index
        %swap3A_298 = arith.constant 64 : index
        %swap3A_299 = tpu.vector_load %arg12[%swap3A_297, %swap3A_298] {strides = array<i32>} : memref<128x128xf32, #tpu.memory_space<vmem>>, vector<1x16xf32>,
        %swap3A_300 = vector.shape_cast %swap3A_299 : vector<1x16xf32> to vector<16xf32>
        %swap3A_301 = vector.shape_cast %max3A_296 : vector<16xf32> to vector<1x16xf32>
        tpu.vector_store %arg12[%swap3A_297, %swap3A_298], %swap3A_301 {strides = array<i32>} : memref<128x128xf32, #tpu.memory_space<vmem>>, vector<1x16xf32>,
        %get3A_302 = arith.index_cast %scan3A_216 : i32 to index
        %get3A_303 = arith.constant 80 : index
        %get3A_304 = tpu.vector_load %arg12[%get3A_302, %get3A_303] {strides = array<i32>} : memref<128x128xf32, #tpu.memory_space<vmem>>, vector<1x16xf32>,
        %get3A_305 = vector.shape_cast %get3A_304 : vector<1x16xf32> to vector<16xf32>
        %get3A_306 = arith.index_cast %scan3A_216 : i32 to index
        %get3A_307 = arith.constant 80 : index
        %get3A_308 = tpu.vector_load %arg13[%get3A_306, %get3A_307] {strides = array<i32>} : memref<128x128xf32, #tpu.memory_space<vmem>>, vector<1x16xf32>,
        %get3A_309 = vector.shape_cast %get3A_308 : vector<1x16xf32> to vector<16xf32>
        %add3A_310 = arith.addf %get3A_305, %get3A_309 : vector<16xf32>
        %max3A_311 = arith.constant 0.000000e+00 : f32
        %max3A_312 = vector.broadcast %max3A_311 : f32 to vector<16xf32>
        %max3A_313 = arith.maximumf %add3A_310, %max3A_312 : vector<16xf32>
        %swap3A_314 = arith.index_cast %scan3A_216 : i32 to index
        %swap3A_315 = arith.constant 80 : index
        %swap3A_316 = tpu.vector_load %arg12[%swap3A_314, %swap3A_315] {strides = array<i32>} : memref<128x128xf32, #tpu.memory_space<vmem>>, vector<1x16xf32>,
        %swap3A_317 = vector.shape_cast %swap3A_316 : vector<1x16xf32> to vector<16xf32>
        %swap3A_318 = vector.shape_cast %max3A_313 : vector<16xf32> to vector<1x16xf32>
        tpu.vector_store %arg12[%swap3A_314, %swap3A_315], %swap3A_318 {strides = array<i32>} : memref<128x128xf32, #tpu.memory_space<vmem>>, vector<1x16xf32>,
        %get3A_319 = arith.index_cast %scan3A_216 : i32 to index
        %get3A_320 = arith.constant 96 : index
        %get3A_321 = tpu.vector_load %arg12[%get3A_319, %get3A_320] {strides = array<i32>} : memref<128x128xf32, #tpu.memory_space<vmem>>, vector<1x16xf32>,
        %get3A_322 = vector.shape_cast %get3A_321 : vector<1x16xf32> to vector<16xf32>
        %get3A_323 = arith.index_cast %scan3A_216 : i32 to index
        %get3A_324 = arith.constant 96 : index
        %get3A_325 = tpu.vector_load %arg13[%get3A_323, %get3A_324] {strides = array<i32>} : memref<128x128xf32, #tpu.memory_space<vmem>>, vector<1x16xf32>,
        %get3A_326 = vector.shape_cast %get3A_325 : vector<1x16xf32> to vector<16xf32>
        %add3A_327 = arith.addf %get3A_322, %get3A_326 : vector<16xf32>
        %max3A_328 = arith.constant 0.000000e+00 : f32
        %max3A_329 = vector.broadcast %max3A_328 : f32 to vector<16xf32>
        %max3A_330 = arith.maximumf %add3A_327, %max3A_329 : vector<16xf32>
        %swap3A_331 = arith.index_cast %scan3A_216 : i32 to index
        %swap3A_332 = arith.constant 96 : index
        %swap3A_333 = tpu.vector_load %arg12[%swap3A_331, %swap3A_332] {strides = array<i32>} : memref<128x128xf32, #tpu.memory_space<vmem>>, vector<1x16xf32>,
        %swap3A_334 = vector.shape_cast %swap3A_333 : vector<1x16xf32> to vector<16xf32>
        %swap3A_335 = vector.shape_cast %max3A_330 : vector<16xf32> to vector<1x16xf32>
        tpu.vector_store %arg12[%swap3A_331, %swap3A_332], %swap3A_335 {strides = array<i32>} : memref<128x128xf32, #tpu.memory_space<vmem>>, vector<1x16xf32>,
        %get3A_336 = arith.index_cast %scan3A_216 : i32 to index
        %get3A_337 = arith.constant 112 : index
        %get3A_338 = tpu.vector_load %arg12[%get3A_336, %get3A_337] {strides = array<i32>} : memref<128x128xf32, #tpu.memory_space<vmem>>, vector<1x16xf32>,
        %get3A_339 = vector.shape_cast %get3A_338 : vector<1x16xf32> to vector<16xf32>
        %get3A_340 = arith.index_cast %scan3A_216 : i32 to index
        %get3A_341 = arith.constant 112 : index
        %get3A_342 = tpu.vector_load %arg13[%get3A_340, %get3A_341] {strides = array<i32>} : memref<128x128xf32, #tpu.memory_space<vmem>>, vector<1x16xf32>,
        %get3A_343 = vector.shape_cast %get3A_342 : vector<1x16xf32> to vector<16xf32>
        %add3A_344 = arith.addf %get3A_339, %get3A_343 : vector<16xf32>
        %max3A_345 = arith.constant 0.000000e+00 : f32
        %max3A_346 = vector.broadcast %max3A_345 : f32 to vector<16xf32>
        %max3A_347 = arith.maximumf %add3A_344, %max3A_346 : vector<16xf32>
        %swap3A_348 = arith.index_cast %scan3A_216 : i32 to index
        %swap3A_349 = arith.constant 112 : index
        %swap3A_350 = tpu.vector_load %arg12[%swap3A_348, %swap3A_349] {strides = array<i32>} : memref<128x128xf32, #tpu.memory_space<vmem>>, vector<1x16xf32>,
        %swap3A_351 = vector.shape_cast %swap3A_350 : vector<1x16xf32> to vector<16xf32>
        %swap3A_352 = vector.shape_cast %max3A_347 : vector<16xf32> to vector<1x16xf32>
        tpu.vector_store %arg12[%swap3A_348, %swap3A_349], %swap3A_352 {strides = array<i32>} : memref<128x128xf32, #tpu.memory_space<vmem>>, vector<1x16xf32>,
        %scan3A_353 = arith.constant 2 : i32
        %scan3A_354 = arith.addi %scan3A_81, %scan3A_353 : i32
        %get3A_355 = arith.index_cast %scan3A_354 : i32 to index
        %get3A_356 = arith.constant 0 : index
        %get3A_357 = tpu.vector_load %arg12[%get3A_355, %get3A_356] {strides = array<i32>} : memref<128x128xf32, #tpu.memory_space<vmem>>, vector<1x16xf32>,
        %get3A_358 = vector.shape_cast %get3A_357 : vector<1x16xf32> to vector<16xf32>
        %get3A_359 = arith.index_cast %scan3A_354 : i32 to index
        %get3A_360 = arith.constant 0 : index
        %get3A_361 = tpu.vector_load %arg13[%get3A_359, %get3A_360] {strides = array<i32>} : memref<128x128xf32, #tpu.memory_space<vmem>>, vector<1x16xf32>,
        %get3A_362 = vector.shape_cast %get3A_361 : vector<1x16xf32> to vector<16xf32>
        %add3A_363 = arith.addf %get3A_358, %get3A_362 : vector<16xf32>
        %max3A_364 = arith.constant 0.000000e+00 : f32
        %max3A_365 = vector.broadcast %max3A_364 : f32 to vector<16xf32>
        %max3A_366 = arith.maximumf %add3A_363, %max3A_365 : vector<16xf32>
        %swap3A_367 = arith.index_cast %scan3A_354 : i32 to index
        %swap3A_368 = arith.constant 0 : index
        %swap3A_369 = tpu.vector_load %arg12[%swap3A_367, %swap3A_368] {strides = array<i32>} : memref<128x128xf32, #tpu.memory_space<vmem>>, vector<1x16xf32>,
        %swap3A_370 = vector.shape_cast %swap3A_369 : vector<1x16xf32> to vector<16xf32>
        %swap3A_371 = vector.shape_cast %max3A_366 : vector<16xf32> to vector<1x16xf32>
        tpu.vector_store %arg12[%swap3A_367, %swap3A_368], %swap3A_371 {strides = array<i32>} : memref<128x128xf32, #tpu.memory_space<vmem>>, vector<1x16xf32>,
        %get3A_372 = arith.index_cast %scan3A_354 : i32 to index
        %get3A_373 = arith.constant 16 : index
        %get3A_374 = tpu.vector_load %arg12[%get3A_372, %get3A_373] {strides = array<i32>} : memref<128x128xf32, #tpu.memory_space<vmem>>, vector<1x16xf32>,
        %get3A_375 = vector.shape_cast %get3A_374 : vector<1x16xf32> to vector<16xf32>
        %get3A_376 = arith.index_cast %scan3A_354 : i32 to index
        %get3A_377 = arith.constant 16 : index
        %get3A_378 = tpu.vector_load %arg13[%get3A_376, %get3A_377] {strides = array<i32>} : memref<128x128xf32, #tpu.memory_space<vmem>>, vector<1x16xf32>,
        %get3A_379 = vector.shape_cast %get3A_378 : vector<1x16xf32> to vector<16xf32>
        %add3A_380 = arith.addf %get3A_375, %get3A_379 : vector<16xf32>
        %max3A_381 = arith.constant 0.000000e+00 : f32
        %max3A_382 = vector.broadcast %max3A_381 : f32 to vector<16xf32>
        %max3A_383 = arith.maximumf %add3A_380, %max3A_382 : vector<16xf32>
        %swap3A_384 = arith.index_cast %scan3A_354 : i32 to index
        %swap3A_385 = arith.constant 16 : index
        %swap3A_386 = tpu.vector_load %arg12[%swap3A_384, %swap3A_385] {strides = array<i32>} : memref<128x128xf32, #tpu.memory_space<vmem>>, vector<1x16xf32>,
        %swap3A_387 = vector.shape_cast %swap3A_386 : vector<1x16xf32> to vector<16xf32>
        %swap3A_388 = vector.shape_cast %max3A_383 : vector<16xf32> to vector<1x16xf32>
        tpu.vector_store %arg12[%swap3A_384, %swap3A_385], %swap3A_388 {strides = array<i32>} : memref<128x128xf32, #tpu.memory_space<vmem>>, vector<1x16xf32>,
        %get3A_389 = arith.index_cast %scan3A_354 : i32 to index
        %get3A_390 = arith.constant 32 : index
        %get3A_391 = tpu.vector_load %arg12[%get3A_389, %get3A_390] {strides = array<i32>} : memref<128x128xf32, #tpu.memory_space<vmem>>, vector<1x16xf32>,
        %get3A_392 = vector.shape_cast %get3A_391 : vector<1x16xf32> to vector<16xf32>
        %get3A_393 = arith.index_cast %scan3A_354 : i32 to index
        %get3A_394 = arith.constant 32 : index
        %get3A_395 = tpu.vector_load %arg13[%get3A_393, %get3A_394] {strides = array<i32>} : memref<128x128xf32, #tpu.memory_space<vmem>>, vector<1x16xf32>,
        %get3A_396 = vector.shape_cast %get3A_395 : vector<1x16xf32> to vector<16xf32>
        %add3A_397 = arith.addf %get3A_392, %get3A_396 : vector<16xf32>
        %max3A_398 = arith.constant 0.000000e+00 : f32
        %max3A_399 = vector.broadcast %max3A_398 : f32 to vector<16xf32>
        %max3A_400 = arith.maximumf %add3A_397, %max3A_399 : vector<16xf32>
        %swap3A_401 = arith.index_cast %scan3A_354 : i32 to index
        %swap3A_402 = arith.constant 32 : index
        %swap3A_403 = tpu.vector_load %arg12[%swap3A_401, %swap3A_402] {strides = array<i32>} : memref<128x128xf32, #tpu.memory_space<vmem>>, vector<1x16xf32>,
        %swap3A_404 = vector.shape_cast %swap3A_403 : vector<1x16xf32> to vector<16xf32>
        %swap3A_405 = vector.shape_cast %max3A_400 : vector<16xf32> to vector<1x16xf32>
        tpu.vector_store %arg12[%swap3A_401, %swap3A_402], %swap3A_405 {strides = array<i32>} : memref<128x128xf32, #tpu.memory_space<vmem>>, vector<1x16xf32>,
        %get3A_406 = arith.index_cast %scan3A_354 : i32 to index
        %get3A_407 = arith.constant 48 : index
        %get3A_408 = tpu.vector_load %arg12[%get3A_406, %get3A_407] {strides = array<i32>} : memref<128x128xf32, #tpu.memory_space<vmem>>, vector<1x16xf32>,
        %get3A_409 = vector.shape_cast %get3A_408 : vector<1x16xf32> to vector<16xf32>
        %get3A_410 = arith.index_cast %scan3A_354 : i32 to index
        %get3A_411 = arith.constant 48 : index
        %get3A_412 = tpu.vector_load %arg13[%get3A_410, %get3A_411] {strides = array<i32>} : memref<128x128xf32, #tpu.memory_space<vmem>>, vector<1x16xf32>,
        %get3A_413 = vector.shape_cast %get3A_412 : vector<1x16xf32> to vector<16xf32>
        %add3A_414 = arith.addf %get3A_409, %get3A_413 : vector<16xf32>
        %max3A_415 = arith.constant 0.000000e+00 : f32
        %max3A_416 = vector.broadcast %max3A_415 : f32 to vector<16xf32>
        %max3A_417 = arith.maximumf %add3A_414, %max3A_416 : vector<16xf32>
        %swap3A_418 = arith.index_cast %scan3A_354 : i32 to index
        %swap3A_419 = arith.constant 48 : index
        %swap3A_420 = tpu.vector_load %arg12[%swap3A_418, %swap3A_419] {strides = array<i32>} : memref<128x128xf32, #tpu.memory_space<vmem>>, vector<1x16xf32>,
        %swap3A_421 = vector.shape_cast %swap3A_420 : vector<1x16xf32> to vector<16xf32>
        %swap3A_422 = vector.shape_cast %max3A_417 : vector<16xf32> to vector<1x16xf32>
        tpu.vector_store %arg12[%swap3A_418, %swap3A_419], %swap3A_422 {strides = array<i32>} : memref<128x128xf32, #tpu.memory_space<vmem>>, vector<1x16xf32>,
        %get3A_423 = arith.index_cast %scan3A_354 : i32 to index
        %get3A_424 = arith.constant 64 : index
        %get3A_425 = tpu.vector_load %arg12[%get3A_423, %get3A_424] {strides = array<i32>} : memref<128x128xf32, #tpu.memory_space<vmem>>, vector<1x16xf32>,
        %get3A_426 = vector.shape_cast %get3A_425 : vector<1x16xf32> to vector<16xf32>
        %get3A_427 = arith.index_cast %scan3A_354 : i32 to index
        %get3A_428 = arith.constant 64 : index
        %get3A_429 = tpu.vector_load %arg13[%get3A_427, %get3A_428] {strides = array<i32>} : memref<128x128xf32, #tpu.memory_space<vmem>>, vector<1x16xf32>,
        %get3A_430 = vector.shape_cast %get3A_429 : vector<1x16xf32> to vector<16xf32>
        %add3A_431 = arith.addf %get3A_426, %get3A_430 : vector<16xf32>
        %max3A_432 = arith.constant 0.000000e+00 : f32
        %max3A_433 = vector.broadcast %max3A_432 : f32 to vector<16xf32>
        %max3A_434 = arith.maximumf %add3A_431, %max3A_433 : vector<16xf32>
        %swap3A_435 = arith.index_cast %scan3A_354 : i32 to index
        %swap3A_436 = arith.constant 64 : index
        %swap3A_437 = tpu.vector_load %arg12[%swap3A_435, %swap3A_436] {strides = array<i32>} : memref<128x128xf32, #tpu.memory_space<vmem>>, vector<1x16xf32>,
        %swap3A_438 = vector.shape_cast %swap3A_437 : vector<1x16xf32> to vector<16xf32>
        %swap3A_439 = vector.shape_cast %max3A_434 : vector<16xf32> to vector<1x16xf32>
        tpu.vector_store %arg12[%swap3A_435, %swap3A_436], %swap3A_439 {strides = array<i32>} : memref<128x128xf32, #tpu.memory_space<vmem>>, vector<1x16xf32>,
        %get3A_440 = arith.index_cast %scan3A_354 : i32 to index
        %get3A_441 = arith.constant 80 : index
        %get3A_442 = tpu.vector_load %arg12[%get3A_440, %get3A_441] {strides = array<i32>} : memref<128x128xf32, #tpu.memory_space<vmem>>, vector<1x16xf32>,
        %get3A_443 = vector.shape_cast %get3A_442 : vector<1x16xf32> to vector<16xf32>
        %get3A_444 = arith.index_cast %scan3A_354 : i32 to index
        %get3A_445 = arith.constant 80 : index
        %get3A_446 = tpu.vector_load %arg13[%get3A_444, %get3A_445] {strides = array<i32>} : memref<128x128xf32, #tpu.memory_space<vmem>>, vector<1x16xf32>,
        %get3A_447 = vector.shape_cast %get3A_446 : vector<1x16xf32> to vector<16xf32>
        %add3A_448 = arith.addf %get3A_443, %get3A_447 : vector<16xf32>
        %max3A_449 = arith.constant 0.000000e+00 : f32
        %max3A_450 = vector.broadcast %max3A_449 : f32 to vector<16xf32>
        %max3A_451 = arith.maximumf %add3A_448, %max3A_450 : vector<16xf32>
        %swap3A_452 = arith.index_cast %scan3A_354 : i32 to index
        %swap3A_453 = arith.constant 80 : index
        %swap3A_454 = tpu.vector_load %arg12[%swap3A_452, %swap3A_453] {strides = array<i32>} : memref<128x128xf32, #tpu.memory_space<vmem>>, vector<1x16xf32>,
        %swap3A_455 = vector.shape_cast %swap3A_454 : vector<1x16xf32> to vector<16xf32>
        %swap3A_456 = vector.shape_cast %max3A_451 : vector<16xf32> to vector<1x16xf32>
        tpu.vector_store %arg12[%swap3A_452, %swap3A_453], %swap3A_456 {strides = array<i32>} : memref<128x128xf32, #tpu.memory_space<vmem>>, vector<1x16xf32>,
        %get3A_457 = arith.index_cast %scan3A_354 : i32 to index
        %get3A_458 = arith.constant 96 : index
        %get3A_459 = tpu.vector_load %arg12[%get3A_457, %get3A_458] {strides = array<i32>} : memref<128x128xf32, #tpu.memory_space<vmem>>, vector<1x16xf32>,
        %get3A_460 = vector.shape_cast %get3A_459 : vector<1x16xf32> to vector<16xf32>
        %get3A_461 = arith.index_cast %scan3A_354 : i32 to index
        %get3A_462 = arith.constant 96 : index
        %get3A_463 = tpu.vector_load %arg13[%get3A_461, %get3A_462] {strides = array<i32>} : memref<128x128xf32, #tpu.memory_space<vmem>>, vector<1x16xf32>,
        %get3A_464 = vector.shape_cast %get3A_463 : vector<1x16xf32> to vector<16xf32>
        %add3A_465 = arith.addf %get3A_460, %get3A_464 : vector<16xf32>
        %max3A_466 = arith.constant 0.000000e+00 : f32
        %max3A_467 = vector.broadcast %max3A_466 : f32 to vector<16xf32>
        %max3A_468 = arith.maximumf %add3A_465, %max3A_467 : vector<16xf32>
        %swap3A_469 = arith.index_cast %scan3A_354 : i32 to index
        %swap3A_470 = arith.constant 96 : index
        %swap3A_471 = tpu.vector_load %arg12[%swap3A_469, %swap3A_470] {strides = array<i32>} : memref<128x128xf32, #tpu.memory_space<vmem>>, vector<1x16xf32>,
        %swap3A_472 = vector.shape_cast %swap3A_471 : vector<1x16xf32> to vector<16xf32>
        %swap3A_473 = vector.shape_cast %max3A_468 : vector<16xf32> to vector<1x16xf32>
        tpu.vector_store %arg12[%swap3A_469, %swap3A_470], %swap3A_473 {strides = array<i32>} : memref<128x128xf32, #tpu.memory_space<vmem>>, vector<1x16xf32>,
        %get3A_474 = arith.index_cast %scan3A_354 : i32 to index
        %get3A_475 = arith.constant 112 : index
        %get3A_476 = tpu.vector_load %arg12[%get3A_474, %get3A_475] {strides = array<i32>} : memref<128x128xf32, #tpu.memory_space<vmem>>, vector<1x16xf32>,
        %get3A_477 = vector.shape_cast %get3A_476 : vector<1x16xf32> to vector<16xf32>
        %get3A_478 = arith.index_cast %scan3A_354 : i32 to index
        %get3A_479 = arith.constant 112 : index
        %get3A_480 = tpu.vector_load %arg13[%get3A_478, %get3A_479] {strides = array<i32>} : memref<128x128xf32, #tpu.memory_space<vmem>>, vector<1x16xf32>,
        %get3A_481 = vector.shape_cast %get3A_480 : vector<1x16xf32> to vector<16xf32>
        %add3A_482 = arith.addf %get3A_477, %get3A_481 : vector<16xf32>
        %max3A_483 = arith.constant 0.000000e+00 : f32
        %max3A_484 = vector.broadcast %max3A_483 : f32 to vector<16xf32>
        %max3A_485 = arith.maximumf %add3A_482, %max3A_484 : vector<16xf32>
        %swap3A_486 = arith.index_cast %scan3A_354 : i32 to index
        %swap3A_487 = arith.constant 112 : index
        %swap3A_488 = tpu.vector_load %arg12[%swap3A_486, %swap3A_487] {strides = array<i32>} : memref<128x128xf32, #tpu.memory_space<vmem>>, vector<1x16xf32>,
        %swap3A_489 = vector.shape_cast %swap3A_488 : vector<1x16xf32> to vector<16xf32>
        %swap3A_490 = vector.shape_cast %max3A_485 : vector<16xf32> to vector<1x16xf32>
        tpu.vector_store %arg12[%swap3A_486, %swap3A_487], %swap3A_490 {strides = array<i32>} : memref<128x128xf32, #tpu.memory_space<vmem>>, vector<1x16xf32>,
        %scan3A_491 = arith.constant 3 : i32
        %scan3A_492 = arith.addi %scan3A_81, %scan3A_491 : i32
        %get3A_493 = arith.index_cast %scan3A_492 : i32 to index
        %get3A_494 = arith.constant 0 : index
        %get3A_495 = tpu.vector_load %arg12[%get3A_493, %get3A_494] {strides = array<i32>} : memref<128x128xf32, #tpu.memory_space<vmem>>, vector<1x16xf32>,
        %get3A_496 = vector.shape_cast %get3A_495 : vector<1x16xf32> to vector<16xf32>
        %get3A_497 = arith.index_cast %scan3A_492 : i32 to index
        %get3A_498 = arith.constant 0 : index
        %get3A_499 = tpu.vector_load %arg13[%get3A_497, %get3A_498] {strides = array<i32>} : memref<128x128xf32, #tpu.memory_space<vmem>>, vector<1x16xf32>,
        %get3A_500 = vector.shape_cast %get3A_499 : vector<1x16xf32> to vector<16xf32>
        %add3A_501 = arith.addf %get3A_496, %get3A_500 : vector<16xf32>
        %max3A_502 = arith.constant 0.000000e+00 : f32
        %max3A_503 = vector.broadcast %max3A_502 : f32 to vector<16xf32>
        %max3A_504 = arith.maximumf %add3A_501, %max3A_503 : vector<16xf32>
        %swap3A_505 = arith.index_cast %scan3A_492 : i32 to index
        %swap3A_506 = arith.constant 0 : index
        %swap3A_507 = tpu.vector_load %arg12[%swap3A_505, %swap3A_506] {strides = array<i32>} : memref<128x128xf32, #tpu.memory_space<vmem>>, vector<1x16xf32>,
        %swap3A_508 = vector.shape_cast %swap3A_507 : vector<1x16xf32> to vector<16xf32>
        %swap3A_509 = vector.shape_cast %max3A_504 : vector<16xf32> to vector<1x16xf32>
        tpu.vector_store %arg12[%swap3A_505, %swap3A_506], %swap3A_509 {strides = array<i32>} : memref<128x128xf32, #tpu.memory_space<vmem>>, vector<1x16xf32>,
        %get3A_510 = arith.index_cast %scan3A_492 : i32 to index
        %get3A_511 = arith.constant 16 : index
        %get3A_512 = tpu.vector_load %arg12[%get3A_510, %get3A_511] {strides = array<i32>} : memref<128x128xf32, #tpu.memory_space<vmem>>, vector<1x16xf32>,
        %get3A_513 = vector.shape_cast %get3A_512 : vector<1x16xf32> to vector<16xf32>
        %get3A_514 = arith.index_cast %scan3A_492 : i32 to index
        %get3A_515 = arith.constant 16 : index
        %get3A_516 = tpu.vector_load %arg13[%get3A_514, %get3A_515] {strides = array<i32>} : memref<128x128xf32, #tpu.memory_space<vmem>>, vector<1x16xf32>,
        %get3A_517 = vector.shape_cast %get3A_516 : vector<1x16xf32> to vector<16xf32>
        %add3A_518 = arith.addf %get3A_513, %get3A_517 : vector<16xf32>
        %max3A_519 = arith.constant 0.000000e+00 : f32
        %max3A_520 = vector.broadcast %max3A_519 : f32 to vector<16xf32>
        %max3A_521 = arith.maximumf %add3A_518, %max3A_520 : vector<16xf32>
        %swap3A_522 = arith.index_cast %scan3A_492 : i32 to index
        %swap3A_523 = arith.constant 16 : index
        %swap3A_524 = tpu.vector_load %arg12[%swap3A_522, %swap3A_523] {strides = array<i32>} : memref<128x128xf32, #tpu.memory_space<vmem>>, vector<1x16xf32>,
        %swap3A_525 = vector.shape_cast %swap3A_524 : vector<1x16xf32> to vector<16xf32>
        %swap3A_526 = vector.shape_cast %max3A_521 : vector<16xf32> to vector<1x16xf32>
        tpu.vector_store %arg12[%swap3A_522, %swap3A_523], %swap3A_526 {strides = array<i32>} : memref<128x128xf32, #tpu.memory_space<vmem>>, vector<1x16xf32>,
        %get3A_527 = arith.index_cast %scan3A_492 : i32 to index
        %get3A_528 = arith.constant 32 : index
        %get3A_529 = tpu.vector_load %arg12[%get3A_527, %get3A_528] {strides = array<i32>} : memref<128x128xf32, #tpu.memory_space<vmem>>, vector<1x16xf32>,
        %get3A_530 = vector.shape_cast %get3A_529 : vector<1x16xf32> to vector<16xf32>
        %get3A_531 = arith.index_cast %scan3A_492 : i32 to index
        %get3A_532 = arith.constant 32 : index
        %get3A_533 = tpu.vector_load %arg13[%get3A_531, %get3A_532] {strides = array<i32>} : memref<128x128xf32, #tpu.memory_space<vmem>>, vector<1x16xf32>,
        %get3A_534 = vector.shape_cast %get3A_533 : vector<1x16xf32> to vector<16xf32>
        %add3A_535 = arith.addf %get3A_530, %get3A_534 : vector<16xf32>
        %max3A_536 = arith.constant 0.000000e+00 : f32
        %max3A_537 = vector.broadcast %max3A_536 : f32 to vector<16xf32>
        %max3A_538 = arith.maximumf %add3A_535, %max3A_537 : vector<16xf32>
        %swap3A_539 = arith.index_cast %scan3A_492 : i32 to index
        %swap3A_540 = arith.constant 32 : index
        %swap3A_541 = tpu.vector_load %arg12[%swap3A_539, %swap3A_540] {strides = array<i32>} : memref<128x128xf32, #tpu.memory_space<vmem>>, vector<1x16xf32>,
        %swap3A_542 = vector.shape_cast %swap3A_541 : vector<1x16xf32> to vector<16xf32>
        %swap3A_543 = vector.shape_cast %max3A_538 : vector<16xf32> to vector<1x16xf32>
        tpu.vector_store %arg12[%swap3A_539, %swap3A_540], %swap3A_543 {strides = array<i32>} : memref<128x128xf32, #tpu.memory_space<vmem>>, vector<1x16xf32>,
        %get3A_544 = arith.index_cast %scan3A_492 : i32 to index
        %get3A_545 = arith.constant 48 : index
        %get3A_546 = tpu.vector_load %arg12[%get3A_544, %get3A_545] {strides = array<i32>} : memref<128x128xf32, #tpu.memory_space<vmem>>, vector<1x16xf32>,
        %get3A_547 = vector.shape_cast %get3A_546 : vector<1x16xf32> to vector<16xf32>
        %get3A_548 = arith.index_cast %scan3A_492 : i32 to index
        %get3A_549 = arith.constant 48 : index
        %get3A_550 = tpu.vector_load %arg13[%get3A_548, %get3A_549] {strides = array<i32>} : memref<128x128xf32, #tpu.memory_space<vmem>>, vector<1x16xf32>,
        %get3A_551 = vector.shape_cast %get3A_550 : vector<1x16xf32> to vector<16xf32>
        %add3A_552 = arith.addf %get3A_547, %get3A_551 : vector<16xf32>
        %max3A_553 = arith.constant 0.000000e+00 : f32
        %max3A_554 = vector.broadcast %max3A_553 : f32 to vector<16xf32>
        %max3A_555 = arith.maximumf %add3A_552, %max3A_554 : vector<16xf32>
        %swap3A_556 = arith.index_cast %scan3A_492 : i32 to index
        %swap3A_557 = arith.constant 48 : index
        %swap3A_558 = tpu.vector_load %arg12[%swap3A_556, %swap3A_557] {strides = array<i32>} : memref<128x128xf32, #tpu.memory_space<vmem>>, vector<1x16xf32>,
        %swap3A_559 = vector.shape_cast %swap3A_558 : vector<1x16xf32> to vector<16xf32>
        %swap3A_560 = vector.shape_cast %max3A_555 : vector<16xf32> to vector<1x16xf32>
        tpu.vector_store %arg12[%swap3A_556, %swap3A_557], %swap3A_560 {strides = array<i32>} : memref<128x128xf32, #tpu.memory_space<vmem>>, vector<1x16xf32>,
        %get3A_561 = arith.index_cast %scan3A_492 : i32 to index
        %get3A_562 = arith.constant 64 : index
        %get3A_563 = tpu.vector_load %arg12[%get3A_561, %get3A_562] {strides = array<i32>} : memref<128x128xf32, #tpu.memory_space<vmem>>, vector<1x16xf32>,
        %get3A_564 = vector.shape_cast %get3A_563 : vector<1x16xf32> to vector<16xf32>
        %get3A_565 = arith.index_cast %scan3A_492 : i32 to index
        %get3A_566 = arith.constant 64 : index
        %get3A_567 = tpu.vector_load %arg13[%get3A_565, %get3A_566] {strides = array<i32>} : memref<128x128xf32, #tpu.memory_space<vmem>>, vector<1x16xf32>,
        %get3A_568 = vector.shape_cast %get3A_567 : vector<1x16xf32> to vector<16xf32>
        %add3A_569 = arith.addf %get3A_564, %get3A_568 : vector<16xf32>
        %max3A_570 = arith.constant 0.000000e+00 : f32
        %max3A_571 = vector.broadcast %max3A_570 : f32 to vector<16xf32>
        %max3A_572 = arith.maximumf %add3A_569, %max3A_571 : vector<16xf32>
        %swap3A_573 = arith.index_cast %scan3A_492 : i32 to index
        %swap3A_574 = arith.constant 64 : index
        %swap3A_575 = tpu.vector_load %arg12[%swap3A_573, %swap3A_574] {strides = array<i32>} : memref<128x128xf32, #tpu.memory_space<vmem>>, vector<1x16xf32>,
        %swap3A_576 = vector.shape_cast %swap3A_575 : vector<1x16xf32> to vector<16xf32>
        %swap3A_577 = vector.shape_cast %max3A_572 : vector<16xf32> to vector<1x16xf32>
        tpu.vector_store %arg12[%swap3A_573, %swap3A_574], %swap3A_577 {strides = array<i32>} : memref<128x128xf32, #tpu.memory_space<vmem>>, vector<1x16xf32>,
        %get3A_578 = arith.index_cast %scan3A_492 : i32 to index
        %get3A_579 = arith.constant 80 : index
        %get3A_580 = tpu.vector_load %arg12[%get3A_578, %get3A_579] {strides = array<i32>} : memref<128x128xf32, #tpu.memory_space<vmem>>, vector<1x16xf32>,
        %get3A_581 = vector.shape_cast %get3A_580 : vector<1x16xf32> to vector<16xf32>
        %get3A_582 = arith.index_cast %scan3A_492 : i32 to index
        %get3A_583 = arith.constant 80 : index
        %get3A_584 = tpu.vector_load %arg13[%get3A_582, %get3A_583] {strides = array<i32>} : memref<128x128xf32, #tpu.memory_space<vmem>>, vector<1x16xf32>,
        %get3A_585 = vector.shape_cast %get3A_584 : vector<1x16xf32> to vector<16xf32>
        %add3A_586 = arith.addf %get3A_581, %get3A_585 : vector<16xf32>
        %max3A_587 = arith.constant 0.000000e+00 : f32
        %max3A_588 = vector.broadcast %max3A_587 : f32 to vector<16xf32>
        %max3A_589 = arith.maximumf %add3A_586, %max3A_588 : vector<16xf32>
        %swap3A_590 = arith.index_cast %scan3A_492 : i32 to index
        %swap3A_591 = arith.constant 80 : index
        %swap3A_592 = tpu.vector_load %arg12[%swap3A_590, %swap3A_591] {strides = array<i32>} : memref<128x128xf32, #tpu.memory_space<vmem>>, vector<1x16xf32>,
        %swap3A_593 = vector.shape_cast %swap3A_592 : vector<1x16xf32> to vector<16xf32>
        %swap3A_594 = vector.shape_cast %max3A_589 : vector<16xf32> to vector<1x16xf32>
        tpu.vector_store %arg12[%swap3A_590, %swap3A_591], %swap3A_594 {strides = array<i32>} : memref<128x128xf32, #tpu.memory_space<vmem>>, vector<1x16xf32>,
        %get3A_595 = arith.index_cast %scan3A_492 : i32 to index
        %get3A_596 = arith.constant 96 : index
        %get3A_597 = tpu.vector_load %arg12[%get3A_595, %get3A_596] {strides = array<i32>} : memref<128x128xf32, #tpu.memory_space<vmem>>, vector<1x16xf32>,
        %get3A_598 = vector.shape_cast %get3A_597 : vector<1x16xf32> to vector<16xf32>
        %get3A_599 = arith.index_cast %scan3A_492 : i32 to index
        %get3A_600 = arith.constant 96 : index
        %get3A_601 = tpu.vector_load %arg13[%get3A_599, %get3A_600] {strides = array<i32>} : memref<128x128xf32, #tpu.memory_space<vmem>>, vector<1x16xf32>,
        %get3A_602 = vector.shape_cast %get3A_601 : vector<1x16xf32> to vector<16xf32>
        %add3A_603 = arith.addf %get3A_598, %get3A_602 : vector<16xf32>
        %max3A_604 = arith.constant 0.000000e+00 : f32
        %max3A_605 = vector.broadcast %max3A_604 : f32 to vector<16xf32>
        %max3A_606 = arith.maximumf %add3A_603, %max3A_605 : vector<16xf32>
        %swap3A_607 = arith.index_cast %scan3A_492 : i32 to index
        %swap3A_608 = arith.constant 96 : index
        %swap3A_609 = tpu.vector_load %arg12[%swap3A_607, %swap3A_608] {strides = array<i32>} : memref<128x128xf32, #tpu.memory_space<vmem>>, vector<1x16xf32>,
        %swap3A_610 = vector.shape_cast %swap3A_609 : vector<1x16xf32> to vector<16xf32>
        %swap3A_611 = vector.shape_cast %max3A_606 : vector<16xf32> to vector<1x16xf32>
        tpu.vector_store %arg12[%swap3A_607, %swap3A_608], %swap3A_611 {strides = array<i32>} : memref<128x128xf32, #tpu.memory_space<vmem>>, vector<1x16xf32>,
        %get3A_612 = arith.index_cast %scan3A_492 : i32 to index
        %get3A_613 = arith.constant 112 : index
        %get3A_614 = tpu.vector_load %arg12[%get3A_612, %get3A_613] {strides = array<i32>} : memref<128x128xf32, #tpu.memory_space<vmem>>, vector<1x16xf32>,
        %get3A_615 = vector.shape_cast %get3A_614 : vector<1x16xf32> to vector<16xf32>
        %get3A_616 = arith.index_cast %scan3A_492 : i32 to index
        %get3A_617 = arith.constant 112 : index
        %get3A_618 = tpu.vector_load %arg13[%get3A_616, %get3A_617] {strides = array<i32>} : memref<128x128xf32, #tpu.memory_space<vmem>>, vector<1x16xf32>,
        %get3A_619 = vector.shape_cast %get3A_618 : vector<1x16xf32> to vector<16xf32>
        %add3A_620 = arith.addf %get3A_615, %get3A_619 : vector<16xf32>
        %max3A_621 = arith.constant 0.000000e+00 : f32
        %max3A_622 = vector.broadcast %max3A_621 : f32 to vector<16xf32>
        %max3A_623 = arith.maximumf %add3A_620, %max3A_622 : vector<16xf32>
        %swap3A_624 = arith.index_cast %scan3A_492 : i32 to index
        %swap3A_625 = arith.constant 112 : index
        %swap3A_626 = tpu.vector_load %arg12[%swap3A_624, %swap3A_625] {strides = array<i32>} : memref<128x128xf32, #tpu.memory_space<vmem>>, vector<1x16xf32>,
        %swap3A_627 = vector.shape_cast %swap3A_626 : vector<1x16xf32> to vector<16xf32>
        %swap3A_628 = vector.shape_cast %max3A_623 : vector<16xf32> to vector<1x16xf32>
        tpu.vector_store %arg12[%swap3A_624, %swap3A_625], %swap3A_628 {strides = array<i32>} : memref<128x128xf32, #tpu.memory_space<vmem>>, vector<1x16xf32>,
        %scan3A_629 = arith.constant 4 : i32
        %scan3A_630 = arith.addi %scan3A_81, %scan3A_629 : i32
        %get3A_631 = arith.index_cast %scan3A_630 : i32 to index
        %get3A_632 = arith.constant 0 : index
        %get3A_633 = tpu.vector_load %arg12[%get3A_631, %get3A_632] {strides = array<i32>} : memref<128x128xf32, #tpu.memory_space<vmem>>, vector<1x16xf32>,
        %get3A_634 = vector.shape_cast %get3A_633 : vector<1x16xf32> to vector<16xf32>
        %get3A_635 = arith.index_cast %scan3A_630 : i32 to index
        %get3A_636 = arith.constant 0 : index
        %get3A_637 = tpu.vector_load %arg13[%get3A_635, %get3A_636] {strides = array<i32>} : memref<128x128xf32, #tpu.memory_space<vmem>>, vector<1x16xf32>,
        %get3A_638 = vector.shape_cast %get3A_637 : vector<1x16xf32> to vector<16xf32>
        %add3A_639 = arith.addf %get3A_634, %get3A_638 : vector<16xf32>
        %max3A_640 = arith.constant 0.000000e+00 : f32
        %max3A_641 = vector.broadcast %max3A_640 : f32 to vector<16xf32>
        %max3A_642 = arith.maximumf %add3A_639, %max3A_641 : vector<16xf32>
        %swap3A_643 = arith.index_cast %scan3A_630 : i32 to index
        %swap3A_644 = arith.constant 0 : index
        %swap3A_645 = tpu.vector_load %arg12[%swap3A_643, %swap3A_644] {strides = array<i32>} : memref<128x128xf32, #tpu.memory_space<vmem>>, vector<1x16xf32>,
        %swap3A_646 = vector.shape_cast %swap3A_645 : vector<1x16xf32> to vector<16xf32>
        %swap3A_647 = vector.shape_cast %max3A_642 : vector<16xf32> to vector<1x16xf32>
        tpu.vector_store %arg12[%swap3A_643, %swap3A_644], %swap3A_647 {strides = array<i32>} : memref<128x128xf32, #tpu.memory_space<vmem>>, vector<1x16xf32>,
        %get3A_648 = arith.index_cast %scan3A_630 : i32 to index
        %get3A_649 = arith.constant 16 : index
        %get3A_650 = tpu.vector_load %arg12[%get3A_648, %get3A_649] {strides = array<i32>} : memref<128x128xf32, #tpu.memory_space<vmem>>, vector<1x16xf32>,
        %get3A_651 = vector.shape_cast %get3A_650 : vector<1x16xf32> to vector<16xf32>
        %get3A_652 = arith.index_cast %scan3A_630 : i32 to index
        %get3A_653 = arith.constant 16 : index
        %get3A_654 = tpu.vector_load %arg13[%get3A_652, %get3A_653] {strides = array<i32>} : memref<128x128xf32, #tpu.memory_space<vmem>>, vector<1x16xf32>,
        %get3A_655 = vector.shape_cast %get3A_654 : vector<1x16xf32> to vector<16xf32>
        %add3A_656 = arith.addf %get3A_651, %get3A_655 : vector<16xf32>
        %max3A_657 = arith.constant 0.000000e+00 : f32
        %max3A_658 = vector.broadcast %max3A_657 : f32 to vector<16xf32>
        %max3A_659 = arith.maximumf %add3A_656, %max3A_658 : vector<16xf32>
        %swap3A_660 = arith.index_cast %scan3A_630 : i32 to index
        %swap3A_661 = arith.constant 16 : index
        %swap3A_662 = tpu.vector_load %arg12[%swap3A_660, %swap3A_661] {strides = array<i32>} : memref<128x128xf32, #tpu.memory_space<vmem>>, vector<1x16xf32>,
        %swap3A_663 = vector.shape_cast %swap3A_662 : vector<1x16xf32> to vector<16xf32>
        %swap3A_664 = vector.shape_cast %max3A_659 : vector<16xf32> to vector<1x16xf32>
        tpu.vector_store %arg12[%swap3A_660, %swap3A_661], %swap3A_664 {strides = array<i32>} : memref<128x128xf32, #tpu.memory_space<vmem>>, vector<1x16xf32>,
        %get3A_665 = arith.index_cast %scan3A_630 : i32 to index
        %get3A_666 = arith.constant 32 : index
        %get3A_667 = tpu.vector_load %arg12[%get3A_665, %get3A_666] {strides = array<i32>} : memref<128x128xf32, #tpu.memory_space<vmem>>, vector<1x16xf32>,
        %get3A_668 = vector.shape_cast %get3A_667 : vector<1x16xf32> to vector<16xf32>
        %get3A_669 = arith.index_cast %scan3A_630 : i32 to index
        %get3A_670 = arith.constant 32 : index
        %get3A_671 = tpu.vector_load %arg13[%get3A_669, %get3A_670] {strides = array<i32>} : memref<128x128xf32, #tpu.memory_space<vmem>>, vector<1x16xf32>,
        %get3A_672 = vector.shape_cast %get3A_671 : vector<1x16xf32> to vector<16xf32>
        %add3A_673 = arith.addf %get3A_668, %get3A_672 : vector<16xf32>
        %max3A_674 = arith.constant 0.000000e+00 : f32
        %max3A_675 = vector.broadcast %max3A_674 : f32 to vector<16xf32>
        %max3A_676 = arith.maximumf %add3A_673, %max3A_675 : vector<16xf32>
        %swap3A_677 = arith.index_cast %scan3A_630 : i32 to index
        %swap3A_678 = arith.constant 32 : index
        %swap3A_679 = tpu.vector_load %arg12[%swap3A_677, %swap3A_678] {strides = array<i32>} : memref<128x128xf32, #tpu.memory_space<vmem>>, vector<1x16xf32>,
        %swap3A_680 = vector.shape_cast %swap3A_679 : vector<1x16xf32> to vector<16xf32>
        %swap3A_681 = vector.shape_cast %max3A_676 : vector<16xf32> to vector<1x16xf32>
        tpu.vector_store %arg12[%swap3A_677, %swap3A_678], %swap3A_681 {strides = array<i32>} : memref<128x128xf32, #tpu.memory_space<vmem>>, vector<1x16xf32>,
        %get3A_682 = arith.index_cast %scan3A_630 : i32 to index
        %get3A_683 = arith.constant 48 : index
        %get3A_684 = tpu.vector_load %arg12[%get3A_682, %get3A_683] {strides = array<i32>} : memref<128x128xf32, #tpu.memory_space<vmem>>, vector<1x16xf32>,
        %get3A_685 = vector.shape_cast %get3A_684 : vector<1x16xf32> to vector<16xf32>
        %get3A_686 = arith.index_cast %scan3A_630 : i32 to index
        %get3A_687 = arith.constant 48 : index
        %get3A_688 = tpu.vector_load %arg13[%get3A_686, %get3A_687] {strides = array<i32>} : memref<128x128xf32, #tpu.memory_space<vmem>>, vector<1x16xf32>,
        %get3A_689 = vector.shape_cast %get3A_688 : vector<1x16xf32> to vector<16xf32>
        %add3A_690 = arith.addf %get3A_685, %get3A_689 : vector<16xf32>
        %max3A_691 = arith.constant 0.000000e+00 : f32
        %max3A_692 = vector.broadcast %max3A_691 : f32 to vector<16xf32>
        %max3A_693 = arith.maximumf %add3A_690, %max3A_692 : vector<16xf32>
        %swap3A_694 = arith.index_cast %scan3A_630 : i32 to index
        %swap3A_695 = arith.constant 48 : index
        %swap3A_696 = tpu.vector_load %arg12[%swap3A_694, %swap3A_695] {strides = array<i32>} : memref<128x128xf32, #tpu.memory_space<vmem>>, vector<1x16xf32>,
        %swap3A_697 = vector.shape_cast %swap3A_696 : vector<1x16xf32> to vector<16xf32>
        %swap3A_698 = vector.shape_cast %max3A_693 : vector<16xf32> to vector<1x16xf32>
        tpu.vector_store %arg12[%swap3A_694, %swap3A_695], %swap3A_698 {strides = array<i32>} : memref<128x128xf32, #tpu.memory_space<vmem>>, vector<1x16xf32>,
        %get3A_699 = arith.index_cast %scan3A_630 : i32 to index
        %get3A_700 = arith.constant 64 : index
        %get3A_701 = tpu.vector_load %arg12[%get3A_699, %get3A_700] {strides = array<i32>} : memref<128x128xf32, #tpu.memory_space<vmem>>, vector<1x16xf32>,
        %get3A_702 = vector.shape_cast %get3A_701 : vector<1x16xf32> to vector<16xf32>
        %get3A_703 = arith.index_cast %scan3A_630 : i32 to index
        %get3A_704 = arith.constant 64 : index
        %get3A_705 = tpu.vector_load %arg13[%get3A_703, %get3A_704] {strides = array<i32>} : memref<128x128xf32, #tpu.memory_space<vmem>>, vector<1x16xf32>,
        %get3A_706 = vector.shape_cast %get3A_705 : vector<1x16xf32> to vector<16xf32>
        %add3A_707 = arith.addf %get3A_702, %get3A_706 : vector<16xf32>
        %max3A_708 = arith.constant 0.000000e+00 : f32
        %max3A_709 = vector.broadcast %max3A_708 : f32 to vector<16xf32>
        %max3A_710 = arith.maximumf %add3A_707, %max3A_709 : vector<16xf32>
        %swap3A_711 = arith.index_cast %scan3A_630 : i32 to index
        %swap3A_712 = arith.constant 64 : index
        %swap3A_713 = tpu.vector_load %arg12[%swap3A_711, %swap3A_712] {strides = array<i32>} : memref<128x128xf32, #tpu.memory_space<vmem>>, vector<1x16xf32>,
        %swap3A_714 = vector.shape_cast %swap3A_713 : vector<1x16xf32> to vector<16xf32>
        %swap3A_715 = vector.shape_cast %max3A_710 : vector<16xf32> to vector<1x16xf32>
        tpu.vector_store %arg12[%swap3A_711, %swap3A_712], %swap3A_715 {strides = array<i32>} : memref<128x128xf32, #tpu.memory_space<vmem>>, vector<1x16xf32>,
        %get3A_716 = arith.index_cast %scan3A_630 : i32 to index
        %get3A_717 = arith.constant 80 : index
        %get3A_718 = tpu.vector_load %arg12[%get3A_716, %get3A_717] {strides = array<i32>} : memref<128x128xf32, #tpu.memory_space<vmem>>, vector<1x16xf32>,
        %get3A_719 = vector.shape_cast %get3A_718 : vector<1x16xf32> to vector<16xf32>
        %get3A_720 = arith.index_cast %scan3A_630 : i32 to index
        %get3A_721 = arith.constant 80 : index
        %get3A_722 = tpu.vector_load %arg13[%get3A_720, %get3A_721] {strides = array<i32>} : memref<128x128xf32, #tpu.memory_space<vmem>>, vector<1x16xf32>,
        %get3A_723 = vector.shape_cast %get3A_722 : vector<1x16xf32> to vector<16xf32>
        %add3A_724 = arith.addf %get3A_719, %get3A_723 : vector<16xf32>
        %max3A_725 = arith.constant 0.000000e+00 : f32
        %max3A_726 = vector.broadcast %max3A_725 : f32 to vector<16xf32>
        %max3A_727 = arith.maximumf %add3A_724, %max3A_726 : vector<16xf32>
        %swap3A_728 = arith.index_cast %scan3A_630 : i32 to index
        %swap3A_729 = arith.constant 80 : index
        %swap3A_730 = tpu.vector_load %arg12[%swap3A_728, %swap3A_729] {strides = array<i32>} : memref<128x128xf32, #tpu.memory_space<vmem>>, vector<1x16xf32>,
        %swap3A_731 = vector.shape_cast %swap3A_730 : vector<1x16xf32> to vector<16xf32>
        %swap3A_732 = vector.shape_cast %max3A_727 : vector<16xf32> to vector<1x16xf32>
        tpu.vector_store %arg12[%swap3A_728, %swap3A_729], %swap3A_732 {strides = array<i32>} : memref<128x128xf32, #tpu.memory_space<vmem>>, vector<1x16xf32>,
        %get3A_733 = arith.index_cast %scan3A_630 : i32 to index
        %get3A_734 = arith.constant 96 : index
        %get3A_735 = tpu.vector_load %arg12[%get3A_733, %get3A_734] {strides = array<i32>} : memref<128x128xf32, #tpu.memory_space<vmem>>, vector<1x16xf32>,
        %get3A_736 = vector.shape_cast %get3A_735 : vector<1x16xf32> to vector<16xf32>
        %get3A_737 = arith.index_cast %scan3A_630 : i32 to index
        %get3A_738 = arith.constant 96 : index
        %get3A_739 = tpu.vector_load %arg13[%get3A_737, %get3A_738] {strides = array<i32>} : memref<128x128xf32, #tpu.memory_space<vmem>>, vector<1x16xf32>,
        %get3A_740 = vector.shape_cast %get3A_739 : vector<1x16xf32> to vector<16xf32>
        %add3A_741 = arith.addf %get3A_736, %get3A_740 : vector<16xf32>
        %max3A_742 = arith.constant 0.000000e+00 : f32
        %max3A_743 = vector.broadcast %max3A_742 : f32 to vector<16xf32>
        %max3A_744 = arith.maximumf %add3A_741, %max3A_743 : vector<16xf32>
        %swap3A_745 = arith.index_cast %scan3A_630 : i32 to index
        %swap3A_746 = arith.constant 96 : index
        %swap3A_747 = tpu.vector_load %arg12[%swap3A_745, %swap3A_746] {strides = array<i32>} : memref<128x128xf32, #tpu.memory_space<vmem>>, vector<1x16xf32>,
        %swap3A_748 = vector.shape_cast %swap3A_747 : vector<1x16xf32> to vector<16xf32>
        %swap3A_749 = vector.shape_cast %max3A_744 : vector<16xf32> to vector<1x16xf32>
        tpu.vector_store %arg12[%swap3A_745, %swap3A_746], %swap3A_749 {strides = array<i32>} : memref<128x128xf32, #tpu.memory_space<vmem>>, vector<1x16xf32>,
        %get3A_750 = arith.index_cast %scan3A_630 : i32 to index
        %get3A_751 = arith.constant 112 : index
        %get3A_752 = tpu.vector_load %arg12[%get3A_750, %get3A_751] {strides = array<i32>} : memref<128x128xf32, #tpu.memory_space<vmem>>, vector<1x16xf32>,
        %get3A_753 = vector.shape_cast %get3A_752 : vector<1x16xf32> to vector<16xf32>
        %get3A_754 = arith.index_cast %scan3A_630 : i32 to index
        %get3A_755 = arith.constant 112 : index
        %get3A_756 = tpu.vector_load %arg13[%get3A_754, %get3A_755] {strides = array<i32>} : memref<128x128xf32, #tpu.memory_space<vmem>>, vector<1x16xf32>,
        %get3A_757 = vector.shape_cast %get3A_756 : vector<1x16xf32> to vector<16xf32>
        %add3A_758 = arith.addf %get3A_753, %get3A_757 : vector<16xf32>
        %max3A_759 = arith.constant 0.000000e+00 : f32
        %max3A_760 = vector.broadcast %max3A_759 : f32 to vector<16xf32>
        %max3A_761 = arith.maximumf %add3A_758, %max3A_760 : vector<16xf32>
        %swap3A_762 = arith.index_cast %scan3A_630 : i32 to index
        %swap3A_763 = arith.constant 112 : index
        %swap3A_764 = tpu.vector_load %arg12[%swap3A_762, %swap3A_763] {strides = array<i32>} : memref<128x128xf32, #tpu.memory_space<vmem>>, vector<1x16xf32>,
        %swap3A_765 = vector.shape_cast %swap3A_764 : vector<1x16xf32> to vector<16xf32>
        %swap3A_766 = vector.shape_cast %max3A_761 : vector<16xf32> to vector<1x16xf32>
        tpu.vector_store %arg12[%swap3A_762, %swap3A_763], %swap3A_766 {strides = array<i32>} : memref<128x128xf32, #tpu.memory_space<vmem>>, vector<1x16xf32>,
        %scan3A_767 = arith.constant 5 : i32
        %scan3A_768 = arith.addi %scan3A_81, %scan3A_767 : i32
        %get3A_769 = arith.index_cast %scan3A_768 : i32 to index
        %get3A_770 = arith.constant 0 : index
        %get3A_771 = tpu.vector_load %arg12[%get3A_769, %get3A_770] {strides = array<i32>} : memref<128x128xf32, #tpu.memory_space<vmem>>, vector<1x16xf32>,
        %get3A_772 = vector.shape_cast %get3A_771 : vector<1x16xf32> to vector<16xf32>
        %get3A_773 = arith.index_cast %scan3A_768 : i32 to index
        %get3A_774 = arith.constant 0 : index
        %get3A_775 = tpu.vector_load %arg13[%get3A_773, %get3A_774] {strides = array<i32>} : memref<128x128xf32, #tpu.memory_space<vmem>>, vector<1x16xf32>,
        %get3A_776 = vector.shape_cast %get3A_775 : vector<1x16xf32> to vector<16xf32>
        %add3A_777 = arith.addf %get3A_772, %get3A_776 : vector<16xf32>
        %max3A_778 = arith.constant 0.000000e+00 : f32
        %max3A_779 = vector.broadcast %max3A_778 : f32 to vector<16xf32>
        %max3A_780 = arith.maximumf %add3A_777, %max3A_779 : vector<16xf32>
        %swap3A_781 = arith.index_cast %scan3A_768 : i32 to index
        %swap3A_782 = arith.constant 0 : index
        %swap3A_783 = tpu.vector_load %arg12[%swap3A_781, %swap3A_782] {strides = array<i32>} : memref<128x128xf32, #tpu.memory_space<vmem>>, vector<1x16xf32>,
        %swap3A_784 = vector.shape_cast %swap3A_783 : vector<1x16xf32> to vector<16xf32>
        %swap3A_785 = vector.shape_cast %max3A_780 : vector<16xf32> to vector<1x16xf32>
        tpu.vector_store %arg12[%swap3A_781, %swap3A_782], %swap3A_785 {strides = array<i32>} : memref<128x128xf32, #tpu.memory_space<vmem>>, vector<1x16xf32>,
        %get3A_786 = arith.index_cast %scan3A_768 : i32 to index
        %get3A_787 = arith.constant 16 : index
        %get3A_788 = tpu.vector_load %arg12[%get3A_786, %get3A_787] {strides = array<i32>} : memref<128x128xf32, #tpu.memory_space<vmem>>, vector<1x16xf32>,
        %get3A_789 = vector.shape_cast %get3A_788 : vector<1x16xf32> to vector<16xf32>
        %get3A_790 = arith.index_cast %scan3A_768 : i32 to index
        %get3A_791 = arith.constant 16 : index
        %get3A_792 = tpu.vector_load %arg13[%get3A_790, %get3A_791] {strides = array<i32>} : memref<128x128xf32, #tpu.memory_space<vmem>>, vector<1x16xf32>,
        %get3A_793 = vector.shape_cast %get3A_792 : vector<1x16xf32> to vector<16xf32>
        %add3A_794 = arith.addf %get3A_789, %get3A_793 : vector<16xf32>
        %max3A_795 = arith.constant 0.000000e+00 : f32
        %max3A_796 = vector.broadcast %max3A_795 : f32 to vector<16xf32>
        %max3A_797 = arith.maximumf %add3A_794, %max3A_796 : vector<16xf32>
        %swap3A_798 = arith.index_cast %scan3A_768 : i32 to index
        %swap3A_799 = arith.constant 16 : index
        %swap3A_800 = tpu.vector_load %arg12[%swap3A_798, %swap3A_799] {strides = array<i32>} : memref<128x128xf32, #tpu.memory_space<vmem>>, vector<1x16xf32>,
        %swap3A_801 = vector.shape_cast %swap3A_800 : vector<1x16xf32> to vector<16xf32>
        %swap3A_802 = vector.shape_cast %max3A_797 : vector<16xf32> to vector<1x16xf32>
        tpu.vector_store %arg12[%swap3A_798, %swap3A_799], %swap3A_802 {strides = array<i32>} : memref<128x128xf32, #tpu.memory_space<vmem>>, vector<1x16xf32>,
        %get3A_803 = arith.index_cast %scan3A_768 : i32 to index
        %get3A_804 = arith.constant 32 : index
        %get3A_805 = tpu.vector_load %arg12[%get3A_803, %get3A_804] {strides = array<i32>} : memref<128x128xf32, #tpu.memory_space<vmem>>, vector<1x16xf32>,
        %get3A_806 = vector.shape_cast %get3A_805 : vector<1x16xf32> to vector<16xf32>
        %get3A_807 = arith.index_cast %scan3A_768 : i32 to index
        %get3A_808 = arith.constant 32 : index
        %get3A_809 = tpu.vector_load %arg13[%get3A_807, %get3A_808] {strides = array<i32>} : memref<128x128xf32, #tpu.memory_space<vmem>>, vector<1x16xf32>,
        %get3A_810 = vector.shape_cast %get3A_809 : vector<1x16xf32> to vector<16xf32>
        %add3A_811 = arith.addf %get3A_806, %get3A_810 : vector<16xf32>
        %max3A_812 = arith.constant 0.000000e+00 : f32
        %max3A_813 = vector.broadcast %max3A_812 : f32 to vector<16xf32>
        %max3A_814 = arith.maximumf %add3A_811, %max3A_813 : vector<16xf32>
        %swap3A_815 = arith.index_cast %scan3A_768 : i32 to index
        %swap3A_816 = arith.constant 32 : index
        %swap3A_817 = tpu.vector_load %arg12[%swap3A_815, %swap3A_816] {strides = array<i32>} : memref<128x128xf32, #tpu.memory_space<vmem>>, vector<1x16xf32>,
        %swap3A_818 = vector.shape_cast %swap3A_817 : vector<1x16xf32> to vector<16xf32>
        %swap3A_819 = vector.shape_cast %max3A_814 : vector<16xf32> to vector<1x16xf32>
        tpu.vector_store %arg12[%swap3A_815, %swap3A_816], %swap3A_819 {strides = array<i32>} : memref<128x128xf32, #tpu.memory_space<vmem>>, vector<1x16xf32>,
        %get3A_820 = arith.index_cast %scan3A_768 : i32 to index
        %get3A_821 = arith.constant 48 : index
        %get3A_822 = tpu.vector_load %arg12[%get3A_820, %get3A_821] {strides = array<i32>} : memref<128x128xf32, #tpu.memory_space<vmem>>, vector<1x16xf32>,
        %get3A_823 = vector.shape_cast %get3A_822 : vector<1x16xf32> to vector<16xf32>
        %get3A_824 = arith.index_cast %scan3A_768 : i32 to index
        %get3A_825 = arith.constant 48 : index
        %get3A_826 = tpu.vector_load %arg13[%get3A_824, %get3A_825] {strides = array<i32>} : memref<128x128xf32, #tpu.memory_space<vmem>>, vector<1x16xf32>,
        %get3A_827 = vector.shape_cast %get3A_826 : vector<1x16xf32> to vector<16xf32>
        %add3A_828 = arith.addf %get3A_823, %get3A_827 : vector<16xf32>
        %max3A_829 = arith.constant 0.000000e+00 : f32
        %max3A_830 = vector.broadcast %max3A_829 : f32 to vector<16xf32>
        %max3A_831 = arith.maximumf %add3A_828, %max3A_830 : vector<16xf32>
        %swap3A_832 = arith.index_cast %scan3A_768 : i32 to index
        %swap3A_833 = arith.constant 48 : index
        %swap3A_834 = tpu.vector_load %arg12[%swap3A_832, %swap3A_833] {strides = array<i32>} : memref<128x128xf32, #tpu.memory_space<vmem>>, vector<1x16xf32>,
        %swap3A_835 = vector.shape_cast %swap3A_834 : vector<1x16xf32> to vector<16xf32>
        %swap3A_836 = vector.shape_cast %max3A_831 : vector<16xf32> to vector<1x16xf32>
        tpu.vector_store %arg12[%swap3A_832, %swap3A_833], %swap3A_836 {strides = array<i32>} : memref<128x128xf32, #tpu.memory_space<vmem>>, vector<1x16xf32>,
        %get3A_837 = arith.index_cast %scan3A_768 : i32 to index
        %get3A_838 = arith.constant 64 : index
        %get3A_839 = tpu.vector_load %arg12[%get3A_837, %get3A_838] {strides = array<i32>} : memref<128x128xf32, #tpu.memory_space<vmem>>, vector<1x16xf32>,
        %get3A_840 = vector.shape_cast %get3A_839 : vector<1x16xf32> to vector<16xf32>
        %get3A_841 = arith.index_cast %scan3A_768 : i32 to index
        %get3A_842 = arith.constant 64 : index
        %get3A_843 = tpu.vector_load %arg13[%get3A_841, %get3A_842] {strides = array<i32>} : memref<128x128xf32, #tpu.memory_space<vmem>>, vector<1x16xf32>,
        %get3A_844 = vector.shape_cast %get3A_843 : vector<1x16xf32> to vector<16xf32>
        %add3A_845 = arith.addf %get3A_840, %get3A_844 : vector<16xf32>
        %max3A_846 = arith.constant 0.000000e+00 : f32
        %max3A_847 = vector.broadcast %max3A_846 : f32 to vector<16xf32>
        %max3A_848 = arith.maximumf %add3A_845, %max3A_847 : vector<16xf32>
        %swap3A_849 = arith.index_cast %scan3A_768 : i32 to index
        %swap3A_850 = arith.constant 64 : index
        %swap3A_851 = tpu.vector_load %arg12[%swap3A_849, %swap3A_850] {strides = array<i32>} : memref<128x128xf32, #tpu.memory_space<vmem>>, vector<1x16xf32>,
        %swap3A_852 = vector.shape_cast %swap3A_851 : vector<1x16xf32> to vector<16xf32>
        %swap3A_853 = vector.shape_cast %max3A_848 : vector<16xf32> to vector<1x16xf32>
        tpu.vector_store %arg12[%swap3A_849, %swap3A_850], %swap3A_853 {strides = array<i32>} : memref<128x128xf32, #tpu.memory_space<vmem>>, vector<1x16xf32>,
        %get3A_854 = arith.index_cast %scan3A_768 : i32 to index
        %get3A_855 = arith.constant 80 : index
        %get3A_856 = tpu.vector_load %arg12[%get3A_854, %get3A_855] {strides = array<i32>} : memref<128x128xf32, #tpu.memory_space<vmem>>, vector<1x16xf32>,
        %get3A_857 = vector.shape_cast %get3A_856 : vector<1x16xf32> to vector<16xf32>
        %get3A_858 = arith.index_cast %scan3A_768 : i32 to index
        %get3A_859 = arith.constant 80 : index
        %get3A_860 = tpu.vector_load %arg13[%get3A_858, %get3A_859] {strides = array<i32>} : memref<128x128xf32, #tpu.memory_space<vmem>>, vector<1x16xf32>,
        %get3A_861 = vector.shape_cast %get3A_860 : vector<1x16xf32> to vector<16xf32>
        %add3A_862 = arith.addf %get3A_857, %get3A_861 : vector<16xf32>
        %max3A_863 = arith.constant 0.000000e+00 : f32
        %max3A_864 = vector.broadcast %max3A_863 : f32 to vector<16xf32>
        %max3A_865 = arith.maximumf %add3A_862, %max3A_864 : vector<16xf32>
        %swap3A_866 = arith.index_cast %scan3A_768 : i32 to index
        %swap3A_867 = arith.constant 80 : index
        %swap3A_868 = tpu.vector_load %arg12[%swap3A_866, %swap3A_867] {strides = array<i32>} : memref<128x128xf32, #tpu.memory_space<vmem>>, vector<1x16xf32>,
        %swap3A_869 = vector.shape_cast %swap3A_868 : vector<1x16xf32> to vector<16xf32>
        %swap3A_870 = vector.shape_cast %max3A_865 : vector<16xf32> to vector<1x16xf32>
        tpu.vector_store %arg12[%swap3A_866, %swap3A_867], %swap3A_870 {strides = array<i32>} : memref<128x128xf32, #tpu.memory_space<vmem>>, vector<1x16xf32>,
        %get3A_871 = arith.index_cast %scan3A_768 : i32 to index
        %get3A_872 = arith.constant 96 : index
        %get3A_873 = tpu.vector_load %arg12[%get3A_871, %get3A_872] {strides = array<i32>} : memref<128x128xf32, #tpu.memory_space<vmem>>, vector<1x16xf32>,
        %get3A_874 = vector.shape_cast %get3A_873 : vector<1x16xf32> to vector<16xf32>
        %get3A_875 = arith.index_cast %scan3A_768 : i32 to index
        %get3A_876 = arith.constant 96 : index
        %get3A_877 = tpu.vector_load %arg13[%get3A_875, %get3A_876] {strides = array<i32>} : memref<128x128xf32, #tpu.memory_space<vmem>>, vector<1x16xf32>,
        %get3A_878 = vector.shape_cast %get3A_877 : vector<1x16xf32> to vector<16xf32>
        %add3A_879 = arith.addf %get3A_874, %get3A_878 : vector<16xf32>
        %max3A_880 = arith.constant 0.000000e+00 : f32
        %max3A_881 = vector.broadcast %max3A_880 : f32 to vector<16xf32>
        %max3A_882 = arith.maximumf %add3A_879, %max3A_881 : vector<16xf32>
        %swap3A_883 = arith.index_cast %scan3A_768 : i32 to index
        %swap3A_884 = arith.constant 96 : index
        %swap3A_885 = tpu.vector_load %arg12[%swap3A_883, %swap3A_884] {strides = array<i32>} : memref<128x128xf32, #tpu.memory_space<vmem>>, vector<1x16xf32>,
        %swap3A_886 = vector.shape_cast %swap3A_885 : vector<1x16xf32> to vector<16xf32>
        %swap3A_887 = vector.shape_cast %max3A_882 : vector<16xf32> to vector<1x16xf32>
        tpu.vector_store %arg12[%swap3A_883, %swap3A_884], %swap3A_887 {strides = array<i32>} : memref<128x128xf32, #tpu.memory_space<vmem>>, vector<1x16xf32>,
        %get3A_888 = arith.index_cast %scan3A_768 : i32 to index
        %get3A_889 = arith.constant 112 : index
        %get3A_890 = tpu.vector_load %arg12[%get3A_888, %get3A_889] {strides = array<i32>} : memref<128x128xf32, #tpu.memory_space<vmem>>, vector<1x16xf32>,
        %get3A_891 = vector.shape_cast %get3A_890 : vector<1x16xf32> to vector<16xf32>
        %get3A_892 = arith.index_cast %scan3A_768 : i32 to index
        %get3A_893 = arith.constant 112 : index
        %get3A_894 = tpu.vector_load %arg13[%get3A_892, %get3A_893] {strides = array<i32>} : memref<128x128xf32, #tpu.memory_space<vmem>>, vector<1x16xf32>,
        %get3A_895 = vector.shape_cast %get3A_894 : vector<1x16xf32> to vector<16xf32>
        %add3A_896 = arith.addf %get3A_891, %get3A_895 : vector<16xf32>
        %max3A_897 = arith.constant 0.000000e+00 : f32
        %max3A_898 = vector.broadcast %max3A_897 : f32 to vector<16xf32>
        %max3A_899 = arith.maximumf %add3A_896, %max3A_898 : vector<16xf32>
        %swap3A_900 = arith.index_cast %scan3A_768 : i32 to index
        %swap3A_901 = arith.constant 112 : index
        %swap3A_902 = tpu.vector_load %arg12[%swap3A_900, %swap3A_901] {strides = array<i32>} : memref<128x128xf32, #tpu.memory_space<vmem>>, vector<1x16xf32>,
        %swap3A_903 = vector.shape_cast %swap3A_902 : vector<1x16xf32> to vector<16xf32>
        %swap3A_904 = vector.shape_cast %max3A_899 : vector<16xf32> to vector<1x16xf32>
        tpu.vector_store %arg12[%swap3A_900, %swap3A_901], %swap3A_904 {strides = array<i32>} : memref<128x128xf32, #tpu.memory_space<vmem>>, vector<1x16xf32>,
        %scan3A_905 = arith.constant 6 : i32
        %scan3A_906 = arith.addi %scan3A_81, %scan3A_905 : i32
        %get3A_907 = arith.index_cast %scan3A_906 : i32 to index
        %get3A_908 = arith.constant 0 : index
        %get3A_909 = tpu.vector_load %arg12[%get3A_907, %get3A_908] {strides = array<i32>} : memref<128x128xf32, #tpu.memory_space<vmem>>, vector<1x16xf32>,
        %get3A_910 = vector.shape_cast %get3A_909 : vector<1x16xf32> to vector<16xf32>
        %get3A_911 = arith.index_cast %scan3A_906 : i32 to index
        %get3A_912 = arith.constant 0 : index
        %get3A_913 = tpu.vector_load %arg13[%get3A_911, %get3A_912] {strides = array<i32>} : memref<128x128xf32, #tpu.memory_space<vmem>>, vector<1x16xf32>,
        %get3A_914 = vector.shape_cast %get3A_913 : vector<1x16xf32> to vector<16xf32>
        %add3A_915 = arith.addf %get3A_910, %get3A_914 : vector<16xf32>
        %max3A_916 = arith.constant 0.000000e+00 : f32
        %max3A_917 = vector.broadcast %max3A_916 : f32 to vector<16xf32>
        %max3A_918 = arith.maximumf %add3A_915, %max3A_917 : vector<16xf32>
        %swap3A_919 = arith.index_cast %scan3A_906 : i32 to index
        %swap3A_920 = arith.constant 0 : index
        %swap3A_921 = tpu.vector_load %arg12[%swap3A_919, %swap3A_920] {strides = array<i32>} : memref<128x128xf32, #tpu.memory_space<vmem>>, vector<1x16xf32>,
        %swap3A_922 = vector.shape_cast %swap3A_921 : vector<1x16xf32> to vector<16xf32>
        %swap3A_923 = vector.shape_cast %max3A_918 : vector<16xf32> to vector<1x16xf32>
        tpu.vector_store %arg12[%swap3A_919, %swap3A_920], %swap3A_923 {strides = array<i32>} : memref<128x128xf32, #tpu.memory_space<vmem>>, vector<1x16xf32>,
        %get3A_924 = arith.index_cast %scan3A_906 : i32 to index
        %get3A_925 = arith.constant 16 : index
        %get3A_926 = tpu.vector_load %arg12[%get3A_924, %get3A_925] {strides = array<i32>} : memref<128x128xf32, #tpu.memory_space<vmem>>, vector<1x16xf32>,
        %get3A_927 = vector.shape_cast %get3A_926 : vector<1x16xf32> to vector<16xf32>
        %get3A_928 = arith.index_cast %scan3A_906 : i32 to index
        %get3A_929 = arith.constant 16 : index
        %get3A_930 = tpu.vector_load %arg13[%get3A_928, %get3A_929] {strides = array<i32>} : memref<128x128xf32, #tpu.memory_space<vmem>>, vector<1x16xf32>,
        %get3A_931 = vector.shape_cast %get3A_930 : vector<1x16xf32> to vector<16xf32>
        %add3A_932 = arith.addf %get3A_927, %get3A_931 : vector<16xf32>
        %max3A_933 = arith.constant 0.000000e+00 : f32
        %max3A_934 = vector.broadcast %max3A_933 : f32 to vector<16xf32>
        %max3A_935 = arith.maximumf %add3A_932, %max3A_934 : vector<16xf32>
        %swap3A_936 = arith.index_cast %scan3A_906 : i32 to index
        %swap3A_937 = arith.constant 16 : index
        %swap3A_938 = tpu.vector_load %arg12[%swap3A_936, %swap3A_937] {strides = array<i32>} : memref<128x128xf32, #tpu.memory_space<vmem>>, vector<1x16xf32>,
        %swap3A_939 = vector.shape_cast %swap3A_938 : vector<1x16xf32> to vector<16xf32>
        %swap3A_940 = vector.shape_cast %max3A_935 : vector<16xf32> to vector<1x16xf32>
        tpu.vector_store %arg12[%swap3A_936, %swap3A_937], %swap3A_940 {strides = array<i32>} : memref<128x128xf32, #tpu.memory_space<vmem>>, vector<1x16xf32>,
        %get3A_941 = arith.index_cast %scan3A_906 : i32 to index
        %get3A_942 = arith.constant 32 : index
        %get3A_943 = tpu.vector_load %arg12[%get3A_941, %get3A_942] {strides = array<i32>} : memref<128x128xf32, #tpu.memory_space<vmem>>, vector<1x16xf32>,
        %get3A_944 = vector.shape_cast %get3A_943 : vector<1x16xf32> to vector<16xf32>
        %get3A_945 = arith.index_cast %scan3A_906 : i32 to index
        %get3A_946 = arith.constant 32 : index
        %get3A_947 = tpu.vector_load %arg13[%get3A_945, %get3A_946] {strides = array<i32>} : memref<128x128xf32, #tpu.memory_space<vmem>>, vector<1x16xf32>,
        %get3A_948 = vector.shape_cast %get3A_947 : vector<1x16xf32> to vector<16xf32>
        %add3A_949 = arith.addf %get3A_944, %get3A_948 : vector<16xf32>
        %max3A_950 = arith.constant 0.000000e+00 : f32
        %max3A_951 = vector.broadcast %max3A_950 : f32 to vector<16xf32>
        %max3A_952 = arith.maximumf %add3A_949, %max3A_951 : vector<16xf32>
        %swap3A_953 = arith.index_cast %scan3A_906 : i32 to index
        %swap3A_954 = arith.constant 32 : index
        %swap3A_955 = tpu.vector_load %arg12[%swap3A_953, %swap3A_954] {strides = array<i32>} : memref<128x128xf32, #tpu.memory_space<vmem>>, vector<1x16xf32>,
        %swap3A_956 = vector.shape_cast %swap3A_955 : vector<1x16xf32> to vector<16xf32>
        %swap3A_957 = vector.shape_cast %max3A_952 : vector<16xf32> to vector<1x16xf32>
        tpu.vector_store %arg12[%swap3A_953, %swap3A_954], %swap3A_957 {strides = array<i32>} : memref<128x128xf32, #tpu.memory_space<vmem>>, vector<1x16xf32>,
        %get3A_958 = arith.index_cast %scan3A_906 : i32 to index
        %get3A_959 = arith.constant 48 : index
        %get3A_960 = tpu.vector_load %arg12[%get3A_958, %get3A_959] {strides = array<i32>} : memref<128x128xf32, #tpu.memory_space<vmem>>, vector<1x16xf32>,
        %get3A_961 = vector.shape_cast %get3A_960 : vector<1x16xf32> to vector<16xf32>
        %get3A_962 = arith.index_cast %scan3A_906 : i32 to index
        %get3A_963 = arith.constant 48 : index
        %get3A_964 = tpu.vector_load %arg13[%get3A_962, %get3A_963] {strides = array<i32>} : memref<128x128xf32, #tpu.memory_space<vmem>>, vector<1x16xf32>,
        %get3A_965 = vector.shape_cast %get3A_964 : vector<1x16xf32> to vector<16xf32>
        %add3A_966 = arith.addf %get3A_961, %get3A_965 : vector<16xf32>
        %max3A_967 = arith.constant 0.000000e+00 : f32
        %max3A_968 = vector.broadcast %max3A_967 : f32 to vector<16xf32>
        %max3A_969 = arith.maximumf %add3A_966, %max3A_968 : vector<16xf32>
        %swap3A_970 = arith.index_cast %scan3A_906 : i32 to index
        %swap3A_971 = arith.constant 48 : index
        %swap3A_972 = tpu.vector_load %arg12[%swap3A_970, %swap3A_971] {strides = array<i32>} : memref<128x128xf32, #tpu.memory_space<vmem>>, vector<1x16xf32>,
        %swap3A_973 = vector.shape_cast %swap3A_972 : vector<1x16xf32> to vector<16xf32>
        %swap3A_974 = vector.shape_cast %max3A_969 : vector<16xf32> to vector<1x16xf32>
        tpu.vector_store %arg12[%swap3A_970, %swap3A_971], %swap3A_974 {strides = array<i32>} : memref<128x128xf32, #tpu.memory_space<vmem>>, vector<1x16xf32>,
        %get3A_975 = arith.index_cast %scan3A_906 : i32 to index
        %get3A_976 = arith.constant 64 : index
        %get3A_977 = tpu.vector_load %arg12[%get3A_975, %get3A_976] {strides = array<i32>} : memref<128x128xf32, #tpu.memory_space<vmem>>, vector<1x16xf32>,
        %get3A_978 = vector.shape_cast %get3A_977 : vector<1x16xf32> to vector<16xf32>
        %get3A_979 = arith.index_cast %scan3A_906 : i32 to index
        %get3A_980 = arith.constant 64 : index
        %get3A_981 = tpu.vector_load %arg13[%get3A_979, %get3A_980] {strides = array<i32>} : memref<128x128xf32, #tpu.memory_space<vmem>>, vector<1x16xf32>,
        %get3A_982 = vector.shape_cast %get3A_981 : vector<1x16xf32> to vector<16xf32>
        %add3A_983 = arith.addf %get3A_978, %get3A_982 : vector<16xf32>
        %max3A_984 = arith.constant 0.000000e+00 : f32
        %max3A_985 = vector.broadcast %max3A_984 : f32 to vector<16xf32>
        %max3A_986 = arith.maximumf %add3A_983, %max3A_985 : vector<16xf32>
        %swap3A_987 = arith.index_cast %scan3A_906 : i32 to index
        %swap3A_988 = arith.constant 64 : index
        %swap3A_989 = tpu.vector_load %arg12[%swap3A_987, %swap3A_988] {strides = array<i32>} : memref<128x128xf32, #tpu.memory_space<vmem>>, vector<1x16xf32>,
        %swap3A_990 = vector.shape_cast %swap3A_989 : vector<1x16xf32> to vector<16xf32>
        %swap3A_991 = vector.shape_cast %max3A_986 : vector<16xf32> to vector<1x16xf32>
        tpu.vector_store %arg12[%swap3A_987, %swap3A_988], %swap3A_991 {strides = array<i32>} : memref<128x128xf32, #tpu.memory_space<vmem>>, vector<1x16xf32>,
        %get3A_992 = arith.index_cast %scan3A_906 : i32 to index
        %get3A_993 = arith.constant 80 : index
        %get3A_994 = tpu.vector_load %arg12[%get3A_992, %get3A_993] {strides = array<i32>} : memref<128x128xf32, #tpu.memory_space<vmem>>, vector<1x16xf32>,
        %get3A_995 = vector.shape_cast %get3A_994 : vector<1x16xf32> to vector<16xf32>
        %get3A_996 = arith.index_cast %scan3A_906 : i32 to index
        %get3A_997 = arith.constant 80 : index
        %get3A_998 = tpu.vector_load %arg13[%get3A_996, %get3A_997] {strides = array<i32>} : memref<128x128xf32, #tpu.memory_space<vmem>>, vector<1x16xf32>,
        %get3A_999 = vector.shape_cast %get3A_998 : vector<1x16xf32> to vector<16xf32>
        %add3A_1000 = arith.addf %get3A_995, %get3A_999 : vector<16xf32>
        %max3A_1001 = arith.constant 0.000000e+00 : f32
        %max3A_1002 = vector.broadcast %max3A_1001 : f32 to vector<16xf32>
        %max3A_1003 = arith.maximumf %add3A_1000, %max3A_1002 : vector<16xf32>
        %swap3A_1004 = arith.index_cast %scan3A_906 : i32 to index
        %swap3A_1005 = arith.constant 80 : index
        %swap3A_1006 = tpu.vector_load %arg12[%swap3A_1004, %swap3A_1005] {strides = array<i32>} : memref<128x128xf32, #tpu.memory_space<vmem>>, vector<1x16xf32>,
        %swap3A_1007 = vector.shape_cast %swap3A_1006 : vector<1x16xf32> to vector<16xf32>
        %swap3A_1008 = vector.shape_cast %max3A_1003 : vector<16xf32> to vector<1x16xf32>
        tpu.vector_store %arg12[%swap3A_1004, %swap3A_1005], %swap3A_1008 {strides = array<i32>} : memref<128x128xf32, #tpu.memory_space<vmem>>, vector<1x16xf32>,
        %get3A_1009 = arith.index_cast %scan3A_906 : i32 to index
        %get3A_1010 = arith.constant 96 : index
        %get3A_1011 = tpu.vector_load %arg12[%get3A_1009, %get3A_1010] {strides = array<i32>} : memref<128x128xf32, #tpu.memory_space<vmem>>, vector<1x16xf32>,
        %get3A_1012 = vector.shape_cast %get3A_1011 : vector<1x16xf32> to vector<16xf32>
        %get3A_1013 = arith.index_cast %scan3A_906 : i32 to index
        %get3A_1014 = arith.constant 96 : index
        %get3A_1015 = tpu.vector_load %arg13[%get3A_1013, %get3A_1014] {strides = array<i32>} : memref<128x128xf32, #tpu.memory_space<vmem>>, vector<1x16xf32>,
        %get3A_1016 = vector.shape_cast %get3A_1015 : vector<1x16xf32> to vector<16xf32>
        %add3A_1017 = arith.addf %get3A_1012, %get3A_1016 : vector<16xf32>
        %max3A_1018 = arith.constant 0.000000e+00 : f32
        %max3A_1019 = vector.broadcast %max3A_1018 : f32 to vector<16xf32>
        %max3A_1020 = arith.maximumf %add3A_1017, %max3A_1019 : vector<16xf32>
        %swap3A_1021 = arith.index_cast %scan3A_906 : i32 to index
        %swap3A_1022 = arith.constant 96 : index
        %swap3A_1023 = tpu.vector_load %arg12[%swap3A_1021, %swap3A_1022] {strides = array<i32>} : memref<128x128xf32, #tpu.memory_space<vmem>>, vector<1x16xf32>,
        %swap3A_1024 = vector.shape_cast %swap3A_1023 : vector<1x16xf32> to vector<16xf32>
        %swap3A_1025 = vector.shape_cast %max3A_1020 : vector<16xf32> to vector<1x16xf32>
        tpu.vector_store %arg12[%swap3A_1021, %swap3A_1022], %swap3A_1025 {strides = array<i32>} : memref<128x128xf32, #tpu.memory_space<vmem>>, vector<1x16xf32>,
        %get3A_1026 = arith.index_cast %scan3A_906 : i32 to index
        %get3A_1027 = arith.constant 112 : index
        %get3A_1028 = tpu.vector_load %arg12[%get3A_1026, %get3A_1027] {strides = array<i32>} : memref<128x128xf32, #tpu.memory_space<vmem>>, vector<1x16xf32>,
        %get3A_1029 = vector.shape_cast %get3A_1028 : vector<1x16xf32> to vector<16xf32>
        %get3A_1030 = arith.index_cast %scan3A_906 : i32 to index
        %get3A_1031 = arith.constant 112 : index
        %get3A_1032 = tpu.vector_load %arg13[%get3A_1030, %get3A_1031] {strides = array<i32>} : memref<128x128xf32, #tpu.memory_space<vmem>>, vector<1x16xf32>,
        %get3A_1033 = vector.shape_cast %get3A_1032 : vector<1x16xf32> to vector<16xf32>
        %add3A_1034 = arith.addf %get3A_1029, %get3A_1033 : vector<16xf32>
        %max3A_1035 = arith.constant 0.000000e+00 : f32
        %max3A_1036 = vector.broadcast %max3A_1035 : f32 to vector<16xf32>
        %max3A_1037 = arith.maximumf %add3A_1034, %max3A_1036 : vector<16xf32>
        %swap3A_1038 = arith.index_cast %scan3A_906 : i32 to index
        %swap3A_1039 = arith.constant 112 : index
        %swap3A_1040 = tpu.vector_load %arg12[%swap3A_1038, %swap3A_1039] {strides = array<i32>} : memref<128x128xf32, #tpu.memory_space<vmem>>, vector<1x16xf32>,
        %swap3A_1041 = vector.shape_cast %swap3A_1040 : vector<1x16xf32> to vector<16xf32>
        %swap3A_1042 = vector.shape_cast %max3A_1037 : vector<16xf32> to vector<1x16xf32>
        tpu.vector_store %arg12[%swap3A_1038, %swap3A_1039], %swap3A_1042 {strides = array<i32>} : memref<128x128xf32, #tpu.memory_space<vmem>>, vector<1x16xf32>,
        %scan3A_1043 = arith.constant 7 : i32
        %scan3A_1044 = arith.addi %scan3A_81, %scan3A_1043 : i32
        %get3A_1045 = arith.index_cast %scan3A_1044 : i32 to index
        %get3A_1046 = arith.constant 0 : index
        %get3A_1047 = tpu.vector_load %arg12[%get3A_1045, %get3A_1046] {strides = array<i32>} : memref<128x128xf32, #tpu.memory_space<vmem>>, vector<1x16xf32>,
        %get3A_1048 = vector.shape_cast %get3A_1047 : vector<1x16xf32> to vector<16xf32>
        %get3A_1049 = arith.index_cast %scan3A_1044 : i32 to index
        %get3A_1050 = arith.constant 0 : index
        %get3A_1051 = tpu.vector_load %arg13[%get3A_1049, %get3A_1050] {strides = array<i32>} : memref<128x128xf32, #tpu.memory_space<vmem>>, vector<1x16xf32>,
        %get3A_1052 = vector.shape_cast %get3A_1051 : vector<1x16xf32> to vector<16xf32>
        %add3A_1053 = arith.addf %get3A_1048, %get3A_1052 : vector<16xf32>
        %max3A_1054 = arith.constant 0.000000e+00 : f32
        %max3A_1055 = vector.broadcast %max3A_1054 : f32 to vector<16xf32>
        %max3A_1056 = arith.maximumf %add3A_1053, %max3A_1055 : vector<16xf32>
        %swap3A_1057 = arith.index_cast %scan3A_1044 : i32 to index
        %swap3A_1058 = arith.constant 0 : index
        %swap3A_1059 = tpu.vector_load %arg12[%swap3A_1057, %swap3A_1058] {strides = array<i32>} : memref<128x128xf32, #tpu.memory_space<vmem>>, vector<1x16xf32>,
        %swap3A_1060 = vector.shape_cast %swap3A_1059 : vector<1x16xf32> to vector<16xf32>
        %swap3A_1061 = vector.shape_cast %max3A_1056 : vector<16xf32> to vector<1x16xf32>
        tpu.vector_store %arg12[%swap3A_1057, %swap3A_1058], %swap3A_1061 {strides = array<i32>} : memref<128x128xf32, #tpu.memory_space<vmem>>, vector<1x16xf32>,
        %get3A_1062 = arith.index_cast %scan3A_1044 : i32 to index
        %get3A_1063 = arith.constant 16 : index
        %get3A_1064 = tpu.vector_load %arg12[%get3A_1062, %get3A_1063] {strides = array<i32>} : memref<128x128xf32, #tpu.memory_space<vmem>>, vector<1x16xf32>,
        %get3A_1065 = vector.shape_cast %get3A_1064 : vector<1x16xf32> to vector<16xf32>
        %get3A_1066 = arith.index_cast %scan3A_1044 : i32 to index
        %get3A_1067 = arith.constant 16 : index
        %get3A_1068 = tpu.vector_load %arg13[%get3A_1066, %get3A_1067] {strides = array<i32>} : memref<128x128xf32, #tpu.memory_space<vmem>>, vector<1x16xf32>,
        %get3A_1069 = vector.shape_cast %get3A_1068 : vector<1x16xf32> to vector<16xf32>
        %add3A_1070 = arith.addf %get3A_1065, %get3A_1069 : vector<16xf32>
        %max3A_1071 = arith.constant 0.000000e+00 : f32
        %max3A_1072 = vector.broadcast %max3A_1071 : f32 to vector<16xf32>
        %max3A_1073 = arith.maximumf %add3A_1070, %max3A_1072 : vector<16xf32>
        %swap3A_1074 = arith.index_cast %scan3A_1044 : i32 to index
        %swap3A_1075 = arith.constant 16 : index
        %swap3A_1076 = tpu.vector_load %arg12[%swap3A_1074, %swap3A_1075] {strides = array<i32>} : memref<128x128xf32, #tpu.memory_space<vmem>>, vector<1x16xf32>,
        %swap3A_1077 = vector.shape_cast %swap3A_1076 : vector<1x16xf32> to vector<16xf32>
        %swap3A_1078 = vector.shape_cast %max3A_1073 : vector<16xf32> to vector<1x16xf32>
        tpu.vector_store %arg12[%swap3A_1074, %swap3A_1075], %swap3A_1078 {strides = array<i32>} : memref<128x128xf32, #tpu.memory_space<vmem>>, vector<1x16xf32>,
        %get3A_1079 = arith.index_cast %scan3A_1044 : i32 to index
        %get3A_1080 = arith.constant 32 : index
        %get3A_1081 = tpu.vector_load %arg12[%get3A_1079, %get3A_1080] {strides = array<i32>} : memref<128x128xf32, #tpu.memory_space<vmem>>, vector<1x16xf32>,
        %get3A_1082 = vector.shape_cast %get3A_1081 : vector<1x16xf32> to vector<16xf32>
        %get3A_1083 = arith.index_cast %scan3A_1044 : i32 to index
        %get3A_1084 = arith.constant 32 : index
        %get3A_1085 = tpu.vector_load %arg13[%get3A_1083, %get3A_1084] {strides = array<i32>} : memref<128x128xf32, #tpu.memory_space<vmem>>, vector<1x16xf32>,
        %get3A_1086 = vector.shape_cast %get3A_1085 : vector<1x16xf32> to vector<16xf32>
        %add3A_1087 = arith.addf %get3A_1082, %get3A_1086 : vector<16xf32>
        %max3A_1088 = arith.constant 0.000000e+00 : f32
        %max3A_1089 = vector.broadcast %max3A_1088 : f32 to vector<16xf32>
        %max3A_1090 = arith.maximumf %add3A_1087, %max3A_1089 : vector<16xf32>
        %swap3A_1091 = arith.index_cast %scan3A_1044 : i32 to index
        %swap3A_1092 = arith.constant 32 : index
        %swap3A_1093 = tpu.vector_load %arg12[%swap3A_1091, %swap3A_1092] {strides = array<i32>} : memref<128x128xf32, #tpu.memory_space<vmem>>, vector<1x16xf32>,
        %swap3A_1094 = vector.shape_cast %swap3A_1093 : vector<1x16xf32> to vector<16xf32>
        %swap3A_1095 = vector.shape_cast %max3A_1090 : vector<16xf32> to vector<1x16xf32>
        tpu.vector_store %arg12[%swap3A_1091, %swap3A_1092], %swap3A_1095 {strides = array<i32>} : memref<128x128xf32, #tpu.memory_space<vmem>>, vector<1x16xf32>,
        %get3A_1096 = arith.index_cast %scan3A_1044 : i32 to index
        %get3A_1097 = arith.constant 48 : index
        %get3A_1098 = tpu.vector_load %arg12[%get3A_1096, %get3A_1097] {strides = array<i32>} : memref<128x128xf32, #tpu.memory_space<vmem>>, vector<1x16xf32>,
        %get3A_1099 = vector.shape_cast %get3A_1098 : vector<1x16xf32> to vector<16xf32>
        %get3A_1100 = arith.index_cast %scan3A_1044 : i32 to index
        %get3A_1101 = arith.constant 48 : index
        %get3A_1102 = tpu.vector_load %arg13[%get3A_1100, %get3A_1101] {strides = array<i32>} : memref<128x128xf32, #tpu.memory_space<vmem>>, vector<1x16xf32>,
        %get3A_1103 = vector.shape_cast %get3A_1102 : vector<1x16xf32> to vector<16xf32>
        %add3A_1104 = arith.addf %get3A_1099, %get3A_1103 : vector<16xf32>
        %max3A_1105 = arith.constant 0.000000e+00 : f32
        %max3A_1106 = vector.broadcast %max3A_1105 : f32 to vector<16xf32>
        %max3A_1107 = arith.maximumf %add3A_1104, %max3A_1106 : vector<16xf32>
        %swap3A_1108 = arith.index_cast %scan3A_1044 : i32 to index
        %swap3A_1109 = arith.constant 48 : index
        %swap3A_1110 = tpu.vector_load %arg12[%swap3A_1108, %swap3A_1109] {strides = array<i32>} : memref<128x128xf32, #tpu.memory_space<vmem>>, vector<1x16xf32>,
        %swap3A_1111 = vector.shape_cast %swap3A_1110 : vector<1x16xf32> to vector<16xf32>
        %swap3A_1112 = vector.shape_cast %max3A_1107 : vector<16xf32> to vector<1x16xf32>
        tpu.vector_store %arg12[%swap3A_1108, %swap3A_1109], %swap3A_1112 {strides = array<i32>} : memref<128x128xf32, #tpu.memory_space<vmem>>, vector<1x16xf32>,
        %get3A_1113 = arith.index_cast %scan3A_1044 : i32 to index
        %get3A_1114 = arith.constant 64 : index
        %get3A_1115 = tpu.vector_load %arg12[%get3A_1113, %get3A_1114] {strides = array<i32>} : memref<128x128xf32, #tpu.memory_space<vmem>>, vector<1x16xf32>,
        %get3A_1116 = vector.shape_cast %get3A_1115 : vector<1x16xf32> to vector<16xf32>
        %get3A_1117 = arith.index_cast %scan3A_1044 : i32 to index
        %get3A_1118 = arith.constant 64 : index
        %get3A_1119 = tpu.vector_load %arg13[%get3A_1117, %get3A_1118] {strides = array<i32>} : memref<128x128xf32, #tpu.memory_space<vmem>>, vector<1x16xf32>,
        %get3A_1120 = vector.shape_cast %get3A_1119 : vector<1x16xf32> to vector<16xf32>
        %add3A_1121 = arith.addf %get3A_1116, %get3A_1120 : vector<16xf32>
        %max3A_1122 = arith.constant 0.000000e+00 : f32
        %max3A_1123 = vector.broadcast %max3A_1122 : f32 to vector<16xf32>
        %max3A_1124 = arith.maximumf %add3A_1121, %max3A_1123 : vector<16xf32>
        %swap3A_1125 = arith.index_cast %scan3A_1044 : i32 to index
        %swap3A_1126 = arith.constant 64 : index
        %swap3A_1127 = tpu.vector_load %arg12[%swap3A_1125, %swap3A_1126] {strides = array<i32>} : memref<128x128xf32, #tpu.memory_space<vmem>>, vector<1x16xf32>,
        %swap3A_1128 = vector.shape_cast %swap3A_1127 : vector<1x16xf32> to vector<16xf32>
        %swap3A_1129 = vector.shape_cast %max3A_1124 : vector<16xf32> to vector<1x16xf32>
        tpu.vector_store %arg12[%swap3A_1125, %swap3A_1126], %swap3A_1129 {strides = array<i32>} : memref<128x128xf32, #tpu.memory_space<vmem>>, vector<1x16xf32>,
        %get3A_1130 = arith.index_cast %scan3A_1044 : i32 to index
        %get3A_1131 = arith.constant 80 : index
        %get3A_1132 = tpu.vector_load %arg12[%get3A_1130, %get3A_1131] {strides = array<i32>} : memref<128x128xf32, #tpu.memory_space<vmem>>, vector<1x16xf32>,
        %get3A_1133 = vector.shape_cast %get3A_1132 : vector<1x16xf32> to vector<16xf32>
        %get3A_1134 = arith.index_cast %scan3A_1044 : i32 to index
        %get3A_1135 = arith.constant 80 : index
        %get3A_1136 = tpu.vector_load %arg13[%get3A_1134, %get3A_1135] {strides = array<i32>} : memref<128x128xf32, #tpu.memory_space<vmem>>, vector<1x16xf32>,
        %get3A_1137 = vector.shape_cast %get3A_1136 : vector<1x16xf32> to vector<16xf32>
        %add3A_1138 = arith.addf %get3A_1133, %get3A_1137 : vector<16xf32>
        %max3A_1139 = arith.constant 0.000000e+00 : f32
        %max3A_1140 = vector.broadcast %max3A_1139 : f32 to vector<16xf32>
        %max3A_1141 = arith.maximumf %add3A_1138, %max3A_1140 : vector<16xf32>
        %swap3A_1142 = arith.index_cast %scan3A_1044 : i32 to index
        %swap3A_1143 = arith.constant 80 : index
        %swap3A_1144 = tpu.vector_load %arg12[%swap3A_1142, %swap3A_1143] {strides = array<i32>} : memref<128x128xf32, #tpu.memory_space<vmem>>, vector<1x16xf32>,
        %swap3A_1145 = vector.shape_cast %swap3A_1144 : vector<1x16xf32> to vector<16xf32>
        %swap3A_1146 = vector.shape_cast %max3A_1141 : vector<16xf32> to vector<1x16xf32>
        tpu.vector_store %arg12[%swap3A_1142, %swap3A_1143], %swap3A_1146 {strides = array<i32>} : memref<128x128xf32, #tpu.memory_space<vmem>>, vector<1x16xf32>,
        %get3A_1147 = arith.index_cast %scan3A_1044 : i32 to index
        %get3A_1148 = arith.constant 96 : index
        %get3A_1149 = tpu.vector_load %arg12[%get3A_1147, %get3A_1148] {strides = array<i32>} : memref<128x128xf32, #tpu.memory_space<vmem>>, vector<1x16xf32>,
        %get3A_1150 = vector.shape_cast %get3A_1149 : vector<1x16xf32> to vector<16xf32>
        %get3A_1151 = arith.index_cast %scan3A_1044 : i32 to index
        %get3A_1152 = arith.constant 96 : index
        %get3A_1153 = tpu.vector_load %arg13[%get3A_1151, %get3A_1152] {strides = array<i32>} : memref<128x128xf32, #tpu.memory_space<vmem>>, vector<1x16xf32>,
        %get3A_1154 = vector.shape_cast %get3A_1153 : vector<1x16xf32> to vector<16xf32>
        %add3A_1155 = arith.addf %get3A_1150, %get3A_1154 : vector<16xf32>
        %max3A_1156 = arith.constant 0.000000e+00 : f32
        %max3A_1157 = vector.broadcast %max3A_1156 : f32 to vector<16xf32>
        %max3A_1158 = arith.maximumf %add3A_1155, %max3A_1157 : vector<16xf32>
        %swap3A_1159 = arith.index_cast %scan3A_1044 : i32 to index
        %swap3A_1160 = arith.constant 96 : index
        %swap3A_1161 = tpu.vector_load %arg12[%swap3A_1159, %swap3A_1160] {strides = array<i32>} : memref<128x128xf32, #tpu.memory_space<vmem>>, vector<1x16xf32>,
        %swap3A_1162 = vector.shape_cast %swap3A_1161 : vector<1x16xf32> to vector<16xf32>
        %swap3A_1163 = vector.shape_cast %max3A_1158 : vector<16xf32> to vector<1x16xf32>
        tpu.vector_store %arg12[%swap3A_1159, %swap3A_1160], %swap3A_1163 {strides = array<i32>} : memref<128x128xf32, #tpu.memory_space<vmem>>, vector<1x16xf32>,
        %get3A_1164 = arith.index_cast %scan3A_1044 : i32 to index
        %get3A_1165 = arith.constant 112 : index
        %get3A_1166 = tpu.vector_load %arg12[%get3A_1164, %get3A_1165] {strides = array<i32>} : memref<128x128xf32, #tpu.memory_space<vmem>>, vector<1x16xf32>,
        %get3A_1167 = vector.shape_cast %get3A_1166 : vector<1x16xf32> to vector<16xf32>
        %get3A_1168 = arith.index_cast %scan3A_1044 : i32 to index
        %get3A_1169 = arith.constant 112 : index
        %get3A_1170 = tpu.vector_load %arg13[%get3A_1168, %get3A_1169] {strides = array<i32>} : memref<128x128xf32, #tpu.memory_space<vmem>>, vector<1x16xf32>,
        %get3A_1171 = vector.shape_cast %get3A_1170 : vector<1x16xf32> to vector<16xf32>
        %add3A_1172 = arith.addf %get3A_1167, %get3A_1171 : vector<16xf32>
        %max3A_1173 = arith.constant 0.000000e+00 : f32
        %max3A_1174 = vector.broadcast %max3A_1173 : f32 to vector<16xf32>
        %max3A_1175 = arith.maximumf %add3A_1172, %max3A_1174 : vector<16xf32>
        %swap3A_1176 = arith.index_cast %scan3A_1044 : i32 to index
        %swap3A_1177 = arith.constant 112 : index
        %swap3A_1178 = tpu.vector_load %arg12[%swap3A_1176, %swap3A_1177] {strides = array<i32>} : memref<128x128xf32, #tpu.memory_space<vmem>>, vector<1x16xf32>,
        %swap3A_1179 = vector.shape_cast %swap3A_1178 : vector<1x16xf32> to vector<16xf32>
        %swap3A_1180 = vector.shape_cast %max3A_1175 : vector<16xf32> to vector<1x16xf32>
        tpu.vector_store %arg12[%swap3A_1176, %swap3A_1177], %swap3A_1180 {strides = array<i32>} : memref<128x128xf32, #tpu.memory_space<vmem>>, vector<1x16xf32>,
      }
      %scan3A_77 = arith.constant 128 : i32
      %mul3A_78 = arith.constant 128 : i32
      %mul3A_79 = arith.muli %add3A_71, %mul3A_78 : i32
      %add3A_80 = arith.addi %mul3A_4, %mul3A_79 : i32
      "tpu.region"() ({
        %run_scoped3A = tpu.sem_alloc : memref<!tpu.dma_semaphore, #tpu.memory_space<semaphore_mem>>
        %dma_start3A_81 = tpu.memref_slice %arg7[%add3A_80, %mul3A_6] : memref<163840x256xf32, #tpu.memory_space<hbm>> -> memref<128x128xf32, #tpu.memory_space<hbm>>
        %dma_start3A_82 = tpu.memref_slice %arg7[%add3A_80, %mul3A_6] : memref<163840x256xf32, #tpu.memory_space<hbm>> -> memref<128x128xf32, #tpu.memory_space<hbm>>
        tpu.enqueue_dma source(%arg12 : memref<128x128xf32, #tpu.memory_space<vmem>>) target(%dma_start3A_82 : memref<128x128xf32, #tpu.memory_space<hbm>>) target_semaphore(%run_scoped3A : memref<!tpu.dma_semaphore, #tpu.memory_space<semaphore_mem>>)
        %dma_wait3A = tpu.memref_slice %arg7[%add3A_80, %mul3A_6] : memref<163840x256xf32, #tpu.memory_space<hbm>> -> memref<128x128xf32, #tpu.memory_space<hbm>>
        %dma_wait3A_83 = tpu.memref_slice %arg7[%add3A_80, %mul3A_6] : memref<163840x256xf32, #tpu.memory_space<hbm>> -> memref<128x128xf32, #tpu.memory_space<hbm>>
        tpu.wait_dma2 semaphore(%run_scoped3A : memref<!tpu.dma_semaphore, #tpu.memory_space<semaphore_mem>>) src(%arg12 : memref<128x128xf32, #tpu.memory_space<vmem>>) dst(%dma_wait3A_83 : memref<128x128xf32, #tpu.memory_space<hbm>>)
        tpu.yield
      }) : () -> ()
    }
    %scan3A_32 = arith.constant 40 : i32
    return
  }
}

module attributes {stable_mosaic.version = 14 : i64} {
  func.func @_pq_body(%arg0: i32, %arg1: i32, %arg2: memref<2048x256xf32, #tpu.memory_space<vmem>>, %arg3: memref<256x128xf32, #tpu.memory_space<vmem>>, %arg4: memref<256x128xf32, #tpu.memory_space<vmem>>, %arg5: memref<1x128xf32, #tpu.memory_space<vmem>>, %arg6: memref<1x2048x128xf32, #tpu.memory_space<vmem>>, %arg7: memref<1x2048x128xf32, #tpu.memory_space<vmem>>) attributes {dimension_semantics = [#tpu.dimension_semantics<arbitrary>, #tpu.dimension_semantics<arbitrary>], iteration_bounds = array<i64: 5, 2>, scalar_prefetch = 0 : i64, scratch_operands = 0 : i64, tpu.core_type = #tpu.core_type<tc>, window_params = [{transform_indices = @transform_0, window_bounds = array<i64: 2048, 256>}, {transform_indices = @transform_1, window_bounds = array<i64: 256, 128>}, {transform_indices = @transform_2, window_bounds = array<i64: 256, 128>}, {transform_indices = @transform_3, window_bounds = array<i64: 1, 128>}, {transform_indices = @transform_4, window_bounds = array<i64: 1, 2048, 128>}, {transform_indices = @transform_5, window_bounds = array<i64: 1, 2048, 128>}]} {
    %get3A = arith.constant 0 : index
    %get3A_0 = arith.constant 0 : index
    %get3A_1 = vector.load %arg2[%get3A, %get3A_0] : memref<2048x256xf32, #tpu.memory_space<vmem>>, vector<2048x256xf32>
    %get3A_2 = arith.constant 0 : index
    %get3A_3 = arith.constant 0 : index
    %get3A_4 = vector.load %arg3[%get3A_2, %get3A_3] : memref<256x128xf32, #tpu.memory_space<vmem>>, vector<256x128xf32>
    %dot_general3A = arith.constant dense<0.000000e+00> : vector<2048x128xf32>
    %dot_general3A_5 = tpu.matmul %get3A_1, %get3A_4, %dot_general3A {dimension_numbers = #tpu.dot_dimension_numbers<[1], [0], [0], [1], [0, 0, 1, 1], [], []>, transpose_lhs_hint = false} : vector<2048x256xf32>, vector<256x128xf32>, vector<2048x128xf32> -> vector<2048x128xf32>
    %get3A_6 = arith.constant 0 : index
    %get3A_7 = arith.constant 0 : index
    %get3A_8 = vector.load %arg5[%get3A_6, %get3A_7] : memref<1x128xf32, #tpu.memory_space<vmem>>, vector<1x128xf32>
    %add3A = vector.broadcast %get3A_8 : vector<1x128xf32> to vector<2048x128xf32>
    %add3A_9 = arith.addf %dot_general3A_5, %add3A : vector<2048x128xf32>
    %swap3A = arith.constant 0 : index
    %swap3A_10 = arith.constant 0 : index
    %swap3A_11 = arith.constant 0 : index
    %swap3A_12 = vector.load %arg6[%swap3A, %swap3A_10, %swap3A_11] : memref<1x2048x128xf32, #tpu.memory_space<vmem>>, vector<1x2048x128xf32>
    %swap3A_13 = vector.shape_cast %swap3A_12 : vector<1x2048x128xf32> to vector<2048x128xf32>
    %swap3A_14 = vector.shape_cast %add3A_9 : vector<2048x128xf32> to vector<1x2048x128xf32>
    tpu.vector_store %arg6[%swap3A, %swap3A_10, %swap3A_11], %swap3A_14 {strides = array<i32>} : memref<1x2048x128xf32, #tpu.memory_space<vmem>>, vector<1x2048x128xf32>,
    %get3A_15 = arith.constant 0 : index
    %get3A_16 = arith.constant 0 : index
    %get3A_17 = vector.load %arg2[%get3A_15, %get3A_16] : memref<2048x256xf32, #tpu.memory_space<vmem>>, vector<2048x256xf32>
    %get3A_18 = arith.constant 0 : index
    %get3A_19 = arith.constant 0 : index
    %get3A_20 = vector.load %arg4[%get3A_18, %get3A_19] : memref<256x128xf32, #tpu.memory_space<vmem>>, vector<256x128xf32>
    %dot_general3A_21 = arith.constant dense<0.000000e+00> : vector<2048x128xf32>
    %dot_general3A_22 = tpu.matmul %get3A_17, %get3A_20, %dot_general3A_21 {dimension_numbers = #tpu.dot_dimension_numbers<[1], [0], [0], [1], [0, 0, 1, 1], [], []>, transpose_lhs_hint = false} : vector<2048x256xf32>, vector<256x128xf32>, vector<2048x128xf32> -> vector<2048x128xf32>
    %swap3A_23 = arith.constant 0 : index
    %swap3A_24 = arith.constant 0 : index
    %swap3A_25 = arith.constant 0 : index
    %swap3A_26 = vector.load %arg7[%swap3A_23, %swap3A_24, %swap3A_25] : memref<1x2048x128xf32, #tpu.memory_space<vmem>>, vector<1x2048x128xf32>
    %swap3A_27 = vector.shape_cast %swap3A_26 : vector<1x2048x128xf32> to vector<2048x128xf32>
    %swap3A_28 = vector.shape_cast %dot_general3A_22 : vector<2048x128xf32> to vector<1x2048x128xf32>
    tpu.vector_store %arg7[%swap3A_23, %swap3A_24, %swap3A_25], %swap3A_28 {strides = array<i32>} : memref<1x2048x128xf32, #tpu.memory_space<vmem>>, vector<1x2048x128xf32>,
    return
  }
  func.func @transform_0(%arg0: i32, %arg1: i32) -> (i32, i32) {
    %c0_i32 = arith.constant 0 : i32
    %c0_i32_0 = arith.constant 0 : i32
    return %arg0, %c0_i32 : i32, i32
  }
  func.func @transform_1(%arg0: i32, %arg1: i32) -> (i32, i32) {
    %c0_i32 = arith.constant 0 : i32
    %c0_i32_0 = arith.constant 0 : i32
    return %c0_i32, %arg1 : i32, i32
  }
  func.func @transform_2(%arg0: i32, %arg1: i32) -> (i32, i32) {
    %c0_i32 = arith.constant 0 : i32
    %c0_i32_0 = arith.constant 0 : i32
    return %c0_i32, %arg1 : i32, i32
  }
  func.func @transform_3(%arg0: i32, %arg1: i32) -> (i32, i32) {
    %c0_i32 = arith.constant 0 : i32
    %c0_i32_0 = arith.constant 0 : i32
    return %c0_i32, %arg1 : i32, i32
  }
  func.func @transform_4(%arg0: i32, %arg1: i32) -> (i32, i32, i32) {
    %c0_i32 = arith.constant 0 : i32
    %c0_i32_0 = arith.constant 0 : i32
    return %arg1, %arg0, %c0_i32 : i32, i32, i32
  }
  func.func @transform_5(%arg0: i32, %arg1: i32) -> (i32, i32, i32) {
    %c0_i32 = arith.constant 0 : i32
    %c0_i32_0 = arith.constant 0 : i32
    return %arg1, %arg0, %c0_i32 : i32, i32, i32
  }
}

module attributes {stable_mosaic.version = 14 : i64} {
  func.func @_node_body(%arg0: i32, %arg1: memref<2000x256xf32, #tpu.memory_space<vmem>>, %arg2: memref<2000x256xf32, #tpu.memory_space<vmem>>, %arg3: memref<2000x128xf32, #tpu.memory_space<vmem>>, %arg4: memref<1x256xf32, #tpu.memory_space<vmem>>, %arg5: memref<256x256xf32, #tpu.memory_space<vmem>>, %arg6: memref<256x256xf32, #tpu.memory_space<vmem>>, %arg7: memref<256x256xf32, #tpu.memory_space<vmem>>, %arg8: memref<1x256xf32, #tpu.memory_space<vmem>>, %arg9: memref<256x256xf32, #tpu.memory_space<vmem>>, %arg10: memref<1x256xf32, #tpu.memory_space<vmem>>, %arg11: memref<2000x256xf32, #tpu.memory_space<vmem>>) attributes {dimension_semantics = [#tpu.dimension_semantics<arbitrary>], iteration_bounds = array<i64: 5>, scalar_prefetch = 0 : i64, scratch_operands = 0 : i64, tpu.core_type = #tpu.core_type<tc>, window_params = [{transform_indices = @transform_0, window_bounds = array<i64: 2000, 256>}, {transform_indices = @transform_1, window_bounds = array<i64: 2000, 256>}, {transform_indices = @transform_2, window_bounds = array<i64: 2000, 128>}, {pipeline_mode = #tpu.pipeline_mode<synchronous>, transform_indices = @transform_3, window_bounds = array<i64: 1, 256>}, {pipeline_mode = #tpu.pipeline_mode<synchronous>, transform_indices = @transform_4, window_bounds = array<i64: 256, 256>}, {pipeline_mode = #tpu.pipeline_mode<synchronous>, transform_indices = @transform_5, window_bounds = array<i64: 256, 256>}, {pipeline_mode = #tpu.pipeline_mode<synchronous>, transform_indices = @transform_6, window_bounds = array<i64: 256, 256>}, {pipeline_mode = #tpu.pipeline_mode<synchronous>, transform_indices = @transform_7, window_bounds = array<i64: 1, 256>}, {pipeline_mode = #tpu.pipeline_mode<synchronous>, transform_indices = @transform_8, window_bounds = array<i64: 256, 256>}, {pipeline_mode = #tpu.pipeline_mode<synchronous>, transform_indices = @transform_9, window_bounds = array<i64: 1, 256>}, {transform_indices = @transform_10, window_bounds = array<i64: 2000, 256>}]} {
    %get3A = arith.constant 0 : index
    %get3A_0 = arith.constant 0 : index
    %get3A_1 = vector.load %arg2[%get3A, %get3A_0] : memref<2000x256xf32, #tpu.memory_space<vmem>>, vector<2000x256xf32>
    %get3A_2 = arith.constant 0 : index
    %get3A_3 = arith.constant 0 : index
    %get3A_4 = vector.load %arg5[%get3A_2, %get3A_3] : memref<256x256xf32, #tpu.memory_space<vmem>>, vector<256x256xf32>
    %dot_general3A = arith.constant dense<0.000000e+00> : vector<2000x256xf32>
    %dot_general3A_5 = tpu.matmul %get3A_1, %get3A_4, %dot_general3A {dimension_numbers = #tpu.dot_dimension_numbers<[1], [0], [0], [1], [0, 0, 1, 1], [], []>, transpose_lhs_hint = false} : vector<2000x256xf32>, vector<256x256xf32>, vector<2000x256xf32> -> vector<2000x256xf32>
    %get3A_6 = arith.constant 0 : index
    %get3A_7 = arith.constant 0 : index
    %get3A_8 = vector.load %arg3[%get3A_6, %get3A_7] : memref<2000x128xf32, #tpu.memory_space<vmem>>, vector<2000x1xf32>
    %get3A_9 = arith.constant 0 : index
    %get3A_10 = arith.constant 0 : index
    %get3A_11 = vector.load %arg4[%get3A_9, %get3A_10] : memref<1x256xf32, #tpu.memory_space<vmem>>, vector<1x256xf32>
    %mul3A = vector.broadcast %get3A_8 : vector<2000x1xf32> to vector<2000x256xf32>
    %mul3A_12 = vector.broadcast %get3A_11 : vector<1x256xf32> to vector<2000x256xf32>
    %mul3A_13 = arith.mulf %mul3A, %mul3A_12 : vector<2000x256xf32>
    %add3A = arith.addf %dot_general3A_5, %mul3A_13 : vector<2000x256xf32>
    %get3A_14 = arith.constant 0 : index
    %get3A_15 = arith.constant 0 : index
    %get3A_16 = vector.load %arg1[%get3A_14, %get3A_15] : memref<2000x256xf32, #tpu.memory_space<vmem>>, vector<2000x256xf32>
    %get3A_17 = arith.constant 0 : index
    %get3A_18 = arith.constant 0 : index
    %get3A_19 = vector.load %arg6[%get3A_17, %get3A_18] : memref<256x256xf32, #tpu.memory_space<vmem>>, vector<256x256xf32>
    %dot_general3A_20 = arith.constant dense<0.000000e+00> : vector<2000x256xf32>
    %dot_general3A_21 = tpu.matmul %get3A_16, %get3A_19, %dot_general3A_20 {dimension_numbers = #tpu.dot_dimension_numbers<[1], [0], [0], [1], [0, 0, 1, 1], [], []>, transpose_lhs_hint = false} : vector<2000x256xf32>, vector<256x256xf32>, vector<2000x256xf32> -> vector<2000x256xf32>
    %get3A_22 = arith.constant 0 : index
    %get3A_23 = arith.constant 0 : index
    %get3A_24 = vector.load %arg7[%get3A_22, %get3A_23] : memref<256x256xf32, #tpu.memory_space<vmem>>, vector<256x256xf32>
    %dot_general3A_25 = arith.constant dense<0.000000e+00> : vector<2000x256xf32>
    %dot_general3A_26 = tpu.matmul %add3A, %get3A_24, %dot_general3A_25 {dimension_numbers = #tpu.dot_dimension_numbers<[1], [0], [0], [1], [0, 0, 1, 1], [], []>, transpose_lhs_hint = false} : vector<2000x256xf32>, vector<256x256xf32>, vector<2000x256xf32> -> vector<2000x256xf32>
    %add3A_27 = arith.addf %dot_general3A_21, %dot_general3A_26 : vector<2000x256xf32>
    %get3A_28 = arith.constant 0 : index
    %get3A_29 = arith.constant 0 : index
    %get3A_30 = vector.load %arg8[%get3A_28, %get3A_29] : memref<1x256xf32, #tpu.memory_space<vmem>>, vector<1x256xf32>
    %add3A_31 = vector.broadcast %get3A_30 : vector<1x256xf32> to vector<2000x256xf32>
    %add3A_32 = arith.addf %add3A_27, %add3A_31 : vector<2000x256xf32>
    %max3A = arith.constant 0.000000e+00 : f32
    %max3A_33 = vector.broadcast %max3A : f32 to vector<2000x256xf32>
    %max3A_34 = arith.maximumf %add3A_32, %max3A_33 : vector<2000x256xf32>
    %get3A_35 = arith.constant 0 : index
    %get3A_36 = arith.constant 0 : index
    %get3A_37 = vector.load %arg9[%get3A_35, %get3A_36] : memref<256x256xf32, #tpu.memory_space<vmem>>, vector<256x256xf32>
    %dot_general3A_38 = arith.constant dense<0.000000e+00> : vector<2000x256xf32>
    %dot_general3A_39 = tpu.matmul %max3A_34, %get3A_37, %dot_general3A_38 {dimension_numbers = #tpu.dot_dimension_numbers<[1], [0], [0], [1], [0, 0, 1, 1], [], []>, transpose_lhs_hint = false} : vector<2000x256xf32>, vector<256x256xf32>, vector<2000x256xf32> -> vector<2000x256xf32>
    %get3A_40 = arith.constant 0 : index
    %get3A_41 = arith.constant 0 : index
    %get3A_42 = vector.load %arg10[%get3A_40, %get3A_41] : memref<1x256xf32, #tpu.memory_space<vmem>>, vector<1x256xf32>
    %add3A_43 = vector.broadcast %get3A_42 : vector<1x256xf32> to vector<2000x256xf32>
    %add3A_44 = arith.addf %dot_general3A_39, %add3A_43 : vector<2000x256xf32>
    %max3A_45 = arith.constant 0.000000e+00 : f32
    %max3A_46 = vector.broadcast %max3A_45 : f32 to vector<2000x256xf32>
    %max3A_47 = arith.maximumf %add3A_44, %max3A_46 : vector<2000x256xf32>
    %swap3A = arith.constant 0 : index
    %swap3A_48 = arith.constant 0 : index
    %swap3A_49 = vector.load %arg11[%swap3A, %swap3A_48] : memref<2000x256xf32, #tpu.memory_space<vmem>>, vector<2000x256xf32>
    tpu.vector_store %arg11[%swap3A, %swap3A_48], %max3A_47 {strides = array<i32>} : memref<2000x256xf32, #tpu.memory_space<vmem>>, vector<2000x256xf32>,
    return
  }
  func.func @transform_0(%arg0: i32) -> (i32, i32) {
    %c0_i32 = arith.constant 0 : i32
    %c0_i32_0 = arith.constant 0 : i32
    return %arg0, %c0_i32 : i32, i32
  }
  func.func @transform_1(%arg0: i32) -> (i32, i32) {
    %c0_i32 = arith.constant 0 : i32
    %c0_i32_0 = arith.constant 0 : i32
    return %arg0, %c0_i32 : i32, i32
  }
  func.func @transform_2(%arg0: i32) -> (i32, i32) {
    %c0_i32 = arith.constant 0 : i32
    %c0_i32_0 = arith.constant 0 : i32
    return %arg0, %c0_i32 : i32, i32
  }
  func.func @transform_3(%arg0: i32) -> (i32, i32) {
    %c0_i32 = arith.constant 0 : i32
    %c0_i32_0 = arith.constant 0 : i32
    %c0_i32_1 = arith.constant 0 : i32
    return %c0_i32, %c0_i32_0 : i32, i32
  }
  func.func @transform_4(%arg0: i32) -> (i32, i32) {
    %c0_i32 = arith.constant 0 : i32
    %c0_i32_0 = arith.constant 0 : i32
    %c0_i32_1 = arith.constant 0 : i32
    return %c0_i32, %c0_i32_0 : i32, i32
  }
  func.func @transform_5(%arg0: i32) -> (i32, i32) {
    %c0_i32 = arith.constant 0 : i32
    %c0_i32_0 = arith.constant 0 : i32
    %c0_i32_1 = arith.constant 0 : i32
    return %c0_i32, %c0_i32_0 : i32, i32
  }
  func.func @transform_6(%arg0: i32) -> (i32, i32) {
    %c0_i32 = arith.constant 0 : i32
    %c0_i32_0 = arith.constant 0 : i32
    %c0_i32_1 = arith.constant 0 : i32
    return %c0_i32, %c0_i32_0 : i32, i32
  }
  func.func @transform_7(%arg0: i32) -> (i32, i32) {
    %c0_i32 = arith.constant 0 : i32
    %c0_i32_0 = arith.constant 0 : i32
    %c0_i32_1 = arith.constant 0 : i32
    return %c0_i32, %c0_i32_0 : i32, i32
  }
  func.func @transform_8(%arg0: i32) -> (i32, i32) {
    %c0_i32 = arith.constant 0 : i32
    %c0_i32_0 = arith.constant 0 : i32
    %c0_i32_1 = arith.constant 0 : i32
    return %c0_i32, %c0_i32_0 : i32, i32
  }
  func.func @transform_9(%arg0: i32) -> (i32, i32) {
    %c0_i32 = arith.constant 0 : i32
    %c0_i32_0 = arith.constant 0 : i32
    %c0_i32_1 = arith.constant 0 : i32
    return %c0_i32, %c0_i32_0 : i32, i32
  }
  func.func @transform_10(%arg0: i32) -> (i32, i32) {
    %c0_i32 = arith.constant 0 : i32
    %c0_i32_0 = arith.constant 0 : i32
    return %arg0, %c0_i32 : i32, i32
  }
}

</mosaic_0001>

<sc_bundles>
// kernel: body.14.cloned.1.call-start
scs
__scs_entry_jumppad:
0x0: {  	(pc) =	sbr.rel $0x88, $3  }
0x1: {  	(tag) =	ssettag $0x0;
	lr =	simm.s32 $0x1  }
0x2: {  	[smem:$0x3F97] =	sst lr;
	_ =	strace $0xD0000000  }
0x3: {  	_ = 	snop  }
0x4: {  	_ = 	snop  }
0x5: {  	_ = 	snop  }
0x6: {  	_ = 	snop  }
0x7: {  	_ = 	snop  }
__scs_overlays_trampoline_lowered:
0x8: {  	[smem:$0x3FA6] =	sst s0  }
0x9: {  	[smem:$0x3FA7] =	sst s1  }
0xa: {  	[smem:$0x3FA8] =	sst s2  }
0xb: {  	[smem:$0x3FA9] =	sst s3  }
0xc: {  	[smem:$0x3FAA] =	sst s4  }
0xd: {  	[smem:$0x3FAB] =	sst s5  }
0xe: {  	[smem:$0x3FAC] =	sst s6  }
0xf: {  	[smem:$0x3FAD] =	sst s7  }
0x10: {  	[smem:$0x3FAE] =	sst s8  }
0x11: {  	[smem:$0x3FAF] =	sst s9;
	s0 =	simm.s32 @!p0 $0x0  }
0x12: {  	s1 =	sld [smem:$0x3F95];
	s0 =	simm.s32 @p0 $0x1  }
0x13: {  	[smem:$0x3FB0] =	sst s0;
	s0 =	simm.s32 @!p1 $0x0  }
0x14: {  	s2 =	sld [smem:$0x3F94];
	s0 =	simm.s32 @p1 $0x1  }
0x15: {  	[smem:$0x3FB1] =	sst s0;
	s0 =	simm.s32 @!p2 $0x0  }
0x16: {  	s3 =	sld [smem:$0x3FDB];
	s0 =	simm.s32 @p2 $0x1  }
0x17: {  	s4 =	simm.s32 $0x1BF5;
	[smem:$0x3FB3] =	sst s0  }
0x18: {  	s0 =	sld [smem:$0x3F96];
	_ =	swait.ge [sflag:s4], $0x0  }
0x19: {  	s7 =	sld [smem:$0x3F97]  }
0x1a: {  	s8 =	sadd.s32 $0xFFFFE003, lr  }
0x1b: {  	s9 =	sadd.s32 $0xFFFFFEF7, lr;
	s5 =	simm.s32 $0xFFFFFFFF;
	p2 =	slt.u32 s8, $0xFFFFF086  }
0x1c: {  	p1 =	slt.u32 s9, $0xF7A;
	s5 =	simm.s32 @!p2 $0x0  }
0x1d: {  	s5 =	simm.s32 @p1 $0x1;
	p0 =	seq.s32 s7, s2  }
0x1e: {  	s7 =	smul.u32 @!p0 $0xF7A, s2;
	p2 =	seq.s32 @!p0 s5, $0x0  }
0x1f: {  	s9 =	smul.u32 $0xF7A, s1;
	s8 =	simm.s32 @!p0 $0x1BF5;
	p2 =	por !p2, p0  }
0x20: {  	[sflag:s8] =	ssyncset.s32 @!p0 $0xFFFFF086;
	s6 =	sadd.s32 @!p0 s3, s7;
	s7 =	simm.s32 @!p0 $0x108  }
0x21: {  	s3 =	sadd.s32 s3, s9;
	s6 =	sadd.s32 @!p0 $0x88, s6;
	s7 =	simm.s32 @p2 $0x1082  }
0x22: {  	[simem:s7], [sflag:s8] =	dma.local @!p0 [hbm:s6], $0xF7A  }
0x23: {  	s9 =	sor.u32 $0xD0000000, s2;
	s6 =	simm.s32 $0x108;
	_ =	swait.ge @!p0 [sflag:s8], $0x0  }
0x24: {  	s3 =	sadd.s32 $0x88, s3;
	s6 =	simm.s32 @!p1 $0x1082;
	[sflag:s4] =	ssyncset.s32 $0xFFFFF086  }
0x25: {  	[simem:s6], [sflag:s4] =	dma.local [hbm:s3], $0xF7A  }
0x26: {  	[smem:$0x3F97] =	sst s1;
	(tag) =	ssettag s2;
	_ =	strace s9  }
0x27: {  	s1 =	sld [smem:$0x3FA7]  }
0x28: {  	s2 =	sld [smem:$0x3FA8]  }
0x29: {  	s4 =	sld [smem:$0x3FAA]  }
0x2a: {  	p0 =	seq.s32 s5, $0x0;
	s5 =	sld [smem:$0x3FAB]  }
0x2b: {  	s6 =	sld [smem:$0x3FAC]  }
0x2c: {  	s7 =	sld [smem:$0x3FAD]  }
0x2d: {  	s3 =	simm.s32 $0x108;
	s8 =	sld [smem:$0x3FAE]  }
0x2e: {  	s3 =	simm.s32 @!p0 $0x1082;
	s9 =	sld [smem:$0x3FAF]  }
0x2f: {  	lr =	sadd.s32 s0, s3;
	s0 =	sld [smem:$0x3FA6]  }
0x30: {  	s3 =	sld [smem:$0x3FA9]  }
0x31: {  	[smem:$0x3FB2] =	sst s10  }
0x32: {  	s10 =	sld [smem:$0x3FB0];
	_ =	sdelay $0x3  }
0x33: {  	p0 =	seq.s32 s10, $0x1;
	s10 =	sld [smem:$0x3FB2];
	_ =	sdelay $0x3  }
0x34: {  	[smem:$0x3FB2] =	sst s10  }
0x35: {  	s10 =	sld [smem:$0x3FB1];
	_ =	sdelay $0x3  }
0x36: {  	p1 =	seq.s32 s10, $0x1;
	s10 =	sld [smem:$0x3FB2];
	_ =	sdelay $0x3  }
0x37: {  	[smem:$0x3FB2] =	sst s10  }
0x38: {  	s10 =	sld [smem:$0x3FB3]  }
0x39: {  	_ = 	snop;
	(pc) =	sbr.ind lr, $3  }
0x3a: {  	_ = 	snop  }
0x3b: {  	_ = 	snop  }
0x3c: {  	p2 =	seq.s32 s10, $0x1;
	s10 =	sld [smem:$0x3FB2]  }
0x3d: {  	_ =	shalt  }
0x3e: {  	_ =	shalt  }
0x3f: {  	_ =	shalt  }
0x40: {  	_ =	shalt  }
0x41: {  	_ =	shalt  }
0x42: {  	_ =	shalt  }
0x43: {  	_ =	shalt  }
0x44: {  	_ =	shalt  }
0x45: {  	_ =	shalt  }
0x46: {  	_ =	shalt  }
0x47: {  	_ =	shalt  }
0x48: {  	_ =	shalt  }
0x49: {  	_ =	shalt  }
0x4a: {  	_ =	shalt  }
0x4b: {  	_ =	shalt  }
0x4c: {  	_ =	shalt  }
0x4d: {  	_ =	shalt  }
0x4e: {  	_ =	shalt  }
0x4f: {  	_ =	shalt  }
0x50: {  	_ =	shalt  }
0x51: {  	_ =	shalt  }
0x52: {  	_ =	shalt  }
0x53: {  	_ =	shalt  }
0x54: {  	_ =	shalt  }
0x55: {  	_ =	shalt  }
0x56: {  	_ =	shalt  }
0x57: {  	_ =	shalt  }
0x58: {  	_ =	shalt  }
0x59: {  	_ =	shalt  }
0x5a: {  	_ =	shalt  }
0x5b: {  	_ =	shalt  }
0x5c: {  	_ =	shalt  }
0x5d: {  	_ =	shalt  }
0x5e: {  	_ =	shalt  }
0x5f: {  	_ =	shalt  }
0x60: {  	_ =	shalt  }
0x61: {  	_ =	shalt  }
0x62: {  	_ =	shalt  }
0x63: {  	_ =	shalt  }
0x64: {  	_ =	shalt  }
0x65: {  	_ =	shalt  }
0x66: {  	_ =	shalt  }
0x67: {  	_ =	shalt  }
0x68: {  	_ =	shalt  }
0x69: {  	_ =	shalt  }
0x6a: {  	_ =	shalt  }
0x6b: {  	_ =	shalt  }
0x6c: {  	_ =	shalt  }
0x6d: {  	_ =	shalt  }
0x6e: {  	_ =	shalt  }
0x6f: {  	_ =	shalt  }
0x70: {  	_ =	shalt  }
0x71: {  	_ =	shalt  }
0x72: {  	_ =	shalt  }
0x73: {  	_ =	shalt  }
0x74: {  	_ =	shalt  }
0x75: {  	_ =	shalt  }
0x76: {  	_ =	shalt  }
0x77: {  	_ =	shalt  }
0x78: {  	_ =	shalt  }
0x79: {  	_ =	shalt  }
0x7a: {  	_ =	shalt  }
0x7b: {  	_ =	shalt  }
0x7c: {  	_ =	shalt  }
0x7d: {  	_ =	shalt  }
0x7e: {  	_ =	shalt  }
0x7f: {  	_ =	shalt  }
0x80: {  	_ =	shalt  }
0x81: {  	_ =	shalt  }
0x82: {  	_ =	shalt  }
0x83: {  	_ =	shalt  }
0x84: {  	_ =	shalt  }
0x85: {  	_ =	shalt  }
0x86: {  	_ =	shalt  }
0x87: {  	_ =	shalt  }
.Lfunc_end0:
.L_simem_size_0:
called_computation_lowered:
.L_overlay_start_0:
0x88: {  	s2 =	sld [smem:$0x3FD9]  }
0x89: {  	s3 =	sld [smem:$0x3FFE];
	_ =	sdelay $0x1  }
0x8a: {  	s1 =	srdreg.scid  }
0x8b: {  	s0 =	sand.u32 $0x1, s1  }
0x8c: {  	s16 =	sshll.u32 s0, $0xA;
	s2 =	sadd.s32 s3, s2  }
0x8d: {  	s2 =	sadd.s32 s2, s16  }
0x8e: {  	[smem:$0x3FBE] =	sst s2  }
0x8f: {  	_ = 	snop  }
0x90: {  	(tm) =	ssettm $0x1  }
0x91: {  	s17 =	sld [smem:$0x3FFB];
	_ =	sdelay $0x3  }
0x92: {  	_ =	strace s17  }
0x93: {  	s2 =	sld [smem:$0x3FFC];
	_ =	sdelay $0x3  }
0x94: {  	_ =	strace s2  }
0x95: {  	s2 =	sld [smem:$0x3FFD];
	_ =	sdelay $0x3  }
0x96: {  	_ =	strace s2  }
0x97: {  	_ =	strace $0x8FFFFFFF  }
0x98: {  	s18 =	sld [smem:$0x3FDB];
	_ =	sdelay $0x1  }
0x99: {  	s19 =	simm.s32 $_scs_section_size  }
0x9a: {  	s4 =	simm.s32 $_size__tile_overlayer_lowered;
	s5 =	simm.s32 $_tile_overlayer_lowered  }
0x9b: {  	s22 =	simm.s32 $0x1BFF;
	s21 =	sshll.u32 s5, $0x1;
	s2 =	sadd.s32 s19, s18  }
0x9c: {  	s6 =	simm.s32 $0x0;
	s20 =	sshll.u32 s4, $0x1;
	s4 =	sadd.s32 s21, s2  }
0x9d: {  	[timem:s6], [sflag:s22] =	dma.local [hbm:s4], s20  }
0x9e: {  	_ =	swait.ge [sflag:s22], s20  }
0x9f: {  	s3 =	ssub.s32 $0x0, s20;
	[sflag:s22] =	ssyncset.done $0x0  }
0xa0: {  	[sflag:s22] =	ssyncadd.s32 s3;
	_ =	sdelay $0x1  }
0xa1: {  	s23 =	simm.s32 $0x1B8B  }
0xa2: {  	_ =	swait.ge [sflag:s23], $0x1  }
0xa3: {  	[sflag:s23] =	ssyncset.done $0x0  }
0xa4: {  	s25 =	simm.s32 $0x1B8E;
	s24 =	sld [smem:$0x3FFE];
	[sflag:s23] =	ssyncadd.s32 $0xFFFFFFFF  }
0xa5: {  	s26 =	simm.s32 $execute0_lowered;
	[smem:$0x3FD2] =	sst s25  }
0xa6: {  	s4 =	sshll.u32 s26, $0x1;
	_ =	strace $0x80000049;
	[dreg:$0x1] =	wrdreg $0xFFFFFFFF  }
0xa7: {  	s28 =	simm.s32 $_size_execute0_lowered;
	s2 =	sadd.s32 s2, s4;
	[dreg:$0x0] =	wrdreg $0x0  }
0xa8: {  	s4 =	sshll.u32 s28, $0x1;
	[dreg:$0x2] =	wrdreg s2  }
0xa9: {  	[dreg:$0x3] =	wrdreg s4  }
0xaa: {  	[dreg:$0x4] =	wrdreg $0xC0  }
0xab: {  	_ =	task [dreg:s6], $0x5FFFF  }
0xac: {  	[dreg:$0x1] =	wrdreg $0xFFFFFFFF  }
0xad: {  	[dreg:$0x0] =	wrdreg $0x60  }
0xae: {  	[dreg:$0x2] =	wrdreg s24  }
0xaf: {  	[dreg:$0x3] =	wrdreg $0x9  }
0xb0: {  	_ =	task.clear_ibuf [dreg:s6], $0x4FFFF;
	_ =	strace $0x90000049  }
0xb1: {  	s29 =	simm.s32 $0x9;
	_ =	strace $0x8000004B  }
0xb2: {  	_ =	swait.ge [sflag:s29], $0x1  }
0xb3: {  	[sflag:s29] =	ssyncadd.s32 $0xFFFFFFFF  }
0xb4: {  	_ =	strace $0x9000004B  }
0xb5: {  	_ =	sfence  }
0xb6: {  	s30 =	sld [smem:$0x0];
	_ =	sdelay $0x2  }
0xb7: {  	s31 =	sshll.u32 s1, $0xD;
	s1 =	sshrl.u32 s1, $0x2  }
0xb8: {  	s3 =	sand.u32 $0x4000, s31;
	s1 =	sadd.s32 s1, s30  }
0xb9: {  	s0 =	sor.u32 s3, s0;
	s1 =	sshll.u32 s1, $0x11  }
0xba: {  	s0 =	sor.u32 s1, s0  }
0xbb: {  	s0 =	sadd.s32 $0x8F2B, s0  }
0xbc: {  	[sflag:s0] =	ssyncadd.remote.s32 $0x1  }
0xbd: {  	_ =	sfence.sel $0xFFFF  }
0xbe: {  	[dreg:$0x0] =	wrdreg $0xFFFFFFFF;
	(pc) =	sbr.abs _section_cstart, $3  }
0xbf: {  	[dreg:$0x1] =	wrdreg $0xFFFFFFFF  }
0xc0: {  	_ =	task.clear_ibuf [dreg:s6], $0x2FFFF;
	_ =	strace $0x9FFFFFFF  }
0xc1: {  	(tm) =	ssettm $0x7FFFFFFF  }
tec
execute0_lowered:
.L_overlay_start_1:
0x0: {  	(tag) =	ssettag $0x1  }
0x1: {  	s0 =	rddreg [dreg:$0x0];
	s1 =	srdreg.scid  }
0x2: {  	s2 =	simm.s32 $0x0;
	s7 =	stileid.u32;
	s12 =	simm.s32 $0x5  }
0x3: {  	s13 =	simm.s32 $0x2800;
	s14 =	simm.s32 $0x80;
	s15 =	simm.s32 $0x5000  }
0x4: {  	s16 =	simm.s32 $0x9000;
	s17 =	simm.s32 $0xD000;
	s18 =	simm.s32 $0x11000  }
0x5: {  	s19 =	simm.s32 $0x1;
	s20 =	simm.s32 $0x2;
	s21 =	simm.s32 $0x400  }
0x6: {  	s22 =	simm.s32 $0x800;
	s23 =	simm.s32 $0x3;
	s4 =	smul.u32 $0x500, s7  }
0x7: {  	s24 =	simm.s32 $0x4;
	s1 =	sand.u32 $0x1, s1;
	s10 =	smul.u32 $0x280000, s7  }
0x8: {  	s25 =	simm.s32 $0x0;
	[smem:$0x7FF] =	sst s2;
	s3 =	smul.u32 $0x28000, s1  }
0x9: {  	_ =	strace $0x8000004A;
	s5 =	ssub.s32 $0x2, s1;
	s6 =	sadd.s32 s4, s0  }
0xa: {  	s31 =	sshrl.u32 s5, $0x1;
	s9 =	sadd.s32 s3, s0;
	s3 =	sadd.s32 $0xDD800, s0  }
0xb: {  	s0 =	ssub.s32 s5, s31;
	s4 =	sadd.s32 $0x30600, s6;
	s5 =	sadd.s32 $0x2400, s6  }
0xc: {  	s6 =	smul.u32 $0x2800, s7;
	s7 =	sshll.u32 s1, $0xA;
	s8 =	sadd.s32 $0x8D800, s9  }
0xd: {  	s9 =	sadd.s32 $0x3D800, s9;
	s10 =	sor.u32 s7, s10;
	s11 =	smax.u32 s0, $0x1  }
.LBB2_1:
0xe: {  	[tilespmem:s2], [sflag:$0x5] =	stream.linear.gather [hbm4b:s4+s2], $0x2800, $0x38;
	[tilespmem:$0x15000] =	vst v63  }
0xf: {  	_ =	swait.ge [sflag:s12], $0x2800  }
0x10: {  	[sflag:s12] =	ssyncset.done $0x0  }
0x11: {  	[sflag:s12] =	ssyncadd.s32 $0xFFFFD800  }
0x12: {  	[tilespmem:s13], [sflag:$0x5] =	stream.linear.gather [hbm4b:s5+s2], $0x2800, $0x38;
	[tilespmem:$0x15000] =	vst v63  }
0x13: {  	_ =	swait.ge [sflag:s12], $0x2800  }
0x14: {  	[sflag:s12] =	ssyncset.done $0x0  }
0x15: {  	[sflag:s12] =	ssyncadd.s32 $0xFFFFD800  }
0x16: {  	[tilespmem:s15], [sflag:$0x1] =	stream.indirect.gather [hbm4b:s8+s14], $0x80, s2, s14, $0xb8;
	[tilespmem:$0x15000] =	vst v63  }
0x17: {  	s26 =	simm.s32 $0x0  }
0x18: {  	[tilespmem:s16], [sflag:$0x2] =	stream.indirect.gather [hbm4b:s9+s14], $0x80, s13, s14, $0xb8;
	[tilespmem:$0x15000] =	vst v63  }
.LBB2_2:
0x19: {  	s29 =	sshll.u32 s26, $0x8  }
0x1a: {  	s28 =	sor.u32 $0x80, s29  }
0x1b: {  	[tilespmem:s17], [sflag:$0x3] =	stream.indirect.gather [hbm4b:s8+s14], $0x80, s28, s14, $0xb8;
	[tilespmem:$0x15000] =	vst v63  }
0x1c: {  	s0 =	sadd.s32 $0x2880, s29  }
0x1d: {  	[tilespmem:s18], [sflag:$0x4] =	stream.indirect.gather [hbm4b:s9+s14], $0x80, s0, s14, $0xb8;
	[tilespmem:$0x15000] =	vst v63  }
0x1e: {  	_ =	swait.ge [sflag:s19], $0x4000  }
0x1f: {  	[sflag:s19] =	ssyncset.done $0x0  }
0x20: {  	[sflag:s19] =	ssyncadd.s32 $0xFFFFC000  }
0x21: {  	_ =	swait.ge [sflag:s20], $0x4000  }
0x22: {  	[sflag:s20] =	ssyncset.done $0x0  }
0x23: {  	s30 =	simm.s32 $0x5200;
	[sflag:s20] =	ssyncadd.s32 $0xFFFFC000  }
0x24: {  	s31 =	simm.s32 $0x9200;
	v0 =	vld [tilespmem:s30+$0xFFFFFE00]  }
0x25: {  	v1 =	vld [tilespmem:s31+$0xFFFFFE00];
	_ =	sdelay $0x4  }
0x26: {  	v0 =	vadd.f32 v1, v0;
	_ =	sdelay $0x1  }
0x27: {  	v0 =	vmax.f32 v0, $0.0e+00  }
0x28: {  	[tilespmem:s30+$0xFFFFFE00] =	vst v0;
	v0 =	vld [tilespmem:s30+$0xFFFFFE10]  }
0x29: {  	v1 =	vld [tilespmem:s31+$0xFFFFFE10];
	_ =	sdelay $0x4  }
0x2a: {  	v0 =	vadd.f32 v1, v0;
	_ =	sdelay $0x1  }
0x2b: {  	v0 =	vmax.f32 v0, $0.0e+00  }
0x2c: {  	[tilespmem:s30+$0xFFFFFE10] =	vst v0;
	v0 =	vld [tilespmem:s30+$0xFFFFFE20]  }
0x2d: {  	v1 =	vld [tilespmem:s31+$0xFFFFFE20];
	_ =	sdelay $0x4  }
0x2e: {  	v0 =	vadd.f32 v1, v0;
	_ =	sdelay $0x1  }
0x2f: {  	v0 =	vmax.f32 v0, $0.0e+00  }
0x30: {  	[tilespmem:s30+$0xFFFFFE20] =	vst v0;
	v0 =	vld [tilespmem:s30+$0xFFFFFE30]  }
0x31: {  	v1 =	vld [tilespmem:s31+$0xFFFFFE30];
	_ =	sdelay $0x4  }
0x32: {  	v0 =	vadd.f32 v1, v0;
	_ =	sdelay $0x1  }
0x33: {  	v0 =	vmax.f32 v0, $0.0e+00  }
0x34: {  	[tilespmem:s30+$0xFFFFFE30] =	vst v0;
	v0 =	vld [tilespmem:s30+$0xFFFFFE40]  }
0x35: {  	v1 =	vld [tilespmem:s31+$0xFFFFFE40];
	_ =	sdelay $0x4  }
0x36: {  	v0 =	vadd.f32 v1, v0;
	_ =	sdelay $0x1  }
0x37: {  	v0 =	vmax.f32 v0, $0.0e+00  }
0x38: {  	[tilespmem:s30+$0xFFFFFE40] =	vst v0;
	v0 =	vld [tilespmem:s30+$0xFFFFFE50]  }
0x39: {  	v1 =	vld [tilespmem:s31+$0xFFFFFE50];
	_ =	sdelay $0x4  }
0x3a: {  	v0 =	vadd.f32 v1, v0;
	_ =	sdelay $0x1  }
0x3b: {  	v0 =	vmax.f32 v0, $0.0e+00  }
0x3c: {  	[tilespmem:s30+$0xFFFFFE50] =	vst v0;
	v0 =	vld [tilespmem:s30+$0xFFFFFE60]  }
0x3d: {  	v1 =	vld [tilespmem:s31+$0xFFFFFE60];
	_ =	sdelay $0x4  }
0x3e: {  	v0 =	vadd.f32 v1, v0;
	_ =	sdelay $0x1  }
0x3f: {  	v0 =	vmax.f32 v0, $0.0e+00  }
0x40: {  	[tilespmem:s30+$0xFFFFFE60] =	vst v0;
	v0 =	vld [tilespmem:s30+$0xFFFFFE70]  }
0x41: {  	v1 =	vld [tilespmem:s31+$0xFFFFFE70];
	_ =	sdelay $0x4  }
0x42: {  	v0 =	vadd.f32 v1, v0;
	_ =	sdelay $0x1  }
0x43: {  	v0 =	vmax.f32 v0, $0.0e+00  }
0x44: {  	[tilespmem:s30+$0xFFFFFE70] =	vst v0;
	v0 =	vld [tilespmem:s30+$0xFFFFFE80]  }
0x45: {  	v1 =	vld [tilespmem:s31+$0xFFFFFE80];
	_ =	sdelay $0x4  }
0x46: {  	v0 =	vadd.f32 v1, v0;
	_ =	sdelay $0x1  }
0x47: {  	v0 =	vmax.f32 v0, $0.0e+00  }
0x48: {  	[tilespmem:s30+$0xFFFFFE80] =	vst v0;
	v0 =	vld [tilespmem:s30+$0xFFFFFE90]  }
0x49: {  	v1 =	vld [tilespmem:s31+$0xFFFFFE90];
	_ =	sdelay $0x4  }
0x4a: {  	v0 =	vadd.f32 v1, v0;
	_ =	sdelay $0x1  }
0x4b: {  	v0 =	vmax.f32 v0, $0.0e+00  }
0x4c: {  	[tilespmem:s30+$0xFFFFFE90] =	vst v0;
	v0 =	vld [tilespmem:s30+$0xFFFFFEA0]  }
0x4d: {  	v1 =	vld [tilespmem:s31+$0xFFFFFEA0];
	_ =	sdelay $0x4  }
0x4e: {  	v0 =	vadd.f32 v1, v0;
	_ =	sdelay $0x1  }
0x4f: {  	v0 =	vmax.f32 v0, $0.0e+00  }
0x50: {  	[tilespmem:s30+$0xFFFFFEA0] =	vst v0;
	v0 =	vld [tilespmem:s30+$0xFFFFFEB0]  }
0x51: {  	v1 =	vld [tilespmem:s31+$0xFFFFFEB0];
	_ =	sdelay $0x4  }
0x52: {  	v0 =	vadd.f32 v1, v0;
	_ =	sdelay $0x1  }
0x53: {  	v0 =	vmax.f32 v0, $0.0e+00  }
0x54: {  	[tilespmem:s30+$0xFFFFFEB0] =	vst v0;
	v0 =	vld [tilespmem:s30+$0xFFFFFEC0]  }
0x55: {  	v1 =	vld [tilespmem:s31+$0xFFFFFEC0];
	_ =	sdelay $0x4  }
0x56: {  	v0 =	vadd.f32 v1, v0;
	_ =	sdelay $0x1  }
0x57: {  	v0 =	vmax.f32 v0, $0.0e+00  }
0x58: {  	[tilespmem:s30+$0xFFFFFEC0] =	vst v0;
	v0 =	vld [tilespmem:s30+$0xFFFFFED0]  }
0x59: {  	v1 =	vld [tilespmem:s31+$0xFFFFFED0];
	_ =	sdelay $0x4  }
0x5a: {  	v0 =	vadd.f32 v1, v0;
	_ =	sdelay $0x1  }
0x5b: {  	v0 =	vmax.f32 v0, $0.0e+00  }
0x5c: {  	[tilespmem:s30+$0xFFFFFED0] =	vst v0;
	v0 =	vld [tilespmem:s30+$0xFFFFFEE0]  }
0x5d: {  	v1 =	vld [tilespmem:s31+$0xFFFFFEE0];
	_ =	sdelay $0x4  }
0x5e: {  	v0 =	vadd.f32 v1, v0;
	_ =	sdelay $0x1  }
0x5f: {  	v0 =	vmax.f32 v0, $0.0e+00  }
0x60: {  	[tilespmem:s30+$0xFFFFFEE0] =	vst v0;
	v0 =	vld [tilespmem:s30+$0xFFFFFEF0]  }
0x61: {  	v1 =	vld [tilespmem:s31+$0xFFFFFEF0];
	_ =	sdelay $0x4  }
0x62: {  	v0 =	vadd.f32 v1, v0;
	_ =	sdelay $0x1  }
0x63: {  	v0 =	vmax.f32 v0, $0.0e+00  }
0x64: {  	[tilespmem:s30+$0xFFFFFEF0] =	vst v0;
	v0 =	vld [tilespmem:s30+$0xFFFFFF00]  }
0x65: {  	v1 =	vld [tilespmem:s31+$0xFFFFFF00];
	_ =	sdelay $0x4  }
0x66: {  	v0 =	vadd.f32 v1, v0;
	_ =	sdelay $0x1  }
0x67: {  	v0 =	vmax.f32 v0, $0.0e+00  }
0x68: {  	[tilespmem:s30+$0xFFFFFF00] =	vst v0;
	v0 =	vld [tilespmem:s30+$0xFFFFFF10]  }
0x69: {  	v1 =	vld [tilespmem:s31+$0xFFFFFF10];
	_ =	sdelay $0x4  }
0x6a: {  	v0 =	vadd.f32 v1, v0;
	_ =	sdelay $0x1  }
0x6b: {  	v0 =	vmax.f32 v0, $0.0e+00  }
0x6c: {  	[tilespmem:s30+$0xFFFFFF10] =	vst v0;
	v0 =	vld [tilespmem:s30+$0xFFFFFF20]  }
0x6d: {  	v1 =	vld [tilespmem:s31+$0xFFFFFF20];
	_ =	sdelay $0x4  }
0x6e: {  	v0 =	vadd.f32 v1, v0;
	_ =	sdelay $0x1  }
0x6f: {  	v0 =	vmax.f32 v0, $0.0e+00  }
0x70: {  	[tilespmem:s30+$0xFFFFFF20] =	vst v0;
	v0 =	vld [tilespmem:s30+$0xFFFFFF30]  }
0x71: {  	v1 =	vld [tilespmem:s31+$0xFFFFFF30];
	_ =	sdelay $0x4  }
0x72: {  	v0 =	vadd.f32 v1, v0;
	_ =	sdelay $0x1  }
0x73: {  	v0 =	vmax.f32 v0, $0.0e+00  }
0x74: {  	[tilespmem:s30+$0xFFFFFF30] =	vst v0;
	v0 =	vld [tilespmem:s30+$0xFFFFFF40]  }
0x75: {  	v1 =	vld [tilespmem:s31+$0xFFFFFF40];
	_ =	sdelay $0x4  }
0x76: {  	v0 =	vadd.f32 v1, v0;
	_ =	sdelay $0x1  }
0x77: {  	v0 =	vmax.f32 v0, $0.0e+00  }
0x78: {  	[tilespmem:s30+$0xFFFFFF40] =	vst v0;
	v0 =	vld [tilespmem:s30+$0xFFFFFF50]  }
0x79: {  	v1 =	vld [tilespmem:s31+$0xFFFFFF50];
	_ =	sdelay $0x4  }
0x7a: {  	v0 =	vadd.f32 v1, v0;
	_ =	sdelay $0x1  }
0x7b: {  	v0 =	vmax.f32 v0, $0.0e+00  }
0x7c: {  	[tilespmem:s30+$0xFFFFFF50] =	vst v0;
	v0 =	vld [tilespmem:s30+$0xFFFFFF60]  }
0x7d: {  	v1 =	vld [tilespmem:s31+$0xFFFFFF60];
	_ =	sdelay $0x4  }
0x7e: {  	v0 =	vadd.f32 v1, v0;
	_ =	sdelay $0x1  }
0x7f: {  	v0 =	vmax.f32 v0, $0.0e+00  }
0x80: {  	[tilespmem:s30+$0xFFFFFF60] =	vst v0;
	v0 =	vld [tilespmem:s30+$0xFFFFFF70]  }
0x81: {  	v1 =	vld [tilespmem:s31+$0xFFFFFF70];
	_ =	sdelay $0x4  }
0x82: {  	v0 =	vadd.f32 v1, v0;
	_ =	sdelay $0x1  }
0x83: {  	v0 =	vmax.f32 v0, $0.0e+00  }
0x84: {  	[tilespmem:s30+$0xFFFFFF70] =	vst v0;
	v0 =	vld [tilespmem:s30+$0xFFFFFF80]  }
0x85: {  	v1 =	vld [tilespmem:s31+$0xFFFFFF80];
	_ =	sdelay $0x4  }
0x86: {  	v0 =	vadd.f32 v1, v0;
	_ =	sdelay $0x1  }
0x87: {  	v0 =	vmax.f32 v0, $0.0e+00  }
0x88: {  	[tilespmem:s30+$0xFFFFFF80] =	vst v0;
	v0 =	vld [tilespmem:s30+$0xFFFFFF90]  }
0x89: {  	v1 =	vld [tilespmem:s31+$0xFFFFFF90];
	_ =	sdelay $0x4  }
0x8a: {  	v0 =	vadd.f32 v1, v0;
	_ =	sdelay $0x1  }
0x8b: {  	v0 =	vmax.f32 v0, $0.0e+00  }
0x8c: {  	[tilespmem:s30+$0xFFFFFF90] =	vst v0;
	v0 =	vld [tilespmem:s30+$0xFFFFFFA0]  }
0x8d: {  	v1 =	vld [tilespmem:s31+$0xFFFFFFA0];
	_ =	sdelay $0x4  }
0x8e: {  	v0 =	vadd.f32 v1, v0;
	_ =	sdelay $0x1  }
0x8f: {  	v0 =	vmax.f32 v0, $0.0e+00  }
0x90: {  	[tilespmem:s30+$0xFFFFFFA0] =	vst v0;
	v0 =	vld [tilespmem:s30+$0xFFFFFFB0]  }
0x91: {  	v1 =	vld [tilespmem:s31+$0xFFFFFFB0];
	_ =	sdelay $0x4  }
0x92: {  	v0 =	vadd.f32 v1, v0;
	_ =	sdelay $0x1  }
0x93: {  	v0 =	vmax.f32 v0, $0.0e+00  }
0x94: {  	[tilespmem:s30+$0xFFFFFFB0] =	vst v0;
	v0 =	vld [tilespmem:s30+$0xFFFFFFC0]  }
0x95: {  	v1 =	vld [tilespmem:s31+$0xFFFFFFC0];
	_ =	sdelay $0x4  }
0x96: {  	v0 =	vadd.f32 v1, v0;
	_ =	sdelay $0x1  }
0x97: {  	v0 =	vmax.f32 v0, $0.0e+00  }
0x98: {  	[tilespmem:s30+$0xFFFFFFC0] =	vst v0;
	v0 =	vld [tilespmem:s30+$0xFFFFFFD0]  }
0x99: {  	v1 =	vld [tilespmem:s31+$0xFFFFFFD0];
	_ =	sdelay $0x4  }
0x9a: {  	v0 =	vadd.f32 v1, v0;
	_ =	sdelay $0x1  }
0x9b: {  	v0 =	vmax.f32 v0, $0.0e+00  }
0x9c: {  	[tilespmem:s30+$0xFFFFFFD0] =	vst v0;
	v0 =	vld [tilespmem:s30+$0xFFFFFFE0]  }
0x9d: {  	v1 =	vld [tilespmem:s31+$0xFFFFFFE0];
	_ =	sdelay $0x4  }
0x9e: {  	v0 =	vadd.f32 v1, v0;
	_ =	sdelay $0x1  }
0x9f: {  	v0 =	vmax.f32 v0, $0.0e+00  }
0xa0: {  	[tilespmem:s30+$0xFFFFFFE0] =	vst v0;
	v0 =	vld [tilespmem:s30+$0xFFFFFFF0]  }
0xa1: {  	v1 =	vld [tilespmem:s31+$0xFFFFFFF0];
	_ =	sdelay $0x4  }
0xa2: {  	v0 =	vadd.f32 v1, v0;
	_ =	sdelay $0x1  }
0xa3: {  	v0 =	vmax.f32 v0, $0.0e+00  }
0xa4: {  	[tilespmem:s30+$0xFFFFFFF0] =	vst v0;
	v0 =	vld [tilespmem:s30+$0x0]  }
0xa5: {  	v1 =	vld [tilespmem:s31+$0x0];
	_ =	sdelay $0x4  }
0xa6: {  	v0 =	vadd.f32 v1, v0;
	_ =	sdelay $0x1  }
0xa7: {  	v0 =	vmax.f32 v0, $0.0e+00  }
0xa8: {  	[tilespmem:s30+$0x0] =	vst v0;
	v0 =	vld [tilespmem:s30+$0x10]  }
0xa9: {  	v1 =	vld [tilespmem:s31+$0x10];
	_ =	sdelay $0x4  }
0xaa: {  	v0 =	vadd.f32 v1, v0;
	_ =	sdelay $0x1  }
0xab: {  	v0 =	vmax.f32 v0, $0.0e+00  }
0xac: {  	[tilespmem:s30+$0x10] =	vst v0;
	v0 =	vld [tilespmem:s30+$0x20]  }
0xad: {  	v1 =	vld [tilespmem:s31+$0x20];
	_ =	sdelay $0x4  }
0xae: {  	v0 =	vadd.f32 v1, v0;
	_ =	sdelay $0x1  }
0xaf: {  	v0 =	vmax.f32 v0, $0.0e+00  }
0xb0: {  	[tilespmem:s30+$0x20] =	vst v0;
	v0 =	vld [tilespmem:s30+$0x30]  }
0xb1: {  	v1 =	vld [tilespmem:s31+$0x30];
	_ =	sdelay $0x4  }
0xb2: {  	v0 =	vadd.f32 v1, v0;
	_ =	sdelay $0x1  }
0xb3: {  	v0 =	vmax.f32 v0, $0.0e+00  }
0xb4: {  	[tilespmem:s30+$0x30] =	vst v0;
	v0 =	vld [tilespmem:s30+$0x40]  }
0xb5: {  	v1 =	vld [tilespmem:s31+$0x40];
	_ =	sdelay $0x4  }
0xb6: {  	v0 =	vadd.f32 v1, v0;
	_ =	sdelay $0x1  }
0xb7: {  	v0 =	vmax.f32 v0, $0.0e+00  }
0xb8: {  	[tilespmem:s30+$0x40] =	vst v0;
	v0 =	vld [tilespmem:s30+$0x50]  }
0xb9: {  	v1 =	vld [tilespmem:s31+$0x50];
	_ =	sdelay $0x4  }
0xba: {  	v0 =	vadd.f32 v1, v0;
	_ =	sdelay $0x1  }
0xbb: {  	v0 =	vmax.f32 v0, $0.0e+00  }
0xbc: {  	[tilespmem:s30+$0x50] =	vst v0;
	v0 =	vld [tilespmem:s30+$0x60]  }
0xbd: {  	v1 =	vld [tilespmem:s31+$0x60];
	_ =	sdelay $0x4  }
0xbe: {  	v0 =	vadd.f32 v1, v0;
	_ =	sdelay $0x1  }
0xbf: {  	v0 =	vmax.f32 v0, $0.0e+00  }
0xc0: {  	[tilespmem:s30+$0x60] =	vst v0;
	v0 =	vld [tilespmem:s30+$0x70]  }
0xc1: {  	v1 =	vld [tilespmem:s31+$0x70];
	_ =	sdelay $0x4  }
0xc2: {  	v0 =	vadd.f32 v1, v0;
	_ =	sdelay $0x1  }
0xc3: {  	v0 =	vmax.f32 v0, $0.0e+00  }
0xc4: {  	[tilespmem:s30+$0x70] =	vst v0;
	v0 =	vld [tilespmem:s30+$0x80]  }
0xc5: {  	v1 =	vld [tilespmem:s31+$0x80];
	_ =	sdelay $0x4  }
0xc6: {  	v0 =	vadd.f32 v1, v0;
	_ =	sdelay $0x1  }
0xc7: {  	v0 =	vmax.f32 v0, $0.0e+00  }
0xc8: {  	[tilespmem:s30+$0x80] =	vst v0;
	v0 =	vld [tilespmem:s30+$0x90]  }
0xc9: {  	v1 =	vld [tilespmem:s31+$0x90];
	_ =	sdelay $0x4  }
0xca: {  	v0 =	vadd.f32 v1, v0;
	_ =	sdelay $0x1  }
0xcb: {  	v0 =	vmax.f32 v0, $0.0e+00  }
0xcc: {  	[tilespmem:s30+$0x90] =	vst v0;
	v0 =	vld [tilespmem:s30+$0xA0]  }
0xcd: {  	v1 =	vld [tilespmem:s31+$0xA0];
	_ =	sdelay $0x4  }
0xce: {  	v0 =	vadd.f32 v1, v0;
	_ =	sdelay $0x1  }
0xcf: {  	v0 =	vmax.f32 v0, $0.0e+00  }
0xd0: {  	[tilespmem:s30+$0xA0] =	vst v0;
	v0 =	vld [tilespmem:s30+$0xB0]  }
0xd1: {  	v1 =	vld [tilespmem:s31+$0xB0];
	_ =	sdelay $0x4  }
0xd2: {  	v0 =	vadd.f32 v1, v0;
	_ =	sdelay $0x1  }
0xd3: {  	v0 =	vmax.f32 v0, $0.0e+00  }
0xd4: {  	[tilespmem:s30+$0xB0] =	vst v0;
	v0 =	vld [tilespmem:s30+$0xC0]  }
0xd5: {  	v1 =	vld [tilespmem:s31+$0xC0];
	_ =	sdelay $0x4  }
0xd6: {  	v0 =	vadd.f32 v1, v0;
	_ =	sdelay $0x1  }
0xd7: {  	v0 =	vmax.f32 v0, $0.0e+00  }
0xd8: {  	[tilespmem:s30+$0xC0] =	vst v0;
	v0 =	vld [tilespmem:s30+$0xD0]  }
0xd9: {  	v1 =	vld [tilespmem:s31+$0xD0];
	_ =	sdelay $0x4  }
0xda: {  	v0 =	vadd.f32 v1, v0;
	_ =	sdelay $0x1  }
0xdb: {  	v0 =	vmax.f32 v0, $0.0e+00  }
0xdc: {  	[tilespmem:s30+$0xD0] =	vst v0;
	v0 =	vld [tilespmem:s30+$0xE0]  }
0xdd: {  	v1 =	vld [tilespmem:s31+$0xE0];
	_ =	sdelay $0x4  }
0xde: {  	v0 =	vadd.f32 v1, v0;
	_ =	sdelay $0x1  }
0xdf: {  	v0 =	vmax.f32 v0, $0.0e+00  }
0xe0: {  	[tilespmem:s30+$0xE0] =	vst v0;
	v0 =	vld [tilespmem:s30+$0xF0]  }
0xe1: {  	v1 =	vld [tilespmem:s31+$0xF0];
	_ =	sdelay $0x4  }
0xe2: {  	v0 =	vadd.f32 v1, v0;
	_ =	sdelay $0x1  }
0xe3: {  	v0 =	vmax.f32 v0, $0.0e+00  }
0xe4: {  	[tilespmem:s30+$0xF0] =	vst v0;
	v0 =	vld [tilespmem:s30+$0x100]  }
0xe5: {  	v1 =	vld [tilespmem:s31+$0x100];
	_ =	sdelay $0x4  }
0xe6: {  	v0 =	vadd.f32 v1, v0;
	_ =	sdelay $0x1  }
0xe7: {  	v0 =	vmax.f32 v0, $0.0e+00  }
0xe8: {  	[tilespmem:s30+$0x100] =	vst v0;
	v0 =	vld [tilespmem:s30+$0x110]  }
0xe9: {  	v1 =	vld [tilespmem:s31+$0x110];
	_ =	sdelay $0x4  }
0xea: {  	v0 =	vadd.f32 v1, v0;
	_ =	sdelay $0x1  }
0xeb: {  	v0 =	vmax.f32 v0, $0.0e+00  }
0xec: {  	[tilespmem:s30+$0x110] =	vst v0;
	v0 =	vld [tilespmem:s30+$0x120]  }
0xed: {  	v1 =	vld [tilespmem:s31+$0x120];
	_ =	sdelay $0x4  }
0xee: {  	v0 =	vadd.f32 v1, v0;
	_ =	sdelay $0x1  }
0xef: {  	v0 =	vmax.f32 v0, $0.0e+00  }
0xf0: {  	[tilespmem:s30+$0x120] =	vst v0;
	v0 =	vld [tilespmem:s30+$0x130]  }
0xf1: {  	v1 =	vld [tilespmem:s31+$0x130];
	_ =	sdelay $0x4  }
0xf2: {  	v0 =	vadd.f32 v1, v0;
	_ =	sdelay $0x1  }
0xf3: {  	v0 =	vmax.f32 v0, $0.0e+00  }
0xf4: {  	[tilespmem:s30+$0x130] =	vst v0;
	v0 =	vld [tilespmem:s30+$0x140]  }
0xf5: {  	v1 =	vld [tilespmem:s31+$0x140];
	_ =	sdelay $0x4  }
0xf6: {  	v0 =	vadd.f32 v1, v0;
	_ =	sdelay $0x1  }
0xf7: {  	v0 =	vmax.f32 v0, $0.0e+00  }
0xf8: {  	[tilespmem:s30+$0x140] =	vst v0;
	v0 =	vld [tilespmem:s30+$0x150]  }
0xf9: {  	v1 =	vld [tilespmem:s31+$0x150];
	_ =	sdelay $0x4  }
0xfa: {  	v0 =	vadd.f32 v1, v0;
	_ =	sdelay $0x1  }
0xfb: {  	v0 =	vmax.f32 v0, $0.0e+00  }
0xfc: {  	[tilespmem:s30+$0x150] =	vst v0;
	v0 =	vld [tilespmem:s30+$0x160]  }
0xfd: {  	v1 =	vld [tilespmem:s31+$0x160];
	_ =	sdelay $0x4  }
0xfe: {  	v0 =	vadd.f32 v1, v0;
	_ =	sdelay $0x1  }
0xff: {  	v0 =	vmax.f32 v0, $0.0e+00  }
0x100: {  	[tilespmem:s30+$0x160] =	vst v0;
	v0 =	vld [tilespmem:s30+$0x170]  }
0x101: {  	v1 =	vld [tilespmem:s31+$0x170];
	_ =	sdelay $0x4  }
0x102: {  	v0 =	vadd.f32 v1, v0;
	_ =	sdelay $0x1  }
0x103: {  	v0 =	vmax.f32 v0, $0.0e+00  }
0x104: {  	[tilespmem:s30+$0x170] =	vst v0;
	v0 =	vld [tilespmem:s30+$0x180]  }
0x105: {  	v1 =	vld [tilespmem:s31+$0x180];
	_ =	sdelay $0x4  }
0x106: {  	v0 =	vadd.f32 v1, v0;
	_ =	sdelay $0x1  }
0x107: {  	v0 =	vmax.f32 v0, $0.0e+00  }
0x108: {  	[tilespmem:s30+$0x180] =	vst v0;
	v0 =	vld [tilespmem:s30+$0x190]  }
0x109: {  	v1 =	vld [tilespmem:s31+$0x190];
	_ =	sdelay $0x4  }
0x10a: {  	v0 =	vadd.f32 v1, v0;
	_ =	sdelay $0x1  }
0x10b: {  	v0 =	vmax.f32 v0, $0.0e+00  }
0x10c: {  	[tilespmem:s30+$0x190] =	vst v0;
	v0 =	vld [tilespmem:s30+$0x1A0]  }
0x10d: {  	v1 =	vld [tilespmem:s31+$0x1A0];
	_ =	sdelay $0x4  }
0x10e: {  	v0 =	vadd.f32 v1, v0;
	_ =	sdelay $0x1  }
0x10f: {  	v0 =	vmax.f32 v0, $0.0e+00  }
0x110: {  	[tilespmem:s30+$0x1A0] =	vst v0;
	v0 =	vld [tilespmem:s30+$0x1B0]  }
0x111: {  	v1 =	vld [tilespmem:s31+$0x1B0];
	_ =	sdelay $0x4  }
0x112: {  	v0 =	vadd.f32 v1, v0;
	_ =	sdelay $0x1  }
0x113: {  	v0 =	vmax.f32 v0, $0.0e+00  }
0x114: {  	[tilespmem:s30+$0x1B0] =	vst v0;
	v0 =	vld [tilespmem:s30+$0x1C0]  }
0x115: {  	v1 =	vld [tilespmem:s31+$0x1C0];
	_ =	sdelay $0x4  }
0x116: {  	v0 =	vadd.f32 v1, v0;
	_ =	sdelay $0x1  }
0x117: {  	v0 =	vmax.f32 v0, $0.0e+00  }
0x118: {  	[tilespmem:s30+$0x1C0] =	vst v0;
	v0 =	vld [tilespmem:s30+$0x1D0]  }
0x119: {  	v1 =	vld [tilespmem:s31+$0x1D0];
	_ =	sdelay $0x4  }
0x11a: {  	v0 =	vadd.f32 v1, v0;
	_ =	sdelay $0x1  }
0x11b: {  	v0 =	vmax.f32 v0, $0.0e+00  }
0x11c: {  	[tilespmem:s30+$0x1D0] =	vst v0;
	v0 =	vld [tilespmem:s30+$0x1E0]  }
0x11d: {  	v1 =	vld [tilespmem:s31+$0x1E0];
	_ =	sdelay $0x4  }
0x11e: {  	v0 =	vadd.f32 v1, v0;
	_ =	sdelay $0x1  }
0x11f: {  	v0 =	vmax.f32 v0, $0.0e+00  }
0x120: {  	[tilespmem:s30+$0x1E0] =	vst v0;
	v0 =	vld [tilespmem:s30+$0x1F0]  }
0x121: {  	v1 =	vld [tilespmem:s31+$0x1F0];
	_ =	sdelay $0x4  }
0x122: {  	v0 =	vadd.f32 v1, v0;
	_ =	sdelay $0x1  }
0x123: {  	s1 =	simm.s32 $0x5600;
	s0 =	simm.s32 $0x0;
	v0 =	vmax.f32 v0, $0.0e+00  }
.LBB2_3:
0x124: {  	v1 =	vld [tilespmem:s1+$0xFFFFFE00];
	[tilespmem:s30+$0x1F0] =	vst v0;
	s31 =	sadd.s32 $0x400, s31;
	s30 =	smov.u32 s1  }
0x125: {  	s0 =	sadd.s32 $0x8, s0;
	v0 =	vld [tilespmem:s31+$0xFFFFFE00]  }
0x126: {  	p0 =	slt.u32 s0, $0x78;
	_ =	sdelay $0x3  }
0x127: {  	v0 =	vadd.f32 v0, v1;
	_ =	sdelay $0x1  }
0x128: {  	v0 =	vmax.f32 v0, $0.0e+00  }
0x129: {  	[tilespmem:s1+$0xFFFFFE00] =	vst v0;
	v0 =	vld [tilespmem:s1+$0xFFFFFE10]  }
0x12a: {  	v1 =	vld [tilespmem:s31+$0xFFFFFE10];
	_ =	sdelay $0x4  }
0x12b: {  	v0 =	vadd.f32 v1, v0;
	_ =	sdelay $0x1  }
0x12c: {  	v0 =	vmax.f32 v0, $0.0e+00  }
0x12d: {  	[tilespmem:s1+$0xFFFFFE10] =	vst v0;
	v0 =	vld [tilespmem:s1+$0xFFFFFE20]  }
0x12e: {  	v1 =	vld [tilespmem:s31+$0xFFFFFE20];
	_ =	sdelay $0x4  }
0x12f: {  	v0 =	vadd.f32 v1, v0;
	_ =	sdelay $0x1  }
0x130: {  	v0 =	vmax.f32 v0, $0.0e+00  }
0x131: {  	[tilespmem:s1+$0xFFFFFE20] =	vst v0;
	v0 =	vld [tilespmem:s1+$0xFFFFFE30]  }
0x132: {  	v1 =	vld [tilespmem:s31+$0xFFFFFE30];
	_ =	sdelay $0x4  }
0x133: {  	v0 =	vadd.f32 v1, v0;
	_ =	sdelay $0x1  }
0x134: {  	v0 =	vmax.f32 v0, $0.0e+00  }
0x135: {  	[tilespmem:s1+$0xFFFFFE30] =	vst v0;
	v0 =	vld [tilespmem:s1+$0xFFFFFE40]  }
0x136: {  	v1 =	vld [tilespmem:s31+$0xFFFFFE40];
	_ =	sdelay $0x4  }
0x137: {  	v0 =	vadd.f32 v1, v0;
	_ =	sdelay $0x1  }
0x138: {  	v0 =	vmax.f32 v0, $0.0e+00  }
0x139: {  	[tilespmem:s1+$0xFFFFFE40] =	vst v0;
	v0 =	vld [tilespmem:s1+$0xFFFFFE50]  }
0x13a: {  	v1 =	vld [tilespmem:s31+$0xFFFFFE50];
	_ =	sdelay $0x4  }
0x13b: {  	v0 =	vadd.f32 v1, v0;
	_ =	sdelay $0x1  }
0x13c: {  	v0 =	vmax.f32 v0, $0.0e+00  }
0x13d: {  	[tilespmem:s1+$0xFFFFFE50] =	vst v0;
	v0 =	vld [tilespmem:s1+$0xFFFFFE60]  }
0x13e: {  	v1 =	vld [tilespmem:s31+$0xFFFFFE60];
	_ =	sdelay $0x4  }
0x13f: {  	v0 =	vadd.f32 v1, v0;
	_ =	sdelay $0x1  }
0x140: {  	v0 =	vmax.f32 v0, $0.0e+00  }
0x141: {  	[tilespmem:s1+$0xFFFFFE60] =	vst v0;
	v0 =	vld [tilespmem:s1+$0xFFFFFE70]  }
0x142: {  	v1 =	vld [tilespmem:s31+$0xFFFFFE70];
	_ =	sdelay $0x4  }
0x143: {  	v0 =	vadd.f32 v1, v0;
	_ =	sdelay $0x1  }
0x144: {  	v0 =	vmax.f32 v0, $0.0e+00  }
0x145: {  	[tilespmem:s1+$0xFFFFFE70] =	vst v0;
	v0 =	vld [tilespmem:s1+$0xFFFFFE80]  }
0x146: {  	v1 =	vld [tilespmem:s31+$0xFFFFFE80];
	_ =	sdelay $0x4  }
0x147: {  	v0 =	vadd.f32 v1, v0;
	_ =	sdelay $0x1  }
0x148: {  	v0 =	vmax.f32 v0, $0.0e+00  }
0x149: {  	[tilespmem:s1+$0xFFFFFE80] =	vst v0;
	v0 =	vld [tilespmem:s1+$0xFFFFFE90]  }
0x14a: {  	v1 =	vld [tilespmem:s31+$0xFFFFFE90];
	_ =	sdelay $0x4  }
0x14b: {  	v0 =	vadd.f32 v1, v0;
	_ =	sdelay $0x1  }
0x14c: {  	v0 =	vmax.f32 v0, $0.0e+00  }
0x14d: {  	[tilespmem:s1+$0xFFFFFE90] =	vst v0;
	v0 =	vld [tilespmem:s1+$0xFFFFFEA0]  }
0x14e: {  	v1 =	vld [tilespmem:s31+$0xFFFFFEA0];
	_ =	sdelay $0x4  }
0x14f: {  	v0 =	vadd.f32 v1, v0;
	_ =	sdelay $0x1  }
0x150: {  	v0 =	vmax.f32 v0, $0.0e+00  }
0x151: {  	[tilespmem:s1+$0xFFFFFEA0] =	vst v0;
	v0 =	vld [tilespmem:s1+$0xFFFFFEB0]  }
0x152: {  	v1 =	vld [tilespmem:s31+$0xFFFFFEB0];
	_ =	sdelay $0x4  }
0x153: {  	v0 =	vadd.f32 v1, v0;
	_ =	sdelay $0x1  }
0x154: {  	v0 =	vmax.f32 v0, $0.0e+00  }
0x155: {  	[tilespmem:s1+$0xFFFFFEB0] =	vst v0;
	v0 =	vld [tilespmem:s1+$0xFFFFFEC0]  }
0x156: {  	v1 =	vld [tilespmem:s31+$0xFFFFFEC0];
	_ =	sdelay $0x4  }
0x157: {  	v0 =	vadd.f32 v1, v0;
	_ =	sdelay $0x1  }
0x158: {  	v0 =	vmax.f32 v0, $0.0e+00  }
0x159: {  	[tilespmem:s1+$0xFFFFFEC0] =	vst v0;
	v0 =	vld [tilespmem:s1+$0xFFFFFED0]  }
0x15a: {  	v1 =	vld [tilespmem:s31+$0xFFFFFED0];
	_ =	sdelay $0x4  }
0x15b: {  	v0 =	vadd.f32 v1, v0;
	_ =	sdelay $0x1  }
0x15c: {  	v0 =	vmax.f32 v0, $0.0e+00  }
0x15d: {  	[tilespmem:s1+$0xFFFFFED0] =	vst v0;
	v0 =	vld [tilespmem:s1+$0xFFFFFEE0]  }
0x15e: {  	v1 =	vld [tilespmem:s31+$0xFFFFFEE0];
	_ =	sdelay $0x4  }
0x15f: {  	v0 =	vadd.f32 v1, v0;
	_ =	sdelay $0x1  }
0x160: {  	v0 =	vmax.f32 v0, $0.0e+00  }
0x161: {  	[tilespmem:s1+$0xFFFFFEE0] =	vst v0;
	v0 =	vld [tilespmem:s1+$0xFFFFFEF0]  }
0x162: {  	v1 =	vld [tilespmem:s31+$0xFFFFFEF0];
	_ =	sdelay $0x4  }
0x163: {  	v0 =	vadd.f32 v1, v0;
	_ =	sdelay $0x1  }
0x164: {  	v0 =	vmax.f32 v0, $0.0e+00  }
0x165: {  	[tilespmem:s1+$0xFFFFFEF0] =	vst v0;
	v0 =	vld [tilespmem:s1+$0xFFFFFF00]  }
0x166: {  	v1 =	vld [tilespmem:s31+$0xFFFFFF00];
	_ =	sdelay $0x4  }
0x167: {  	v0 =	vadd.f32 v1, v0;
	_ =	sdelay $0x1  }
0x168: {  	v0 =	vmax.f32 v0, $0.0e+00  }
0x169: {  	[tilespmem:s1+$0xFFFFFF00] =	vst v0;
	v0 =	vld [tilespmem:s1+$0xFFFFFF10]  }
0x16a: {  	v1 =	vld [tilespmem:s31+$0xFFFFFF10];
	_ =	sdelay $0x4  }
0x16b: {  	v0 =	vadd.f32 v1, v0;
	_ =	sdelay $0x1  }
0x16c: {  	v0 =	vmax.f32 v0, $0.0e+00  }
0x16d: {  	[tilespmem:s1+$0xFFFFFF10] =	vst v0;
	v0 =	vld [tilespmem:s1+$0xFFFFFF20]  }
0x16e: {  	v1 =	vld [tilespmem:s31+$0xFFFFFF20];
	_ =	sdelay $0x4  }
0x16f: {  	v0 =	vadd.f32 v1, v0;
	_ =	sdelay $0x1  }
0x170: {  	v0 =	vmax.f32 v0, $0.0e+00  }
0x171: {  	[tilespmem:s1+$0xFFFFFF20] =	vst v0;
	v0 =	vld [tilespmem:s1+$0xFFFFFF30]  }
0x172: {  	v1 =	vld [tilespmem:s31+$0xFFFFFF30];
	_ =	sdelay $0x4  }
0x173: {  	v0 =	vadd.f32 v1, v0;
	_ =	sdelay $0x1  }
0x174: {  	v0 =	vmax.f32 v0, $0.0e+00  }
0x175: {  	[tilespmem:s1+$0xFFFFFF30] =	vst v0;
	v0 =	vld [tilespmem:s1+$0xFFFFFF40]  }
0x176: {  	v1 =	vld [tilespmem:s31+$0xFFFFFF40];
	_ =	sdelay $0x4  }
0x177: {  	v0 =	vadd.f32 v1, v0;
	_ =	sdelay $0x1  }
0x178: {  	v0 =	vmax.f32 v0, $0.0e+00  }
0x179: {  	[tilespmem:s1+$0xFFFFFF40] =	vst v0;
	v0 =	vld [tilespmem:s1+$0xFFFFFF50]  }
0x17a: {  	v1 =	vld [tilespmem:s31+$0xFFFFFF50];
	_ =	sdelay $0x4  }
0x17b: {  	v0 =	vadd.f32 v1, v0;
	_ =	sdelay $0x1  }
0x17c: {  	v0 =	vmax.f32 v0, $0.0e+00  }
0x17d: {  	[tilespmem:s1+$0xFFFFFF50] =	vst v0;
	v0 =	vld [tilespmem:s1+$0xFFFFFF60]  }
0x17e: {  	v1 =	vld [tilespmem:s31+$0xFFFFFF60];
	_ =	sdelay $0x4  }
0x17f: {  	v0 =	vadd.f32 v1, v0;
	_ =	sdelay $0x1  }
0x180: {  	v0 =	vmax.f32 v0, $0.0e+00  }
0x181: {  	[tilespmem:s1+$0xFFFFFF60] =	vst v0;
	v0 =	vld [tilespmem:s1+$0xFFFFFF70]  }
0x182: {  	v1 =	vld [tilespmem:s31+$0xFFFFFF70];
	_ =	sdelay $0x4  }
0x183: {  	v0 =	vadd.f32 v1, v0;
	_ =	sdelay $0x1  }
0x184: {  	v0 =	vmax.f32 v0, $0.0e+00  }
0x185: {  	[tilespmem:s1+$0xFFFFFF70] =	vst v0;
	v0 =	vld [tilespmem:s1+$0xFFFFFF80]  }
0x186: {  	v1 =	vld [tilespmem:s31+$0xFFFFFF80];
	_ =	sdelay $0x4  }
0x187: {  	v0 =	vadd.f32 v1, v0;
	_ =	sdelay $0x1  }
0x188: {  	v0 =	vmax.f32 v0, $0.0e+00  }
0x189: {  	[tilespmem:s1+$0xFFFFFF80] =	vst v0;
	v0 =	vld [tilespmem:s1+$0xFFFFFF90]  }
0x18a: {  	v1 =	vld [tilespmem:s31+$0xFFFFFF90];
	_ =	sdelay $0x4  }
0x18b: {  	v0 =	vadd.f32 v1, v0;
	_ =	sdelay $0x1  }
0x18c: {  	v0 =	vmax.f32 v0, $0.0e+00  }
0x18d: {  	[tilespmem:s1+$0xFFFFFF90] =	vst v0;
	v0 =	vld [tilespmem:s1+$0xFFFFFFA0]  }
0x18e: {  	v1 =	vld [tilespmem:s31+$0xFFFFFFA0];
	_ =	sdelay $0x4  }
0x18f: {  	v0 =	vadd.f32 v1, v0;
	_ =	sdelay $0x1  }
0x190: {  	v0 =	vmax.f32 v0, $0.0e+00  }
0x191: {  	[tilespmem:s1+$0xFFFFFFA0] =	vst v0;
	v0 =	vld [tilespmem:s1+$0xFFFFFFB0]  }
0x192: {  	v1 =	vld [tilespmem:s31+$0xFFFFFFB0];
	_ =	sdelay $0x4  }
0x193: {  	v0 =	vadd.f32 v1, v0;
	_ =	sdelay $0x1  }
0x194: {  	v0 =	vmax.f32 v0, $0.0e+00  }
0x195: {  	[tilespmem:s1+$0xFFFFFFB0] =	vst v0;
	v0 =	vld [tilespmem:s1+$0xFFFFFFC0]  }
0x196: {  	v1 =	vld [tilespmem:s31+$0xFFFFFFC0];
	_ =	sdelay $0x4  }
0x197: {  	v0 =	vadd.f32 v1, v0;
	_ =	sdelay $0x1  }
0x198: {  	v0 =	vmax.f32 v0, $0.0e+00  }
0x199: {  	[tilespmem:s1+$0xFFFFFFC0] =	vst v0;
	v0 =	vld [tilespmem:s1+$0xFFFFFFD0]  }
0x19a: {  	v1 =	vld [tilespmem:s31+$0xFFFFFFD0];
	_ =	sdelay $0x4  }
0x19b: {  	v0 =	vadd.f32 v1, v0;
	_ =	sdelay $0x1  }
0x19c: {  	v0 =	vmax.f32 v0, $0.0e+00  }
0x19d: {  	[tilespmem:s1+$0xFFFFFFD0] =	vst v0;
	v0 =	vld [tilespmem:s1+$0xFFFFFFE0]  }
0x19e: {  	v1 =	vld [tilespmem:s31+$0xFFFFFFE0];
	_ =	sdelay $0x4  }
0x19f: {  	v0 =	vadd.f32 v1, v0;
	_ =	sdelay $0x1  }
0x1a0: {  	v0 =	vmax.f32 v0, $0.0e+00  }
0x1a1: {  	[tilespmem:s1+$0xFFFFFFE0] =	vst v0;
	v0 =	vld [tilespmem:s1+$0xFFFFFFF0]  }
0x1a2: {  	v1 =	vld [tilespmem:s31+$0xFFFFFFF0];
	_ =	sdelay $0x4  }
0x1a3: {  	v0 =	vadd.f32 v1, v0;
	_ =	sdelay $0x1  }
0x1a4: {  	v0 =	vmax.f32 v0, $0.0e+00  }
0x1a5: {  	[tilespmem:s1+$0xFFFFFFF0] =	vst v0;
	v0 =	vld [tilespmem:s1+$0x0]  }
0x1a6: {  	v1 =	vld [tilespmem:s31+$0x0];
	_ =	sdelay $0x4  }
0x1a7: {  	v0 =	vadd.f32 v1, v0;
	_ =	sdelay $0x1  }
0x1a8: {  	v0 =	vmax.f32 v0, $0.0e+00  }
0x1a9: {  	[tilespmem:s1+$0x0] =	vst v0;
	v0 =	vld [tilespmem:s1+$0x10]  }
0x1aa: {  	v1 =	vld [tilespmem:s31+$0x10];
	_ =	sdelay $0x4  }
0x1ab: {  	v0 =	vadd.f32 v1, v0;
	_ =	sdelay $0x1  }
0x1ac: {  	v0 =	vmax.f32 v0, $0.0e+00  }
0x1ad: {  	[tilespmem:s1+$0x10] =	vst v0;
	v0 =	vld [tilespmem:s1+$0x20]  }
0x1ae: {  	v1 =	vld [tilespmem:s31+$0x20];
	_ =	sdelay $0x4  }
0x1af: {  	v0 =	vadd.f32 v1, v0;
	_ =	sdelay $0x1  }
0x1b0: {  	v0 =	vmax.f32 v0, $0.0e+00  }
0x1b1: {  	[tilespmem:s1+$0x20] =	vst v0;
	v0 =	vld [tilespmem:s1+$0x30]  }
0x1b2: {  	v1 =	vld [tilespmem:s31+$0x30];
	_ =	sdelay $0x4  }
0x1b3: {  	v0 =	vadd.f32 v1, v0;
	_ =	sdelay $0x1  }
0x1b4: {  	v0 =	vmax.f32 v0, $0.0e+00  }
0x1b5: {  	[tilespmem:s1+$0x30] =	vst v0;
	v0 =	vld [tilespmem:s1+$0x40]  }
0x1b6: {  	v1 =	vld [tilespmem:s31+$0x40];
	_ =	sdelay $0x4  }
0x1b7: {  	v0 =	vadd.f32 v1, v0;
	_ =	sdelay $0x1  }
0x1b8: {  	v0 =	vmax.f32 v0, $0.0e+00  }
0x1b9: {  	[tilespmem:s1+$0x40] =	vst v0;
	v0 =	vld [tilespmem:s1+$0x50]  }
0x1ba: {  	v1 =	vld [tilespmem:s31+$0x50];
	_ =	sdelay $0x4  }
0x1bb: {  	v0 =	vadd.f32 v1, v0;
	_ =	sdelay $0x1  }
0x1bc: {  	v0 =	vmax.f32 v0, $0.0e+00  }
0x1bd: {  	[tilespmem:s1+$0x50] =	vst v0;
	v0 =	vld [tilespmem:s1+$0x60]  }
0x1be: {  	v1 =	vld [tilespmem:s31+$0x60];
	_ =	sdelay $0x4  }
0x1bf: {  	v0 =	vadd.f32 v1, v0;
	_ =	sdelay $0x1  }
0x1c0: {  	v0 =	vmax.f32 v0, $0.0e+00  }
0x1c1: {  	[tilespmem:s1+$0x60] =	vst v0;
	v0 =	vld [tilespmem:s1+$0x70]  }
0x1c2: {  	v1 =	vld [tilespmem:s31+$0x70];
	_ =	sdelay $0x4  }
0x1c3: {  	v0 =	vadd.f32 v1, v0;
	_ =	sdelay $0x1  }
0x1c4: {  	v0 =	vmax.f32 v0, $0.0e+00  }
0x1c5: {  	[tilespmem:s1+$0x70] =	vst v0;
	v0 =	vld [tilespmem:s1+$0x80]  }
0x1c6: {  	v1 =	vld [tilespmem:s31+$0x80];
	_ =	sdelay $0x4  }
0x1c7: {  	v0 =	vadd.f32 v1, v0;
	_ =	sdelay $0x1  }
0x1c8: {  	v0 =	vmax.f32 v0, $0.0e+00  }
0x1c9: {  	[tilespmem:s1+$0x80] =	vst v0;
	v0 =	vld [tilespmem:s1+$0x90]  }
0x1ca: {  	v1 =	vld [tilespmem:s31+$0x90];
	_ =	sdelay $0x4  }
0x1cb: {  	v0 =	vadd.f32 v1, v0;
	_ =	sdelay $0x1  }
0x1cc: {  	v0 =	vmax.f32 v0, $0.0e+00  }
0x1cd: {  	[tilespmem:s1+$0x90] =	vst v0;
	v0 =	vld [tilespmem:s1+$0xA0]  }
0x1ce: {  	v1 =	vld [tilespmem:s31+$0xA0];
	_ =	sdelay $0x4  }
0x1cf: {  	v0 =	vadd.f32 v1, v0;
	_ =	sdelay $0x1  }
0x1d0: {  	v0 =	vmax.f32 v0, $0.0e+00  }
0x1d1: {  	[tilespmem:s1+$0xA0] =	vst v0;
	v0 =	vld [tilespmem:s1+$0xB0]  }
0x1d2: {  	v1 =	vld [tilespmem:s31+$0xB0];
	_ =	sdelay $0x4  }
0x1d3: {  	v0 =	vadd.f32 v1, v0;
	_ =	sdelay $0x1  }
0x1d4: {  	v0 =	vmax.f32 v0, $0.0e+00  }
0x1d5: {  	[tilespmem:s1+$0xB0] =	vst v0;
	v0 =	vld [tilespmem:s1+$0xC0]  }
0x1d6: {  	v1 =	vld [tilespmem:s31+$0xC0];
	_ =	sdelay $0x4  }
0x1d7: {  	v0 =	vadd.f32 v1, v0;
	_ =	sdelay $0x1  }
0x1d8: {  	v0 =	vmax.f32 v0, $0.0e+00  }
0x1d9: {  	[tilespmem:s1+$0xC0] =	vst v0;
	v0 =	vld [tilespmem:s1+$0xD0]  }
0x1da: {  	v1 =	vld [tilespmem:s31+$0xD0];
	_ =	sdelay $0x4  }
0x1db: {  	v0 =	vadd.f32 v1, v0;
	_ =	sdelay $0x1  }
0x1dc: {  	v0 =	vmax.f32 v0, $0.0e+00  }
0x1dd: {  	[tilespmem:s1+$0xD0] =	vst v0;
	v0 =	vld [tilespmem:s1+$0xE0]  }
0x1de: {  	v1 =	vld [tilespmem:s31+$0xE0];
	_ =	sdelay $0x4  }
0x1df: {  	v0 =	vadd.f32 v1, v0;
	_ =	sdelay $0x1  }
0x1e0: {  	v0 =	vmax.f32 v0, $0.0e+00  }
0x1e1: {  	[tilespmem:s1+$0xE0] =	vst v0;
	v0 =	vld [tilespmem:s1+$0xF0]  }
0x1e2: {  	v1 =	vld [tilespmem:s31+$0xF0];
	_ =	sdelay $0x4  }
0x1e3: {  	v0 =	vadd.f32 v1, v0;
	_ =	sdelay $0x1  }
0x1e4: {  	v0 =	vmax.f32 v0, $0.0e+00  }
0x1e5: {  	[tilespmem:s1+$0xF0] =	vst v0;
	v0 =	vld [tilespmem:s1+$0x100]  }
0x1e6: {  	v1 =	vld [tilespmem:s31+$0x100];
	_ =	sdelay $0x4  }
0x1e7: {  	v0 =	vadd.f32 v1, v0;
	_ =	sdelay $0x1  }
0x1e8: {  	v0 =	vmax.f32 v0, $0.0e+00  }
0x1e9: {  	[tilespmem:s1+$0x100] =	vst v0;
	v0 =	vld [tilespmem:s1+$0x110]  }
0x1ea: {  	v1 =	vld [tilespmem:s31+$0x110];
	_ =	sdelay $0x4  }
0x1eb: {  	v0 =	vadd.f32 v1, v0;
	_ =	sdelay $0x1  }
0x1ec: {  	v0 =	vmax.f32 v0, $0.0e+00  }
0x1ed: {  	[tilespmem:s1+$0x110] =	vst v0;
	v0 =	vld [tilespmem:s1+$0x120]  }
0x1ee: {  	v1 =	vld [tilespmem:s31+$0x120];
	_ =	sdelay $0x4  }
0x1ef: {  	v0 =	vadd.f32 v1, v0;
	_ =	sdelay $0x1  }
0x1f0: {  	v0 =	vmax.f32 v0, $0.0e+00  }
0x1f1: {  	[tilespmem:s1+$0x120] =	vst v0;
	v0 =	vld [tilespmem:s1+$0x130]  }
0x1f2: {  	v1 =	vld [tilespmem:s31+$0x130];
	_ =	sdelay $0x4  }
0x1f3: {  	v0 =	vadd.f32 v1, v0;
	_ =	sdelay $0x1  }
0x1f4: {  	v0 =	vmax.f32 v0, $0.0e+00  }
0x1f5: {  	[tilespmem:s1+$0x130] =	vst v0;
	v0 =	vld [tilespmem:s1+$0x140]  }
0x1f6: {  	v1 =	vld [tilespmem:s31+$0x140];
	_ =	sdelay $0x4  }
0x1f7: {  	v0 =	vadd.f32 v1, v0;
	_ =	sdelay $0x1  }
0x1f8: {  	v0 =	vmax.f32 v0, $0.0e+00  }
0x1f9: {  	[tilespmem:s1+$0x140] =	vst v0;
	v0 =	vld [tilespmem:s1+$0x150]  }
0x1fa: {  	v1 =	vld [tilespmem:s31+$0x150];
	_ =	sdelay $0x4  }
0x1fb: {  	v0 =	vadd.f32 v1, v0;
	_ =	sdelay $0x1  }
0x1fc: {  	v0 =	vmax.f32 v0, $0.0e+00  }
0x1fd: {  	[tilespmem:s1+$0x150] =	vst v0;
	v0 =	vld [tilespmem:s1+$0x160]  }
0x1fe: {  	v1 =	vld [tilespmem:s31+$0x160];
	_ =	sdelay $0x4  }
0x1ff: {  	v0 =	vadd.f32 v1, v0;
	_ =	sdelay $0x1  }
0x200: {  	v0 =	vmax.f32 v0, $0.0e+00  }
0x201: {  	[tilespmem:s1+$0x160] =	vst v0;
	v0 =	vld [tilespmem:s1+$0x170]  }
0x202: {  	v1 =	vld [tilespmem:s31+$0x170];
	_ =	sdelay $0x4  }
0x203: {  	v0 =	vadd.f32 v1, v0;
	_ =	sdelay $0x1  }
0x204: {  	v0 =	vmax.f32 v0, $0.0e+00  }
0x205: {  	[tilespmem:s1+$0x170] =	vst v0;
	v0 =	vld [tilespmem:s1+$0x180]  }
0x206: {  	v1 =	vld [tilespmem:s31+$0x180];
	_ =	sdelay $0x4  }
0x207: {  	v0 =	vadd.f32 v1, v0;
	_ =	sdelay $0x1  }
0x208: {  	v0 =	vmax.f32 v0, $0.0e+00  }
0x209: {  	[tilespmem:s1+$0x180] =	vst v0;
	v0 =	vld [tilespmem:s1+$0x190]  }
0x20a: {  	v1 =	vld [tilespmem:s31+$0x190];
	_ =	sdelay $0x4  }
0x20b: {  	v0 =	vadd.f32 v1, v0;
	_ =	sdelay $0x1  }
0x20c: {  	v0 =	vmax.f32 v0, $0.0e+00  }
0x20d: {  	[tilespmem:s1+$0x190] =	vst v0;
	v0 =	vld [tilespmem:s1+$0x1A0]  }
0x20e: {  	v1 =	vld [tilespmem:s31+$0x1A0];
	_ =	sdelay $0x4  }
0x20f: {  	v0 =	vadd.f32 v1, v0;
	_ =	sdelay $0x1  }
0x210: {  	v0 =	vmax.f32 v0, $0.0e+00  }
0x211: {  	[tilespmem:s1+$0x1A0] =	vst v0;
	v0 =	vld [tilespmem:s1+$0x1B0]  }
0x212: {  	v1 =	vld [tilespmem:s31+$0x1B0];
	_ =	sdelay $0x4  }
0x213: {  	v0 =	vadd.f32 v1, v0;
	_ =	sdelay $0x1  }
0x214: {  	v0 =	vmax.f32 v0, $0.0e+00  }
0x215: {  	[tilespmem:s1+$0x1B0] =	vst v0;
	v0 =	vld [tilespmem:s1+$0x1C0]  }
0x216: {  	v1 =	vld [tilespmem:s31+$0x1C0];
	_ =	sdelay $0x4  }
0x217: {  	v0 =	vadd.f32 v1, v0;
	_ =	sdelay $0x1  }
0x218: {  	v0 =	vmax.f32 v0, $0.0e+00  }
0x219: {  	[tilespmem:s1+$0x1C0] =	vst v0;
	v0 =	vld [tilespmem:s1+$0x1D0]  }
0x21a: {  	v1 =	vld [tilespmem:s31+$0x1D0];
	_ =	sdelay $0x4  }
0x21b: {  	v0 =	vadd.f32 v1, v0;
	_ =	sdelay $0x1  }
0x21c: {  	v0 =	vmax.f32 v0, $0.0e+00  }
0x21d: {  	[tilespmem:s1+$0x1D0] =	vst v0;
	v0 =	vld [tilespmem:s1+$0x1E0]  }
0x21e: {  	v1 =	vld [tilespmem:s31+$0x1E0];
	_ =	sdelay $0x4  }
0x21f: {  	v0 =	vadd.f32 v1, v0;
	_ =	sdelay $0x1  }
0x220: {  	v0 =	vmax.f32 v0, $0.0e+00  }
0x221: {  	[tilespmem:s1+$0x1E0] =	vst v0;
	v0 =	vld [tilespmem:s1+$0x1F0]  }
0x222: {  	v1 =	vld [tilespmem:s31+$0x1F0];
	_ =	sdelay $0x2  }
.Ltmp0:
0x223: {  	(pc) =	sbr.rel @p0 .LBB2_3-.Ltmp0, $3  }
0x224: {  	_ = 	snop  }
0x225: {  	v0 =	vadd.f32 v1, v0;
	_ =	sdelay $0x1  }
0x226: {  	s1 =	sadd.s32 $0x400, s1;
	v0 =	vmax.f32 v0, $0.0e+00  }
0x227: {  	s0 =	sshll.u32 s26, $0x10  }
0x228: {  	s0 =	sadd.s32 s10, s0  }
0x229: {  	s0 =	sshrl.u32 s0, $0x3  }
0x22a: {  	[tilespmem:s30+$0x1F0] =	vst v0;
	s0 =	sadd.s32 s3, s0  }
0x22b: {  	[hbm4b:s0+s21] =	stream.strided.scatter [tilespmem:s15], [sflag:$0x5], $0x4000, s22, s21, $0x38;
	[tilespmem:$0x15000] =	vst v63  }
0x22c: {  	p0 =	seq.s32 s26, $0x27;
	_ =	swait.ge [sflag:s12], $0x4000  }
0x22d: {  	s1 =	simm.s32 @!p0 $0x80;
	[sflag:s12] =	ssyncset.done $0x0  }
0x22e: {  	s30 =	simm.s32 @!p0 $0x5000;
	s0 =	sadd.s32 @!p0 $0x100, s29;
	[sflag:s12] =	ssyncadd.s32 $0xFFFFC000  }
0x22f: {  	[tilespmem:s30], [sflag:$0x1] =	stream.indirect.gather @!p0 [hbm4b:s8+s1], $0x80, s0, s1, $0xb8;
	[tilespmem:$0x15000] =	vst v63  }
0x230: {  	s0 =	sadd.s32 @!p0 $0x2900, s29;
	s29 =	simm.s32 @!p0 $0x9000  }
0x231: {  	[tilespmem:s29], [sflag:$0x2] =	stream.indirect.gather @!p0 [hbm4b:s9+s1], $0x80, s0, s1, $0xb8;
	[tilespmem:$0x15000] =	vst v63  }
0x232: {  	_ =	swait.ge [sflag:s23], $0x4000  }
0x233: {  	[sflag:s23] =	ssyncset.done $0x0  }
0x234: {  	[sflag:s23] =	ssyncadd.s32 $0xFFFFC000  }
0x235: {  	_ =	swait.ge [sflag:s24], $0x4000  }
0x236: {  	[sflag:s24] =	ssyncset.done $0x0  }
0x237: {  	s29 =	simm.s32 $0xD200;
	[sflag:s24] =	ssyncadd.s32 $0xFFFFC000  }
0x238: {  	s30 =	simm.s32 $0x11200;
	v0 =	vld [tilespmem:s29+$0xFFFFFE00]  }
0x239: {  	v1 =	vld [tilespmem:s30+$0xFFFFFE00];
	_ =	sdelay $0x4  }
0x23a: {  	v0 =	vadd.f32 v1, v0;
	_ =	sdelay $0x1  }
0x23b: {  	v0 =	vmax.f32 v0, $0.0e+00  }
0x23c: {  	[tilespmem:s29+$0xFFFFFE00] =	vst v0;
	v0 =	vld [tilespmem:s29+$0xFFFFFE10]  }
0x23d: {  	v1 =	vld [tilespmem:s30+$0xFFFFFE10];
	_ =	sdelay $0x4  }
0x23e: {  	v0 =	vadd.f32 v1, v0;
	_ =	sdelay $0x1  }
0x23f: {  	v0 =	vmax.f32 v0, $0.0e+00  }
0x240: {  	[tilespmem:s29+$0xFFFFFE10] =	vst v0;
	v0 =	vld [tilespmem:s29+$0xFFFFFE20]  }
0x241: {  	v1 =	vld [tilespmem:s30+$0xFFFFFE20];
	_ =	sdelay $0x4  }
0x242: {  	v0 =	vadd.f32 v1, v0;
	_ =	sdelay $0x1  }
0x243: {  	v0 =	vmax.f32 v0, $0.0e+00  }
0x244: {  	[tilespmem:s29+$0xFFFFFE20] =	vst v0;
	v0 =	vld [tilespmem:s29+$0xFFFFFE30]  }
0x245: {  	v1 =	vld [tilespmem:s30+$0xFFFFFE30];
	_ =	sdelay $0x4  }
0x246: {  	v0 =	vadd.f32 v1, v0;
	_ =	sdelay $0x1  }
0x247: {  	v0 =	vmax.f32 v0, $0.0e+00  }
0x248: {  	[tilespmem:s29+$0xFFFFFE30] =	vst v0;
	v0 =	vld [tilespmem:s29+$0xFFFFFE40]  }
0x249: {  	v1 =	vld [tilespmem:s30+$0xFFFFFE40];
	_ =	sdelay $0x4  }
0x24a: {  	v0 =	vadd.f32 v1, v0;
	_ =	sdelay $0x1  }
0x24b: {  	v0 =	vmax.f32 v0, $0.0e+00  }
0x24c: {  	[tilespmem:s29+$0xFFFFFE40] =	vst v0;
	v0 =	vld [tilespmem:s29+$0xFFFFFE50]  }
0x24d: {  	v1 =	vld [tilespmem:s30+$0xFFFFFE50];
	_ =	sdelay $0x4  }
0x24e: {  	v0 =	vadd.f32 v1, v0;
	_ =	sdelay $0x1  }
0x24f: {  	v0 =	vmax.f32 v0, $0.0e+00  }
0x250: {  	[tilespmem:s29+$0xFFFFFE50] =	vst v0;
	v0 =	vld [tilespmem:s29+$0xFFFFFE60]  }
0x251: {  	v1 =	vld [tilespmem:s30+$0xFFFFFE60];
	_ =	sdelay $0x4  }
0x252: {  	v0 =	vadd.f32 v1, v0;
	_ =	sdelay $0x1  }
0x253: {  	v0 =	vmax.f32 v0, $0.0e+00  }
0x254: {  	[tilespmem:s29+$0xFFFFFE60] =	vst v0;
	v0 =	vld [tilespmem:s29+$0xFFFFFE70]  }
0x255: {  	v1 =	vld [tilespmem:s30+$0xFFFFFE70];
	_ =	sdelay $0x4  }
0x256: {  	v0 =	vadd.f32 v1, v0;
	_ =	sdelay $0x1  }
0x257: {  	v0 =	vmax.f32 v0, $0.0e+00  }
0x258: {  	[tilespmem:s29+$0xFFFFFE70] =	vst v0;
	v0 =	vld [tilespmem:s29+$0xFFFFFE80]  }
0x259: {  	v1 =	vld [tilespmem:s30+$0xFFFFFE80];
	_ =	sdelay $0x4  }
0x25a: {  	v0 =	vadd.f32 v1, v0;
	_ =	sdelay $0x1  }
0x25b: {  	v0 =	vmax.f32 v0, $0.0e+00  }
0x25c: {  	[tilespmem:s29+$0xFFFFFE80] =	vst v0;
	v0 =	vld [tilespmem:s29+$0xFFFFFE90]  }
0x25d: {  	v1 =	vld [tilespmem:s30+$0xFFFFFE90];
	_ =	sdelay $0x4  }
0x25e: {  	v0 =	vadd.f32 v1, v0;
	_ =	sdelay $0x1  }
0x25f: {  	v0 =	vmax.f32 v0, $0.0e+00  }
0x260: {  	[tilespmem:s29+$0xFFFFFE90] =	vst v0;
	v0 =	vld [tilespmem:s29+$0xFFFFFEA0]  }
0x261: {  	v1 =	vld [tilespmem:s30+$0xFFFFFEA0];
	_ =	sdelay $0x4  }
0x262: {  	v0 =	vadd.f32 v1, v0;
	_ =	sdelay $0x1  }
0x263: {  	v0 =	vmax.f32 v0, $0.0e+00  }
0x264: {  	[tilespmem:s29+$0xFFFFFEA0] =	vst v0;
	v0 =	vld [tilespmem:s29+$0xFFFFFEB0]  }
0x265: {  	v1 =	vld [tilespmem:s30+$0xFFFFFEB0];
	_ =	sdelay $0x4  }
0x266: {  	v0 =	vadd.f32 v1, v0;
	_ =	sdelay $0x1  }
0x267: {  	v0 =	vmax.f32 v0, $0.0e+00  }
0x268: {  	[tilespmem:s29+$0xFFFFFEB0] =	vst v0;
	v0 =	vld [tilespmem:s29+$0xFFFFFEC0]  }
0x269: {  	v1 =	vld [tilespmem:s30+$0xFFFFFEC0];
	_ =	sdelay $0x4  }
0x26a: {  	v0 =	vadd.f32 v1, v0;
	_ =	sdelay $0x1  }
0x26b: {  	v0 =	vmax.f32 v0, $0.0e+00  }
0x26c: {  	[tilespmem:s29+$0xFFFFFEC0] =	vst v0;
	v0 =	vld [tilespmem:s29+$0xFFFFFED0]  }
0x26d: {  	v1 =	vld [tilespmem:s30+$0xFFFFFED0];
	_ =	sdelay $0x4  }
0x26e: {  	v0 =	vadd.f32 v1, v0;
	_ =	sdelay $0x1  }
0x26f: {  	v0 =	vmax.f32 v0, $0.0e+00  }
0x270: {  	[tilespmem:s29+$0xFFFFFED0] =	vst v0;
	v0 =	vld [tilespmem:s29+$0xFFFFFEE0]  }
0x271: {  	v1 =	vld [tilespmem:s30+$0xFFFFFEE0];
	_ =	sdelay $0x4  }
0x272: {  	v0 =	vadd.f32 v1, v0;
	_ =	sdelay $0x1  }
0x273: {  	v0 =	vmax.f32 v0, $0.0e+00  }
0x274: {  	[tilespmem:s29+$0xFFFFFEE0] =	vst v0;
	v0 =	vld [tilespmem:s29+$0xFFFFFEF0]  }
0x275: {  	v1 =	vld [tilespmem:s30+$0xFFFFFEF0];
	_ =	sdelay $0x4  }
0x276: {  	v0 =	vadd.f32 v1, v0;
	_ =	sdelay $0x1  }
0x277: {  	v0 =	vmax.f32 v0, $0.0e+00  }
0x278: {  	[tilespmem:s29+$0xFFFFFEF0] =	vst v0;
	v0 =	vld [tilespmem:s29+$0xFFFFFF00]  }
0x279: {  	v1 =	vld [tilespmem:s30+$0xFFFFFF00];
	_ =	sdelay $0x4  }
0x27a: {  	v0 =	vadd.f32 v1, v0;
	_ =	sdelay $0x1  }
0x27b: {  	v0 =	vmax.f32 v0, $0.0e+00  }
0x27c: {  	[tilespmem:s29+$0xFFFFFF00] =	vst v0;
	v0 =	vld [tilespmem:s29+$0xFFFFFF10]  }
0x27d: {  	v1 =	vld [tilespmem:s30+$0xFFFFFF10];
	_ =	sdelay $0x4  }
0x27e: {  	v0 =	vadd.f32 v1, v0;
	_ =	sdelay $0x1  }
0x27f: {  	v0 =	vmax.f32 v0, $0.0e+00  }
0x280: {  	[tilespmem:s29+$0xFFFFFF10] =	vst v0;
	v0 =	vld [tilespmem:s29+$0xFFFFFF20]  }
0x281: {  	v1 =	vld [tilespmem:s30+$0xFFFFFF20];
	_ =	sdelay $0x4  }
0x282: {  	v0 =	vadd.f32 v1, v0;
	_ =	sdelay $0x1  }
0x283: {  	v0 =	vmax.f32 v0, $0.0e+00  }
0x284: {  	[tilespmem:s29+$0xFFFFFF20] =	vst v0;
	v0 =	vld [tilespmem:s29+$0xFFFFFF30]  }
0x285: {  	v1 =	vld [tilespmem:s30+$0xFFFFFF30];
	_ =	sdelay $0x4  }
0x286: {  	v0 =	vadd.f32 v1, v0;
	_ =	sdelay $0x1  }
0x287: {  	v0 =	vmax.f32 v0, $0.0e+00  }
0x288: {  	[tilespmem:s29+$0xFFFFFF30] =	vst v0;
	v0 =	vld [tilespmem:s29+$0xFFFFFF40]  }
0x289: {  	v1 =	vld [tilespmem:s30+$0xFFFFFF40];
	_ =	sdelay $0x4  }
0x28a: {  	v0 =	vadd.f32 v1, v0;
	_ =	sdelay $0x1  }
0x28b: {  	v0 =	vmax.f32 v0, $0.0e+00  }
0x28c: {  	[tilespmem:s29+$0xFFFFFF40] =	vst v0;
	v0 =	vld [tilespmem:s29+$0xFFFFFF50]  }
0x28d: {  	v1 =	vld [tilespmem:s30+$0xFFFFFF50];
	_ =	sdelay $0x4  }
0x28e: {  	v0 =	vadd.f32 v1, v0;
	_ =	sdelay $0x1  }
0x28f: {  	v0 =	vmax.f32 v0, $0.0e+00  }
0x290: {  	[tilespmem:s29+$0xFFFFFF50] =	vst v0;
	v0 =	vld [tilespmem:s29+$0xFFFFFF60]  }
0x291: {  	v1 =	vld [tilespmem:s30+$0xFFFFFF60];
	_ =	sdelay $0x4  }
0x292: {  	v0 =	vadd.f32 v1, v0;
	_ =	sdelay $0x1  }
0x293: {  	v0 =	vmax.f32 v0, $0.0e+00  }
0x294: {  	[tilespmem:s29+$0xFFFFFF60] =	vst v0;
	v0 =	vld [tilespmem:s29+$0xFFFFFF70]  }
0x295: {  	v1 =	vld [tilespmem:s30+$0xFFFFFF70];
	_ =	sdelay $0x4  }
0x296: {  	v0 =	vadd.f32 v1, v0;
	_ =	sdelay $0x1  }
0x297: {  	v0 =	vmax.f32 v0, $0.0e+00  }
0x298: {  	[tilespmem:s29+$0xFFFFFF70] =	vst v0;
	v0 =	vld [tilespmem:s29+$0xFFFFFF80]  }
0x299: {  	v1 =	vld [tilespmem:s30+$0xFFFFFF80];
	_ =	sdelay $0x4  }
0x29a: {  	v0 =	vadd.f32 v1, v0;
	_ =	sdelay $0x1  }
0x29b: {  	v0 =	vmax.f32 v0, $0.0e+00  }
0x29c: {  	[tilespmem:s29+$0xFFFFFF80] =	vst v0;
	v0 =	vld [tilespmem:s29+$0xFFFFFF90]  }
0x29d: {  	v1 =	vld [tilespmem:s30+$0xFFFFFF90];
	_ =	sdelay $0x4  }
0x29e: {  	v0 =	vadd.f32 v1, v0;
	_ =	sdelay $0x1  }
0x29f: {  	v0 =	vmax.f32 v0, $0.0e+00  }
0x2a0: {  	[tilespmem:s29+$0xFFFFFF90] =	vst v0;
	v0 =	vld [tilespmem:s29+$0xFFFFFFA0]  }
0x2a1: {  	v1 =	vld [tilespmem:s30+$0xFFFFFFA0];
	_ =	sdelay $0x4  }
0x2a2: {  	v0 =	vadd.f32 v1, v0;
	_ =	sdelay $0x1  }
0x2a3: {  	v0 =	vmax.f32 v0, $0.0e+00  }
0x2a4: {  	[tilespmem:s29+$0xFFFFFFA0] =	vst v0;
	v0 =	vld [tilespmem:s29+$0xFFFFFFB0]  }
0x2a5: {  	v1 =	vld [tilespmem:s30+$0xFFFFFFB0];
	_ =	sdelay $0x4  }
0x2a6: {  	v0 =	vadd.f32 v1, v0;
	_ =	sdelay $0x1  }
0x2a7: {  	v0 =	vmax.f32 v0, $0.0e+00  }
0x2a8: {  	[tilespmem:s29+$0xFFFFFFB0] =	vst v0;
	v0 =	vld [tilespmem:s29+$0xFFFFFFC0]  }
0x2a9: {  	v1 =	vld [tilespmem:s30+$0xFFFFFFC0];
	_ =	sdelay $0x4  }
0x2aa: {  	v0 =	vadd.f32 v1, v0;
	_ =	sdelay $0x1  }
0x2ab: {  	v0 =	vmax.f32 v0, $0.0e+00  }
0x2ac: {  	[tilespmem:s29+$0xFFFFFFC0] =	vst v0;
	v0 =	vld [tilespmem:s29+$0xFFFFFFD0]  }
0x2ad: {  	v1 =	vld [tilespmem:s30+$0xFFFFFFD0];
	_ =	sdelay $0x4  }
0x2ae: {  	v0 =	vadd.f32 v1, v0;
	_ =	sdelay $0x1  }
0x2af: {  	v0 =	vmax.f32 v0, $0.0e+00  }
0x2b0: {  	[tilespmem:s29+$0xFFFFFFD0] =	vst v0;
	v0 =	vld [tilespmem:s29+$0xFFFFFFE0]  }
0x2b1: {  	v1 =	vld [tilespmem:s30+$0xFFFFFFE0];
	_ =	sdelay $0x4  }
0x2b2: {  	v0 =	vadd.f32 v1, v0;
	_ =	sdelay $0x1  }
0x2b3: {  	v0 =	vmax.f32 v0, $0.0e+00  }
0x2b4: {  	[tilespmem:s29+$0xFFFFFFE0] =	vst v0;
	v0 =	vld [tilespmem:s29+$0xFFFFFFF0]  }
0x2b5: {  	v1 =	vld [tilespmem:s30+$0xFFFFFFF0];
	_ =	sdelay $0x4  }
0x2b6: {  	v0 =	vadd.f32 v1, v0;
	_ =	sdelay $0x1  }
0x2b7: {  	v0 =	vmax.f32 v0, $0.0e+00  }
0x2b8: {  	[tilespmem:s29+$0xFFFFFFF0] =	vst v0;
	v0 =	vld [tilespmem:s29+$0x0]  }
0x2b9: {  	v1 =	vld [tilespmem:s30+$0x0];
	_ =	sdelay $0x4  }
0x2ba: {  	v0 =	vadd.f32 v1, v0;
	_ =	sdelay $0x1  }
0x2bb: {  	v0 =	vmax.f32 v0, $0.0e+00  }
0x2bc: {  	[tilespmem:s29+$0x0] =	vst v0;
	v0 =	vld [tilespmem:s29+$0x10]  }
0x2bd: {  	v1 =	vld [tilespmem:s30+$0x10];
	_ =	sdelay $0x4  }
0x2be: {  	v0 =	vadd.f32 v1, v0;
	_ =	sdelay $0x1  }
0x2bf: {  	v0 =	vmax.f32 v0, $0.0e+00  }
0x2c0: {  	[tilespmem:s29+$0x10] =	vst v0;
	v0 =	vld [tilespmem:s29+$0x20]  }
0x2c1: {  	v1 =	vld [tilespmem:s30+$0x20];
	_ =	sdelay $0x4  }
0x2c2: {  	v0 =	vadd.f32 v1, v0;
	_ =	sdelay $0x1  }
0x2c3: {  	v0 =	vmax.f32 v0, $0.0e+00  }
0x2c4: {  	[tilespmem:s29+$0x20] =	vst v0;
	v0 =	vld [tilespmem:s29+$0x30]  }
0x2c5: {  	v1 =	vld [tilespmem:s30+$0x30];
	_ =	sdelay $0x4  }
0x2c6: {  	v0 =	vadd.f32 v1, v0;
	_ =	sdelay $0x1  }
0x2c7: {  	v0 =	vmax.f32 v0, $0.0e+00  }
0x2c8: {  	[tilespmem:s29+$0x30] =	vst v0;
	v0 =	vld [tilespmem:s29+$0x40]  }
0x2c9: {  	v1 =	vld [tilespmem:s30+$0x40];
	_ =	sdelay $0x4  }
0x2ca: {  	v0 =	vadd.f32 v1, v0;
	_ =	sdelay $0x1  }
0x2cb: {  	v0 =	vmax.f32 v0, $0.0e+00  }
0x2cc: {  	[tilespmem:s29+$0x40] =	vst v0;
	v0 =	vld [tilespmem:s29+$0x50]  }
0x2cd: {  	v1 =	vld [tilespmem:s30+$0x50];
	_ =	sdelay $0x4  }
0x2ce: {  	v0 =	vadd.f32 v1, v0;
	_ =	sdelay $0x1  }
0x2cf: {  	v0 =	vmax.f32 v0, $0.0e+00  }
0x2d0: {  	[tilespmem:s29+$0x50] =	vst v0;
	v0 =	vld [tilespmem:s29+$0x60]  }
0x2d1: {  	v1 =	vld [tilespmem:s30+$0x60];
	_ =	sdelay $0x4  }
0x2d2: {  	v0 =	vadd.f32 v1, v0;
	_ =	sdelay $0x1  }
0x2d3: {  	v0 =	vmax.f32 v0, $0.0e+00  }
0x2d4: {  	[tilespmem:s29+$0x60] =	vst v0;
	v0 =	vld [tilespmem:s29+$0x70]  }
0x2d5: {  	v1 =	vld [tilespmem:s30+$0x70];
	_ =	sdelay $0x4  }
0x2d6: {  	v0 =	vadd.f32 v1, v0;
	_ =	sdelay $0x1  }
0x2d7: {  	v0 =	vmax.f32 v0, $0.0e+00  }
0x2d8: {  	[tilespmem:s29+$0x70] =	vst v0;
	v0 =	vld [tilespmem:s29+$0x80]  }
0x2d9: {  	v1 =	vld [tilespmem:s30+$0x80];
	_ =	sdelay $0x4  }
0x2da: {  	v0 =	vadd.f32 v1, v0;
	_ =	sdelay $0x1  }
0x2db: {  	v0 =	vmax.f32 v0, $0.0e+00  }
0x2dc: {  	[tilespmem:s29+$0x80] =	vst v0;
	v0 =	vld [tilespmem:s29+$0x90]  }
0x2dd: {  	v1 =	vld [tilespmem:s30+$0x90];
	_ =	sdelay $0x4  }
0x2de: {  	v0 =	vadd.f32 v1, v0;
	_ =	sdelay $0x1  }
0x2df: {  	v0 =	vmax.f32 v0, $0.0e+00  }
0x2e0: {  	[tilespmem:s29+$0x90] =	vst v0;
	v0 =	vld [tilespmem:s29+$0xA0]  }
0x2e1: {  	v1 =	vld [tilespmem:s30+$0xA0];
	_ =	sdelay $0x4  }
0x2e2: {  	v0 =	vadd.f32 v1, v0;
	_ =	sdelay $0x1  }
0x2e3: {  	v0 =	vmax.f32 v0, $0.0e+00  }
0x2e4: {  	[tilespmem:s29+$0xA0] =	vst v0;
	v0 =	vld [tilespmem:s29+$0xB0]  }
0x2e5: {  	v1 =	vld [tilespmem:s30+$0xB0];
	_ =	sdelay $0x4  }
0x2e6: {  	v0 =	vadd.f32 v1, v0;
	_ =	sdelay $0x1  }
0x2e7: {  	v0 =	vmax.f32 v0, $0.0e+00  }
0x2e8: {  	[tilespmem:s29+$0xB0] =	vst v0;
	v0 =	vld [tilespmem:s29+$0xC0]  }
0x2e9: {  	v1 =	vld [tilespmem:s30+$0xC0];
	_ =	sdelay $0x4  }
0x2ea: {  	v0 =	vadd.f32 v1, v0;
	_ =	sdelay $0x1  }
0x2eb: {  	v0 =	vmax.f32 v0, $0.0e+00  }
0x2ec: {  	[tilespmem:s29+$0xC0] =	vst v0;
	v0 =	vld [tilespmem:s29+$0xD0]  }
0x2ed: {  	v1 =	vld [tilespmem:s30+$0xD0];
	_ =	sdelay $0x4  }
0x2ee: {  	v0 =	vadd.f32 v1, v0;
	_ =	sdelay $0x1  }
0x2ef: {  	v0 =	vmax.f32 v0, $0.0e+00  }
0x2f0: {  	[tilespmem:s29+$0xD0] =	vst v0;
	v0 =	vld [tilespmem:s29+$0xE0]  }
0x2f1: {  	v1 =	vld [tilespmem:s30+$0xE0];
	_ =	sdelay $0x4  }
0x2f2: {  	v0 =	vadd.f32 v1, v0;
	_ =	sdelay $0x1  }
0x2f3: {  	v0 =	vmax.f32 v0, $0.0e+00  }
0x2f4: {  	[tilespmem:s29+$0xE0] =	vst v0;
	v0 =	vld [tilespmem:s29+$0xF0]  }
0x2f5: {  	v1 =	vld [tilespmem:s30+$0xF0];
	_ =	sdelay $0x4  }
0x2f6: {  	v0 =	vadd.f32 v1, v0;
	_ =	sdelay $0x1  }
0x2f7: {  	v0 =	vmax.f32 v0, $0.0e+00  }
0x2f8: {  	[tilespmem:s29+$0xF0] =	vst v0;
	v0 =	vld [tilespmem:s29+$0x100]  }
0x2f9: {  	v1 =	vld [tilespmem:s30+$0x100];
	_ =	sdelay $0x4  }
0x2fa: {  	v0 =	vadd.f32 v1, v0;
	_ =	sdelay $0x1  }
0x2fb: {  	v0 =	vmax.f32 v0, $0.0e+00  }
0x2fc: {  	[tilespmem:s29+$0x100] =	vst v0;
	v0 =	vld [tilespmem:s29+$0x110]  }
0x2fd: {  	v1 =	vld [tilespmem:s30+$0x110];
	_ =	sdelay $0x4  }
0x2fe: {  	v0 =	vadd.f32 v1, v0;
	_ =	sdelay $0x1  }
0x2ff: {  	v0 =	vmax.f32 v0, $0.0e+00  }
0x300: {  	[tilespmem:s29+$0x110] =	vst v0;
	v0 =	vld [tilespmem:s29+$0x120]  }
0x301: {  	v1 =	vld [tilespmem:s30+$0x120];
	_ =	sdelay $0x4  }
0x302: {  	v0 =	vadd.f32 v1, v0;
	_ =	sdelay $0x1  }
0x303: {  	v0 =	vmax.f32 v0, $0.0e+00  }
0x304: {  	[tilespmem:s29+$0x120] =	vst v0;
	v0 =	vld [tilespmem:s29+$0x130]  }
0x305: {  	v1 =	vld [tilespmem:s30+$0x130];
	_ =	sdelay $0x4  }
0x306: {  	v0 =	vadd.f32 v1, v0;
	_ =	sdelay $0x1  }
0x307: {  	v0 =	vmax.f32 v0, $0.0e+00  }
0x308: {  	[tilespmem:s29+$0x130] =	vst v0;
	v0 =	vld [tilespmem:s29+$0x140]  }
0x309: {  	v1 =	vld [tilespmem:s30+$0x140];
	_ =	sdelay $0x4  }
0x30a: {  	v0 =	vadd.f32 v1, v0;
	_ =	sdelay $0x1  }
0x30b: {  	v0 =	vmax.f32 v0, $0.0e+00  }
0x30c: {  	[tilespmem:s29+$0x140] =	vst v0;
	v0 =	vld [tilespmem:s29+$0x150]  }
0x30d: {  	v1 =	vld [tilespmem:s30+$0x150];
	_ =	sdelay $0x4  }
0x30e: {  	v0 =	vadd.f32 v1, v0;
	_ =	sdelay $0x1  }
0x30f: {  	v0 =	vmax.f32 v0, $0.0e+00  }
0x310: {  	[tilespmem:s29+$0x150] =	vst v0;
	v0 =	vld [tilespmem:s29+$0x160]  }
0x311: {  	v1 =	vld [tilespmem:s30+$0x160];
	_ =	sdelay $0x4  }
0x312: {  	v0 =	vadd.f32 v1, v0;
	_ =	sdelay $0x1  }
0x313: {  	v0 =	vmax.f32 v0, $0.0e+00  }
0x314: {  	[tilespmem:s29+$0x160] =	vst v0;
	v0 =	vld [tilespmem:s29+$0x170]  }
0x315: {  	v1 =	vld [tilespmem:s30+$0x170];
	_ =	sdelay $0x4  }
0x316: {  	v0 =	vadd.f32 v1, v0;
	_ =	sdelay $0x1  }
0x317: {  	v0 =	vmax.f32 v0, $0.0e+00  }
0x318: {  	[tilespmem:s29+$0x170] =	vst v0;
	v0 =	vld [tilespmem:s29+$0x180]  }
0x319: {  	v1 =	vld [tilespmem:s30+$0x180];
	_ =	sdelay $0x4  }
0x31a: {  	v0 =	vadd.f32 v1, v0;
	_ =	sdelay $0x1  }
0x31b: {  	v0 =	vmax.f32 v0, $0.0e+00  }
0x31c: {  	[tilespmem:s29+$0x180] =	vst v0;
	v0 =	vld [tilespmem:s29+$0x190]  }
0x31d: {  	v1 =	vld [tilespmem:s30+$0x190];
	_ =	sdelay $0x4  }
0x31e: {  	v0 =	vadd.f32 v1, v0;
	_ =	sdelay $0x1  }
0x31f: {  	v0 =	vmax.f32 v0, $0.0e+00  }
0x320: {  	[tilespmem:s29+$0x190] =	vst v0;
	v0 =	vld [tilespmem:s29+$0x1A0]  }
0x321: {  	v1 =	vld [tilespmem:s30+$0x1A0];
	_ =	sdelay $0x4  }
0x322: {  	v0 =	vadd.f32 v1, v0;
	_ =	sdelay $0x1  }
0x323: {  	v0 =	vmax.f32 v0, $0.0e+00  }
0x324: {  	[tilespmem:s29+$0x1A0] =	vst v0;
	v0 =	vld [tilespmem:s29+$0x1B0]  }
0x325: {  	v1 =	vld [tilespmem:s30+$0x1B0];
	_ =	sdelay $0x4  }
0x326: {  	v0 =	vadd.f32 v1, v0;
	_ =	sdelay $0x1  }
0x327: {  	v0 =	vmax.f32 v0, $0.0e+00  }
0x328: {  	[tilespmem:s29+$0x1B0] =	vst v0;
	v0 =	vld [tilespmem:s29+$0x1C0]  }
0x329: {  	v1 =	vld [tilespmem:s30+$0x1C0];
	_ =	sdelay $0x4  }
0x32a: {  	v0 =	vadd.f32 v1, v0;
	_ =	sdelay $0x1  }
0x32b: {  	v0 =	vmax.f32 v0, $0.0e+00  }
0x32c: {  	[tilespmem:s29+$0x1C0] =	vst v0;
	v0 =	vld [tilespmem:s29+$0x1D0]  }
0x32d: {  	v1 =	vld [tilespmem:s30+$0x1D0];
	_ =	sdelay $0x4  }
0x32e: {  	v0 =	vadd.f32 v1, v0;
	_ =	sdelay $0x1  }
0x32f: {  	v0 =	vmax.f32 v0, $0.0e+00  }
0x330: {  	[tilespmem:s29+$0x1D0] =	vst v0;
	v0 =	vld [tilespmem:s29+$0x1E0]  }
0x331: {  	v1 =	vld [tilespmem:s30+$0x1E0];
	_ =	sdelay $0x4  }
0x332: {  	v0 =	vadd.f32 v1, v0;
	_ =	sdelay $0x1  }
0x333: {  	v0 =	vmax.f32 v0, $0.0e+00  }
0x334: {  	[tilespmem:s29+$0x1E0] =	vst v0;
	v0 =	vld [tilespmem:s29+$0x1F0]  }
0x335: {  	v1 =	vld [tilespmem:s30+$0x1F0];
	_ =	sdelay $0x4  }
0x336: {  	v0 =	vadd.f32 v1, v0;
	_ =	sdelay $0x1  }
0x337: {  	s0 =	simm.s32 $0x0;
	s1 =	simm.s32 $0xD600;
	v0 =	vmax.f32 v0, $0.0e+00  }
.LBB2_5:
0x338: {  	v1 =	vld [tilespmem:s1+$0xFFFFFE00];
	[tilespmem:s29+$0x1F0] =	vst v0;
	s30 =	sadd.s32 $0x400, s30;
	s29 =	smov.u32 s1  }
0x339: {  	s0 =	sadd.s32 $0x8, s0;
	v0 =	vld [tilespmem:s30+$0xFFFFFE00]  }
0x33a: {  	p0 =	slt.u32 s0, $0x78;
	_ =	sdelay $0x3  }
0x33b: {  	v0 =	vadd.f32 v0, v1;
	_ =	sdelay $0x1  }
0x33c: {  	v0 =	vmax.f32 v0, $0.0e+00  }
0x33d: {  	[tilespmem:s1+$0xFFFFFE00] =	vst v0;
	v0 =	vld [tilespmem:s1+$0xFFFFFE10]  }
0x33e: {  	v1 =	vld [tilespmem:s30+$0xFFFFFE10];
	_ =	sdelay $0x4  }
0x33f: {  	v0 =	vadd.f32 v1, v0;
	_ =	sdelay $0x1  }
0x340: {  	v0 =	vmax.f32 v0, $0.0e+00  }
0x341: {  	[tilespmem:s1+$0xFFFFFE10] =	vst v0;
	v0 =	vld [tilespmem:s1+$0xFFFFFE20]  }
0x342: {  	v1 =	vld [tilespmem:s30+$0xFFFFFE20];
	_ =	sdelay $0x4  }
0x343: {  	v0 =	vadd.f32 v1, v0;
	_ =	sdelay $0x1  }
0x344: {  	v0 =	vmax.f32 v0, $0.0e+00  }
0x345: {  	[tilespmem:s1+$0xFFFFFE20] =	vst v0;
	v0 =	vld [tilespmem:s1+$0xFFFFFE30]  }
0x346: {  	v1 =	vld [tilespmem:s30+$0xFFFFFE30];
	_ =	sdelay $0x4  }
0x347: {  	v0 =	vadd.f32 v1, v0;
	_ =	sdelay $0x1  }
0x348: {  	v0 =	vmax.f32 v0, $0.0e+00  }
0x349: {  	[tilespmem:s1+$0xFFFFFE30] =	vst v0;
	v0 =	vld [tilespmem:s1+$0xFFFFFE40]  }
0x34a: {  	v1 =	vld [tilespmem:s30+$0xFFFFFE40];
	_ =	sdelay $0x4  }
0x34b: {  	v0 =	vadd.f32 v1, v0;
	_ =	sdelay $0x1  }
0x34c: {  	v0 =	vmax.f32 v0, $0.0e+00  }
0x34d: {  	[tilespmem:s1+$0xFFFFFE40] =	vst v0;
	v0 =	vld [tilespmem:s1+$0xFFFFFE50]  }
0x34e: {  	v1 =	vld [tilespmem:s30+$0xFFFFFE50];
	_ =	sdelay $0x4  }
0x34f: {  	v0 =	vadd.f32 v1, v0;
	_ =	sdelay $0x1  }
0x350: {  	v0 =	vmax.f32 v0, $0.0e+00  }
0x351: {  	[tilespmem:s1+$0xFFFFFE50] =	vst v0;
	v0 =	vld [tilespmem:s1+$0xFFFFFE60]  }
0x352: {  	v1 =	vld [tilespmem:s30+$0xFFFFFE60];
	_ =	sdelay $0x4  }
0x353: {  	v0 =	vadd.f32 v1, v0;
	_ =	sdelay $0x1  }
0x354: {  	v0 =	vmax.f32 v0, $0.0e+00  }
0x355: {  	[tilespmem:s1+$0xFFFFFE60] =	vst v0;
	v0 =	vld [tilespmem:s1+$0xFFFFFE70]  }
0x356: {  	v1 =	vld [tilespmem:s30+$0xFFFFFE70];
	_ =	sdelay $0x4  }
0x357: {  	v0 =	vadd.f32 v1, v0;
	_ =	sdelay $0x1  }
0x358: {  	v0 =	vmax.f32 v0, $0.0e+00  }
0x359: {  	[tilespmem:s1+$0xFFFFFE70] =	vst v0;
	v0 =	vld [tilespmem:s1+$0xFFFFFE80]  }
0x35a: {  	v1 =	vld [tilespmem:s30+$0xFFFFFE80];
	_ =	sdelay $0x4  }
0x35b: {  	v0 =	vadd.f32 v1, v0;
	_ =	sdelay $0x1  }
0x35c: {  	v0 =	vmax.f32 v0, $0.0e+00  }
0x35d: {  	[tilespmem:s1+$0xFFFFFE80] =	vst v0;
	v0 =	vld [tilespmem:s1+$0xFFFFFE90]  }
0x35e: {  	v1 =	vld [tilespmem:s30+$0xFFFFFE90];
	_ =	sdelay $0x4  }
0x35f: {  	v0 =	vadd.f32 v1, v0;
	_ =	sdelay $0x1  }
0x360: {  	v0 =	vmax.f32 v0, $0.0e+00  }
0x361: {  	[tilespmem:s1+$0xFFFFFE90] =	vst v0;
	v0 =	vld [tilespmem:s1+$0xFFFFFEA0]  }
0x362: {  	v1 =	vld [tilespmem:s30+$0xFFFFFEA0];
	_ =	sdelay $0x4  }
0x363: {  	v0 =	vadd.f32 v1, v0;
	_ =	sdelay $0x1  }
0x364: {  	v0 =	vmax.f32 v0, $0.0e+00  }
0x365: {  	[tilespmem:s1+$0xFFFFFEA0] =	vst v0;
	v0 =	vld [tilespmem:s1+$0xFFFFFEB0]  }
0x366: {  	v1 =	vld [tilespmem:s30+$0xFFFFFEB0];
	_ =	sdelay $0x4  }
0x367: {  	v0 =	vadd.f32 v1, v0;
	_ =	sdelay $0x1  }
0x368: {  	v0 =	vmax.f32 v0, $0.0e+00  }
0x369: {  	[tilespmem:s1+$0xFFFFFEB0] =	vst v0;
	v0 =	vld [tilespmem:s1+$0xFFFFFEC0]  }
0x36a: {  	v1 =	vld [tilespmem:s30+$0xFFFFFEC0];
	_ =	sdelay $0x4  }
0x36b: {  	v0 =	vadd.f32 v1, v0;
	_ =	sdelay $0x1  }
0x36c: {  	v0 =	vmax.f32 v0, $0.0e+00  }
0x36d: {  	[tilespmem:s1+$0xFFFFFEC0] =	vst v0;
	v0 =	vld [tilespmem:s1+$0xFFFFFED0]  }
0x36e: {  	v1 =	vld [tilespmem:s30+$0xFFFFFED0];
	_ =	sdelay $0x4  }
0x36f: {  	v0 =	vadd.f32 v1, v0;
	_ =	sdelay $0x1  }
0x370: {  	v0 =	vmax.f32 v0, $0.0e+00  }
0x371: {  	[tilespmem:s1+$0xFFFFFED0] =	vst v0;
	v0 =	vld [tilespmem:s1+$0xFFFFFEE0]  }
0x372: {  	v1 =	vld [tilespmem:s30+$0xFFFFFEE0];
	_ =	sdelay $0x4  }
0x373: {  	v0 =	vadd.f32 v1, v0;
	_ =	sdelay $0x1  }
0x374: {  	v0 =	vmax.f32 v0, $0.0e+00  }
0x375: {  	[tilespmem:s1+$0xFFFFFEE0] =	vst v0;
	v0 =	vld [tilespmem:s1+$0xFFFFFEF0]  }
0x376: {  	v1 =	vld [tilespmem:s30+$0xFFFFFEF0];
	_ =	sdelay $0x4  }
0x377: {  	v0 =	vadd.f32 v1, v0;
	_ =	sdelay $0x1  }
0x378: {  	v0 =	vmax.f32 v0, $0.0e+00  }
0x379: {  	[tilespmem:s1+$0xFFFFFEF0] =	vst v0;
	v0 =	vld [tilespmem:s1+$0xFFFFFF00]  }
0x37a: {  	v1 =	vld [tilespmem:s30+$0xFFFFFF00];
	_ =	sdelay $0x4  }
0x37b: {  	v0 =	vadd.f32 v1, v0;
	_ =	sdelay $0x1  }
0x37c: {  	v0 =	vmax.f32 v0, $0.0e+00  }
0x37d: {  	[tilespmem:s1+$0xFFFFFF00] =	vst v0;
	v0 =	vld [tilespmem:s1+$0xFFFFFF10]  }
0x37e: {  	v1 =	vld [tilespmem:s30+$0xFFFFFF10];
	_ =	sdelay $0x4  }
0x37f: {  	v0 =	vadd.f32 v1, v0;
	_ =	sdelay $0x1  }
0x380: {  	v0 =	vmax.f32 v0, $0.0e+00  }
0x381: {  	[tilespmem:s1+$0xFFFFFF10] =	vst v0;
	v0 =	vld [tilespmem:s1+$0xFFFFFF20]  }
0x382: {  	v1 =	vld [tilespmem:s30+$0xFFFFFF20];
	_ =	sdelay $0x4  }
0x383: {  	v0 =	vadd.f32 v1, v0;
	_ =	sdelay $0x1  }
0x384: {  	v0 =	vmax.f32 v0, $0.0e+00  }
0x385: {  	[tilespmem:s1+$0xFFFFFF20] =	vst v0;
	v0 =	vld [tilespmem:s1+$0xFFFFFF30]  }
0x386: {  	v1 =	vld [tilespmem:s30+$0xFFFFFF30];
	_ =	sdelay $0x4  }
0x387: {  	v0 =	vadd.f32 v1, v0;
	_ =	sdelay $0x1  }
0x388: {  	v0 =	vmax.f32 v0, $0.0e+00  }
0x389: {  	[tilespmem:s1+$0xFFFFFF30] =	vst v0;
	v0 =	vld [tilespmem:s1+$0xFFFFFF40]  }
0x38a: {  	v1 =	vld [tilespmem:s30+$0xFFFFFF40];
	_ =	sdelay $0x4  }
0x38b: {  	v0 =	vadd.f32 v1, v0;
	_ =	sdelay $0x1  }
0x38c: {  	v0 =	vmax.f32 v0, $0.0e+00  }
0x38d: {  	[tilespmem:s1+$0xFFFFFF40] =	vst v0;
	v0 =	vld [tilespmem:s1+$0xFFFFFF50]  }
0x38e: {  	v1 =	vld [tilespmem:s30+$0xFFFFFF50];
	_ =	sdelay $0x4  }
0x38f: {  	v0 =	vadd.f32 v1, v0;
	_ =	sdelay $0x1  }
0x390: {  	v0 =	vmax.f32 v0, $0.0e+00  }
0x391: {  	[tilespmem:s1+$0xFFFFFF50] =	vst v0;
	v0 =	vld [tilespmem:s1+$0xFFFFFF60]  }
0x392: {  	v1 =	vld [tilespmem:s30+$0xFFFFFF60];
	_ =	sdelay $0x4  }
0x393: {  	v0 =	vadd.f32 v1, v0;
	_ =	sdelay $0x1  }
0x394: {  	v0 =	vmax.f32 v0, $0.0e+00  }
0x395: {  	[tilespmem:s1+$0xFFFFFF60] =	vst v0;
	v0 =	vld [tilespmem:s1+$0xFFFFFF70]  }
0x396: {  	v1 =	vld [tilespmem:s30+$0xFFFFFF70];
	_ =	sdelay $0x4  }
0x397: {  	v0 =	vadd.f32 v1, v0;
	_ =	sdelay $0x1  }
0x398: {  	v0 =	vmax.f32 v0, $0.0e+00  }
0x399: {  	[tilespmem:s1+$0xFFFFFF70] =	vst v0;
	v0 =	vld [tilespmem:s1+$0xFFFFFF80]  }
0x39a: {  	v1 =	vld [tilespmem:s30+$0xFFFFFF80];
	_ =	sdelay $0x4  }
0x39b: {  	v0 =	vadd.f32 v1, v0;
	_ =	sdelay $0x1  }
0x39c: {  	v0 =	vmax.f32 v0, $0.0e+00  }
0x39d: {  	[tilespmem:s1+$0xFFFFFF80] =	vst v0;
	v0 =	vld [tilespmem:s1+$0xFFFFFF90]  }
0x39e: {  	v1 =	vld [tilespmem:s30+$0xFFFFFF90];
	_ =	sdelay $0x4  }
0x39f: {  	v0 =	vadd.f32 v1, v0;
	_ =	sdelay $0x1  }
0x3a0: {  	v0 =	vmax.f32 v0, $0.0e+00  }
0x3a1: {  	[tilespmem:s1+$0xFFFFFF90] =	vst v0;
	v0 =	vld [tilespmem:s1+$0xFFFFFFA0]  }
0x3a2: {  	v1 =	vld [tilespmem:s30+$0xFFFFFFA0];
	_ =	sdelay $0x4  }
0x3a3: {  	v0 =	vadd.f32 v1, v0;
	_ =	sdelay $0x1  }
0x3a4: {  	v0 =	vmax.f32 v0, $0.0e+00  }
0x3a5: {  	[tilespmem:s1+$0xFFFFFFA0] =	vst v0;
	v0 =	vld [tilespmem:s1+$0xFFFFFFB0]  }
0x3a6: {  	v1 =	vld [tilespmem:s30+$0xFFFFFFB0];
	_ =	sdelay $0x4  }
0x3a7: {  	v0 =	vadd.f32 v1, v0;
	_ =	sdelay $0x1  }
0x3a8: {  	v0 =	vmax.f32 v0, $0.0e+00  }
0x3a9: {  	[tilespmem:s1+$0xFFFFFFB0] =	vst v0;
	v0 =	vld [tilespmem:s1+$0xFFFFFFC0]  }
0x3aa: {  	v1 =	vld [tilespmem:s30+$0xFFFFFFC0];
	_ =	sdelay $0x4  }
0x3ab: {  	v0 =	vadd.f32 v1, v0;
	_ =	sdelay $0x1  }
0x3ac: {  	v0 =	vmax.f32 v0, $0.0e+00  }
0x3ad: {  	[tilespmem:s1+$0xFFFFFFC0] =	vst v0;
	v0 =	vld [tilespmem:s1+$0xFFFFFFD0]  }
0x3ae: {  	v1 =	vld [tilespmem:s30+$0xFFFFFFD0];
	_ =	sdelay $0x4  }
0x3af: {  	v0 =	vadd.f32 v1, v0;
	_ =	sdelay $0x1  }
0x3b0: {  	v0 =	vmax.f32 v0, $0.0e+00  }
0x3b1: {  	[tilespmem:s1+$0xFFFFFFD0] =	vst v0;
	v0 =	vld [tilespmem:s1+$0xFFFFFFE0]  }
0x3b2: {  	v1 =	vld [tilespmem:s30+$0xFFFFFFE0];
	_ =	sdelay $0x4  }
0x3b3: {  	v0 =	vadd.f32 v1, v0;
	_ =	sdelay $0x1  }
0x3b4: {  	v0 =	vmax.f32 v0, $0.0e+00  }
0x3b5: {  	[tilespmem:s1+$0xFFFFFFE0] =	vst v0;
	v0 =	vld [tilespmem:s1+$0xFFFFFFF0]  }
0x3b6: {  	v1 =	vld [tilespmem:s30+$0xFFFFFFF0];
	_ =	sdelay $0x4  }
0x3b7: {  	v0 =	vadd.f32 v1, v0;
	_ =	sdelay $0x1  }
0x3b8: {  	v0 =	vmax.f32 v0, $0.0e+00  }
0x3b9: {  	[tilespmem:s1+$0xFFFFFFF0] =	vst v0;
	v0 =	vld [tilespmem:s1+$0x0]  }
0x3ba: {  	v1 =	vld [tilespmem:s30+$0x0];
	_ =	sdelay $0x4  }
0x3bb: {  	v0 =	vadd.f32 v1, v0;
	_ =	sdelay $0x1  }
0x3bc: {  	v0 =	vmax.f32 v0, $0.0e+00  }
0x3bd: {  	[tilespmem:s1+$0x0] =	vst v0;
	v0 =	vld [tilespmem:s1+$0x10]  }
0x3be: {  	v1 =	vld [tilespmem:s30+$0x10];
	_ =	sdelay $0x4  }
0x3bf: {  	v0 =	vadd.f32 v1, v0;
	_ =	sdelay $0x1  }
0x3c0: {  	v0 =	vmax.f32 v0, $0.0e+00  }
0x3c1: {  	[tilespmem:s1+$0x10] =	vst v0;
	v0 =	vld [tilespmem:s1+$0x20]  }
0x3c2: {  	v1 =	vld [tilespmem:s30+$0x20];
	_ =	sdelay $0x4  }
0x3c3: {  	v0 =	vadd.f32 v1, v0;
	_ =	sdelay $0x1  }
0x3c4: {  	v0 =	vmax.f32 v0, $0.0e+00  }
0x3c5: {  	[tilespmem:s1+$0x20] =	vst v0;
	v0 =	vld [tilespmem:s1+$0x30]  }
0x3c6: {  	v1 =	vld [tilespmem:s30+$0x30];
	_ =	sdelay $0x4  }
0x3c7: {  	v0 =	vadd.f32 v1, v0;
	_ =	sdelay $0x1  }
0x3c8: {  	v0 =	vmax.f32 v0, $0.0e+00  }
0x3c9: {  	[tilespmem:s1+$0x30] =	vst v0;
	v0 =	vld [tilespmem:s1+$0x40]  }
0x3ca: {  	v1 =	vld [tilespmem:s30+$0x40];
	_ =	sdelay $0x4  }
0x3cb: {  	v0 =	vadd.f32 v1, v0;
	_ =	sdelay $0x1  }
0x3cc: {  	v0 =	vmax.f32 v0, $0.0e+00  }
0x3cd: {  	[tilespmem:s1+$0x40] =	vst v0;
	v0 =	vld [tilespmem:s1+$0x50]  }
0x3ce: {  	v1 =	vld [tilespmem:s30+$0x50];
	_ =	sdelay $0x4  }
0x3cf: {  	v0 =	vadd.f32 v1, v0;
	_ =	sdelay $0x1  }
0x3d0: {  	v0 =	vmax.f32 v0, $0.0e+00  }
0x3d1: {  	[tilespmem:s1+$0x50] =	vst v0;
	v0 =	vld [tilespmem:s1+$0x60]  }
0x3d2: {  	v1 =	vld [tilespmem:s30+$0x60];
	_ =	sdelay $0x4  }
0x3d3: {  	v0 =	vadd.f32 v1, v0;
	_ =	sdelay $0x1  }
0x3d4: {  	v0 =	vmax.f32 v0, $0.0e+00  }
0x3d5: {  	[tilespmem:s1+$0x60] =	vst v0;
	v0 =	vld [tilespmem:s1+$0x70]  }
0x3d6: {  	v1 =	vld [tilespmem:s30+$0x70];
	_ =	sdelay $0x4  }
0x3d7: {  	v0 =	vadd.f32 v1, v0;
	_ =	sdelay $0x1  }
0x3d8: {  	v0 =	vmax.f32 v0, $0.0e+00  }
0x3d9: {  	[tilespmem:s1+$0x70] =	vst v0;
	v0 =	vld [tilespmem:s1+$0x80]  }
0x3da: {  	v1 =	vld [tilespmem:s30+$0x80];
	_ =	sdelay $0x4  }
0x3db: {  	v0 =	vadd.f32 v1, v0;
	_ =	sdelay $0x1  }
0x3dc: {  	v0 =	vmax.f32 v0, $0.0e+00  }
0x3dd: {  	[tilespmem:s1+$0x80] =	vst v0;
	v0 =	vld [tilespmem:s1+$0x90]  }
0x3de: {  	v1 =	vld [tilespmem:s30+$0x90];
	_ =	sdelay $0x4  }
0x3df: {  	v0 =	vadd.f32 v1, v0;
	_ =	sdelay $0x1  }
0x3e0: {  	v0 =	vmax.f32 v0, $0.0e+00  }
0x3e1: {  	[tilespmem:s1+$0x90] =	vst v0;
	v0 =	vld [tilespmem:s1+$0xA0]  }
0x3e2: {  	v1 =	vld [tilespmem:s30+$0xA0];
	_ =	sdelay $0x4  }
0x3e3: {  	v0 =	vadd.f32 v1, v0;
	_ =	sdelay $0x1  }
0x3e4: {  	v0 =	vmax.f32 v0, $0.0e+00  }
0x3e5: {  	[tilespmem:s1+$0xA0] =	vst v0;
	v0 =	vld [tilespmem:s1+$0xB0]  }
0x3e6: {  	v1 =	vld [tilespmem:s30+$0xB0];
	_ =	sdelay $0x4  }
0x3e7: {  	v0 =	vadd.f32 v1, v0;
	_ =	sdelay $0x1  }
0x3e8: {  	v0 =	vmax.f32 v0, $0.0e+00  }
0x3e9: {  	[tilespmem:s1+$0xB0] =	vst v0;
	v0 =	vld [tilespmem:s1+$0xC0]  }
0x3ea: {  	v1 =	vld [tilespmem:s30+$0xC0];
	_ =	sdelay $0x4  }
0x3eb: {  	v0 =	vadd.f32 v1, v0;
	_ =	sdelay $0x1  }
0x3ec: {  	v0 =	vmax.f32 v0, $0.0e+00  }
0x3ed: {  	[tilespmem:s1+$0xC0] =	vst v0;
	v0 =	vld [tilespmem:s1+$0xD0]  }
0x3ee: {  	v1 =	vld [tilespmem:s30+$0xD0];
	_ =	sdelay $0x4  }
0x3ef: {  	v0 =	vadd.f32 v1, v0;
	_ =	sdelay $0x1  }
0x3f0: {  	v0 =	vmax.f32 v0, $0.0e+00  }
0x3f1: {  	[tilespmem:s1+$0xD0] =	vst v0;
	v0 =	vld [tilespmem:s1+$0xE0]  }
0x3f2: {  	v1 =	vld [tilespmem:s30+$0xE0];
	_ =	sdelay $0x4  }
0x3f3: {  	v0 =	vadd.f32 v1, v0;
	_ =	sdelay $0x1  }
0x3f4: {  	v0 =	vmax.f32 v0, $0.0e+00  }
0x3f5: {  	[tilespmem:s1+$0xE0] =	vst v0;
	v0 =	vld [tilespmem:s1+$0xF0]  }
0x3f6: {  	v1 =	vld [tilespmem:s30+$0xF0];
	_ =	sdelay $0x4  }
0x3f7: {  	v0 =	vadd.f32 v1, v0;
	_ =	sdelay $0x1  }
0x3f8: {  	v0 =	vmax.f32 v0, $0.0e+00  }
0x3f9: {  	[tilespmem:s1+$0xF0] =	vst v0;
	v0 =	vld [tilespmem:s1+$0x100]  }
0x3fa: {  	v1 =	vld [tilespmem:s30+$0x100];
	_ =	sdelay $0x4  }
0x3fb: {  	v0 =	vadd.f32 v1, v0;
	_ =	sdelay $0x1  }
0x3fc: {  	v0 =	vmax.f32 v0, $0.0e+00  }
0x3fd: {  	[tilespmem:s1+$0x100] =	vst v0;
	v0 =	vld [tilespmem:s1+$0x110]  }
0x3fe: {  	v1 =	vld [tilespmem:s30+$0x110];
	_ =	sdelay $0x4  }
0x3ff: {  	v0 =	vadd.f32 v1, v0;
	_ =	sdelay $0x1  }
0x400: {  	v0 =	vmax.f32 v0, $0.0e+00  }
0x401: {  	[tilespmem:s1+$0x110] =	vst v0;
	v0 =	vld [tilespmem:s1+$0x120]  }
0x402: {  	v1 =	vld [tilespmem:s30+$0x120];
	_ =	sdelay $0x4  }
0x403: {  	v0 =	vadd.f32 v1, v0;
	_ =	sdelay $0x1  }
0x404: {  	v0 =	vmax.f32 v0, $0.0e+00  }
0x405: {  	[tilespmem:s1+$0x120] =	vst v0;
	v0 =	vld [tilespmem:s1+$0x130]  }
0x406: {  	v1 =	vld [tilespmem:s30+$0x130];
	_ =	sdelay $0x4  }
0x407: {  	v0 =	vadd.f32 v1, v0;
	_ =	sdelay $0x1  }
0x408: {  	v0 =	vmax.f32 v0, $0.0e+00  }
0x409: {  	[tilespmem:s1+$0x130] =	vst v0;
	v0 =	vld [tilespmem:s1+$0x140]  }
0x40a: {  	v1 =	vld [tilespmem:s30+$0x140];
	_ =	sdelay $0x4  }
0x40b: {  	v0 =	vadd.f32 v1, v0;
	_ =	sdelay $0x1  }
0x40c: {  	v0 =	vmax.f32 v0, $0.0e+00  }
0x40d: {  	[tilespmem:s1+$0x140] =	vst v0;
	v0 =	vld [tilespmem:s1+$0x150]  }
0x40e: {  	v1 =	vld [tilespmem:s30+$0x150];
	_ =	sdelay $0x4  }
0x40f: {  	v0 =	vadd.f32 v1, v0;
	_ =	sdelay $0x1  }
0x410: {  	v0 =	vmax.f32 v0, $0.0e+00  }
0x411: {  	[tilespmem:s1+$0x150] =	vst v0;
	v0 =	vld [tilespmem:s1+$0x160]  }
0x412: {  	v1 =	vld [tilespmem:s30+$0x160];
	_ =	sdelay $0x4  }
0x413: {  	v0 =	vadd.f32 v1, v0;
	_ =	sdelay $0x1  }
0x414: {  	v0 =	vmax.f32 v0, $0.0e+00  }
0x415: {  	[tilespmem:s1+$0x160] =	vst v0;
	v0 =	vld [tilespmem:s1+$0x170]  }
0x416: {  	v1 =	vld [tilespmem:s30+$0x170];
	_ =	sdelay $0x4  }
0x417: {  	v0 =	vadd.f32 v1, v0;
	_ =	sdelay $0x1  }
0x418: {  	v0 =	vmax.f32 v0, $0.0e+00  }
0x419: {  	[tilespmem:s1+$0x170] =	vst v0;
	v0 =	vld [tilespmem:s1+$0x180]  }
0x41a: {  	v1 =	vld [tilespmem:s30+$0x180];
	_ =	sdelay $0x4  }
0x41b: {  	v0 =	vadd.f32 v1, v0;
	_ =	sdelay $0x1  }
0x41c: {  	v0 =	vmax.f32 v0, $0.0e+00  }
0x41d: {  	[tilespmem:s1+$0x180] =	vst v0;
	v0 =	vld [tilespmem:s1+$0x190]  }
0x41e: {  	v1 =	vld [tilespmem:s30+$0x190];
	_ =	sdelay $0x4  }
0x41f: {  	v0 =	vadd.f32 v1, v0;
	_ =	sdelay $0x1  }
0x420: {  	v0 =	vmax.f32 v0, $0.0e+00  }
0x421: {  	[tilespmem:s1+$0x190] =	vst v0;
	v0 =	vld [tilespmem:s1+$0x1A0]  }
0x422: {  	v1 =	vld [tilespmem:s30+$0x1A0];
	_ =	sdelay $0x4  }
0x423: {  	v0 =	vadd.f32 v1, v0;
	_ =	sdelay $0x1  }
0x424: {  	v0 =	vmax.f32 v0, $0.0e+00  }
0x425: {  	[tilespmem:s1+$0x1A0] =	vst v0;
	v0 =	vld [tilespmem:s1+$0x1B0]  }
0x426: {  	v1 =	vld [tilespmem:s30+$0x1B0];
	_ =	sdelay $0x4  }
0x427: {  	v0 =	vadd.f32 v1, v0;
	_ =	sdelay $0x1  }
0x428: {  	v0 =	vmax.f32 v0, $0.0e+00  }
0x429: {  	[tilespmem:s1+$0x1B0] =	vst v0;
	v0 =	vld [tilespmem:s1+$0x1C0]  }
0x42a: {  	v1 =	vld [tilespmem:s30+$0x1C0];
	_ =	sdelay $0x4  }
0x42b: {  	v0 =	vadd.f32 v1, v0;
	_ =	sdelay $0x1  }
0x42c: {  	v0 =	vmax.f32 v0, $0.0e+00  }
0x42d: {  	[tilespmem:s1+$0x1C0] =	vst v0;
	v0 =	vld [tilespmem:s1+$0x1D0]  }
0x42e: {  	v1 =	vld [tilespmem:s30+$0x1D0];
	_ =	sdelay $0x4  }
0x42f: {  	v0 =	vadd.f32 v1, v0;
	_ =	sdelay $0x1  }
0x430: {  	v0 =	vmax.f32 v0, $0.0e+00  }
0x431: {  	[tilespmem:s1+$0x1D0] =	vst v0;
	v0 =	vld [tilespmem:s1+$0x1E0]  }
0x432: {  	v1 =	vld [tilespmem:s30+$0x1E0];
	_ =	sdelay $0x4  }
0x433: {  	v0 =	vadd.f32 v1, v0;
	_ =	sdelay $0x1  }
0x434: {  	v0 =	vmax.f32 v0, $0.0e+00  }
0x435: {  	[tilespmem:s1+$0x1E0] =	vst v0;
	v0 =	vld [tilespmem:s1+$0x1F0]  }
0x436: {  	v1 =	vld [tilespmem:s30+$0x1F0];
	_ =	sdelay $0x2  }
.Ltmp1:
0x437: {  	(pc) =	sbr.rel @p0 .LBB2_5-.Ltmp1, $3  }
0x438: {  	_ = 	snop  }
0x439: {  	v0 =	vadd.f32 v1, v0;
	_ =	sdelay $0x1  }
0x43a: {  	s1 =	sadd.s32 $0x400, s1;
	v0 =	vmax.f32 v0, $0.0e+00  }
0x43b: {  	s0 =	sadd.s32 s6, s28  }
0x43c: {  	s0 =	sshll.u32 s0, $0x8  }
0x43d: {  	s26 =	sadd.s32 $0x1, s26;
	s0 =	sor.u32 s7, s0  }
0x43e: {  	p0 =	sne.s32 s26, $0x28;
	s0 =	sshrl.u32 s0, $0x3  }
.Ltmp2:
0x43f: {  	[tilespmem:s29+$0x1F0] =	vst v0;
	s0 =	sadd.s32 s3, s0;
	(pc) =	sbr.rel @p0 .LBB2_2-.Ltmp2, $4  }
0x440: {  	[hbm4b:s0+s21] =	stream.strided.scatter [tilespmem:s17], [sflag:$0x5], $0x4000, s22, s21, $0x38;
	[tilespmem:$0x15000] =	vst v63  }
0x441: {  	_ =	swait.ge [sflag:s12], $0x4000  }
0x442: {  	[sflag:s12] =	ssyncset.done $0x0  }
0x443: {  	[sflag:s12] =	ssyncadd.s32 $0xFFFFC000  }
0x444: {  	s25 =	sadd.s32 $0x1, s25  }
0x445: {  	p0 =	sne.s32 s25, s11  }
.Ltmp3:
0x446: {  	_ = 	snop;
	(pc) =	sbr.rel @p0 .LBB2_1-.Ltmp3, $1  }
0x447: {  	_ =	sdelay $0x3  }
0x448: {  	_ =	sfence.sel $0x180000  }
0x449: {  	[bflag:$0x0] =	sbarrier.arrive $0xFFFF  }
0x44a: {  	_ =	strace $0x9000004A  }
0x44b: {  	s0 =	stileid.u32;
	[bflag:$0x2] =	sbarrier.arrive $0xFFFF  }
0x44c: {  	p0 =	sne.s32 s0, $0x0;
	s0 =	rddreg [dreg:$0x1]  }
0x44d: {  	s0 =	sadd.s32 @!p0 $0x100000, s0  }
0x44e: {  	[sflag:s0] =	ssyncadd.tile.s32 @!p0 $0x1;
	_ =	shalt  }
.Lfunc_end2:
_tile_overlayer_lowered:
.L_overlay_start_2:
0x44f: {  	(tag) =	ssettag $0x2  }
0x450: {  	s0 =	rddreg [dreg:$0x0];
	s2 =	stileid.u32  }
0x451: {  	s1 =	rddreg [dreg:$0x1];
	p0 =	sne.s32 s2, $0x0  }
0x452: {  	s3 =	rddreg [dreg:$0x2];
	[bflag:$0x3] =	sbarrier.arrive $0xFFFF;
	s2 =	simm.s32 @!p0 $0x1C05  }
0x453: {  	[timem:s3], [sflag:s2] =	dma.local @!p0 [hbm:s0], s1  }
0x454: {  	s0 =	simm.s32 @!p0 $0x5  }
0x455: {  	_ =	swait.ge @!p0 [sflag:s0], s1  }
0x456: {  	s1 =	ssub.s32 @!p0 $0x0, s1;
	[sflag:s0] =	ssyncset.done @!p0 $0x0  }
0x457: {  	[sflag:s0] =	ssyncadd.s32 @!p0 s1  }
0x458: {  	[bflag:$0x3] =	sbarrier.arrive $0xFFFF  }
0x459: {  	_ =	shalt  }

// kernel: body.17.cloned.1.call-start
scs
__scs_entry_jumppad:
0x0: {  	(pc) =	sbr.rel $0x88, $3  }
0x1: {  	(tag) =	ssettag $0x0;
	lr =	simm.s32 $0x1  }
0x2: {  	[smem:$0x3F97] =	sst lr;
	_ =	strace $0xD0000000  }
0x3: {  	_ = 	snop  }
0x4: {  	_ = 	snop  }
0x5: {  	_ = 	snop  }
0x6: {  	_ = 	snop  }
0x7: {  	_ = 	snop  }
__scs_overlays_trampoline_lowered:
0x8: {  	[smem:$0x3FA6] =	sst s0  }
0x9: {  	[smem:$0x3FA7] =	sst s1  }
0xa: {  	[smem:$0x3FA8] =	sst s2  }
0xb: {  	[smem:$0x3FA9] =	sst s3  }
0xc: {  	[smem:$0x3FAA] =	sst s4  }
0xd: {  	[smem:$0x3FAB] =	sst s5  }
0xe: {  	[smem:$0x3FAC] =	sst s6  }
0xf: {  	[smem:$0x3FAD] =	sst s7  }
0x10: {  	[smem:$0x3FAE] =	sst s8  }
0x11: {  	[smem:$0x3FAF] =	sst s9;
	s0 =	simm.s32 @!p0 $0x0  }
0x12: {  	s1 =	sld [smem:$0x3F95];
	s0 =	simm.s32 @p0 $0x1  }
0x13: {  	[smem:$0x3FB0] =	sst s0;
	s0 =	simm.s32 @!p1 $0x0  }
0x14: {  	s2 =	sld [smem:$0x3F94];
	s0 =	simm.s32 @p1 $0x1  }
0x15: {  	[smem:$0x3FB1] =	sst s0;
	s0 =	simm.s32 @!p2 $0x0  }
0x16: {  	s3 =	sld [smem:$0x3FDB];
	s0 =	simm.s32 @p2 $0x1  }
0x17: {  	s4 =	simm.s32 $0x1BF5;
	[smem:$0x3FB3] =	sst s0  }
0x18: {  	s0 =	sld [smem:$0x3F96];
	_ =	swait.ge [sflag:s4], $0x0  }
0x19: {  	s7 =	sld [smem:$0x3F97]  }
0x1a: {  	s8 =	sadd.s32 $0xFFFFE003, lr  }
0x1b: {  	s9 =	sadd.s32 $0xFFFFFEF7, lr;
	s5 =	simm.s32 $0xFFFFFFFF;
	p2 =	slt.u32 s8, $0xFFFFF086  }
0x1c: {  	p1 =	slt.u32 s9, $0xF7A;
	s5 =	simm.s32 @!p2 $0x0  }
0x1d: {  	s5 =	simm.s32 @p1 $0x1;
	p0 =	seq.s32 s7, s2  }
0x1e: {  	s7 =	smul.u32 @!p0 $0xF7A, s2;
	p2 =	seq.s32 @!p0 s5, $0x0  }
0x1f: {  	s9 =	smul.u32 $0xF7A, s1;
	s8 =	simm.s32 @!p0 $0x1BF5;
	p2 =	por !p2, p0  }
0x20: {  	[sflag:s8] =	ssyncset.s32 @!p0 $0xFFFFF086;
	s6 =	sadd.s32 @!p0 s3, s7;
	s7 =	simm.s32 @!p0 $0x108  }
0x21: {  	s3 =	sadd.s32 s3, s9;
	s6 =	sadd.s32 @!p0 $0x88, s6;
	s7 =	simm.s32 @p2 $0x1082  }
0x22: {  	[simem:s7], [sflag:s8] =	dma.local @!p0 [hbm:s6], $0xF7A  }
0x23: {  	s9 =	sor.u32 $0xD0000000, s2;
	s6 =	simm.s32 $0x108;
	_ =	swait.ge @!p0 [sflag:s8], $0x0  }
0x24: {  	s3 =	sadd.s32 $0x88, s3;
	s6 =	simm.s32 @!p1 $0x1082;
	[sflag:s4] =	ssyncset.s32 $0xFFFFF086  }
0x25: {  	[simem:s6], [sflag:s4] =	dma.local [hbm:s3], $0xF7A  }
0x26: {  	[smem:$0x3F97] =	sst s1;
	(tag) =	ssettag s2;
	_ =	strace s9  }
0x27: {  	s1 =	sld [smem:$0x3FA7]  }
0x28: {  	s2 =	sld [smem:$0x3FA8]  }
0x29: {  	s4 =	sld [smem:$0x3FAA]  }
0x2a: {  	p0 =	seq.s32 s5, $0x0;
	s5 =	sld [smem:$0x3FAB]  }
0x2b: {  	s6 =	sld [smem:$0x3FAC]  }
0x2c: {  	s7 =	sld [smem:$0x3FAD]  }
0x2d: {  	s3 =	simm.s32 $0x108;
	s8 =	sld [smem:$0x3FAE]  }
0x2e: {  	s3 =	simm.s32 @!p0 $0x1082;
	s9 =	sld [smem:$0x3FAF]  }
0x2f: {  	lr =	sadd.s32 s0, s3;
	s0 =	sld [smem:$0x3FA6]  }
0x30: {  	s3 =	sld [smem:$0x3FA9]  }
0x31: {  	[smem:$0x3FB2] =	sst s10  }
0x32: {  	s10 =	sld [smem:$0x3FB0];
	_ =	sdelay $0x3  }
0x33: {  	p0 =	seq.s32 s10, $0x1;
	s10 =	sld [smem:$0x3FB2];
	_ =	sdelay $0x3  }
0x34: {  	[smem:$0x3FB2] =	sst s10  }
0x35: {  	s10 =	sld [smem:$0x3FB1];
	_ =	sdelay $0x3  }
0x36: {  	p1 =	seq.s32 s10, $0x1;
	s10 =	sld [smem:$0x3FB2];
	_ =	sdelay $0x3  }
0x37: {  	[smem:$0x3FB2] =	sst s10  }
0x38: {  	s10 =	sld [smem:$0x3FB3]  }
0x39: {  	_ = 	snop;
	(pc) =	sbr.ind lr, $3  }
0x3a: {  	_ = 	snop  }
0x3b: {  	_ = 	snop  }
0x3c: {  	p2 =	seq.s32 s10, $0x1;
	s10 =	sld [smem:$0x3FB2]  }
0x3d: {  	_ =	shalt  }
0x3e: {  	_ =	shalt  }
0x3f: {  	_ =	shalt  }
0x40: {  	_ =	shalt  }
0x41: {  	_ =	shalt  }
0x42: {  	_ =	shalt  }
0x43: {  	_ =	shalt  }
0x44: {  	_ =	shalt  }
0x45: {  	_ =	shalt  }
0x46: {  	_ =	shalt  }
0x47: {  	_ =	shalt  }
0x48: {  	_ =	shalt  }
0x49: {  	_ =	shalt  }
0x4a: {  	_ =	shalt  }
0x4b: {  	_ =	shalt  }
0x4c: {  	_ =	shalt  }
0x4d: {  	_ =	shalt  }
0x4e: {  	_ =	shalt  }
0x4f: {  	_ =	shalt  }
0x50: {  	_ =	shalt  }
0x51: {  	_ =	shalt  }
0x52: {  	_ =	shalt  }
0x53: {  	_ =	shalt  }
0x54: {  	_ =	shalt  }
0x55: {  	_ =	shalt  }
0x56: {  	_ =	shalt  }
0x57: {  	_ =	shalt  }
0x58: {  	_ =	shalt  }
0x59: {  	_ =	shalt  }
0x5a: {  	_ =	shalt  }
0x5b: {  	_ =	shalt  }
0x5c: {  	_ =	shalt  }
0x5d: {  	_ =	shalt  }
0x5e: {  	_ =	shalt  }
0x5f: {  	_ =	shalt  }
0x60: {  	_ =	shalt  }
0x61: {  	_ =	shalt  }
0x62: {  	_ =	shalt  }
0x63: {  	_ =	shalt  }
0x64: {  	_ =	shalt  }
0x65: {  	_ =	shalt  }
0x66: {  	_ =	shalt  }
0x67: {  	_ =	shalt  }
0x68: {  	_ =	shalt  }
0x69: {  	_ =	shalt  }
0x6a: {  	_ =	shalt  }
0x6b: {  	_ =	shalt  }
0x6c: {  	_ =	shalt  }
0x6d: {  	_ =	shalt  }
0x6e: {  	_ =	shalt  }
0x6f: {  	_ =	shalt  }
0x70: {  	_ =	shalt  }
0x71: {  	_ =	shalt  }
0x72: {  	_ =	shalt  }
0x73: {  	_ =	shalt  }
0x74: {  	_ =	shalt  }
0x75: {  	_ =	shalt  }
0x76: {  	_ =	shalt  }
0x77: {  	_ =	shalt  }
0x78: {  	_ =	shalt  }
0x79: {  	_ =	shalt  }
0x7a: {  	_ =	shalt  }
0x7b: {  	_ =	shalt  }
0x7c: {  	_ =	shalt  }
0x7d: {  	_ =	shalt  }
0x7e: {  	_ =	shalt  }
0x7f: {  	_ =	shalt  }
0x80: {  	_ =	shalt  }
0x81: {  	_ =	shalt  }
0x82: {  	_ =	shalt  }
0x83: {  	_ =	shalt  }
0x84: {  	_ =	shalt  }
0x85: {  	_ =	shalt  }
0x86: {  	_ =	shalt  }
0x87: {  	_ =	shalt  }
.Lfunc_end0:
.L_simem_size_0:
called_computation.1_lowered:
.L_overlay_start_0:
0x88: {  	s2 =	sld [smem:$0x3FD9]  }
0x89: {  	s3 =	sld [smem:$0x3FFE];
	_ =	sdelay $0x1  }
0x8a: {  	s1 =	srdreg.scid  }
0x8b: {  	s0 =	sand.u32 $0x1, s1  }
0x8c: {  	s16 =	sshll.u32 s0, $0xA;
	s2 =	sadd.s32 s3, s2  }
0x8d: {  	s2 =	sadd.s32 s2, s16  }
0x8e: {  	[smem:$0x3FBE] =	sst s2  }
0x8f: {  	_ = 	snop  }
0x90: {  	(tm) =	ssettm $0x1  }
0x91: {  	s17 =	sld [smem:$0x3FFB];
	_ =	sdelay $0x3  }
0x92: {  	_ =	strace s17  }
0x93: {  	s2 =	sld [smem:$0x3FFC];
	_ =	sdelay $0x3  }
0x94: {  	_ =	strace s2  }
0x95: {  	s2 =	sld [smem:$0x3FFD];
	_ =	sdelay $0x3  }
0x96: {  	_ =	strace s2  }
0x97: {  	_ =	strace $0x8FFFFFFF  }
0x98: {  	s18 =	sld [smem:$0x3FDB];
	_ =	sdelay $0x1  }
0x99: {  	s19 =	simm.s32 $_scs_section_size  }
0x9a: {  	s4 =	simm.s32 $_size__tile_overlayer_lowered;
	s5 =	simm.s32 $_tile_overlayer_lowered  }
0x9b: {  	s22 =	simm.s32 $0x1BFF;
	s21 =	sshll.u32 s5, $0x1;
	s2 =	sadd.s32 s19, s18  }
0x9c: {  	s6 =	simm.s32 $0x0;
	s20 =	sshll.u32 s4, $0x1;
	s4 =	sadd.s32 s21, s2  }
0x9d: {  	[timem:s6], [sflag:s22] =	dma.local [hbm:s4], s20  }
0x9e: {  	_ =	swait.ge [sflag:s22], s20  }
0x9f: {  	s3 =	ssub.s32 $0x0, s20;
	[sflag:s22] =	ssyncset.done $0x0  }
0xa0: {  	[sflag:s22] =	ssyncadd.s32 s3;
	_ =	sdelay $0x1  }
0xa1: {  	s23 =	simm.s32 $0x1B8B  }
0xa2: {  	_ =	swait.ge [sflag:s23], $0x1  }
0xa3: {  	[sflag:s23] =	ssyncset.done $0x0  }
0xa4: {  	s25 =	simm.s32 $0x1B8E;
	s24 =	sld [smem:$0x3FFE];
	[sflag:s23] =	ssyncadd.s32 $0xFFFFFFFF  }
0xa5: {  	s26 =	simm.s32 $execute0_lowered;
	[smem:$0x3FD2] =	sst s25  }
0xa6: {  	s4 =	sshll.u32 s26, $0x1;
	_ =	strace $0x8000004C;
	[dreg:$0x1] =	wrdreg $0xFFFFFFFF  }
0xa7: {  	s28 =	simm.s32 $_size_execute0_lowered;
	s2 =	sadd.s32 s2, s4;
	[dreg:$0x0] =	wrdreg $0x0  }
0xa8: {  	s4 =	sshll.u32 s28, $0x1;
	[dreg:$0x2] =	wrdreg s2  }
0xa9: {  	[dreg:$0x3] =	wrdreg s4  }
0xaa: {  	[dreg:$0x4] =	wrdreg $0xC0  }
0xab: {  	_ =	task [dreg:s6], $0x5FFFF  }
0xac: {  	[dreg:$0x1] =	wrdreg $0xFFFFFFFF  }
0xad: {  	[dreg:$0x0] =	wrdreg $0x60  }
0xae: {  	[dreg:$0x2] =	wrdreg s24  }
0xaf: {  	[dreg:$0x3] =	wrdreg $0xA8000  }
0xb0: {  	[dreg:$0x4] =	wrdreg $0x9  }
0xb1: {  	_ =	task.clear_ibuf [dreg:s6], $0x5FFFF;
	_ =	strace $0x9000004C  }
0xb2: {  	s29 =	simm.s32 $0x9;
	_ =	strace $0x8000004E  }
0xb3: {  	_ =	swait.ge [sflag:s29], $0x1  }
0xb4: {  	[sflag:s29] =	ssyncadd.s32 $0xFFFFFFFF  }
0xb5: {  	_ =	strace $0x9000004E  }
0xb6: {  	_ =	sfence  }
0xb7: {  	s30 =	sld [smem:$0x0];
	_ =	sdelay $0x2  }
0xb8: {  	s31 =	sshll.u32 s1, $0xD;
	s1 =	sshrl.u32 s1, $0x2  }
0xb9: {  	s3 =	sand.u32 $0x4000, s31;
	s1 =	sadd.s32 s1, s30  }
0xba: {  	s0 =	sor.u32 s3, s0;
	s1 =	sshll.u32 s1, $0x11  }
0xbb: {  	s0 =	sor.u32 s1, s0  }
0xbc: {  	s0 =	sadd.s32 $0x8F2B, s0  }
0xbd: {  	[sflag:s0] =	ssyncadd.remote.s32 $0x1  }
0xbe: {  	_ =	sfence.sel $0xFFFF  }
0xbf: {  	[dreg:$0x0] =	wrdreg $0xFFFFFFFF;
	(pc) =	sbr.abs _section_cstart, $3  }
0xc0: {  	[dreg:$0x1] =	wrdreg $0xFFFFFFFF  }
0xc1: {  	_ =	task.clear_ibuf [dreg:s6], $0x2FFFF;
	_ =	strace $0x9FFFFFFF  }
0xc2: {  	(tm) =	ssettm $0x7FFFFFFF  }
0xc3: {  	_ =	shalt  }
tec
execute0_lowered:
.L_overlay_start_1:
0x0: {  	(tag) =	ssettag $0x1  }
0x1: {  	s0 =	rddreg [dreg:$0x0]  }
0x2: {  	s2 =	rddreg [dreg:$0x1];
	s3 =	stileid.u32  }
0x3: {  	s1 =	srdreg.scid;
	s4 =	simm.s32 $0x0;
	s15 =	simm.s32 $0x3  }
0x4: {  	s20 =	simm.s32 $0x400;
	s21 =	simm.s32 $0x800;
	s5 =	smul.u32 $0x28000, s3  }
0x5: {  	s22 =	simm.s32 $0x2800;
	s23 =	simm.s32 $0x6800;
	s6 =	smul.u32 $0x500, s3  }
0x6: {  	s24 =	simm.s32 $0x1;
	s1 =	sand.u32 $0x1, s1;
	s9 =	smul.u32 $0x50000, s3  }
0x7: {  	[smem:$0x7FF] =	sst s4;
	s4 =	sadd.s32 $0xDD800, s0;
	s10 =	smul.u32 $0x280000, s3  }
0x8: {  	s28 =	sshll.u32 s3, $0x6;
	s7 =	sshll.u32 s1, $0xA;
	_ =	strace $0x8000004D  }
0x9: {  	s1 =	ssub.s32 $0x2, s1;
	s5 =	sor.u32 s7, s5;
	s8 =	sadd.s32 s6, s0  }
0xa: {  	s26 =	sshrl.u32 s1, $0x1;
	s9 =	sshrl.u32 s9, $0x2;
	s6 =	sor.u32 $0x1C03, s28  }
0xb: {  	s12 =	sor.u32 s7, s10;
	s25 =	sshrl.u32 s5, $0x3;
	s5 =	sadd.s32 $0x7400, s0  }
0xc: {  	s1 =	ssub.s32 s1, s26;
	s14 =	sadd.s32 s9, s2;
	s29 =	sshrl.u32 s12, $0x3  }
0xd: {  	s7 =	sadd.s32 $0x2400, s8;
	s30 =	sadd.s32 $0x278000, s12;
	s11 =	sor.u32 $0x8000, s12  }
0xe: {  	s12 =	sor.u32 $0x10000, s12;
	s26 =	simm.s32 $0x2;
	s0 =	sadd.s32 s25, s0  }
0xf: {  	s16 =	sadd.s32 $0x4000, s14;
	s17 =	sadd.s32 $0x8000, s14;
	s18 =	sadd.s32 $0xC000, s14  }
0x10: {  	s19 =	sadd.s32 $0x10000, s14;
	s8 =	sadd.s32 s4, s29;
	s10 =	smax.u32 s1, $0x1  }
0x11: {  	s31 =	sshrl.u32 s11, $0x3;
	s14 =	sshrl.u32 s14, $0x3;
	s25 =	simm.s32 $0x80  }
0x12: {  	s9 =	sadd.s32 $0x3D800, s0;
	s0 =	sshrl.u32 s30, $0x3;
	s13 =	sadd.s32 s31, s4  }
0x13: {  	s16 =	sshrl.u32 s16, $0x3;
	s17 =	sshrl.u32 s17, $0x3;
	s18 =	sshrl.u32 s18, $0x3  }
0x14: {  	s19 =	sshrl.u32 s19, $0x3;
	s11 =	sadd.s32 s4, s0;
	s0 =	simm.s32 $0x0  }
.LBB2_1:
0x15: {  	[spmem:s14], [sflag:s6] =	dma.local [hbm:s5], $0x800  }
0x16: {  	_ =	swait.ge [sflag:s15], $0x800  }
0x17: {  	[sflag:s15] =	ssyncset.done $0x0  }
0x18: {  	[sflag:s15] =	ssyncadd.s32 $0xFFFFF800  }
0x19: {  	[spmem:s16], [sflag:s6] =	dma.local [hbm:s5], $0x800  }
0x1a: {  	_ =	swait.ge [sflag:s15], $0x800  }
0x1b: {  	[sflag:s15] =	ssyncset.done $0x0  }
0x1c: {  	[sflag:s15] =	ssyncadd.s32 $0xFFFFF800  }
0x1d: {  	[spmem:s17], [sflag:s6] =	dma.local [hbm:s5], $0x800  }
0x1e: {  	_ =	swait.ge [sflag:s15], $0x800  }
0x1f: {  	[sflag:s15] =	ssyncset.done $0x0  }
0x20: {  	[sflag:s15] =	ssyncadd.s32 $0xFFFFF800  }
0x21: {  	[spmem:s18], [sflag:s6] =	dma.local [hbm:s5], $0x800  }
0x22: {  	_ =	swait.ge [sflag:s15], $0x800  }
0x23: {  	[sflag:s15] =	ssyncset.done $0x0  }
0x24: {  	[sflag:s15] =	ssyncadd.s32 $0xFFFFF800  }
0x25: {  	[spmem:s19], [sflag:s6] =	dma.local [hbm:s5], $0x800  }
0x26: {  	_ =	swait.ge [sflag:s15], $0x800  }
0x27: {  	[sflag:s15] =	ssyncset.done $0x0  }
0x28: {  	s3 =	simm.s32 $0x0;
	[sflag:s15] =	ssyncadd.s32 $0xFFFFF800  }
0x29: {  	[tilespmem:s3], [sflag:$0x3] =	stream.linear.gather [hbm4b:s7+s3], $0x2800, $0x38;
	[tilespmem:$0x1E800] =	vst v63  }
0x2a: {  	_ =	swait.ge [sflag:s15], $0x2800  }
0x2b: {  	[sflag:s15] =	ssyncset.done $0x0  }
0x2c: {  	[sflag:s15] =	ssyncadd.s32 $0xFFFFD800  }
0x2d: {  	[bflag:$0x0] =	sbarrier.arrive $0xFFFF  }
0x2e: {  	[tilespmem:s22], [sflag:$0x1] =	stream.strided.gather [hbm4b:s8+s20], $0x4000, s21, s20, $0x38;
	[tilespmem:$0x1E800] =	vst v63  }
0x2f: {  	s1 =	sadd.s32 $0x0, s13  }
0x30: {  	[tilespmem:s23], [sflag:$0x2] =	stream.strided.gather [hbm4b:s1+s20], $0x4000, s21, s20, $0x38;
	[tilespmem:$0x1E800] =	vst v63  }
0x31: {  	_ =	swait.ge [sflag:s24], $0x4000  }
0x32: {  	[sflag:s24] =	ssyncset.done $0x0  }
0x33: {  	[sflag:s24] =	ssyncadd.s32 $0xFFFFC000  }
0x34: {  	[spmem:s2] =	stream.indirect.scatter.add.f32 [tilespmem:s22], [sflag:$0x3], $0x80, s3, s25, $0xb8;
	[tilespmem:$0x1E800] =	vst v63  }
0x35: {  	_ =	swait.ge [sflag:s15], $0x4000  }
0x36: {  	s3 =	sshrl.u32 s12, $0x3;
	[sflag:s15] =	ssyncset.done $0x0  }
0x37: {  	s1 =	sadd.s32 s4, s3;
	[sflag:s15] =	ssyncadd.s32 $0xFFFFC000  }
0x38: {  	[tilespmem:s22], [sflag:$0x1] =	stream.strided.gather [hbm4b:s1+s20], $0x4000, s21, s20, $0x38;
	[tilespmem:$0x1E800] =	vst v63  }
0x39: {  	_ =	swait.ge [sflag:s26], $0x4000  }
0x3a: {  	[sflag:s26] =	ssyncset.done $0x0  }
0x3b: {  	s31 =	simm.s32 $0x80;
	[sflag:s26] =	ssyncadd.s32 $0xFFFFC000  }
0x3c: {  	[spmem:s2] =	stream.indirect.scatter.add.f32 [tilespmem:s23], [sflag:$0x3], $0x80, s31, s25, $0xb8;
	[tilespmem:$0x1E800] =	vst v63  }
0x3d: {  	s29 =	simm.s32 $0x2000;
	s30 =	simm.s32 $0x4000;
	_ =	swait.ge [sflag:s15], $0x4000  }
0x3e: {  	s28 =	sadd.s32 $0x10000, s12;
	s1 =	simm.s32 $0x100;
	[sflag:s15] =	ssyncset.done $0x0  }
.LBB2_2:
0x3f: {  	s31 =	sadd.s32 s29, s13  }
0x40: {  	[sflag:s15] =	ssyncadd.s32 $0xFFFFC000;
	s29 =	smov.u32 s30;
	s3 =	sadd.s32 $0x2000, s30  }
0x41: {  	[tilespmem:s23], [sflag:$0x2] =	stream.strided.gather [hbm4b:s31+s20], $0x4000, s21, s20, $0x38;
	[tilespmem:$0x1E800] =	vst v63  }
0x42: {  	p0 =	sne.s32 s30, $0x4C000;
	_ =	swait.ge [sflag:s24], $0x4000  }
0x43: {  	[sflag:s24] =	ssyncset.done $0x0  }
0x44: {  	[sflag:s24] =	ssyncadd.s32 $0xFFFFC000  }
0x45: {  	[spmem:s2] =	stream.indirect.scatter.add.f32 [tilespmem:s22], [sflag:$0x3], $0x80, s1, s25, $0xb8;
	[tilespmem:$0x1E800] =	vst v63  }
0x46: {  	_ =	swait.ge [sflag:s15], $0x4000  }
0x47: {  	s30 =	sshrl.u32 s28, $0x3;
	[sflag:s15] =	ssyncset.done $0x0  }
0x48: {  	s30 =	sadd.s32 s4, s30;
	[sflag:s15] =	ssyncadd.s32 $0xFFFFC000  }
0x49: {  	[tilespmem:s22], [sflag:$0x1] =	stream.strided.gather [hbm4b:s30+s20], $0x4000, s21, s20, $0x38;
	[tilespmem:$0x1E800] =	vst v63  }
0x4a: {  	_ =	swait.ge [sflag:s26], $0x4000  }
.Ltmp0:
0x4b: {  	[sflag:s26] =	ssyncset.done $0x0;
	(pc) =	sbr.rel @p0 .LBB2_2-.Ltmp0, $4  }
0x4c: {  	s30 =	sadd.s32 $0x80, s1;
	[sflag:s26] =	ssyncadd.s32 $0xFFFFC000  }
0x4d: {  	[spmem:s2] =	stream.indirect.scatter.add.f32 [tilespmem:s23], [sflag:$0x3], $0x80, s30, s25, $0xb8;
	[tilespmem:$0x1E800] =	vst v63  }
0x4e: {  	s28 =	sadd.s32 $0x10000, s28;
	_ =	swait.ge [sflag:s15], $0x4000  }
0x4f: {  	s1 =	sadd.s32 $0x100, s1;
	s30 =	smov.u32 s3;
	[sflag:s15] =	ssyncset.done $0x0  }
0x50: {  	s3 =	sadd.s32 s29, s13;
	[sflag:s15] =	ssyncadd.s32 $0xFFFFC000  }
0x51: {  	[tilespmem:s23], [sflag:$0x2] =	stream.strided.gather [hbm4b:s3+s20], $0x4000, s21, s20, $0x38;
	[tilespmem:$0x1E800] =	vst v63  }
0x52: {  	_ =	swait.ge [sflag:s24], $0x4000  }
0x53: {  	[sflag:s24] =	ssyncset.done $0x0  }
0x54: {  	[sflag:s24] =	ssyncadd.s32 $0xFFFFC000  }
0x55: {  	[spmem:s2] =	stream.indirect.scatter.add.f32 [tilespmem:s22], [sflag:$0x3], $0x80, s1, s25, $0xb8;
	[tilespmem:$0x1E800] =	vst v63  }
0x56: {  	_ =	swait.ge [sflag:s15], $0x4000  }
0x57: {  	s31 =	sshrl.u32 s28, $0x3;
	[sflag:s15] =	ssyncset.done $0x0  }
0x58: {  	s3 =	sadd.s32 s4, s31;
	[sflag:s15] =	ssyncadd.s32 $0xFFFFC000  }
0x59: {  	[tilespmem:s22], [sflag:$0x1] =	stream.strided.gather [hbm4b:s3+s20], $0x4000, s21, s20, $0x38;
	[tilespmem:$0x1E800] =	vst v63  }
0x5a: {  	_ =	swait.ge [sflag:s26], $0x4000  }
0x5b: {  	[sflag:s26] =	ssyncset.done $0x0  }
0x5c: {  	s3 =	sadd.s32 $0x80, s1;
	[sflag:s26] =	ssyncadd.s32 $0xFFFFC000  }
0x5d: {  	[spmem:s2] =	stream.indirect.scatter.add.f32 [tilespmem:s23], [sflag:$0x3], $0x80, s3, s25, $0xb8;
	[tilespmem:$0x1E800] =	vst v63  }
0x5e: {  	_ =	swait.ge [sflag:s15], $0x4000  }
0x5f: {  	[sflag:s15] =	ssyncset.done $0x0  }
0x60: {  	[sflag:s15] =	ssyncadd.s32 $0xFFFFC000  }
0x61: {  	[tilespmem:s23], [sflag:$0x2] =	stream.strided.gather [hbm4b:s11+s20], $0x4000, s21, s20, $0x38;
	[tilespmem:$0x1E800] =	vst v63  }
0x62: {  	_ =	swait.ge [sflag:s24], $0x4000  }
0x63: {  	[sflag:s24] =	ssyncset.done $0x0  }
0x64: {  	s28 =	simm.s32 $0x2700;
	[sflag:s24] =	ssyncadd.s32 $0xFFFFC000  }
0x65: {  	[spmem:s2] =	stream.indirect.scatter.add.f32 [tilespmem:s22], [sflag:$0x3], $0x80, s28, s25, $0xb8;
	[tilespmem:$0x1E800] =	vst v63  }
0x66: {  	_ =	swait.ge [sflag:s15], $0x4000  }
0x67: {  	[sflag:s15] =	ssyncset.done $0x0  }
0x68: {  	[sflag:s15] =	ssyncadd.s32 $0xFFFFC000  }
0x69: {  	_ =	swait.ge [sflag:s26], $0x4000  }
0x6a: {  	[sflag:s26] =	ssyncset.done $0x0  }
0x6b: {  	s29 =	simm.s32 $0x2780;
	[sflag:s26] =	ssyncadd.s32 $0xFFFFC000  }
0x6c: {  	[spmem:s2] =	stream.indirect.scatter.add.f32 [tilespmem:s23], [sflag:$0x3], $0x80, s29, s25, $0xb8;
	[tilespmem:$0x1E800] =	vst v63  }
0x6d: {  	_ =	swait.ge [sflag:s15], $0x4000  }
0x6e: {  	s0 =	sadd.s32 $0x1, s0;
	[sflag:s15] =	ssyncset.done $0x0  }
0x6f: {  	s30 =	simm.s32 $0x8;
	p0 =	sne.s32 s0, s10;
	[sflag:s15] =	ssyncadd.s32 $0xFFFFC000  }
.Ltmp1:
0x70: {  	s31 =	simm.s32 $0x100;
	[bflag:$0x0] =	sbarrier.arrive $0xFFFF;
	(pc) =	sbr.rel @p0 .LBB2_1-.Ltmp1, $4  }
0x71: {  	[hbm:s9@s31], [sflag:s6] =	dma.strided [spmem:s14@s25], $0x2800, s30, $0x10   }
0x72: {  	_ =	swait.ge [sflag:s15], $0x2800  }
0x73: {  	[sflag:s15] =	ssyncset.done $0x0  }
0x74: {  	[sflag:s15] =	ssyncadd.s32 $0xFFFFD800  }
0x75: {  	_ =	sfence.sel $0x180000  }
0x76: {  	[bflag:$0x0] =	sbarrier.arrive $0xFFFF  }
0x77: {  	_ =	strace $0x9000004D  }
0x78: {  	s0 =	stileid.u32;
	[bflag:$0x2] =	sbarrier.arrive $0xFFFF  }
0x79: {  	p0 =	sne.s32 s0, $0x0;
	s0 =	rddreg [dreg:$0x2]  }
0x7a: {  	s0 =	sadd.s32 @!p0 $0x100000, s0  }
0x7b: {  	[sflag:s0] =	ssyncadd.tile.s32 @!p0 $0x1;
	_ =	shalt  }
.Lfunc_end2:
_tile_overlayer_lowered:
.L_overlay_start_2:
0x7c: {  	(tag) =	ssettag $0x2  }
0x7d: {  	s0 =	rddreg [dreg:$0x0];
	s2 =	stileid.u32  }
0x7e: {  	s1 =	rddreg [dreg:$0x1];
	p0 =	sne.s32 s2, $0x0  }
0x7f: {  	s3 =	rddreg [dreg:$0x2];
	[bflag:$0x3] =	sbarrier.arrive $0xFFFF;
	s2 =	simm.s32 @!p0 $0x1C03  }
0x80: {  	[timem:s3], [sflag:s2] =	dma.local @!p0 [hbm:s0], s1  }
0x81: {  	s0 =	simm.s32 @!p0 $0x3  }
0x82: {  	_ =	swait.ge @!p0 [sflag:s0], s1  }
0x83: {  	s1 =	ssub.s32 @!p0 $0x0, s1;
	[sflag:s0] =	ssyncset.done @!p0 $0x0  }
0x84: {  	[sflag:s0] =	ssyncadd.s32 @!p0 s1  }
0x85: {  	[bflag:$0x3] =	sbarrier.arrive $0xFFFF  }
0x86: {  	_ =	shalt  }

// kernel: kernel.3.cloned.1.call-start
scs
__scs_entry_jumppad:
0x0: {  	(pc) =	sbr.rel $0x88, $3  }
0x1: {  	(tag) =	ssettag $0x0;
	lr =	simm.s32 $0x1  }
0x2: {  	[smem:$0x3F97] =	sst lr;
	_ =	strace $0xD0000000  }
0x3: {  	_ = 	snop  }
0x4: {  	_ = 	snop  }
0x5: {  	_ = 	snop  }
0x6: {  	_ = 	snop  }
0x7: {  	_ = 	snop  }
__scs_overlays_trampoline_lowered:
0x8: {  	[smem:$0x3FA6] =	sst s0  }
0x9: {  	[smem:$0x3FA7] =	sst s1  }
0xa: {  	[smem:$0x3FA8] =	sst s2  }
0xb: {  	[smem:$0x3FA9] =	sst s3  }
0xc: {  	[smem:$0x3FAA] =	sst s4  }
0xd: {  	[smem:$0x3FAB] =	sst s5  }
0xe: {  	[smem:$0x3FAC] =	sst s6  }
0xf: {  	[smem:$0x3FAD] =	sst s7  }
0x10: {  	[smem:$0x3FAE] =	sst s8  }
0x11: {  	[smem:$0x3FAF] =	sst s9;
	s0 =	simm.s32 @!p0 $0x0  }
0x12: {  	s1 =	sld [smem:$0x3F95];
	s0 =	simm.s32 @p0 $0x1  }
0x13: {  	[smem:$0x3FB0] =	sst s0;
	s0 =	simm.s32 @!p1 $0x0  }
0x14: {  	s2 =	sld [smem:$0x3F94];
	s0 =	simm.s32 @p1 $0x1  }
0x15: {  	[smem:$0x3FB1] =	sst s0;
	s0 =	simm.s32 @!p2 $0x0  }
0x16: {  	s3 =	sld [smem:$0x3FDB];
	s0 =	simm.s32 @p2 $0x1  }
0x17: {  	s4 =	simm.s32 $0x1BF5;
	[smem:$0x3FB3] =	sst s0  }
0x18: {  	s0 =	sld [smem:$0x3F96];
	_ =	swait.ge [sflag:s4], $0x0  }
0x19: {  	s7 =	sld [smem:$0x3F97]  }
0x1a: {  	s8 =	sadd.s32 $0xFFFFE003, lr  }
0x1b: {  	s9 =	sadd.s32 $0xFFFFFEF7, lr;
	s5 =	simm.s32 $0xFFFFFFFF;
	p2 =	slt.u32 s8, $0xFFFFF086  }
0x1c: {  	p1 =	slt.u32 s9, $0xF7A;
	s5 =	simm.s32 @!p2 $0x0  }
0x1d: {  	s5 =	simm.s32 @p1 $0x1;
	p0 =	seq.s32 s7, s2  }
0x1e: {  	s7 =	smul.u32 @!p0 $0xF7A, s2;
	p2 =	seq.s32 @!p0 s5, $0x0  }
0x1f: {  	s9 =	smul.u32 $0xF7A, s1;
	s8 =	simm.s32 @!p0 $0x1BF5;
	p2 =	por !p2, p0  }
0x20: {  	[sflag:s8] =	ssyncset.s32 @!p0 $0xFFFFF086;
	s6 =	sadd.s32 @!p0 s3, s7;
	s7 =	simm.s32 @!p0 $0x108  }
0x21: {  	s3 =	sadd.s32 s3, s9;
	s6 =	sadd.s32 @!p0 $0x88, s6;
	s7 =	simm.s32 @p2 $0x1082  }
0x22: {  	[simem:s7], [sflag:s8] =	dma.local @!p0 [hbm:s6], $0xF7A  }
0x23: {  	s9 =	sor.u32 $0xD0000000, s2;
	s6 =	simm.s32 $0x108;
	_ =	swait.ge @!p0 [sflag:s8], $0x0  }
0x24: {  	s3 =	sadd.s32 $0x88, s3;
	s6 =	simm.s32 @!p1 $0x1082;
	[sflag:s4] =	ssyncset.s32 $0xFFFFF086  }
0x25: {  	[simem:s6], [sflag:s4] =	dma.local [hbm:s3], $0xF7A  }
0x26: {  	[smem:$0x3F97] =	sst s1;
	(tag) =	ssettag s2;
	_ =	strace s9  }
0x27: {  	s1 =	sld [smem:$0x3FA7]  }
0x28: {  	s2 =	sld [smem:$0x3FA8]  }
0x29: {  	s4 =	sld [smem:$0x3FAA]  }
0x2a: {  	p0 =	seq.s32 s5, $0x0;
	s5 =	sld [smem:$0x3FAB]  }
0x2b: {  	s6 =	sld [smem:$0x3FAC]  }
0x2c: {  	s7 =	sld [smem:$0x3FAD]  }
0x2d: {  	s3 =	simm.s32 $0x108;
	s8 =	sld [smem:$0x3FAE]  }
0x2e: {  	s3 =	simm.s32 @!p0 $0x1082;
	s9 =	sld [smem:$0x3FAF]  }
0x2f: {  	lr =	sadd.s32 s0, s3;
	s0 =	sld [smem:$0x3FA6]  }
0x30: {  	s3 =	sld [smem:$0x3FA9]  }
0x31: {  	[smem:$0x3FB2] =	sst s10  }
0x32: {  	s10 =	sld [smem:$0x3FB0];
	_ =	sdelay $0x3  }
0x33: {  	p0 =	seq.s32 s10, $0x1;
	s10 =	sld [smem:$0x3FB2];
	_ =	sdelay $0x3  }
0x34: {  	[smem:$0x3FB2] =	sst s10  }
0x35: {  	s10 =	sld [smem:$0x3FB1];
	_ =	sdelay $0x3  }
0x36: {  	p1 =	seq.s32 s10, $0x1;
	s10 =	sld [smem:$0x3FB2];
	_ =	sdelay $0x3  }
0x37: {  	[smem:$0x3FB2] =	sst s10  }
0x38: {  	s10 =	sld [smem:$0x3FB3]  }
0x39: {  	_ = 	snop;
	(pc) =	sbr.ind lr, $3  }
0x3a: {  	_ = 	snop  }
0x3b: {  	_ = 	snop  }
0x3c: {  	p2 =	seq.s32 s10, $0x1;
	s10 =	sld [smem:$0x3FB2]  }
0x3d: {  	_ =	shalt  }
0x3e: {  	_ =	shalt  }
0x3f: {  	_ =	shalt  }
0x40: {  	_ =	shalt  }
0x41: {  	_ =	shalt  }
0x42: {  	_ =	shalt  }
0x43: {  	_ =	shalt  }
0x44: {  	_ =	shalt  }
0x45: {  	_ =	shalt  }
0x46: {  	_ =	shalt  }
0x47: {  	_ =	shalt  }
0x48: {  	_ =	shalt  }
0x49: {  	_ =	shalt  }
0x4a: {  	_ =	shalt  }
0x4b: {  	_ =	shalt  }
0x4c: {  	_ =	shalt  }
0x4d: {  	_ =	shalt  }
0x4e: {  	_ =	shalt  }
0x4f: {  	_ =	shalt  }
0x50: {  	_ =	shalt  }
0x51: {  	_ =	shalt  }
0x52: {  	_ =	shalt  }
0x53: {  	_ =	shalt  }
0x54: {  	_ =	shalt  }
0x55: {  	_ =	shalt  }
0x56: {  	_ =	shalt  }
0x57: {  	_ =	shalt  }
0x58: {  	_ =	shalt  }
0x59: {  	_ =	shalt  }
0x5a: {  	_ =	shalt  }
0x5b: {  	_ =	shalt  }
0x5c: {  	_ =	shalt  }
0x5d: {  	_ =	shalt  }
0x5e: {  	_ =	shalt  }
0x5f: {  	_ =	shalt  }
0x60: {  	_ =	shalt  }
0x61: {  	_ =	shalt  }
0x62: {  	_ =	shalt  }
0x63: {  	_ =	shalt  }
0x64: {  	_ =	shalt  }
0x65: {  	_ =	shalt  }
0x66: {  	_ =	shalt  }
0x67: {  	_ =	shalt  }
0x68: {  	_ =	shalt  }
0x69: {  	_ =	shalt  }
0x6a: {  	_ =	shalt  }
0x6b: {  	_ =	shalt  }
0x6c: {  	_ =	shalt  }
0x6d: {  	_ =	shalt  }
0x6e: {  	_ =	shalt  }
0x6f: {  	_ =	shalt  }
0x70: {  	_ =	shalt  }
0x71: {  	_ =	shalt  }
0x72: {  	_ =	shalt  }
0x73: {  	_ =	shalt  }
0x74: {  	_ =	shalt  }
0x75: {  	_ =	shalt  }
0x76: {  	_ =	shalt  }
0x77: {  	_ =	shalt  }
0x78: {  	_ =	shalt  }
0x79: {  	_ =	shalt  }
0x7a: {  	_ =	shalt  }
0x7b: {  	_ =	shalt  }
0x7c: {  	_ =	shalt  }
0x7d: {  	_ =	shalt  }
0x7e: {  	_ =	shalt  }
0x7f: {  	_ =	shalt  }
0x80: {  	_ =	shalt  }
0x81: {  	_ =	shalt  }
0x82: {  	_ =	shalt  }
0x83: {  	_ =	shalt  }
0x84: {  	_ =	shalt  }
0x85: {  	_ =	shalt  }
0x86: {  	_ =	shalt  }
0x87: {  	_ =	shalt  }
.Lfunc_end0:
.L_simem_size_0:
called_computation.2_lowered:
.L_overlay_start_0:
0x88: {  	s2 =	sld [smem:$0x3FD9]  }
0x89: {  	s3 =	sld [smem:$0x3FFE];
	_ =	sdelay $0x1  }
0x8a: {  	s1 =	srdreg.scid  }
0x8b: {  	s0 =	sand.u32 $0x1, s1  }
0x8c: {  	s16 =	sshll.u32 s0, $0xA;
	s2 =	sadd.s32 s3, s2  }
0x8d: {  	s2 =	sadd.s32 s2, s16  }
0x8e: {  	[smem:$0x3FBE] =	sst s2  }
0x8f: {  	_ = 	snop  }
0x90: {  	(tm) =	ssettm $0x1  }
0x91: {  	s17 =	sld [smem:$0x3FFB];
	_ =	sdelay $0x3  }
0x92: {  	_ =	strace s17  }
0x93: {  	s2 =	sld [smem:$0x3FFC];
	_ =	sdelay $0x3  }
0x94: {  	_ =	strace s2  }
0x95: {  	s2 =	sld [smem:$0x3FFD];
	_ =	sdelay $0x3  }
0x96: {  	_ =	strace s2  }
0x97: {  	_ =	strace $0x8FFFFFFF  }
0x98: {  	s18 =	sld [smem:$0x3FDB];
	_ =	sdelay $0x1  }
0x99: {  	s19 =	simm.s32 $_scs_section_size  }
0x9a: {  	s4 =	simm.s32 $_size__tile_overlayer_lowered;
	s5 =	simm.s32 $_tile_overlayer_lowered  }
0x9b: {  	s22 =	simm.s32 $0x1BFF;
	s21 =	sshll.u32 s5, $0x1;
	s2 =	sadd.s32 s19, s18  }
0x9c: {  	s6 =	simm.s32 $0x0;
	s20 =	sshll.u32 s4, $0x1;
	s4 =	sadd.s32 s21, s2  }
0x9d: {  	[timem:s6], [sflag:s22] =	dma.local [hbm:s4], s20  }
0x9e: {  	_ =	swait.ge [sflag:s22], s20  }
0x9f: {  	s3 =	ssub.s32 $0x0, s20;
	[sflag:s22] =	ssyncset.done $0x0  }
0xa0: {  	[sflag:s22] =	ssyncadd.s32 s3;
	_ =	sdelay $0x1  }
0xa1: {  	s23 =	simm.s32 $0x1B8B  }
0xa2: {  	_ =	swait.ge [sflag:s23], $0x1  }
0xa3: {  	[sflag:s23] =	ssyncset.done $0x0  }
0xa4: {  	s25 =	simm.s32 $0x1B8E;
	s24 =	sld [smem:$0x3FFE];
	[sflag:s23] =	ssyncadd.s32 $0xFFFFFFFF  }
0xa5: {  	s26 =	simm.s32 $execute0_lowered;
	[smem:$0x3FD2] =	sst s25  }
0xa6: {  	s4 =	sshll.u32 s26, $0x1;
	_ =	strace $0x80000046;
	[dreg:$0x1] =	wrdreg $0xFFFFFFFF  }
0xa7: {  	s28 =	simm.s32 $_size_execute0_lowered;
	s2 =	sadd.s32 s2, s4;
	[dreg:$0x0] =	wrdreg $0x0  }
0xa8: {  	s4 =	sshll.u32 s28, $0x1;
	[dreg:$0x2] =	wrdreg s2  }
0xa9: {  	[dreg:$0x3] =	wrdreg s4  }
0xaa: {  	[dreg:$0x4] =	wrdreg $0xC0  }
0xab: {  	_ =	task [dreg:s6], $0x5FFFF  }
0xac: {  	[dreg:$0x1] =	wrdreg $0xFFFFFFFF  }
0xad: {  	[dreg:$0x0] =	wrdreg $0x60  }
0xae: {  	[dreg:$0x2] =	wrdreg s24  }
0xaf: {  	[dreg:$0x3] =	wrdreg $0x68000  }
0xb0: {  	[dreg:$0x4] =	wrdreg $0x9  }
0xb1: {  	_ =	task.clear_ibuf [dreg:s6], $0x5FFFF;
	_ =	strace $0x90000046  }
0xb2: {  	s29 =	simm.s32 $0x9;
	_ =	strace $0x80000048  }
0xb3: {  	_ =	swait.ge [sflag:s29], $0x1  }
0xb4: {  	[sflag:s29] =	ssyncadd.s32 $0xFFFFFFFF  }
0xb5: {  	_ =	strace $0x90000048  }
0xb6: {  	_ =	sfence  }
0xb7: {  	s30 =	sld [smem:$0x0];
	_ =	sdelay $0x2  }
0xb8: {  	s31 =	sshll.u32 s1, $0xD;
	s1 =	sshrl.u32 s1, $0x2  }
0xb9: {  	s3 =	sand.u32 $0x4000, s31;
	s1 =	sadd.s32 s1, s30  }
0xba: {  	s0 =	sor.u32 s3, s0;
	s1 =	sshll.u32 s1, $0x11  }
0xbb: {  	s0 =	sor.u32 s1, s0  }
0xbc: {  	s0 =	sadd.s32 $0x8F2B, s0  }
0xbd: {  	[sflag:s0] =	ssyncadd.remote.s32 $0x1  }
0xbe: {  	_ =	sfence.sel $0xFFFF  }
0xbf: {  	[dreg:$0x0] =	wrdreg $0xFFFFFFFF;
	(pc) =	sbr.abs _section_cstart, $3  }
0xc0: {  	[dreg:$0x1] =	wrdreg $0xFFFFFFFF  }
0xc1: {  	_ =	task.clear_ibuf [dreg:s6], $0x2FFFF;
	_ =	strace $0x9FFFFFFF  }
0xc2: {  	(tm) =	ssettm $0x7FFFFFFF  }
0xc3: {  	_ =	shalt  }
tec
execute0_lowered:
.L_overlay_start_1:
0x0: {  	(tag) =	ssettag $0x1  }
0x1: {  	s1 =	srdreg.scid  }
0x2: {  	s1 =	sand.u32 $0x1, s1  }
0x3: {  	p0 =	seq.s32 s1, $0x1  }
.Ltmp0:
0x4: {  	_ = 	snop;
	(pc) =	sbr.rel @p0 .LBB2_4-.Ltmp0, $4  }
0x5: {  	s6 =	rddreg [dreg:$0x0]  }
0x6: {  	s2 =	rddreg [dreg:$0x1];
	s7 =	simm.s32 $0x0  }
0x7: {  	[smem:$0x7FF] =	sst s7  }
0x8: {  	s0 =	rddreg [dreg:$0x2];
	_ =	strace $0x80000047;
	s1 =	stileid.u32  }
0x9: {  	s3 =	smul.u32 $0x50000, s1;
	_ =	sdelay $0x1  }
0xa: {  	s3 =	sshrl.u32 s3, $0x2  }
0xb: {  	s22 =	sshll.u32 s1, $0x6;
	s9 =	sadd.s32 $0x7C00, s6;
	s8 =	sadd.s32 s3, s2  }
0xc: {  	s5 =	simm.s32 $0x1;
	s3 =	sor.u32 $0x1C01, s22;
	s4 =	sshrl.u32 s8, $0x3  }
0xd: {  	[spmem:s4], [sflag:s3] =	dma.local [hbm:s9], $0x800  }
0xe: {  	_ =	swait.ge [sflag:s5], $0x800  }
0xf: {  	s10 =	sadd.s32 $0x4000, s8;
	[sflag:s5] =	ssyncset.done $0x0  }
0x10: {  	s10 =	sshrl.u32 s10, $0x3;
	[sflag:s5] =	ssyncadd.s32 $0xFFFFF800  }
0x11: {  	[spmem:s10], [sflag:s3] =	dma.local [hbm:s9], $0x800  }
0x12: {  	_ =	swait.ge [sflag:s5], $0x800  }
0x13: {  	s23 =	sadd.s32 $0x8000, s8;
	[sflag:s5] =	ssyncset.done $0x0  }
0x14: {  	s10 =	sshrl.u32 s23, $0x3;
	[sflag:s5] =	ssyncadd.s32 $0xFFFFF800  }
0x15: {  	[spmem:s10], [sflag:s3] =	dma.local [hbm:s9], $0x800  }
0x16: {  	_ =	swait.ge [sflag:s5], $0x800  }
0x17: {  	s24 =	sadd.s32 $0xC000, s8;
	[sflag:s5] =	ssyncset.done $0x0  }
0x18: {  	s10 =	sshrl.u32 s24, $0x3;
	[sflag:s5] =	ssyncadd.s32 $0xFFFFF800  }
0x19: {  	[spmem:s10], [sflag:s3] =	dma.local [hbm:s9], $0x800  }
0x1a: {  	_ =	swait.ge [sflag:s5], $0x800  }
0x1b: {  	s8 =	sadd.s32 $0x10000, s8;
	[sflag:s5] =	ssyncset.done $0x0  }
0x1c: {  	s8 =	sshrl.u32 s8, $0x3;
	[sflag:s5] =	ssyncadd.s32 $0xFFFFF800  }
0x1d: {  	[spmem:s8], [sflag:s3] =	dma.local [hbm:s9], $0x800  }
0x1e: {  	_ =	swait.ge [sflag:s5], $0x800  }
0x1f: {  	[sflag:s5] =	ssyncset.done $0x0  }
0x20: {  	s25 =	sadd.s32 $0x7400, s6;
	s8 =	simm.s32 $0x2800;
	[sflag:s5] =	ssyncadd.s32 $0xFFFFF800  }
0x21: {  	[tilespmem:s8], [sflag:$0x1] =	stream.linear.gather [hbm4b:s25+s7], $0x4000, $0x38;
	[tilespmem:$0x1A800] =	vst v63  }
0x22: {  	s26 =	smul.u32 $0x500, s1;
	_ =	swait.ge [sflag:s5], $0x4000  }
0x23: {  	s28 =	sadd.s32 $0x2400, s6;
	[sflag:s5] =	ssyncset.done $0x0  }
0x24: {  	s9 =	sadd.s32 s28, s26;
	[sflag:s5] =	ssyncadd.s32 $0xFFFFC000  }
0x25: {  	[tilespmem:s7], [sflag:$0x1] =	stream.linear.gather [hbm4b:s9+s7], $0x2800, $0x38;
	[tilespmem:$0x1A800] =	vst v63  }
0x26: {  	_ =	swait.ge [sflag:s5], $0x2800  }
0x27: {  	[sflag:s5] =	ssyncset.done $0x0  }
0x28: {  	s29 =	smul.u32 $0x2800, s1;
	[sflag:s5] =	ssyncadd.s32 $0xFFFFD800  }
0x29: {  	s30 =	simm.s32 $0x0;
	s7 =	simm.s32 $0x80;
	[bflag:$0x0] =	sbarrier.arrive $0xFFFF  }
0x2a: {  	[spmem:s2] =	stream.indirect.scatter.add.f32 [tilespmem:s8], [sflag:$0x1], $0x80, s30, s7, $0xb8;
	[tilespmem:$0x1A800] =	vst v63  }
0x2b: {  	s31 =	sadd.s32 s29, s6;
	_ =	swait.ge [sflag:s5], $0x4000  }
0x2c: {  	s6 =	sadd.s32 $0x8400, s31;
	s9 =	simm.s32 $0x200;
	[sflag:s5] =	ssyncset.done $0x0  }
.LBB2_2:
0x2d: {  	s10 =	sshra.s32 s9, $0x2;
	[sflag:s5] =	ssyncadd.s32 $0xFFFFC000;
	p0 =	sne.s32 s9, $0x9E00  }
0x2e: {  	[spmem:s2] =	stream.indirect.scatter.add.f32 [tilespmem:s8], [sflag:$0x1], $0x80, s10, s7, $0xb8;
	[tilespmem:$0x1A800] =	vst v63  }
.Ltmp1:
0x2f: {  	_ = 	snop;
	(pc) =	sbr.rel @p0 .LBB2_2-.Ltmp1, $4  }
0x30: {  	_ = 	snop  }
0x31: {  	s9 =	sadd.s32 $0x200, s9  }
0x32: {  	_ =	swait.ge [sflag:s5], $0x4000  }
0x33: {  	[sflag:s5] =	ssyncset.done $0x0  }
0x34: {  	[sflag:s5] =	ssyncadd.s32 $0xFFFFC000  }
0x35: {  	s2 =	simm.s32 $0x1;
	[bflag:$0x0] =	sbarrier.arrive $0xFFFF  }
0x36: {  	[hbm:s6], [sflag:s3] =	dma.local [spmem:s4], $0x2800  }
0x37: {  	_ =	swait.ge [sflag:s2], $0x2800  }
0x38: {  	[sflag:s2] =	ssyncset.done $0x0  }
0x39: {  	[sflag:s2] =	ssyncadd.s32 $0xFFFFD800  }
.LBB2_4:
0x3a: {  	_ =	sfence.sel $0x180000  }
0x3b: {  	[bflag:$0x0] =	sbarrier.arrive $0xFFFF  }
0x3c: {  	p0 =	sne.s32 s1, $0x0;
	_ =	strace $0x90000047  }
0x3d: {  	s0 =	sadd.s32 @!p0 $0x100000, s0;
	[bflag:$0x2] =	sbarrier.arrive $0xFFFF  }
0x3e: {  	[sflag:s0] =	ssyncadd.tile.s32 @!p0 $0x1;
	_ =	shalt  }
.Lfunc_end2:
_tile_overlayer_lowered:
.L_overlay_start_2:
0x3f: {  	(tag) =	ssettag $0x2  }
0x40: {  	s0 =	rddreg [dreg:$0x0];
	s2 =	stileid.u32  }
0x41: {  	s1 =	rddreg [dreg:$0x1];
	p0 =	sne.s32 s2, $0x0  }
0x42: {  	s3 =	rddreg [dreg:$0x2];
	[bflag:$0x3] =	sbarrier.arrive $0xFFFF;
	s2 =	simm.s32 @!p0 $0x1C01  }
0x43: {  	[timem:s3], [sflag:s2] =	dma.local @!p0 [hbm:s0], s1  }
0x44: {  	s0 =	simm.s32 @!p0 $0x1  }
0x45: {  	_ =	swait.ge @!p0 [sflag:s0], s1  }
0x46: {  	s1 =	ssub.s32 @!p0 $0x0, s1;
	[sflag:s0] =	ssyncset.done @!p0 $0x0  }
0x47: {  	[sflag:s0] =	ssyncadd.s32 @!p0 s1  }
0x48: {  	[bflag:$0x3] =	sbarrier.arrive $0xFFFF  }
0x49: {  	_ =	shalt  }

</sc_bundles>
